<compile_context>
chip_gen: v7x
topology: tpu7x:2x2x1
jax: 0.10.2.dev20260603
libtpu: 0.0.44.dev20260713+nightly
codegen_flags: <defaults>
</compile_context>

<pallas_src>
import jax
import jax.numpy as jnp
from jax import lax
from jax.experimental import pallas as pl
from jax.experimental.pallas import tpu as pltpu
from jax.experimental.pallas import tpu_sc as plsc

_RANK = 32
_DIM = 128
_NC = 2
_NS = 16
_NW = _NC * _NS
_CH = 128

_PBC = 15872
_PNC = 63
_PRE = 1000000 - _PNC * _PBC

_CONTRACT0 = (((0,), (0,)), ((), ()))


def _proj_body(in_hbm, w_ref, b_ref, out_hbm, t_v, o_v, t2_v, o2_v,
               isem, osem):
    i = pl.program_id(0)

    @pl.when(i == 0)
    def _prologue():
        pltpu.make_async_copy(
            in_hbm.at[:, pl.ds(0, _PBC)], t_v.at[0], isem.at[0]).start()

    @pl.when(i + 1 < _PNC)
    def _prefetch():
        nxt = i + 1
        pltpu.make_async_copy(
            in_hbm.at[:, pl.ds(nxt * _PBC, _PBC)], t_v.at[nxt % 2],
            isem.at[nxt % 2]).start()

    @pl.when(i + 1 == _PNC)
    def _prefetch_tail():
        pltpu.make_async_copy(
            in_hbm.at[:, pl.ds(_PNC * _PBC, _PRE)], t2_v,
            isem.at[_PNC % 2]).start()

    @pl.when(i < _PNC)
    def _compute():
        pltpu.make_async_copy(
            in_hbm.at[:, pl.ds(i * _PBC, _PBC)], t_v.at[i % 2],
            isem.at[i % 2]).wait()

        @pl.when(i >= 2)
        def _slot_free():
            pltpu.make_async_copy(
                o_v.at[i % 2],
                out_hbm.at[pl.ds((i - 2) * _PBC, _PBC), :],
                osem.at[i % 2]).wait()

        o_v[i % 2] = lax.dot_general(
            t_v[i % 2], w_ref[...], _CONTRACT0,
            preferred_element_type=jnp.float32,
        ) + b_ref[...]
        pltpu.make_async_copy(
            o_v.at[i % 2], out_hbm.at[pl.ds(i * _PBC, _PBC), :],
            osem.at[i % 2]).start()

    @pl.when(i == _PNC)
    def _tail():
        pltpu.make_async_copy(
            in_hbm.at[:, pl.ds(_PNC * _PBC, _PRE)], t2_v,
            isem.at[_PNC % 2]).wait()
        pltpu.make_async_copy(
            o_v.at[(_PNC - 2) % 2],
            out_hbm.at[pl.ds((_PNC - 2) * _PBC, _PBC), :],
            osem.at[(_PNC - 2) % 2]).wait()
        pltpu.make_async_copy(
            o_v.at[(_PNC - 1) % 2],
            out_hbm.at[pl.ds((_PNC - 1) * _PBC, _PBC), :],
            osem.at[(_PNC - 1) % 2]).wait()
        o2_v[...] = lax.dot_general(
            t2_v[...], w_ref[...], _CONTRACT0,
            preferred_element_type=jnp.float32,
        ) + b_ref[...]
        cp = pltpu.make_async_copy(
            o2_v, out_hbm.at[pl.ds(_PNC * _PBC, _PRE), :], osem.at[0])
        cp.start()
        cp.wait()


def _tc_project_table(table_t, W, b):
    nrows = table_t.shape[1]
    return pl.pallas_call(
        _proj_body,
        grid=(_PNC + 1,),
        in_specs=[
            pl.BlockSpec(memory_space=pl.ANY),
            pl.BlockSpec((_RANK, _DIM), lambda i: (0, 0)),
            pl.BlockSpec((1, _DIM), lambda i: (0, 0)),
        ],
        out_specs=pl.BlockSpec(memory_space=pl.ANY),
        out_shape=jax.ShapeDtypeStruct((nrows, _DIM), jnp.float32),
        scratch_shapes=[
            pltpu.VMEM((2, _RANK, _PBC), jnp.float32),
            pltpu.VMEM((2, _PBC, _DIM), jnp.float32),
            pltpu.VMEM((_RANK, _PRE), jnp.float32),
            pltpu.VMEM((_PRE, _DIM), jnp.float32),
            pltpu.SemaphoreType.DMA((2,)),
            pltpu.SemaphoreType.DMA((2,)),
        ],
    )(table_t, W, b.reshape(1, _DIM))


_DEPTH = 6


def _gather_body(table_hbm, idx_hbm, out_hbm, idx_v, rows_v, gsem, osem):
    nchunk = idx_v.shape[0]
    wid = lax.axis_index("s") * _NC + lax.axis_index("c")
    pltpu.sync_copy(idx_hbm.at[wid], idx_v)
    gc = [None] * nchunk
    oc = [None] * nchunk
    for j in range(nchunk):
        if j >= _DEPTH:
            k = j - _DEPTH
            gc[k].wait()
            oc[k] = pltpu.async_copy(
                rows_v.at[k % _DEPTH], out_hbm.at[wid, k], osem.at[k % _DEPTH]
            )
            oc[k].wait()
        gc[j] = pltpu.async_copy(
            table_hbm.at[idx_v.at[j]], rows_v.at[j % _DEPTH],
            gsem.at[j % _DEPTH],
        )
    for k in range(nchunk - _DEPTH, nchunk):
        gc[k].wait()
        oc[k] = pltpu.async_copy(
            rows_v.at[k % _DEPTH], out_hbm.at[wid, k], osem.at[k % _DEPTH]
        )
    for k in range(nchunk - _DEPTH, nchunk):
        oc[k].wait()


def _sc_gather(table, idx3):
    nchunk = idx3.shape[1]
    fn = pl.kernel(
        _gather_body,
        out_type=jax.ShapeDtypeStruct((_NW, nchunk, _CH, _DIM), jnp.float32),
        mesh=plsc.VectorSubcoreMesh(core_axis_name="c", subcore_axis_name="s"),
        scratch_types=[
            pltpu.VMEM((nchunk, _CH), jnp.int32),
            pltpu.VMEM((_DEPTH, _CH, _DIM), jnp.float32),
            pltpu.SemaphoreType.DMA((_DEPTH,)),
            pltpu.SemaphoreType.DMA((_DEPTH,)),
        ],
        compiler_params=pltpu.CompilerParams(use_tc_tiling_on_sc=False),
    )
    return fn(table, idx3)


def kernel(x, table, W, b):
    bsz, f = x.shape
    n = bsz * f
    nchunk = n // (_NW * _CH)
    proj = _tc_project_table(table.T, W, b)
    idx3 = x.T.reshape(_NW, nchunk, _CH).astype(jnp.int32)
    out = _sc_gather(proj, idx3)
    return out.reshape(f, bsz, _DIM).transpose(1, 0, 2)

# --- scband reference (transcript-rebuilt; emitter-appended) ---
"""Pipeline reference for scband-embeddings-40261023433021 (READ-ONLY COPY).

The authoritative reference and input builder live on the scoring server;
editing this copy changes nothing except your own understanding.
"""

import jax, jax.numpy as jnp
import numpy as np

VOCAB = 1000000
RANK = 32
DIM = 128
B = 4096
F = 26

def setup_inputs(seed: int = 0) -> dict:
    key = jax.random.key(seed)
    k1, k2, k3, k4 = jax.random.split(key, 4)
    x = jax.random.randint(k1, (B, F), 0, VOCAB, dtype=jnp.int64)
    table = jax.random.normal(k2, (VOCAB, RANK), dtype=jnp.float32) * 0.02
    W = jax.random.normal(k3, (RANK, DIM), dtype=jnp.float32) * (1.0 / np.sqrt(RANK))
    b = jnp.zeros((DIM,), dtype=jnp.float32)
    return {"x": x, "table": table, "W": W, "b": b}

def reference(x, table, W, b):
    # Embeddings wrapper: forward just calls low_rank_embed(x).
    # low_rank_embed = Embedding(VOCAB, RANK) -> Linear(RANK, DIM)
    low = jnp.take(table, x, axis=0)          # [B, F, RANK] gather (SparseCore)
    out = jnp.einsum('bfr,rd->bfd', low, W) + b  # low-rank up-projection
    return out

if __name__ == "__main__":
    import jax
    _d = setup_inputs()
    print(jax.jit(kernel)(*tuple(_d.values())))

</pallas_src>

<mosaic_0001>
#map = affine_map<(d0, d1) -> (0, 0)>
#map1 = affine_map<(d0, d1) -> (0, 0, 0)>
#map2 = affine_map<(d0, d1) -> (0, 0, 0, 0)>
module attributes {stable_mosaic.version = 14 : i64} {
  func.func @_gather_body(%arg0: i32, %arg1: i32, %arg2: memref<1000000x128xf32, #tpu.memory_space<hbm>>, %arg3: memref<32x26x128xi32, #tpu.memory_space<hbm>>, %arg4: memref<32x26x128x128xf32, #tpu.memory_space<hbm>>, %arg5: memref<26x128xi32, #tpu.memory_space<vmem>>, %arg6: memref<6x128x128xf32, #tpu.memory_space<vmem>>, %arg7: memref<6x!tpu.dma_semaphore, #tpu.memory_space<semaphore_mem>>, %arg8: memref<6x!tpu.dma_semaphore, #tpu.memory_space<semaphore_mem>>) attributes {dimension_semantics = [#tpu.dimension_semantics<core_parallel>, #tpu.dimension_semantics<subcore_parallel>], iteration_bounds = array<i64: 2, 16>, scalar_prefetch = 0 : i64, scratch_operands = 4 : i64, tpu.core_type = #tpu.core_type<sc_vector_subcore>, window_params = [{transform_indices = #map}, {transform_indices = #map1}, {transform_indices = #map2}]} {
    %mul3A = arith.constant 2 : i32
    %mul3A_0 = arith.muli %arg1, %mul3A : i32
    %add3A = arith.addi %mul3A_0, %arg0 : i32
    "tpu.region"() ({
      %run_scoped3A = tpu.sem_alloc : memref<!tpu.dma_semaphore, #tpu.memory_space<semaphore_mem>>
      %dma_start3A_1871 = arith.constant 0 : i32
      %dma_start3A_1872 = arith.constant 0 : i32
      %dma_start3A_1873 = tpu.memref_slice %arg3[%add3A, %dma_start3A_1871, %dma_start3A_1872] : memref<32x26x128xi32, #tpu.memory_space<hbm>> -> memref<1x26x128xi32, #tpu.memory_space<hbm>>
      %dma_start3A_1874 = tpu.memref_squeeze %dma_start3A_1873 : memref<1x26x128xi32, #tpu.memory_space<hbm>> -> memref<26x128xi32, #tpu.memory_space<hbm>>
      %dma_start3A_1875 = arith.constant 0 : i32
      %dma_start3A_1876 = arith.constant 0 : i32
      %dma_start3A_1877 = tpu.memref_slice %arg3[%add3A, %dma_start3A_1875, %dma_start3A_1876] : memref<32x26x128xi32, #tpu.memory_space<hbm>> -> memref<1x26x128xi32, #tpu.memory_space<hbm>>
      %dma_start3A_1878 = tpu.memref_squeeze %dma_start3A_1877 : memref<1x26x128xi32, #tpu.memory_space<hbm>> -> memref<26x128xi32, #tpu.memory_space<hbm>>
      tpu.enqueue_dma source(%dma_start3A_1878 : memref<26x128xi32, #tpu.memory_space<hbm>>) target(%arg5 : memref<26x128xi32, #tpu.memory_space<vmem>>) target_semaphore(%run_scoped3A : memref<!tpu.dma_semaphore, #tpu.memory_space<semaphore_mem>>)
      %dma_wait3A_1879 = arith.constant 0 : i32
      %dma_wait3A_1880 = arith.constant 0 : i32
      %dma_wait3A_1881 = tpu.memref_slice %arg3[%add3A, %dma_wait3A_1879, %dma_wait3A_1880] : memref<32x26x128xi32, #tpu.memory_space<hbm>> -> memref<1x26x128xi32, #tpu.memory_space<hbm>>
      %dma_wait3A_1882 = tpu.memref_squeeze %dma_wait3A_1881 : memref<1x26x128xi32, #tpu.memory_space<hbm>> -> memref<26x128xi32, #tpu.memory_space<hbm>>
      %dma_wait3A_1883 = arith.constant 0 : i32
      %dma_wait3A_1884 = arith.constant 0 : i32
      %dma_wait3A_1885 = tpu.memref_slice %arg3[%add3A, %dma_wait3A_1883, %dma_wait3A_1884] : memref<32x26x128xi32, #tpu.memory_space<hbm>> -> memref<1x26x128xi32, #tpu.memory_space<hbm>>
      %dma_wait3A_1886 = tpu.memref_squeeze %dma_wait3A_1885 : memref<1x26x128xi32, #tpu.memory_space<hbm>> -> memref<26x128xi32, #tpu.memory_space<hbm>>
      tpu.wait_dma2 semaphore(%run_scoped3A : memref<!tpu.dma_semaphore, #tpu.memory_space<semaphore_mem>>) src(%dma_wait3A_1886 : memref<26x128xi32, #tpu.memory_space<hbm>>) dst(%arg5 : memref<26x128xi32, #tpu.memory_space<vmem>>)
      tpu.yield
    }) : () -> ()
    %dma_start3A = arith.constant 0 : i32
    %dma_start3A_1 = arith.constant 0 : i32
    %dma_start3A_2 = arith.constant 0 : i32
    %dma_start3A_3 = arith.constant 0 : i32
    %dma_start3A_4 = arith.constant 0 : i32
    %dma_start3A_5 = tpu.memref_slice %arg6[%dma_start3A_1, %dma_start3A_3, %dma_start3A_4] : memref<6x128x128xf32, #tpu.memory_space<vmem>> -> memref<1x128x128xf32, #tpu.memory_space<vmem>>
    %dma_start3A_6 = tpu.memref_squeeze %dma_start3A_5 : memref<1x128x128xf32, #tpu.memory_space<vmem>> -> memref<128x128xf32, #tpu.memory_space<vmem>>
    %dma_start3A_7 = arith.constant 0 : i32
    %dma_start3A_8 = tpu.memref_slice %arg5[%dma_start3A, %dma_start3A_7] : memref<26x128xi32, #tpu.memory_space<vmem>> -> memref<1x128xi32, #tpu.memory_space<vmem>>
    %dma_start3A_9 = tpu.memref_squeeze %dma_start3A_8 : memref<1x128xi32, #tpu.memory_space<vmem>> -> memref<128xi32, #tpu.memory_space<vmem>>
    %dma_start3A_10 = arith.constant 0 : i32
    %dma_start3A_11 = arith.constant 0 : i32
    %dma_start3A_12 = tpu.memref_slice %arg2[%dma_start3A_10, %dma_start3A_11] : memref<1000000x128xf32, #tpu.memory_space<hbm>> -> memref<1000000x128xf32, #tpu.memory_space<hbm>>
    %dma_start3A_13 = tpu.memref_slice %arg7[%dma_start3A_2] : memref<6x!tpu.dma_semaphore, #tpu.memory_space<semaphore_mem>> -> memref<1x!tpu.dma_semaphore, #tpu.memory_space<semaphore_mem>>
    %dma_start3A_14 = tpu.memref_squeeze %dma_start3A_13 : memref<1x!tpu.dma_semaphore, #tpu.memory_space<semaphore_mem>> -> memref<!tpu.dma_semaphore, #tpu.memory_space<semaphore_mem>>
    tpu.enqueue_indirect_dma source(%dma_start3A_12 : memref<1000000x128xf32, #tpu.memory_space<hbm>>) target(%dma_start3A_6 : memref<128x128xf32, #tpu.memory_space<vmem>>) offsets(%dma_start3A_9 : memref<128xi32, #tpu.memory_space<vmem>>) semaphore(%dma_start3A_14 : memref<!tpu.dma_semaphore, #tpu.memory_space<semaphore_mem>>)
    %dma_start3A_15 = arith.constant 1 : i32
    %dma_start3A_16 = arith.constant 1 : i32
    %dma_start3A_17 = arith.constant 1 : i32
    %dma_start3A_18 = arith.constant 0 : i32
    %dma_start3A_19 = arith.constant 0 : i32
    %dma_start3A_20 = tpu.memref_slice %arg6[%dma_start3A_16, %dma_start3A_18, %dma_start3A_19] : memref<6x128x128xf32, #tpu.memory_space<vmem>> -> memref<1x128x128xf32, #tpu.memory_space<vmem>>
    %dma_start3A_21 = tpu.memref_squeeze %dma_start3A_20 : memref<1x128x128xf32, #tpu.memory_space<vmem>> -> memref<128x128xf32, #tpu.memory_space<vmem>>
    %dma_start3A_22 = arith.constant 0 : i32
    %dma_start3A_23 = tpu.memref_slice %arg5[%dma_start3A_15, %dma_start3A_22] : memref<26x128xi32, #tpu.memory_space<vmem>> -> memref<1x128xi32, #tpu.memory_space<vmem>>
    %dma_start3A_24 = tpu.memref_squeeze %dma_start3A_23 : memref<1x128xi32, #tpu.memory_space<vmem>> -> memref<128xi32, #tpu.memory_space<vmem>>
    %dma_start3A_25 = arith.constant 0 : i32
    %dma_start3A_26 = arith.constant 0 : i32
    %dma_start3A_27 = tpu.memref_slice %arg2[%dma_start3A_25, %dma_start3A_26] : memref<1000000x128xf32, #tpu.memory_space<hbm>> -> memref<1000000x128xf32, #tpu.memory_space<hbm>>
    %dma_start3A_28 = tpu.memref_slice %arg7[%dma_start3A_17] : memref<6x!tpu.dma_semaphore, #tpu.memory_space<semaphore_mem>> -> memref<1x!tpu.dma_semaphore, #tpu.memory_space<semaphore_mem>>
    %dma_start3A_29 = tpu.memref_squeeze %dma_start3A_28 : memref<1x!tpu.dma_semaphore, #tpu.memory_space<semaphore_mem>> -> memref<!tpu.dma_semaphore, #tpu.memory_space<semaphore_mem>>
    tpu.enqueue_indirect_dma source(%dma_start3A_27 : memref<1000000x128xf32, #tpu.memory_space<hbm>>) target(%dma_start3A_21 : memref<128x128xf32, #tpu.memory_space<vmem>>) offsets(%dma_start3A_24 : memref<128xi32, #tpu.memory_space<vmem>>) semaphore(%dma_start3A_29 : memref<!tpu.dma_semaphore, #tpu.memory_space<semaphore_mem>>)
    %dma_start3A_30 = arith.constant 2 : i32
    %dma_start3A_31 = arith.constant 2 : i32
    %dma_start3A_32 = arith.constant 2 : i32
    %dma_start3A_33 = arith.constant 0 : i32
    %dma_start3A_34 = arith.constant 0 : i32
    %dma_start3A_35 = tpu.memref_slice %arg6[%dma_start3A_31, %dma_start3A_33, %dma_start3A_34] : memref<6x128x128xf32, #tpu.memory_space<vmem>> -> memref<1x128x128xf32, #tpu.memory_space<vmem>>
    %dma_start3A_36 = tpu.memref_squeeze %dma_start3A_35 : memref<1x128x128xf32, #tpu.memory_space<vmem>> -> memref<128x128xf32, #tpu.memory_space<vmem>>
    %dma_start3A_37 = arith.constant 0 : i32
    %dma_start3A_38 = tpu.memref_slice %arg5[%dma_start3A_30, %dma_start3A_37] : memref<26x128xi32, #tpu.memory_space<vmem>> -> memref<1x128xi32, #tpu.memory_space<vmem>>
    %dma_start3A_39 = tpu.memref_squeeze %dma_start3A_38 : memref<1x128xi32, #tpu.memory_space<vmem>> -> memref<128xi32, #tpu.memory_space<vmem>>
    %dma_start3A_40 = arith.constant 0 : i32
    %dma_start3A_41 = arith.constant 0 : i32
    %dma_start3A_42 = tpu.memref_slice %arg2[%dma_start3A_40, %dma_start3A_41] : memref<1000000x128xf32, #tpu.memory_space<hbm>> -> memref<1000000x128xf32, #tpu.memory_space<hbm>>
    %dma_start3A_43 = tpu.memref_slice %arg7[%dma_start3A_32] : memref<6x!tpu.dma_semaphore, #tpu.memory_space<semaphore_mem>> -> memref<1x!tpu.dma_semaphore, #tpu.memory_space<semaphore_mem>>
    %dma_start3A_44 = tpu.memref_squeeze %dma_start3A_43 : memref<1x!tpu.dma_semaphore, #tpu.memory_space<semaphore_mem>> -> memref<!tpu.dma_semaphore, #tpu.memory_space<semaphore_mem>>
    tpu.enqueue_indirect_dma source(%dma_start3A_42 : memref<1000000x128xf32, #tpu.memory_space<hbm>>) target(%dma_start3A_36 : memref<128x128xf32, #tpu.memory_space<vmem>>) offsets(%dma_start3A_39 : memref<128xi32, #tpu.memory_space<vmem>>) semaphore(%dma_start3A_44 : memref<!tpu.dma_semaphore, #tpu.memory_space<semaphore_mem>>)
    %dma_start3A_45 = arith.constant 3 : i32
    %dma_start3A_46 = arith.constant 3 : i32
    %dma_start3A_47 = arith.constant 3 : i32
    %dma_start3A_48 = arith.constant 0 : i32
    %dma_start3A_49 = arith.constant 0 : i32
    %dma_start3A_50 = tpu.memref_slice %arg6[%dma_start3A_46, %dma_start3A_48, %dma_start3A_49] : memref<6x128x128xf32, #tpu.memory_space<vmem>> -> memref<1x128x128xf32, #tpu.memory_space<vmem>>
    %dma_start3A_51 = tpu.memref_squeeze %dma_start3A_50 : memref<1x128x128xf32, #tpu.memory_space<vmem>> -> memref<128x128xf32, #tpu.memory_space<vmem>>
    %dma_start3A_52 = arith.constant 0 : i32
    %dma_start3A_53 = tpu.memref_slice %arg5[%dma_start3A_45, %dma_start3A_52] : memref<26x128xi32, #tpu.memory_space<vmem>> -> memref<1x128xi32, #tpu.memory_space<vmem>>
    %dma_start3A_54 = tpu.memref_squeeze %dma_start3A_53 : memref<1x128xi32, #tpu.memory_space<vmem>> -> memref<128xi32, #tpu.memory_space<vmem>>
    %dma_start3A_55 = arith.constant 0 : i32
    %dma_start3A_56 = arith.constant 0 : i32
    %dma_start3A_57 = tpu.memref_slice %arg2[%dma_start3A_55, %dma_start3A_56] : memref<1000000x128xf32, #tpu.memory_space<hbm>> -> memref<1000000x128xf32, #tpu.memory_space<hbm>>
    %dma_start3A_58 = tpu.memref_slice %arg7[%dma_start3A_47] : memref<6x!tpu.dma_semaphore, #tpu.memory_space<semaphore_mem>> -> memref<1x!tpu.dma_semaphore, #tpu.memory_space<semaphore_mem>>
    %dma_start3A_59 = tpu.memref_squeeze %dma_start3A_58 : memref<1x!tpu.dma_semaphore, #tpu.memory_space<semaphore_mem>> -> memref<!tpu.dma_semaphore, #tpu.memory_space<semaphore_mem>>
    tpu.enqueue_indirect_dma source(%dma_start3A_57 : memref<1000000x128xf32, #tpu.memory_space<hbm>>) target(%dma_start3A_51 : memref<128x128xf32, #tpu.memory_space<vmem>>) offsets(%dma_start3A_54 : memref<128xi32, #tpu.memory_space<vmem>>) semaphore(%dma_start3A_59 : memref<!tpu.dma_semaphore, #tpu.memory_space<semaphore_mem>>)
    %dma_start3A_60 = arith.constant 4 : i32
    %dma_start3A_61 = arith.constant 4 : i32
    %dma_start3A_62 = arith.constant 4 : i32
    %dma_start3A_63 = arith.constant 0 : i32
    %dma_start3A_64 = arith.constant 0 : i32
    %dma_start3A_65 = tpu.memref_slice %arg6[%dma_start3A_61, %dma_start3A_63, %dma_start3A_64] : memref<6x128x128xf32, #tpu.memory_space<vmem>> -> memref<1x128x128xf32, #tpu.memory_space<vmem>>
    %dma_start3A_66 = tpu.memref_squeeze %dma_start3A_65 : memref<1x128x128xf32, #tpu.memory_space<vmem>> -> memref<128x128xf32, #tpu.memory_space<vmem>>
    %dma_start3A_67 = arith.constant 0 : i32
    %dma_start3A_68 = tpu.memref_slice %arg5[%dma_start3A_60, %dma_start3A_67] : memref<26x128xi32, #tpu.memory_space<vmem>> -> memref<1x128xi32, #tpu.memory_space<vmem>>
    %dma_start3A_69 = tpu.memref_squeeze %dma_start3A_68 : memref<1x128xi32, #tpu.memory_space<vmem>> -> memref<128xi32, #tpu.memory_space<vmem>>
    %dma_start3A_70 = arith.constant 0 : i32
    %dma_start3A_71 = arith.constant 0 : i32
    %dma_start3A_72 = tpu.memref_slice %arg2[%dma_start3A_70, %dma_start3A_71] : memref<1000000x128xf32, #tpu.memory_space<hbm>> -> memref<1000000x128xf32, #tpu.memory_space<hbm>>
    %dma_start3A_73 = tpu.memref_slice %arg7[%dma_start3A_62] : memref<6x!tpu.dma_semaphore, #tpu.memory_space<semaphore_mem>> -> memref<1x!tpu.dma_semaphore, #tpu.memory_space<semaphore_mem>>
    %dma_start3A_74 = tpu.memref_squeeze %dma_start3A_73 : memref<1x!tpu.dma_semaphore, #tpu.memory_space<semaphore_mem>> -> memref<!tpu.dma_semaphore, #tpu.memory_space<semaphore_mem>>
    tpu.enqueue_indirect_dma source(%dma_start3A_72 : memref<1000000x128xf32, #tpu.memory_space<hbm>>) target(%dma_start3A_66 : memref<128x128xf32, #tpu.memory_space<vmem>>) offsets(%dma_start3A_69 : memref<128xi32, #tpu.memory_space<vmem>>) semaphore(%dma_start3A_74 : memref<!tpu.dma_semaphore, #tpu.memory_space<semaphore_mem>>)
    %dma_start3A_75 = arith.constant 5 : i32
    %dma_start3A_76 = arith.constant 5 : i32
    %dma_start3A_77 = arith.constant 5 : i32
    %dma_start3A_78 = arith.constant 0 : i32
    %dma_start3A_79 = arith.constant 0 : i32
    %dma_start3A_80 = tpu.memref_slice %arg6[%dma_start3A_76, %dma_start3A_78, %dma_start3A_79] : memref<6x128x128xf32, #tpu.memory_space<vmem>> -> memref<1x128x128xf32, #tpu.memory_space<vmem>>
    %dma_start3A_81 = tpu.memref_squeeze %dma_start3A_80 : memref<1x128x128xf32, #tpu.memory_space<vmem>> -> memref<128x128xf32, #tpu.memory_space<vmem>>
    %dma_start3A_82 = arith.constant 0 : i32
    %dma_start3A_83 = tpu.memref_slice %arg5[%dma_start3A_75, %dma_start3A_82] : memref<26x128xi32, #tpu.memory_space<vmem>> -> memref<1x128xi32, #tpu.memory_space<vmem>>
    %dma_start3A_84 = tpu.memref_squeeze %dma_start3A_83 : memref<1x128xi32, #tpu.memory_space<vmem>> -> memref<128xi32, #tpu.memory_space<vmem>>
    %dma_start3A_85 = arith.constant 0 : i32
    %dma_start3A_86 = arith.constant 0 : i32
    %dma_start3A_87 = tpu.memref_slice %arg2[%dma_start3A_85, %dma_start3A_86] : memref<1000000x128xf32, #tpu.memory_space<hbm>> -> memref<1000000x128xf32, #tpu.memory_space<hbm>>
    %dma_start3A_88 = tpu.memref_slice %arg7[%dma_start3A_77] : memref<6x!tpu.dma_semaphore, #tpu.memory_space<semaphore_mem>> -> memref<1x!tpu.dma_semaphore, #tpu.memory_space<semaphore_mem>>
    %dma_start3A_89 = tpu.memref_squeeze %dma_start3A_88 : memref<1x!tpu.dma_semaphore, #tpu.memory_space<semaphore_mem>> -> memref<!tpu.dma_semaphore, #tpu.memory_space<semaphore_mem>>
    tpu.enqueue_indirect_dma source(%dma_start3A_87 : memref<1000000x128xf32, #tpu.memory_space<hbm>>) target(%dma_start3A_81 : memref<128x128xf32, #tpu.memory_space<vmem>>) offsets(%dma_start3A_84 : memref<128xi32, #tpu.memory_space<vmem>>) semaphore(%dma_start3A_89 : memref<!tpu.dma_semaphore, #tpu.memory_space<semaphore_mem>>)
    %dma_wait3A = arith.constant 0 : i32
    %dma_wait3A_90 = arith.constant 0 : i32
    %dma_wait3A_91 = arith.constant 0 : i32
    %dma_wait3A_92 = arith.constant 0 : i32
    %dma_wait3A_93 = arith.constant 0 : i32
    %dma_wait3A_94 = tpu.memref_slice %arg6[%dma_wait3A_90, %dma_wait3A_92, %dma_wait3A_93] : memref<6x128x128xf32, #tpu.memory_space<vmem>> -> memref<1x128x128xf32, #tpu.memory_space<vmem>>
    %dma_wait3A_95 = tpu.memref_squeeze %dma_wait3A_94 : memref<1x128x128xf32, #tpu.memory_space<vmem>> -> memref<128x128xf32, #tpu.memory_space<vmem>>
    %dma_wait3A_96 = arith.constant 0 : i32
    %dma_wait3A_97 = tpu.memref_slice %arg5[%dma_wait3A, %dma_wait3A_96] : memref<26x128xi32, #tpu.memory_space<vmem>> -> memref<1x128xi32, #tpu.memory_space<vmem>>
    %dma_wait3A_98 = tpu.memref_squeeze %dma_wait3A_97 : memref<1x128xi32, #tpu.memory_space<vmem>> -> memref<128xi32, #tpu.memory_space<vmem>>
    %dma_wait3A_99 = arith.constant 0 : i32
    %dma_wait3A_100 = arith.constant 0 : i32
    %dma_wait3A_101 = tpu.memref_slice %arg2[%dma_wait3A_99, %dma_wait3A_100] : memref<1000000x128xf32, #tpu.memory_space<hbm>> -> memref<1000000x128xf32, #tpu.memory_space<hbm>>
    %dma_wait3A_102 = tpu.memref_slice %arg7[%dma_wait3A_91] : memref<6x!tpu.dma_semaphore, #tpu.memory_space<semaphore_mem>> -> memref<1x!tpu.dma_semaphore, #tpu.memory_space<semaphore_mem>>
    %dma_wait3A_103 = tpu.memref_squeeze %dma_wait3A_102 : memref<1x!tpu.dma_semaphore, #tpu.memory_space<semaphore_mem>> -> memref<!tpu.dma_semaphore, #tpu.memory_space<semaphore_mem>>
    tpu.wait_indirect_dma semaphore(%dma_wait3A_103 : memref<!tpu.dma_semaphore, #tpu.memory_space<semaphore_mem>>) src(%dma_wait3A_101 : memref<1000000x128xf32, #tpu.memory_space<hbm>>) dst(%dma_wait3A_95 : memref<128x128xf32, #tpu.memory_space<vmem>>)
    %dma_start3A_104 = arith.constant 0 : i32
    %dma_start3A_105 = arith.constant 0 : i32
    %dma_start3A_106 = arith.constant 0 : i32
    %dma_start3A_107 = arith.constant 0 : i32
    %dma_start3A_108 = arith.constant 0 : i32
    %dma_start3A_109 = tpu.memref_slice %arg6[%dma_start3A_104, %dma_start3A_107, %dma_start3A_108] : memref<6x128x128xf32, #tpu.memory_space<vmem>> -> memref<1x128x128xf32, #tpu.memory_space<vmem>>
    %dma_start3A_110 = tpu.memref_squeeze %dma_start3A_109 : memref<1x128x128xf32, #tpu.memory_space<vmem>> -> memref<128x128xf32, #tpu.memory_space<vmem>>
    %dma_start3A_111 = arith.constant 0 : i32
    %dma_start3A_112 = arith.constant 0 : i32
    %dma_start3A_113 = tpu.memref_slice %arg4[%add3A, %dma_start3A_105, %dma_start3A_111, %dma_start3A_112] : memref<32x26x128x128xf32, #tpu.memory_space<hbm>> -> memref<1x1x128x128xf32, #tpu.memory_space<hbm>>
    %dma_start3A_114 = tpu.memref_squeeze %dma_start3A_113 : memref<1x1x128x128xf32, #tpu.memory_space<hbm>> -> memref<128x128xf32, #tpu.memory_space<hbm>>
    %dma_start3A_115 = tpu.memref_slice %arg8[%dma_start3A_106] : memref<6x!tpu.dma_semaphore, #tpu.memory_space<semaphore_mem>> -> memref<1x!tpu.dma_semaphore, #tpu.memory_space<semaphore_mem>>
    %dma_start3A_116 = tpu.memref_squeeze %dma_start3A_115 : memref<1x!tpu.dma_semaphore, #tpu.memory_space<semaphore_mem>> -> memref<!tpu.dma_semaphore, #tpu.memory_space<semaphore_mem>>
    %dma_start3A_117 = arith.constant 0 : i32
    %dma_start3A_118 = arith.constant 0 : i32
    %dma_start3A_119 = tpu.memref_slice %arg4[%add3A, %dma_start3A_105, %dma_start3A_117, %dma_start3A_118] : memref<32x26x128x128xf32, #tpu.memory_space<hbm>> -> memref<1x1x128x128xf32, #tpu.memory_space<hbm>>
    %dma_start3A_120 = tpu.memref_squeeze %dma_start3A_119 : memref<1x1x128x128xf32, #tpu.memory_space<hbm>> -> memref<128x128xf32, #tpu.memory_space<hbm>>
    %dma_start3A_121 = arith.constant 0 : i32
    %dma_start3A_122 = arith.constant 0 : i32
    %dma_start3A_123 = tpu.memref_slice %arg6[%dma_start3A_104, %dma_start3A_121, %dma_start3A_122] : memref<6x128x128xf32, #tpu.memory_space<vmem>> -> memref<1x128x128xf32, #tpu.memory_space<vmem>>
    %dma_start3A_124 = tpu.memref_squeeze %dma_start3A_123 : memref<1x128x128xf32, #tpu.memory_space<vmem>> -> memref<128x128xf32, #tpu.memory_space<vmem>>
    tpu.enqueue_dma source(%dma_start3A_124 : memref<128x128xf32, #tpu.memory_space<vmem>>) target(%dma_start3A_120 : memref<128x128xf32, #tpu.memory_space<hbm>>) target_semaphore(%dma_start3A_116 : memref<!tpu.dma_semaphore, #tpu.memory_space<semaphore_mem>>)
    %dma_wait3A_125 = arith.constant 0 : i32
    %dma_wait3A_126 = arith.constant 0 : i32
    %dma_wait3A_127 = arith.constant 0 : i32
    %dma_wait3A_128 = arith.constant 0 : i32
    %dma_wait3A_129 = arith.constant 0 : i32
    %dma_wait3A_130 = tpu.memref_slice %arg6[%dma_wait3A_125, %dma_wait3A_128, %dma_wait3A_129] : memref<6x128x128xf32, #tpu.memory_space<vmem>> -> memref<1x128x128xf32, #tpu.memory_space<vmem>>
    %dma_wait3A_131 = tpu.memref_squeeze %dma_wait3A_130 : memref<1x128x128xf32, #tpu.memory_space<vmem>> -> memref<128x128xf32, #tpu.memory_space<vmem>>
    %dma_wait3A_132 = arith.constant 0 : i32
    %dma_wait3A_133 = arith.constant 0 : i32
    %dma_wait3A_134 = tpu.memref_slice %arg4[%add3A, %dma_wait3A_126, %dma_wait3A_132, %dma_wait3A_133] : memref<32x26x128x128xf32, #tpu.memory_space<hbm>> -> memref<1x1x128x128xf32, #tpu.memory_space<hbm>>
    %dma_wait3A_135 = tpu.memref_squeeze %dma_wait3A_134 : memref<1x1x128x128xf32, #tpu.memory_space<hbm>> -> memref<128x128xf32, #tpu.memory_space<hbm>>
    %dma_wait3A_136 = tpu.memref_slice %arg8[%dma_wait3A_127] : memref<6x!tpu.dma_semaphore, #tpu.memory_space<semaphore_mem>> -> memref<1x!tpu.dma_semaphore, #tpu.memory_space<semaphore_mem>>
    %dma_wait3A_137 = tpu.memref_squeeze %dma_wait3A_136 : memref<1x!tpu.dma_semaphore, #tpu.memory_space<semaphore_mem>> -> memref<!tpu.dma_semaphore, #tpu.memory_space<semaphore_mem>>
    %dma_wait3A_138 = arith.constant 0 : i32
    %dma_wait3A_139 = arith.constant 0 : i32
    %dma_wait3A_140 = tpu.memref_slice %arg4[%add3A, %dma_wait3A_126, %dma_wait3A_138, %dma_wait3A_139] : memref<32x26x128x128xf32, #tpu.memory_space<hbm>> -> memref<1x1x128x128xf32, #tpu.memory_space<hbm>>
    %dma_wait3A_141 = tpu.memref_squeeze %dma_wait3A_140 : memref<1x1x128x128xf32, #tpu.memory_space<hbm>> -> memref<128x128xf32, #tpu.memory_space<hbm>>
    %dma_wait3A_142 = arith.constant 0 : i32
    %dma_wait3A_143 = arith.constant 0 : i32
    %dma_wait3A_144 = tpu.memref_slice %arg6[%dma_wait3A_125, %dma_wait3A_142, %dma_wait3A_143] : memref<6x128x128xf32, #tpu.memory_space<vmem>> -> memref<1x128x128xf32, #tpu.memory_space<vmem>>
    %dma_wait3A_145 = tpu.memref_squeeze %dma_wait3A_144 : memref<1x128x128xf32, #tpu.memory_space<vmem>> -> memref<128x128xf32, #tpu.memory_space<vmem>>
    tpu.wait_dma2 semaphore(%dma_wait3A_137 : memref<!tpu.dma_semaphore, #tpu.memory_space<semaphore_mem>>) src(%dma_wait3A_145 : memref<128x128xf32, #tpu.memory_space<vmem>>) dst(%dma_wait3A_141 : memref<128x128xf32, #tpu.memory_space<hbm>>)
    %dma_start3A_146 = arith.constant 6 : i32
    %dma_start3A_147 = arith.constant 0 : i32
    %dma_start3A_148 = arith.constant 0 : i32
    %dma_start3A_149 = arith.constant 0 : i32
    %dma_start3A_150 = arith.constant 0 : i32
    %dma_start3A_151 = tpu.memref_slice %arg6[%dma_start3A_147, %dma_start3A_149, %dma_start3A_150] : memref<6x128x128xf32, #tpu.memory_space<vmem>> -> memref<1x128x128xf32, #tpu.memory_space<vmem>>
    %dma_start3A_152 = tpu.memref_squeeze %dma_start3A_151 : memref<1x128x128xf32, #tpu.memory_space<vmem>> -> memref<128x128xf32, #tpu.memory_space<vmem>>
    %dma_start3A_153 = arith.constant 0 : i32
    %dma_start3A_154 = tpu.memref_slice %arg5[%dma_start3A_146, %dma_start3A_153] : memref<26x128xi32, #tpu.memory_space<vmem>> -> memref<1x128xi32, #tpu.memory_space<vmem>>
    %dma_start3A_155 = tpu.memref_squeeze %dma_start3A_154 : memref<1x128xi32, #tpu.memory_space<vmem>> -> memref<128xi32, #tpu.memory_space<vmem>>
    %dma_start3A_156 = arith.constant 0 : i32
    %dma_start3A_157 = arith.constant 0 : i32
    %dma_start3A_158 = tpu.memref_slice %arg2[%dma_start3A_156, %dma_start3A_157] : memref<1000000x128xf32, #tpu.memory_space<hbm>> -> memref<1000000x128xf32, #tpu.memory_space<hbm>>
    %dma_start3A_159 = tpu.memref_slice %arg7[%dma_start3A_148] : memref<6x!tpu.dma_semaphore, #tpu.memory_space<semaphore_mem>> -> memref<1x!tpu.dma_semaphore, #tpu.memory_space<semaphore_mem>>
    %dma_start3A_160 = tpu.memref_squeeze %dma_start3A_159 : memref<1x!tpu.dma_semaphore, #tpu.memory_space<semaphore_mem>> -> memref<!tpu.dma_semaphore, #tpu.memory_space<semaphore_mem>>
    tpu.enqueue_indirect_dma source(%dma_start3A_158 : memref<1000000x128xf32, #tpu.memory_space<hbm>>) target(%dma_start3A_152 : memref<128x128xf32, #tpu.memory_space<vmem>>) offsets(%dma_start3A_155 : memref<128xi32, #tpu.memory_space<vmem>>) semaphore(%dma_start3A_160 : memref<!tpu.dma_semaphore, #tpu.memory_space<semaphore_mem>>)
    %dma_wait3A_161 = arith.constant 1 : i32
    %dma_wait3A_162 = arith.constant 1 : i32
    %dma_wait3A_163 = arith.constant 1 : i32
    %dma_wait3A_164 = arith.constant 0 : i32
    %dma_wait3A_165 = arith.constant 0 : i32
    %dma_wait3A_166 = tpu.memref_slice %arg6[%dma_wait3A_162, %dma_wait3A_164, %dma_wait3A_165] : memref<6x128x128xf32, #tpu.memory_space<vmem>> -> memref<1x128x128xf32, #tpu.memory_space<vmem>>
    %dma_wait3A_167 = tpu.memref_squeeze %dma_wait3A_166 : memref<1x128x128xf32, #tpu.memory_space<vmem>> -> memref<128x128xf32, #tpu.memory_space<vmem>>
    %dma_wait3A_168 = arith.constant 0 : i32
    %dma_wait3A_169 = tpu.memref_slice %arg5[%dma_wait3A_161, %dma_wait3A_168] : memref<26x128xi32, #tpu.memory_space<vmem>> -> memref<1x128xi32, #tpu.memory_space<vmem>>
    %dma_wait3A_170 = tpu.memref_squeeze %dma_wait3A_169 : memref<1x128xi32, #tpu.memory_space<vmem>> -> memref<128xi32, #tpu.memory_space<vmem>>
    %dma_wait3A_171 = arith.constant 0 : i32
    %dma_wait3A_172 = arith.constant 0 : i32
    %dma_wait3A_173 = tpu.memref_slice %arg2[%dma_wait3A_171, %dma_wait3A_172] : memref<1000000x128xf32, #tpu.memory_space<hbm>> -> memref<1000000x128xf32, #tpu.memory_space<hbm>>
    %dma_wait3A_174 = tpu.memref_slice %arg7[%dma_wait3A_163] : memref<6x!tpu.dma_semaphore, #tpu.memory_space<semaphore_mem>> -> memref<1x!tpu.dma_semaphore, #tpu.memory_space<semaphore_mem>>
    %dma_wait3A_175 = tpu.memref_squeeze %dma_wait3A_174 : memref<1x!tpu.dma_semaphore, #tpu.memory_space<semaphore_mem>> -> memref<!tpu.dma_semaphore, #tpu.memory_space<semaphore_mem>>
    tpu.wait_indirect_dma semaphore(%dma_wait3A_175 : memref<!tpu.dma_semaphore, #tpu.memory_space<semaphore_mem>>) src(%dma_wait3A_173 : memref<1000000x128xf32, #tpu.memory_space<hbm>>) dst(%dma_wait3A_167 : memref<128x128xf32, #tpu.memory_space<vmem>>)
    %dma_start3A_176 = arith.constant 1 : i32
    %dma_start3A_177 = arith.constant 1 : i32
    %dma_start3A_178 = arith.constant 1 : i32
    %dma_start3A_179 = arith.constant 0 : i32
    %dma_start3A_180 = arith.constant 0 : i32
    %dma_start3A_181 = tpu.memref_slice %arg6[%dma_start3A_176, %dma_start3A_179, %dma_start3A_180] : memref<6x128x128xf32, #tpu.memory_space<vmem>> -> memref<1x128x128xf32, #tpu.memory_space<vmem>>
    %dma_start3A_182 = tpu.memref_squeeze %dma_start3A_181 : memref<1x128x128xf32, #tpu.memory_space<vmem>> -> memref<128x128xf32, #tpu.memory_space<vmem>>
    %dma_start3A_183 = arith.constant 0 : i32
    %dma_start3A_184 = arith.constant 0 : i32
    %dma_start3A_185 = tpu.memref_slice %arg4[%add3A, %dma_start3A_177, %dma_start3A_183, %dma_start3A_184] : memref<32x26x128x128xf32, #tpu.memory_space<hbm>> -> memref<1x1x128x128xf32, #tpu.memory_space<hbm>>
    %dma_start3A_186 = tpu.memref_squeeze %dma_start3A_185 : memref<1x1x128x128xf32, #tpu.memory_space<hbm>> -> memref<128x128xf32, #tpu.memory_space<hbm>>
    %dma_start3A_187 = tpu.memref_slice %arg8[%dma_start3A_178] : memref<6x!tpu.dma_semaphore, #tpu.memory_space<semaphore_mem>> -> memref<1x!tpu.dma_semaphore, #tpu.memory_space<semaphore_mem>>
    %dma_start3A_188 = tpu.memref_squeeze %dma_start3A_187 : memref<1x!tpu.dma_semaphore, #tpu.memory_space<semaphore_mem>> -> memref<!tpu.dma_semaphore, #tpu.memory_space<semaphore_mem>>
    %dma_start3A_189 = arith.constant 0 : i32
    %dma_start3A_190 = arith.constant 0 : i32
    %dma_start3A_191 = tpu.memref_slice %arg4[%add3A, %dma_start3A_177, %dma_start3A_189, %dma_start3A_190] : memref<32x26x128x128xf32, #tpu.memory_space<hbm>> -> memref<1x1x128x128xf32, #tpu.memory_space<hbm>>
    %dma_start3A_192 = tpu.memref_squeeze %dma_start3A_191 : memref<1x1x128x128xf32, #tpu.memory_space<hbm>> -> memref<128x128xf32, #tpu.memory_space<hbm>>
    %dma_start3A_193 = arith.constant 0 : i32
    %dma_start3A_194 = arith.constant 0 : i32
    %dma_start3A_195 = tpu.memref_slice %arg6[%dma_start3A_176, %dma_start3A_193, %dma_start3A_194] : memref<6x128x128xf32, #tpu.memory_space<vmem>> -> memref<1x128x128xf32, #tpu.memory_space<vmem>>
    %dma_start3A_196 = tpu.memref_squeeze %dma_start3A_195 : memref<1x128x128xf32, #tpu.memory_space<vmem>> -> memref<128x128xf32, #tpu.memory_space<vmem>>
    tpu.enqueue_dma source(%dma_start3A_196 : memref<128x128xf32, #tpu.memory_space<vmem>>) target(%dma_start3A_192 : memref<128x128xf32, #tpu.memory_space<hbm>>) target_semaphore(%dma_start3A_188 : memref<!tpu.dma_semaphore, #tpu.memory_space<semaphore_mem>>)
    %dma_wait3A_197 = arith.constant 1 : i32
    %dma_wait3A_198 = arith.constant 1 : i32
    %dma_wait3A_199 = arith.constant 1 : i32
    %dma_wait3A_200 = arith.constant 0 : i32
    %dma_wait3A_201 = arith.constant 0 : i32
    %dma_wait3A_202 = tpu.memref_slice %arg6[%dma_wait3A_197, %dma_wait3A_200, %dma_wait3A_201] : memref<6x128x128xf32, #tpu.memory_space<vmem>> -> memref<1x128x128xf32, #tpu.memory_space<vmem>>
    %dma_wait3A_203 = tpu.memref_squeeze %dma_wait3A_202 : memref<1x128x128xf32, #tpu.memory_space<vmem>> -> memref<128x128xf32, #tpu.memory_space<vmem>>
    %dma_wait3A_204 = arith.constant 0 : i32
    %dma_wait3A_205 = arith.constant 0 : i32
    %dma_wait3A_206 = tpu.memref_slice %arg4[%add3A, %dma_wait3A_198, %dma_wait3A_204, %dma_wait3A_205] : memref<32x26x128x128xf32, #tpu.memory_space<hbm>> -> memref<1x1x128x128xf32, #tpu.memory_space<hbm>>
    %dma_wait3A_207 = tpu.memref_squeeze %dma_wait3A_206 : memref<1x1x128x128xf32, #tpu.memory_space<hbm>> -> memref<128x128xf32, #tpu.memory_space<hbm>>
    %dma_wait3A_208 = tpu.memref_slice %arg8[%dma_wait3A_199] : memref<6x!tpu.dma_semaphore, #tpu.memory_space<semaphore_mem>> -> memref<1x!tpu.dma_semaphore, #tpu.memory_space<semaphore_mem>>
    %dma_wait3A_209 = tpu.memref_squeeze %dma_wait3A_208 : memref<1x!tpu.dma_semaphore, #tpu.memory_space<semaphore_mem>> -> memref<!tpu.dma_semaphore, #tpu.memory_space<semaphore_mem>>
    %dma_wait3A_210 = arith.constant 0 : i32
    %dma_wait3A_211 = arith.constant 0 : i32
    %dma_wait3A_212 = tpu.memref_slice %arg4[%add3A, %dma_wait3A_198, %dma_wait3A_210, %dma_wait3A_211] : memref<32x26x128x128xf32, #tpu.memory_space<hbm>> -> memref<1x1x128x128xf32, #tpu.memory_space<hbm>>
    %dma_wait3A_213 = tpu.memref_squeeze %dma_wait3A_212 : memref<1x1x128x128xf32, #tpu.memory_space<hbm>> -> memref<128x128xf32, #tpu.memory_space<hbm>>
    %dma_wait3A_214 = arith.constant 0 : i32
    %dma_wait3A_215 = arith.constant 0 : i32
    %dma_wait3A_216 = tpu.memref_slice %arg6[%dma_wait3A_197, %dma_wait3A_214, %dma_wait3A_215] : memref<6x128x128xf32, #tpu.memory_space<vmem>> -> memref<1x128x128xf32, #tpu.memory_space<vmem>>
    %dma_wait3A_217 = tpu.memref_squeeze %dma_wait3A_216 : memref<1x128x128xf32, #tpu.memory_space<vmem>> -> memref<128x128xf32, #tpu.memory_space<vmem>>
    tpu.wait_dma2 semaphore(%dma_wait3A_209 : memref<!tpu.dma_semaphore, #tpu.memory_space<semaphore_mem>>) src(%dma_wait3A_217 : memref<128x128xf32, #tpu.memory_space<vmem>>) dst(%dma_wait3A_213 : memref<128x128xf32, #tpu.memory_space<hbm>>)
    %dma_start3A_218 = arith.constant 7 : i32
    %dma_start3A_219 = arith.constant 1 : i32
    %dma_start3A_220 = arith.constant 1 : i32
    %dma_start3A_221 = arith.constant 0 : i32
    %dma_start3A_222 = arith.constant 0 : i32
    %dma_start3A_223 = tpu.memref_slice %arg6[%dma_start3A_219, %dma_start3A_221, %dma_start3A_222] : memref<6x128x128xf32, #tpu.memory_space<vmem>> -> memref<1x128x128xf32, #tpu.memory_space<vmem>>
    %dma_start3A_224 = tpu.memref_squeeze %dma_start3A_223 : memref<1x128x128xf32, #tpu.memory_space<vmem>> -> memref<128x128xf32, #tpu.memory_space<vmem>>
    %dma_start3A_225 = arith.constant 0 : i32
    %dma_start3A_226 = tpu.memref_slice %arg5[%dma_start3A_218, %dma_start3A_225] : memref<26x128xi32, #tpu.memory_space<vmem>> -> memref<1x128xi32, #tpu.memory_space<vmem>>
    %dma_start3A_227 = tpu.memref_squeeze %dma_start3A_226 : memref<1x128xi32, #tpu.memory_space<vmem>> -> memref<128xi32, #tpu.memory_space<vmem>>
    %dma_start3A_228 = arith.constant 0 : i32
    %dma_start3A_229 = arith.constant 0 : i32
    %dma_start3A_230 = tpu.memref_slice %arg2[%dma_start3A_228, %dma_start3A_229] : memref<1000000x128xf32, #tpu.memory_space<hbm>> -> memref<1000000x128xf32, #tpu.memory_space<hbm>>
    %dma_start3A_231 = tpu.memref_slice %arg7[%dma_start3A_220] : memref<6x!tpu.dma_semaphore, #tpu.memory_space<semaphore_mem>> -> memref<1x!tpu.dma_semaphore, #tpu.memory_space<semaphore_mem>>
    %dma_start3A_232 = tpu.memref_squeeze %dma_start3A_231 : memref<1x!tpu.dma_semaphore, #tpu.memory_space<semaphore_mem>> -> memref<!tpu.dma_semaphore, #tpu.memory_space<semaphore_mem>>
    tpu.enqueue_indirect_dma source(%dma_start3A_230 : memref<1000000x128xf32, #tpu.memory_space<hbm>>) target(%dma_start3A_224 : memref<128x128xf32, #tpu.memory_space<vmem>>) offsets(%dma_start3A_227 : memref<128xi32, #tpu.memory_space<vmem>>) semaphore(%dma_start3A_232 : memref<!tpu.dma_semaphore, #tpu.memory_space<semaphore_mem>>)
    %dma_wait3A_233 = arith.constant 2 : i32
    %dma_wait3A_234 = arith.constant 2 : i32
    %dma_wait3A_235 = arith.constant 2 : i32
    %dma_wait3A_236 = arith.constant 0 : i32
    %dma_wait3A_237 = arith.constant 0 : i32
    %dma_wait3A_238 = tpu.memref_slice %arg6[%dma_wait3A_234, %dma_wait3A_236, %dma_wait3A_237] : memref<6x128x128xf32, #tpu.memory_space<vmem>> -> memref<1x128x128xf32, #tpu.memory_space<vmem>>
    %dma_wait3A_239 = tpu.memref_squeeze %dma_wait3A_238 : memref<1x128x128xf32, #tpu.memory_space<vmem>> -> memref<128x128xf32, #tpu.memory_space<vmem>>
    %dma_wait3A_240 = arith.constant 0 : i32
    %dma_wait3A_241 = tpu.memref_slice %arg5[%dma_wait3A_233, %dma_wait3A_240] : memref<26x128xi32, #tpu.memory_space<vmem>> -> memref<1x128xi32, #tpu.memory_space<vmem>>
    %dma_wait3A_242 = tpu.memref_squeeze %dma_wait3A_241 : memref<1x128xi32, #tpu.memory_space<vmem>> -> memref<128xi32, #tpu.memory_space<vmem>>
    %dma_wait3A_243 = arith.constant 0 : i32
    %dma_wait3A_244 = arith.constant 0 : i32
    %dma_wait3A_245 = tpu.memref_slice %arg2[%dma_wait3A_243, %dma_wait3A_244] : memref<1000000x128xf32, #tpu.memory_space<hbm>> -> memref<1000000x128xf32, #tpu.memory_space<hbm>>
    %dma_wait3A_246 = tpu.memref_slice %arg7[%dma_wait3A_235] : memref<6x!tpu.dma_semaphore, #tpu.memory_space<semaphore_mem>> -> memref<1x!tpu.dma_semaphore, #tpu.memory_space<semaphore_mem>>
    %dma_wait3A_247 = tpu.memref_squeeze %dma_wait3A_246 : memref<1x!tpu.dma_semaphore, #tpu.memory_space<semaphore_mem>> -> memref<!tpu.dma_semaphore, #tpu.memory_space<semaphore_mem>>
    tpu.wait_indirect_dma semaphore(%dma_wait3A_247 : memref<!tpu.dma_semaphore, #tpu.memory_space<semaphore_mem>>) src(%dma_wait3A_245 : memref<1000000x128xf32, #tpu.memory_space<hbm>>) dst(%dma_wait3A_239 : memref<128x128xf32, #tpu.memory_space<vmem>>)
    %dma_start3A_248 = arith.constant 2 : i32
    %dma_start3A_249 = arith.constant 2 : i32
    %dma_start3A_250 = arith.constant 2 : i32
    %dma_start3A_251 = arith.constant 0 : i32
    %dma_start3A_252 = arith.constant 0 : i32
    %dma_start3A_253 = tpu.memref_slice %arg6[%dma_start3A_248, %dma_start3A_251, %dma_start3A_252] : memref<6x128x128xf32, #tpu.memory_space<vmem>> -> memref<1x128x128xf32, #tpu.memory_space<vmem>>
    %dma_start3A_254 = tpu.memref_squeeze %dma_start3A_253 : memref<1x128x128xf32, #tpu.memory_space<vmem>> -> memref<128x128xf32, #tpu.memory_space<vmem>>
    %dma_start3A_255 = arith.constant 0 : i32
    %dma_start3A_256 = arith.constant 0 : i32
    %dma_start3A_257 = tpu.memref_slice %arg4[%add3A, %dma_start3A_249, %dma_start3A_255, %dma_start3A_256] : memref<32x26x128x128xf32, #tpu.memory_space<hbm>> -> memref<1x1x128x128xf32, #tpu.memory_space<hbm>>
    %dma_start3A_258 = tpu.memref_squeeze %dma_start3A_257 : memref<1x1x128x128xf32, #tpu.memory_space<hbm>> -> memref<128x128xf32, #tpu.memory_space<hbm>>
    %dma_start3A_259 = tpu.memref_slice %arg8[%dma_start3A_250] : memref<6x!tpu.dma_semaphore, #tpu.memory_space<semaphore_mem>> -> memref<1x!tpu.dma_semaphore, #tpu.memory_space<semaphore_mem>>
    %dma_start3A_260 = tpu.memref_squeeze %dma_start3A_259 : memref<1x!tpu.dma_semaphore, #tpu.memory_space<semaphore_mem>> -> memref<!tpu.dma_semaphore, #tpu.memory_space<semaphore_mem>>
    %dma_start3A_261 = arith.constant 0 : i32
    %dma_start3A_262 = arith.constant 0 : i32
    %dma_start3A_263 = tpu.memref_slice %arg4[%add3A, %dma_start3A_249, %dma_start3A_261, %dma_start3A_262] : memref<32x26x128x128xf32, #tpu.memory_space<hbm>> -> memref<1x1x128x128xf32, #tpu.memory_space<hbm>>
    %dma_start3A_264 = tpu.memref_squeeze %dma_start3A_263 : memref<1x1x128x128xf32, #tpu.memory_space<hbm>> -> memref<128x128xf32, #tpu.memory_space<hbm>>
    %dma_start3A_265 = arith.constant 0 : i32
    %dma_start3A_266 = arith.constant 0 : i32
    %dma_start3A_267 = tpu.memref_slice %arg6[%dma_start3A_248, %dma_start3A_265, %dma_start3A_266] : memref<6x128x128xf32, #tpu.memory_space<vmem>> -> memref<1x128x128xf32, #tpu.memory_space<vmem>>
    %dma_start3A_268 = tpu.memref_squeeze %dma_start3A_267 : memref<1x128x128xf32, #tpu.memory_space<vmem>> -> memref<128x128xf32, #tpu.memory_space<vmem>>
    tpu.enqueue_dma source(%dma_start3A_268 : memref<128x128xf32, #tpu.memory_space<vmem>>) target(%dma_start3A_264 : memref<128x128xf32, #tpu.memory_space<hbm>>) target_semaphore(%dma_start3A_260 : memref<!tpu.dma_semaphore, #tpu.memory_space<semaphore_mem>>)
    %dma_wait3A_269 = arith.constant 2 : i32
    %dma_wait3A_270 = arith.constant 2 : i32
    %dma_wait3A_271 = arith.constant 2 : i32
    %dma_wait3A_272 = arith.constant 0 : i32
    %dma_wait3A_273 = arith.constant 0 : i32
    %dma_wait3A_274 = tpu.memref_slice %arg6[%dma_wait3A_269, %dma_wait3A_272, %dma_wait3A_273] : memref<6x128x128xf32, #tpu.memory_space<vmem>> -> memref<1x128x128xf32, #tpu.memory_space<vmem>>
    %dma_wait3A_275 = tpu.memref_squeeze %dma_wait3A_274 : memref<1x128x128xf32, #tpu.memory_space<vmem>> -> memref<128x128xf32, #tpu.memory_space<vmem>>
    %dma_wait3A_276 = arith.constant 0 : i32
    %dma_wait3A_277 = arith.constant 0 : i32
    %dma_wait3A_278 = tpu.memref_slice %arg4[%add3A, %dma_wait3A_270, %dma_wait3A_276, %dma_wait3A_277] : memref<32x26x128x128xf32, #tpu.memory_space<hbm>> -> memref<1x1x128x128xf32, #tpu.memory_space<hbm>>
    %dma_wait3A_279 = tpu.memref_squeeze %dma_wait3A_278 : memref<1x1x128x128xf32, #tpu.memory_space<hbm>> -> memref<128x128xf32, #tpu.memory_space<hbm>>
    %dma_wait3A_280 = tpu.memref_slice %arg8[%dma_wait3A_271] : memref<6x!tpu.dma_semaphore, #tpu.memory_space<semaphore_mem>> -> memref<1x!tpu.dma_semaphore, #tpu.memory_space<semaphore_mem>>
    %dma_wait3A_281 = tpu.memref_squeeze %dma_wait3A_280 : memref<1x!tpu.dma_semaphore, #tpu.memory_space<semaphore_mem>> -> memref<!tpu.dma_semaphore, #tpu.memory_space<semaphore_mem>>
    %dma_wait3A_282 = arith.constant 0 : i32
    %dma_wait3A_283 = arith.constant 0 : i32
    %dma_wait3A_284 = tpu.memref_slice %arg4[%add3A, %dma_wait3A_270, %dma_wait3A_282, %dma_wait3A_283] : memref<32x26x128x128xf32, #tpu.memory_space<hbm>> -> memref<1x1x128x128xf32, #tpu.memory_space<hbm>>
    %dma_wait3A_285 = tpu.memref_squeeze %dma_wait3A_284 : memref<1x1x128x128xf32, #tpu.memory_space<hbm>> -> memref<128x128xf32, #tpu.memory_space<hbm>>
    %dma_wait3A_286 = arith.constant 0 : i32
    %dma_wait3A_287 = arith.constant 0 : i32
    %dma_wait3A_288 = tpu.memref_slice %arg6[%dma_wait3A_269, %dma_wait3A_286, %dma_wait3A_287] : memref<6x128x128xf32, #tpu.memory_space<vmem>> -> memref<1x128x128xf32, #tpu.memory_space<vmem>>
    %dma_wait3A_289 = tpu.memref_squeeze %dma_wait3A_288 : memref<1x128x128xf32, #tpu.memory_space<vmem>> -> memref<128x128xf32, #tpu.memory_space<vmem>>
    tpu.wait_dma2 semaphore(%dma_wait3A_281 : memref<!tpu.dma_semaphore, #tpu.memory_space<semaphore_mem>>) src(%dma_wait3A_289 : memref<128x128xf32, #tpu.memory_space<vmem>>) dst(%dma_wait3A_285 : memref<128x128xf32, #tpu.memory_space<hbm>>)
    %dma_start3A_290 = arith.constant 8 : i32
    %dma_start3A_291 = arith.constant 2 : i32
    %dma_start3A_292 = arith.constant 2 : i32
    %dma_start3A_293 = arith.constant 0 : i32
    %dma_start3A_294 = arith.constant 0 : i32
    %dma_start3A_295 = tpu.memref_slice %arg6[%dma_start3A_291, %dma_start3A_293, %dma_start3A_294] : memref<6x128x128xf32, #tpu.memory_space<vmem>> -> memref<1x128x128xf32, #tpu.memory_space<vmem>>
    %dma_start3A_296 = tpu.memref_squeeze %dma_start3A_295 : memref<1x128x128xf32, #tpu.memory_space<vmem>> -> memref<128x128xf32, #tpu.memory_space<vmem>>
    %dma_start3A_297 = arith.constant 0 : i32
    %dma_start3A_298 = tpu.memref_slice %arg5[%dma_start3A_290, %dma_start3A_297] : memref<26x128xi32, #tpu.memory_space<vmem>> -> memref<1x128xi32, #tpu.memory_space<vmem>>
    %dma_start3A_299 = tpu.memref_squeeze %dma_start3A_298 : memref<1x128xi32, #tpu.memory_space<vmem>> -> memref<128xi32, #tpu.memory_space<vmem>>
    %dma_start3A_300 = arith.constant 0 : i32
    %dma_start3A_301 = arith.constant 0 : i32
    %dma_start3A_302 = tpu.memref_slice %arg2[%dma_start3A_300, %dma_start3A_301] : memref<1000000x128xf32, #tpu.memory_space<hbm>> -> memref<1000000x128xf32, #tpu.memory_space<hbm>>
    %dma_start3A_303 = tpu.memref_slice %arg7[%dma_start3A_292] : memref<6x!tpu.dma_semaphore, #tpu.memory_space<semaphore_mem>> -> memref<1x!tpu.dma_semaphore, #tpu.memory_space<semaphore_mem>>
    %dma_start3A_304 = tpu.memref_squeeze %dma_start3A_303 : memref<1x!tpu.dma_semaphore, #tpu.memory_space<semaphore_mem>> -> memref<!tpu.dma_semaphore, #tpu.memory_space<semaphore_mem>>
    tpu.enqueue_indirect_dma source(%dma_start3A_302 : memref<1000000x128xf32, #tpu.memory_space<hbm>>) target(%dma_start3A_296 : memref<128x128xf32, #tpu.memory_space<vmem>>) offsets(%dma_start3A_299 : memref<128xi32, #tpu.memory_space<vmem>>) semaphore(%dma_start3A_304 : memref<!tpu.dma_semaphore, #tpu.memory_space<semaphore_mem>>)
    %dma_wait3A_305 = arith.constant 3 : i32
    %dma_wait3A_306 = arith.constant 3 : i32
    %dma_wait3A_307 = arith.constant 3 : i32
    %dma_wait3A_308 = arith.constant 0 : i32
    %dma_wait3A_309 = arith.constant 0 : i32
    %dma_wait3A_310 = tpu.memref_slice %arg6[%dma_wait3A_306, %dma_wait3A_308, %dma_wait3A_309] : memref<6x128x128xf32, #tpu.memory_space<vmem>> -> memref<1x128x128xf32, #tpu.memory_space<vmem>>
    %dma_wait3A_311 = tpu.memref_squeeze %dma_wait3A_310 : memref<1x128x128xf32, #tpu.memory_space<vmem>> -> memref<128x128xf32, #tpu.memory_space<vmem>>
    %dma_wait3A_312 = arith.constant 0 : i32
    %dma_wait3A_313 = tpu.memref_slice %arg5[%dma_wait3A_305, %dma_wait3A_312] : memref<26x128xi32, #tpu.memory_space<vmem>> -> memref<1x128xi32, #tpu.memory_space<vmem>>
    %dma_wait3A_314 = tpu.memref_squeeze %dma_wait3A_313 : memref<1x128xi32, #tpu.memory_space<vmem>> -> memref<128xi32, #tpu.memory_space<vmem>>
    %dma_wait3A_315 = arith.constant 0 : i32
    %dma_wait3A_316 = arith.constant 0 : i32
    %dma_wait3A_317 = tpu.memref_slice %arg2[%dma_wait3A_315, %dma_wait3A_316] : memref<1000000x128xf32, #tpu.memory_space<hbm>> -> memref<1000000x128xf32, #tpu.memory_space<hbm>>
    %dma_wait3A_318 = tpu.memref_slice %arg7[%dma_wait3A_307] : memref<6x!tpu.dma_semaphore, #tpu.memory_space<semaphore_mem>> -> memref<1x!tpu.dma_semaphore, #tpu.memory_space<semaphore_mem>>
    %dma_wait3A_319 = tpu.memref_squeeze %dma_wait3A_318 : memref<1x!tpu.dma_semaphore, #tpu.memory_space<semaphore_mem>> -> memref<!tpu.dma_semaphore, #tpu.memory_space<semaphore_mem>>
    tpu.wait_indirect_dma semaphore(%dma_wait3A_319 : memref<!tpu.dma_semaphore, #tpu.memory_space<semaphore_mem>>) src(%dma_wait3A_317 : memref<1000000x128xf32, #tpu.memory_space<hbm>>) dst(%dma_wait3A_311 : memref<128x128xf32, #tpu.memory_space<vmem>>)
    %dma_start3A_320 = arith.constant 3 : i32
    %dma_start3A_321 = arith.constant 3 : i32
    %dma_start3A_322 = arith.constant 3 : i32
    %dma_start3A_323 = arith.constant 0 : i32
    %dma_start3A_324 = arith.constant 0 : i32
    %dma_start3A_325 = tpu.memref_slice %arg6[%dma_start3A_320, %dma_start3A_323, %dma_start3A_324] : memref<6x128x128xf32, #tpu.memory_space<vmem>> -> memref<1x128x128xf32, #tpu.memory_space<vmem>>
    %dma_start3A_326 = tpu.memref_squeeze %dma_start3A_325 : memref<1x128x128xf32, #tpu.memory_space<vmem>> -> memref<128x128xf32, #tpu.memory_space<vmem>>
    %dma_start3A_327 = arith.constant 0 : i32
    %dma_start3A_328 = arith.constant 0 : i32
    %dma_start3A_329 = tpu.memref_slice %arg4[%add3A, %dma_start3A_321, %dma_start3A_327, %dma_start3A_328] : memref<32x26x128x128xf32, #tpu.memory_space<hbm>> -> memref<1x1x128x128xf32, #tpu.memory_space<hbm>>
    %dma_start3A_330 = tpu.memref_squeeze %dma_start3A_329 : memref<1x1x128x128xf32, #tpu.memory_space<hbm>> -> memref<128x128xf32, #tpu.memory_space<hbm>>
    %dma_start3A_331 = tpu.memref_slice %arg8[%dma_start3A_322] : memref<6x!tpu.dma_semaphore, #tpu.memory_space<semaphore_mem>> -> memref<1x!tpu.dma_semaphore, #tpu.memory_space<semaphore_mem>>
    %dma_start3A_332 = tpu.memref_squeeze %dma_start3A_331 : memref<1x!tpu.dma_semaphore, #tpu.memory_space<semaphore_mem>> -> memref<!tpu.dma_semaphore, #tpu.memory_space<semaphore_mem>>
    %dma_start3A_333 = arith.constant 0 : i32
    %dma_start3A_334 = arith.constant 0 : i32
    %dma_start3A_335 = tpu.memref_slice %arg4[%add3A, %dma_start3A_321, %dma_start3A_333, %dma_start3A_334] : memref<32x26x128x128xf32, #tpu.memory_space<hbm>> -> memref<1x1x128x128xf32, #tpu.memory_space<hbm>>
    %dma_start3A_336 = tpu.memref_squeeze %dma_start3A_335 : memref<1x1x128x128xf32, #tpu.memory_space<hbm>> -> memref<128x128xf32, #tpu.memory_space<hbm>>
    %dma_start3A_337 = arith.constant 0 : i32
    %dma_start3A_338 = arith.constant 0 : i32
    %dma_start3A_339 = tpu.memref_slice %arg6[%dma_start3A_320, %dma_start3A_337, %dma_start3A_338] : memref<6x128x128xf32, #tpu.memory_space<vmem>> -> memref<1x128x128xf32, #tpu.memory_space<vmem>>
    %dma_start3A_340 = tpu.memref_squeeze %dma_start3A_339 : memref<1x128x128xf32, #tpu.memory_space<vmem>> -> memref<128x128xf32, #tpu.memory_space<vmem>>
    tpu.enqueue_dma source(%dma_start3A_340 : memref<128x128xf32, #tpu.memory_space<vmem>>) target(%dma_start3A_336 : memref<128x128xf32, #tpu.memory_space<hbm>>) target_semaphore(%dma_start3A_332 : memref<!tpu.dma_semaphore, #tpu.memory_space<semaphore_mem>>)
    %dma_wait3A_341 = arith.constant 3 : i32
    %dma_wait3A_342 = arith.constant 3 : i32
    %dma_wait3A_343 = arith.constant 3 : i32
    %dma_wait3A_344 = arith.constant 0 : i32
    %dma_wait3A_345 = arith.constant 0 : i32
    %dma_wait3A_346 = tpu.memref_slice %arg6[%dma_wait3A_341, %dma_wait3A_344, %dma_wait3A_345] : memref<6x128x128xf32, #tpu.memory_space<vmem>> -> memref<1x128x128xf32, #tpu.memory_space<vmem>>
    %dma_wait3A_347 = tpu.memref_squeeze %dma_wait3A_346 : memref<1x128x128xf32, #tpu.memory_space<vmem>> -> memref<128x128xf32, #tpu.memory_space<vmem>>
    %dma_wait3A_348 = arith.constant 0 : i32
    %dma_wait3A_349 = arith.constant 0 : i32
    %dma_wait3A_350 = tpu.memref_slice %arg4[%add3A, %dma_wait3A_342, %dma_wait3A_348, %dma_wait3A_349] : memref<32x26x128x128xf32, #tpu.memory_space<hbm>> -> memref<1x1x128x128xf32, #tpu.memory_space<hbm>>
    %dma_wait3A_351 = tpu.memref_squeeze %dma_wait3A_350 : memref<1x1x128x128xf32, #tpu.memory_space<hbm>> -> memref<128x128xf32, #tpu.memory_space<hbm>>
    %dma_wait3A_352 = tpu.memref_slice %arg8[%dma_wait3A_343] : memref<6x!tpu.dma_semaphore, #tpu.memory_space<semaphore_mem>> -> memref<1x!tpu.dma_semaphore, #tpu.memory_space<semaphore_mem>>
    %dma_wait3A_353 = tpu.memref_squeeze %dma_wait3A_352 : memref<1x!tpu.dma_semaphore, #tpu.memory_space<semaphore_mem>> -> memref<!tpu.dma_semaphore, #tpu.memory_space<semaphore_mem>>
    %dma_wait3A_354 = arith.constant 0 : i32
    %dma_wait3A_355 = arith.constant 0 : i32
    %dma_wait3A_356 = tpu.memref_slice %arg4[%add3A, %dma_wait3A_342, %dma_wait3A_354, %dma_wait3A_355] : memref<32x26x128x128xf32, #tpu.memory_space<hbm>> -> memref<1x1x128x128xf32, #tpu.memory_space<hbm>>
    %dma_wait3A_357 = tpu.memref_squeeze %dma_wait3A_356 : memref<1x1x128x128xf32, #tpu.memory_space<hbm>> -> memref<128x128xf32, #tpu.memory_space<hbm>>
    %dma_wait3A_358 = arith.constant 0 : i32
    %dma_wait3A_359 = arith.constant 0 : i32
    %dma_wait3A_360 = tpu.memref_slice %arg6[%dma_wait3A_341, %dma_wait3A_358, %dma_wait3A_359] : memref<6x128x128xf32, #tpu.memory_space<vmem>> -> memref<1x128x128xf32, #tpu.memory_space<vmem>>
    %dma_wait3A_361 = tpu.memref_squeeze %dma_wait3A_360 : memref<1x128x128xf32, #tpu.memory_space<vmem>> -> memref<128x128xf32, #tpu.memory_space<vmem>>
    tpu.wait_dma2 semaphore(%dma_wait3A_353 : memref<!tpu.dma_semaphore, #tpu.memory_space<semaphore_mem>>) src(%dma_wait3A_361 : memref<128x128xf32, #tpu.memory_space<vmem>>) dst(%dma_wait3A_357 : memref<128x128xf32, #tpu.memory_space<hbm>>)
    %dma_start3A_362 = arith.constant 9 : i32
    %dma_start3A_363 = arith.constant 3 : i32
    %dma_start3A_364 = arith.constant 3 : i32
    %dma_start3A_365 = arith.constant 0 : i32
    %dma_start3A_366 = arith.constant 0 : i32
    %dma_start3A_367 = tpu.memref_slice %arg6[%dma_start3A_363, %dma_start3A_365, %dma_start3A_366] : memref<6x128x128xf32, #tpu.memory_space<vmem>> -> memref<1x128x128xf32, #tpu.memory_space<vmem>>
    %dma_start3A_368 = tpu.memref_squeeze %dma_start3A_367 : memref<1x128x128xf32, #tpu.memory_space<vmem>> -> memref<128x128xf32, #tpu.memory_space<vmem>>
    %dma_start3A_369 = arith.constant 0 : i32
    %dma_start3A_370 = tpu.memref_slice %arg5[%dma_start3A_362, %dma_start3A_369] : memref<26x128xi32, #tpu.memory_space<vmem>> -> memref<1x128xi32, #tpu.memory_space<vmem>>
    %dma_start3A_371 = tpu.memref_squeeze %dma_start3A_370 : memref<1x128xi32, #tpu.memory_space<vmem>> -> memref<128xi32, #tpu.memory_space<vmem>>
    %dma_start3A_372 = arith.constant 0 : i32
    %dma_start3A_373 = arith.constant 0 : i32
    %dma_start3A_374 = tpu.memref_slice %arg2[%dma_start3A_372, %dma_start3A_373] : memref<1000000x128xf32, #tpu.memory_space<hbm>> -> memref<1000000x128xf32, #tpu.memory_space<hbm>>
    %dma_start3A_375 = tpu.memref_slice %arg7[%dma_start3A_364] : memref<6x!tpu.dma_semaphore, #tpu.memory_space<semaphore_mem>> -> memref<1x!tpu.dma_semaphore, #tpu.memory_space<semaphore_mem>>
    %dma_start3A_376 = tpu.memref_squeeze %dma_start3A_375 : memref<1x!tpu.dma_semaphore, #tpu.memory_space<semaphore_mem>> -> memref<!tpu.dma_semaphore, #tpu.memory_space<semaphore_mem>>
    tpu.enqueue_indirect_dma source(%dma_start3A_374 : memref<1000000x128xf32, #tpu.memory_space<hbm>>) target(%dma_start3A_368 : memref<128x128xf32, #tpu.memory_space<vmem>>) offsets(%dma_start3A_371 : memref<128xi32, #tpu.memory_space<vmem>>) semaphore(%dma_start3A_376 : memref<!tpu.dma_semaphore, #tpu.memory_space<semaphore_mem>>)
    %dma_wait3A_377 = arith.constant 4 : i32
    %dma_wait3A_378 = arith.constant 4 : i32
    %dma_wait3A_379 = arith.constant 4 : i32
    %dma_wait3A_380 = arith.constant 0 : i32
    %dma_wait3A_381 = arith.constant 0 : i32
    %dma_wait3A_382 = tpu.memref_slice %arg6[%dma_wait3A_378, %dma_wait3A_380, %dma_wait3A_381] : memref<6x128x128xf32, #tpu.memory_space<vmem>> -> memref<1x128x128xf32, #tpu.memory_space<vmem>>
    %dma_wait3A_383 = tpu.memref_squeeze %dma_wait3A_382 : memref<1x128x128xf32, #tpu.memory_space<vmem>> -> memref<128x128xf32, #tpu.memory_space<vmem>>
    %dma_wait3A_384 = arith.constant 0 : i32
    %dma_wait3A_385 = tpu.memref_slice %arg5[%dma_wait3A_377, %dma_wait3A_384] : memref<26x128xi32, #tpu.memory_space<vmem>> -> memref<1x128xi32, #tpu.memory_space<vmem>>
    %dma_wait3A_386 = tpu.memref_squeeze %dma_wait3A_385 : memref<1x128xi32, #tpu.memory_space<vmem>> -> memref<128xi32, #tpu.memory_space<vmem>>
    %dma_wait3A_387 = arith.constant 0 : i32
    %dma_wait3A_388 = arith.constant 0 : i32
    %dma_wait3A_389 = tpu.memref_slice %arg2[%dma_wait3A_387, %dma_wait3A_388] : memref<1000000x128xf32, #tpu.memory_space<hbm>> -> memref<1000000x128xf32, #tpu.memory_space<hbm>>
    %dma_wait3A_390 = tpu.memref_slice %arg7[%dma_wait3A_379] : memref<6x!tpu.dma_semaphore, #tpu.memory_space<semaphore_mem>> -> memref<1x!tpu.dma_semaphore, #tpu.memory_space<semaphore_mem>>
    %dma_wait3A_391 = tpu.memref_squeeze %dma_wait3A_390 : memref<1x!tpu.dma_semaphore, #tpu.memory_space<semaphore_mem>> -> memref<!tpu.dma_semaphore, #tpu.memory_space<semaphore_mem>>
    tpu.wait_indirect_dma semaphore(%dma_wait3A_391 : memref<!tpu.dma_semaphore, #tpu.memory_space<semaphore_mem>>) src(%dma_wait3A_389 : memref<1000000x128xf32, #tpu.memory_space<hbm>>) dst(%dma_wait3A_383 : memref<128x128xf32, #tpu.memory_space<vmem>>)
    %dma_start3A_392 = arith.constant 4 : i32
    %dma_start3A_393 = arith.constant 4 : i32
    %dma_start3A_394 = arith.constant 4 : i32
    %dma_start3A_395 = arith.constant 0 : i32
    %dma_start3A_396 = arith.constant 0 : i32
    %dma_start3A_397 = tpu.memref_slice %arg6[%dma_start3A_392, %dma_start3A_395, %dma_start3A_396] : memref<6x128x128xf32, #tpu.memory_space<vmem>> -> memref<1x128x128xf32, #tpu.memory_space<vmem>>
    %dma_start3A_398 = tpu.memref_squeeze %dma_start3A_397 : memref<1x128x128xf32, #tpu.memory_space<vmem>> -> memref<128x128xf32, #tpu.memory_space<vmem>>
    %dma_start3A_399 = arith.constant 0 : i32
    %dma_start3A_400 = arith.constant 0 : i32
    %dma_start3A_401 = tpu.memref_slice %arg4[%add3A, %dma_start3A_393, %dma_start3A_399, %dma_start3A_400] : memref<32x26x128x128xf32, #tpu.memory_space<hbm>> -> memref<1x1x128x128xf32, #tpu.memory_space<hbm>>
    %dma_start3A_402 = tpu.memref_squeeze %dma_start3A_401 : memref<1x1x128x128xf32, #tpu.memory_space<hbm>> -> memref<128x128xf32, #tpu.memory_space<hbm>>
    %dma_start3A_403 = tpu.memref_slice %arg8[%dma_start3A_394] : memref<6x!tpu.dma_semaphore, #tpu.memory_space<semaphore_mem>> -> memref<1x!tpu.dma_semaphore, #tpu.memory_space<semaphore_mem>>
    %dma_start3A_404 = tpu.memref_squeeze %dma_start3A_403 : memref<1x!tpu.dma_semaphore, #tpu.memory_space<semaphore_mem>> -> memref<!tpu.dma_semaphore, #tpu.memory_space<semaphore_mem>>
    %dma_start3A_405 = arith.constant 0 : i32
    %dma_start3A_406 = arith.constant 0 : i32
    %dma_start3A_407 = tpu.memref_slice %arg4[%add3A, %dma_start3A_393, %dma_start3A_405, %dma_start3A_406] : memref<32x26x128x128xf32, #tpu.memory_space<hbm>> -> memref<1x1x128x128xf32, #tpu.memory_space<hbm>>
    %dma_start3A_408 = tpu.memref_squeeze %dma_start3A_407 : memref<1x1x128x128xf32, #tpu.memory_space<hbm>> -> memref<128x128xf32, #tpu.memory_space<hbm>>
    %dma_start3A_409 = arith.constant 0 : i32
    %dma_start3A_410 = arith.constant 0 : i32
    %dma_start3A_411 = tpu.memref_slice %arg6[%dma_start3A_392, %dma_start3A_409, %dma_start3A_410] : memref<6x128x128xf32, #tpu.memory_space<vmem>> -> memref<1x128x128xf32, #tpu.memory_space<vmem>>
    %dma_start3A_412 = tpu.memref_squeeze %dma_start3A_411 : memref<1x128x128xf32, #tpu.memory_space<vmem>> -> memref<128x128xf32, #tpu.memory_space<vmem>>
    tpu.enqueue_dma source(%dma_start3A_412 : memref<128x128xf32, #tpu.memory_space<vmem>>) target(%dma_start3A_408 : memref<128x128xf32, #tpu.memory_space<hbm>>) target_semaphore(%dma_start3A_404 : memref<!tpu.dma_semaphore, #tpu.memory_space<semaphore_mem>>)
    %dma_wait3A_413 = arith.constant 4 : i32
    %dma_wait3A_414 = arith.constant 4 : i32
    %dma_wait3A_415 = arith.constant 4 : i32
    %dma_wait3A_416 = arith.constant 0 : i32
    %dma_wait3A_417 = arith.constant 0 : i32
    %dma_wait3A_418 = tpu.memref_slice %arg6[%dma_wait3A_413, %dma_wait3A_416, %dma_wait3A_417] : memref<6x128x128xf32, #tpu.memory_space<vmem>> -> memref<1x128x128xf32, #tpu.memory_space<vmem>>
    %dma_wait3A_419 = tpu.memref_squeeze %dma_wait3A_418 : memref<1x128x128xf32, #tpu.memory_space<vmem>> -> memref<128x128xf32, #tpu.memory_space<vmem>>
    %dma_wait3A_420 = arith.constant 0 : i32
    %dma_wait3A_421 = arith.constant 0 : i32
    %dma_wait3A_422 = tpu.memref_slice %arg4[%add3A, %dma_wait3A_414, %dma_wait3A_420, %dma_wait3A_421] : memref<32x26x128x128xf32, #tpu.memory_space<hbm>> -> memref<1x1x128x128xf32, #tpu.memory_space<hbm>>
    %dma_wait3A_423 = tpu.memref_squeeze %dma_wait3A_422 : memref<1x1x128x128xf32, #tpu.memory_space<hbm>> -> memref<128x128xf32, #tpu.memory_space<hbm>>
    %dma_wait3A_424 = tpu.memref_slice %arg8[%dma_wait3A_415] : memref<6x!tpu.dma_semaphore, #tpu.memory_space<semaphore_mem>> -> memref<1x!tpu.dma_semaphore, #tpu.memory_space<semaphore_mem>>
    %dma_wait3A_425 = tpu.memref_squeeze %dma_wait3A_424 : memref<1x!tpu.dma_semaphore, #tpu.memory_space<semaphore_mem>> -> memref<!tpu.dma_semaphore, #tpu.memory_space<semaphore_mem>>
    %dma_wait3A_426 = arith.constant 0 : i32
    %dma_wait3A_427 = arith.constant 0 : i32
    %dma_wait3A_428 = tpu.memref_slice %arg4[%add3A, %dma_wait3A_414, %dma_wait3A_426, %dma_wait3A_427] : memref<32x26x128x128xf32, #tpu.memory_space<hbm>> -> memref<1x1x128x128xf32, #tpu.memory_space<hbm>>
    %dma_wait3A_429 = tpu.memref_squeeze %dma_wait3A_428 : memref<1x1x128x128xf32, #tpu.memory_space<hbm>> -> memref<128x128xf32, #tpu.memory_space<hbm>>
    %dma_wait3A_430 = arith.constant 0 : i32
    %dma_wait3A_431 = arith.constant 0 : i32
    %dma_wait3A_432 = tpu.memref_slice %arg6[%dma_wait3A_413, %dma_wait3A_430, %dma_wait3A_431] : memref<6x128x128xf32, #tpu.memory_space<vmem>> -> memref<1x128x128xf32, #tpu.memory_space<vmem>>
    %dma_wait3A_433 = tpu.memref_squeeze %dma_wait3A_432 : memref<1x128x128xf32, #tpu.memory_space<vmem>> -> memref<128x128xf32, #tpu.memory_space<vmem>>
    tpu.wait_dma2 semaphore(%dma_wait3A_425 : memref<!tpu.dma_semaphore, #tpu.memory_space<semaphore_mem>>) src(%dma_wait3A_433 : memref<128x128xf32, #tpu.memory_space<vmem>>) dst(%dma_wait3A_429 : memref<128x128xf32, #tpu.memory_space<hbm>>)
    %dma_start3A_434 = arith.constant 10 : i32
    %dma_start3A_435 = arith.constant 4 : i32
    %dma_start3A_436 = arith.constant 4 : i32
    %dma_start3A_437 = arith.constant 0 : i32
    %dma_start3A_438 = arith.constant 0 : i32
    %dma_start3A_439 = tpu.memref_slice %arg6[%dma_start3A_435, %dma_start3A_437, %dma_start3A_438] : memref<6x128x128xf32, #tpu.memory_space<vmem>> -> memref<1x128x128xf32, #tpu.memory_space<vmem>>
    %dma_start3A_440 = tpu.memref_squeeze %dma_start3A_439 : memref<1x128x128xf32, #tpu.memory_space<vmem>> -> memref<128x128xf32, #tpu.memory_space<vmem>>
    %dma_start3A_441 = arith.constant 0 : i32
    %dma_start3A_442 = tpu.memref_slice %arg5[%dma_start3A_434, %dma_start3A_441] : memref<26x128xi32, #tpu.memory_space<vmem>> -> memref<1x128xi32, #tpu.memory_space<vmem>>
    %dma_start3A_443 = tpu.memref_squeeze %dma_start3A_442 : memref<1x128xi32, #tpu.memory_space<vmem>> -> memref<128xi32, #tpu.memory_space<vmem>>
    %dma_start3A_444 = arith.constant 0 : i32
    %dma_start3A_445 = arith.constant 0 : i32
    %dma_start3A_446 = tpu.memref_slice %arg2[%dma_start3A_444, %dma_start3A_445] : memref<1000000x128xf32, #tpu.memory_space<hbm>> -> memref<1000000x128xf32, #tpu.memory_space<hbm>>
    %dma_start3A_447 = tpu.memref_slice %arg7[%dma_start3A_436] : memref<6x!tpu.dma_semaphore, #tpu.memory_space<semaphore_mem>> -> memref<1x!tpu.dma_semaphore, #tpu.memory_space<semaphore_mem>>
    %dma_start3A_448 = tpu.memref_squeeze %dma_start3A_447 : memref<1x!tpu.dma_semaphore, #tpu.memory_space<semaphore_mem>> -> memref<!tpu.dma_semaphore, #tpu.memory_space<semaphore_mem>>
    tpu.enqueue_indirect_dma source(%dma_start3A_446 : memref<1000000x128xf32, #tpu.memory_space<hbm>>) target(%dma_start3A_440 : memref<128x128xf32, #tpu.memory_space<vmem>>) offsets(%dma_start3A_443 : memref<128xi32, #tpu.memory_space<vmem>>) semaphore(%dma_start3A_448 : memref<!tpu.dma_semaphore, #tpu.memory_space<semaphore_mem>>)
    %dma_wait3A_449 = arith.constant 5 : i32
    %dma_wait3A_450 = arith.constant 5 : i32
    %dma_wait3A_451 = arith.constant 5 : i32
    %dma_wait3A_452 = arith.constant 0 : i32
    %dma_wait3A_453 = arith.constant 0 : i32
    %dma_wait3A_454 = tpu.memref_slice %arg6[%dma_wait3A_450, %dma_wait3A_452, %dma_wait3A_453] : memref<6x128x128xf32, #tpu.memory_space<vmem>> -> memref<1x128x128xf32, #tpu.memory_space<vmem>>
    %dma_wait3A_455 = tpu.memref_squeeze %dma_wait3A_454 : memref<1x128x128xf32, #tpu.memory_space<vmem>> -> memref<128x128xf32, #tpu.memory_space<vmem>>
    %dma_wait3A_456 = arith.constant 0 : i32
    %dma_wait3A_457 = tpu.memref_slice %arg5[%dma_wait3A_449, %dma_wait3A_456] : memref<26x128xi32, #tpu.memory_space<vmem>> -> memref<1x128xi32, #tpu.memory_space<vmem>>
    %dma_wait3A_458 = tpu.memref_squeeze %dma_wait3A_457 : memref<1x128xi32, #tpu.memory_space<vmem>> -> memref<128xi32, #tpu.memory_space<vmem>>
    %dma_wait3A_459 = arith.constant 0 : i32
    %dma_wait3A_460 = arith.constant 0 : i32
    %dma_wait3A_461 = tpu.memref_slice %arg2[%dma_wait3A_459, %dma_wait3A_460] : memref<1000000x128xf32, #tpu.memory_space<hbm>> -> memref<1000000x128xf32, #tpu.memory_space<hbm>>
    %dma_wait3A_462 = tpu.memref_slice %arg7[%dma_wait3A_451] : memref<6x!tpu.dma_semaphore, #tpu.memory_space<semaphore_mem>> -> memref<1x!tpu.dma_semaphore, #tpu.memory_space<semaphore_mem>>
    %dma_wait3A_463 = tpu.memref_squeeze %dma_wait3A_462 : memref<1x!tpu.dma_semaphore, #tpu.memory_space<semaphore_mem>> -> memref<!tpu.dma_semaphore, #tpu.memory_space<semaphore_mem>>
    tpu.wait_indirect_dma semaphore(%dma_wait3A_463 : memref<!tpu.dma_semaphore, #tpu.memory_space<semaphore_mem>>) src(%dma_wait3A_461 : memref<1000000x128xf32, #tpu.memory_space<hbm>>) dst(%dma_wait3A_455 : memref<128x128xf32, #tpu.memory_space<vmem>>)
    %dma_start3A_464 = arith.constant 5 : i32
    %dma_start3A_465 = arith.constant 5 : i32
    %dma_start3A_466 = arith.constant 5 : i32
    %dma_start3A_467 = arith.constant 0 : i32
    %dma_start3A_468 = arith.constant 0 : i32
    %dma_start3A_469 = tpu.memref_slice %arg6[%dma_start3A_464, %dma_start3A_467, %dma_start3A_468] : memref<6x128x128xf32, #tpu.memory_space<vmem>> -> memref<1x128x128xf32, #tpu.memory_space<vmem>>
    %dma_start3A_470 = tpu.memref_squeeze %dma_start3A_469 : memref<1x128x128xf32, #tpu.memory_space<vmem>> -> memref<128x128xf32, #tpu.memory_space<vmem>>
    %dma_start3A_471 = arith.constant 0 : i32
    %dma_start3A_472 = arith.constant 0 : i32
    %dma_start3A_473 = tpu.memref_slice %arg4[%add3A, %dma_start3A_465, %dma_start3A_471, %dma_start3A_472] : memref<32x26x128x128xf32, #tpu.memory_space<hbm>> -> memref<1x1x128x128xf32, #tpu.memory_space<hbm>>
    %dma_start3A_474 = tpu.memref_squeeze %dma_start3A_473 : memref<1x1x128x128xf32, #tpu.memory_space<hbm>> -> memref<128x128xf32, #tpu.memory_space<hbm>>
    %dma_start3A_475 = tpu.memref_slice %arg8[%dma_start3A_466] : memref<6x!tpu.dma_semaphore, #tpu.memory_space<semaphore_mem>> -> memref<1x!tpu.dma_semaphore, #tpu.memory_space<semaphore_mem>>
    %dma_start3A_476 = tpu.memref_squeeze %dma_start3A_475 : memref<1x!tpu.dma_semaphore, #tpu.memory_space<semaphore_mem>> -> memref<!tpu.dma_semaphore, #tpu.memory_space<semaphore_mem>>
    %dma_start3A_477 = arith.constant 0 : i32
    %dma_start3A_478 = arith.constant 0 : i32
    %dma_start3A_479 = tpu.memref_slice %arg4[%add3A, %dma_start3A_465, %dma_start3A_477, %dma_start3A_478] : memref<32x26x128x128xf32, #tpu.memory_space<hbm>> -> memref<1x1x128x128xf32, #tpu.memory_space<hbm>>
    %dma_start3A_480 = tpu.memref_squeeze %dma_start3A_479 : memref<1x1x128x128xf32, #tpu.memory_space<hbm>> -> memref<128x128xf32, #tpu.memory_space<hbm>>
    %dma_start3A_481 = arith.constant 0 : i32
    %dma_start3A_482 = arith.constant 0 : i32
    %dma_start3A_483 = tpu.memref_slice %arg6[%dma_start3A_464, %dma_start3A_481, %dma_start3A_482] : memref<6x128x128xf32, #tpu.memory_space<vmem>> -> memref<1x128x128xf32, #tpu.memory_space<vmem>>
    %dma_start3A_484 = tpu.memref_squeeze %dma_start3A_483 : memref<1x128x128xf32, #tpu.memory_space<vmem>> -> memref<128x128xf32, #tpu.memory_space<vmem>>
    tpu.enqueue_dma source(%dma_start3A_484 : memref<128x128xf32, #tpu.memory_space<vmem>>) target(%dma_start3A_480 : memref<128x128xf32, #tpu.memory_space<hbm>>) target_semaphore(%dma_start3A_476 : memref<!tpu.dma_semaphore, #tpu.memory_space<semaphore_mem>>)
    %dma_wait3A_485 = arith.constant 5 : i32
    %dma_wait3A_486 = arith.constant 5 : i32
    %dma_wait3A_487 = arith.constant 5 : i32
    %dma_wait3A_488 = arith.constant 0 : i32
    %dma_wait3A_489 = arith.constant 0 : i32
    %dma_wait3A_490 = tpu.memref_slice %arg6[%dma_wait3A_485, %dma_wait3A_488, %dma_wait3A_489] : memref<6x128x128xf32, #tpu.memory_space<vmem>> -> memref<1x128x128xf32, #tpu.memory_space<vmem>>
    %dma_wait3A_491 = tpu.memref_squeeze %dma_wait3A_490 : memref<1x128x128xf32, #tpu.memory_space<vmem>> -> memref<128x128xf32, #tpu.memory_space<vmem>>
    %dma_wait3A_492 = arith.constant 0 : i32
    %dma_wait3A_493 = arith.constant 0 : i32
    %dma_wait3A_494 = tpu.memref_slice %arg4[%add3A, %dma_wait3A_486, %dma_wait3A_492, %dma_wait3A_493] : memref<32x26x128x128xf32, #tpu.memory_space<hbm>> -> memref<1x1x128x128xf32, #tpu.memory_space<hbm>>
    %dma_wait3A_495 = tpu.memref_squeeze %dma_wait3A_494 : memref<1x1x128x128xf32, #tpu.memory_space<hbm>> -> memref<128x128xf32, #tpu.memory_space<hbm>>
    %dma_wait3A_496 = tpu.memref_slice %arg8[%dma_wait3A_487] : memref<6x!tpu.dma_semaphore, #tpu.memory_space<semaphore_mem>> -> memref<1x!tpu.dma_semaphore, #tpu.memory_space<semaphore_mem>>
    %dma_wait3A_497 = tpu.memref_squeeze %dma_wait3A_496 : memref<1x!tpu.dma_semaphore, #tpu.memory_space<semaphore_mem>> -> memref<!tpu.dma_semaphore, #tpu.memory_space<semaphore_mem>>
    %dma_wait3A_498 = arith.constant 0 : i32
    %dma_wait3A_499 = arith.constant 0 : i32
    %dma_wait3A_500 = tpu.memref_slice %arg4[%add3A, %dma_wait3A_486, %dma_wait3A_498, %dma_wait3A_499] : memref<32x26x128x128xf32, #tpu.memory_space<hbm>> -> memref<1x1x128x128xf32, #tpu.memory_space<hbm>>
    %dma_wait3A_501 = tpu.memref_squeeze %dma_wait3A_500 : memref<1x1x128x128xf32, #tpu.memory_space<hbm>> -> memref<128x128xf32, #tpu.memory_space<hbm>>
    %dma_wait3A_502 = arith.constant 0 : i32
    %dma_wait3A_503 = arith.constant 0 : i32
    %dma_wait3A_504 = tpu.memref_slice %arg6[%dma_wait3A_485, %dma_wait3A_502, %dma_wait3A_503] : memref<6x128x128xf32, #tpu.memory_space<vmem>> -> memref<1x128x128xf32, #tpu.memory_space<vmem>>
    %dma_wait3A_505 = tpu.memref_squeeze %dma_wait3A_504 : memref<1x128x128xf32, #tpu.memory_space<vmem>> -> memref<128x128xf32, #tpu.memory_space<vmem>>
    tpu.wait_dma2 semaphore(%dma_wait3A_497 : memref<!tpu.dma_semaphore, #tpu.memory_space<semaphore_mem>>) src(%dma_wait3A_505 : memref<128x128xf32, #tpu.memory_space<vmem>>) dst(%dma_wait3A_501 : memref<128x128xf32, #tpu.memory_space<hbm>>)
    %dma_start3A_506 = arith.constant 11 : i32
    %dma_start3A_507 = arith.constant 5 : i32
    %dma_start3A_508 = arith.constant 5 : i32
    %dma_start3A_509 = arith.constant 0 : i32
    %dma_start3A_510 = arith.constant 0 : i32
    %dma_start3A_511 = tpu.memref_slice %arg6[%dma_start3A_507, %dma_start3A_509, %dma_start3A_510] : memref<6x128x128xf32, #tpu.memory_space<vmem>> -> memref<1x128x128xf32, #tpu.memory_space<vmem>>
    %dma_start3A_512 = tpu.memref_squeeze %dma_start3A_511 : memref<1x128x128xf32, #tpu.memory_space<vmem>> -> memref<128x128xf32, #tpu.memory_space<vmem>>
    %dma_start3A_513 = arith.constant 0 : i32
    %dma_start3A_514 = tpu.memref_slice %arg5[%dma_start3A_506, %dma_start3A_513] : memref<26x128xi32, #tpu.memory_space<vmem>> -> memref<1x128xi32, #tpu.memory_space<vmem>>
    %dma_start3A_515 = tpu.memref_squeeze %dma_start3A_514 : memref<1x128xi32, #tpu.memory_space<vmem>> -> memref<128xi32, #tpu.memory_space<vmem>>
    %dma_start3A_516 = arith.constant 0 : i32
    %dma_start3A_517 = arith.constant 0 : i32
    %dma_start3A_518 = tpu.memref_slice %arg2[%dma_start3A_516, %dma_start3A_517] : memref<1000000x128xf32, #tpu.memory_space<hbm>> -> memref<1000000x128xf32, #tpu.memory_space<hbm>>
    %dma_start3A_519 = tpu.memref_slice %arg7[%dma_start3A_508] : memref<6x!tpu.dma_semaphore, #tpu.memory_space<semaphore_mem>> -> memref<1x!tpu.dma_semaphore, #tpu.memory_space<semaphore_mem>>
    %dma_start3A_520 = tpu.memref_squeeze %dma_start3A_519 : memref<1x!tpu.dma_semaphore, #tpu.memory_space<semaphore_mem>> -> memref<!tpu.dma_semaphore, #tpu.memory_space<semaphore_mem>>
    tpu.enqueue_indirect_dma source(%dma_start3A_518 : memref<1000000x128xf32, #tpu.memory_space<hbm>>) target(%dma_start3A_512 : memref<128x128xf32, #tpu.memory_space<vmem>>) offsets(%dma_start3A_515 : memref<128xi32, #tpu.memory_space<vmem>>) semaphore(%dma_start3A_520 : memref<!tpu.dma_semaphore, #tpu.memory_space<semaphore_mem>>)
    %dma_wait3A_521 = arith.constant 6 : i32
    %dma_wait3A_522 = arith.constant 0 : i32
    %dma_wait3A_523 = arith.constant 0 : i32
    %dma_wait3A_524 = arith.constant 0 : i32
    %dma_wait3A_525 = arith.constant 0 : i32
    %dma_wait3A_526 = tpu.memref_slice %arg6[%dma_wait3A_522, %dma_wait3A_524, %dma_wait3A_525] : memref<6x128x128xf32, #tpu.memory_space<vmem>> -> memref<1x128x128xf32, #tpu.memory_space<vmem>>
    %dma_wait3A_527 = tpu.memref_squeeze %dma_wait3A_526 : memref<1x128x128xf32, #tpu.memory_space<vmem>> -> memref<128x128xf32, #tpu.memory_space<vmem>>
    %dma_wait3A_528 = arith.constant 0 : i32
    %dma_wait3A_529 = tpu.memref_slice %arg5[%dma_wait3A_521, %dma_wait3A_528] : memref<26x128xi32, #tpu.memory_space<vmem>> -> memref<1x128xi32, #tpu.memory_space<vmem>>
    %dma_wait3A_530 = tpu.memref_squeeze %dma_wait3A_529 : memref<1x128xi32, #tpu.memory_space<vmem>> -> memref<128xi32, #tpu.memory_space<vmem>>
    %dma_wait3A_531 = arith.constant 0 : i32
    %dma_wait3A_532 = arith.constant 0 : i32
    %dma_wait3A_533 = tpu.memref_slice %arg2[%dma_wait3A_531, %dma_wait3A_532] : memref<1000000x128xf32, #tpu.memory_space<hbm>> -> memref<1000000x128xf32, #tpu.memory_space<hbm>>
    %dma_wait3A_534 = tpu.memref_slice %arg7[%dma_wait3A_523] : memref<6x!tpu.dma_semaphore, #tpu.memory_space<semaphore_mem>> -> memref<1x!tpu.dma_semaphore, #tpu.memory_space<semaphore_mem>>
    %dma_wait3A_535 = tpu.memref_squeeze %dma_wait3A_534 : memref<1x!tpu.dma_semaphore, #tpu.memory_space<semaphore_mem>> -> memref<!tpu.dma_semaphore, #tpu.memory_space<semaphore_mem>>
    tpu.wait_indirect_dma semaphore(%dma_wait3A_535 : memref<!tpu.dma_semaphore, #tpu.memory_space<semaphore_mem>>) src(%dma_wait3A_533 : memref<1000000x128xf32, #tpu.memory_space<hbm>>) dst(%dma_wait3A_527 : memref<128x128xf32, #tpu.memory_space<vmem>>)
    %dma_start3A_536 = arith.constant 0 : i32
    %dma_start3A_537 = arith.constant 6 : i32
    %dma_start3A_538 = arith.constant 0 : i32
    %dma_start3A_539 = arith.constant 0 : i32
    %dma_start3A_540 = arith.constant 0 : i32
    %dma_start3A_541 = tpu.memref_slice %arg6[%dma_start3A_536, %dma_start3A_539, %dma_start3A_540] : memref<6x128x128xf32, #tpu.memory_space<vmem>> -> memref<1x128x128xf32, #tpu.memory_space<vmem>>
    %dma_start3A_542 = tpu.memref_squeeze %dma_start3A_541 : memref<1x128x128xf32, #tpu.memory_space<vmem>> -> memref<128x128xf32, #tpu.memory_space<vmem>>
    %dma_start3A_543 = arith.constant 0 : i32
    %dma_start3A_544 = arith.constant 0 : i32
    %dma_start3A_545 = tpu.memref_slice %arg4[%add3A, %dma_start3A_537, %dma_start3A_543, %dma_start3A_544] : memref<32x26x128x128xf32, #tpu.memory_space<hbm>> -> memref<1x1x128x128xf32, #tpu.memory_space<hbm>>
    %dma_start3A_546 = tpu.memref_squeeze %dma_start3A_545 : memref<1x1x128x128xf32, #tpu.memory_space<hbm>> -> memref<128x128xf32, #tpu.memory_space<hbm>>
    %dma_start3A_547 = tpu.memref_slice %arg8[%dma_start3A_538] : memref<6x!tpu.dma_semaphore, #tpu.memory_space<semaphore_mem>> -> memref<1x!tpu.dma_semaphore, #tpu.memory_space<semaphore_mem>>
    %dma_start3A_548 = tpu.memref_squeeze %dma_start3A_547 : memref<1x!tpu.dma_semaphore, #tpu.memory_space<semaphore_mem>> -> memref<!tpu.dma_semaphore, #tpu.memory_space<semaphore_mem>>
    %dma_start3A_549 = arith.constant 0 : i32
    %dma_start3A_550 = arith.constant 0 : i32
    %dma_start3A_551 = tpu.memref_slice %arg4[%add3A, %dma_start3A_537, %dma_start3A_549, %dma_start3A_550] : memref<32x26x128x128xf32, #tpu.memory_space<hbm>> -> memref<1x1x128x128xf32, #tpu.memory_space<hbm>>
    %dma_start3A_552 = tpu.memref_squeeze %dma_start3A_551 : memref<1x1x128x128xf32, #tpu.memory_space<hbm>> -> memref<128x128xf32, #tpu.memory_space<hbm>>
    %dma_start3A_553 = arith.constant 0 : i32
    %dma_start3A_554 = arith.constant 0 : i32
    %dma_start3A_555 = tpu.memref_slice %arg6[%dma_start3A_536, %dma_start3A_553, %dma_start3A_554] : memref<6x128x128xf32, #tpu.memory_space<vmem>> -> memref<1x128x128xf32, #tpu.memory_space<vmem>>
    %dma_start3A_556 = tpu.memref_squeeze %dma_start3A_555 : memref<1x128x128xf32, #tpu.memory_space<vmem>> -> memref<128x128xf32, #tpu.memory_space<vmem>>
    tpu.enqueue_dma source(%dma_start3A_556 : memref<128x128xf32, #tpu.memory_space<vmem>>) target(%dma_start3A_552 : memref<128x128xf32, #tpu.memory_space<hbm>>) target_semaphore(%dma_start3A_548 : memref<!tpu.dma_semaphore, #tpu.memory_space<semaphore_mem>>)
    %dma_wait3A_557 = arith.constant 0 : i32
    %dma_wait3A_558 = arith.constant 6 : i32
    %dma_wait3A_559 = arith.constant 0 : i32
    %dma_wait3A_560 = arith.constant 0 : i32
    %dma_wait3A_561 = arith.constant 0 : i32
    %dma_wait3A_562 = tpu.memref_slice %arg6[%dma_wait3A_557, %dma_wait3A_560, %dma_wait3A_561] : memref<6x128x128xf32, #tpu.memory_space<vmem>> -> memref<1x128x128xf32, #tpu.memory_space<vmem>>
    %dma_wait3A_563 = tpu.memref_squeeze %dma_wait3A_562 : memref<1x128x128xf32, #tpu.memory_space<vmem>> -> memref<128x128xf32, #tpu.memory_space<vmem>>
    %dma_wait3A_564 = arith.constant 0 : i32
    %dma_wait3A_565 = arith.constant 0 : i32
    %dma_wait3A_566 = tpu.memref_slice %arg4[%add3A, %dma_wait3A_558, %dma_wait3A_564, %dma_wait3A_565] : memref<32x26x128x128xf32, #tpu.memory_space<hbm>> -> memref<1x1x128x128xf32, #tpu.memory_space<hbm>>
    %dma_wait3A_567 = tpu.memref_squeeze %dma_wait3A_566 : memref<1x1x128x128xf32, #tpu.memory_space<hbm>> -> memref<128x128xf32, #tpu.memory_space<hbm>>
    %dma_wait3A_568 = tpu.memref_slice %arg8[%dma_wait3A_559] : memref<6x!tpu.dma_semaphore, #tpu.memory_space<semaphore_mem>> -> memref<1x!tpu.dma_semaphore, #tpu.memory_space<semaphore_mem>>
    %dma_wait3A_569 = tpu.memref_squeeze %dma_wait3A_568 : memref<1x!tpu.dma_semaphore, #tpu.memory_space<semaphore_mem>> -> memref<!tpu.dma_semaphore, #tpu.memory_space<semaphore_mem>>
    %dma_wait3A_570 = arith.constant 0 : i32
    %dma_wait3A_571 = arith.constant 0 : i32
    %dma_wait3A_572 = tpu.memref_slice %arg4[%add3A, %dma_wait3A_558, %dma_wait3A_570, %dma_wait3A_571] : memref<32x26x128x128xf32, #tpu.memory_space<hbm>> -> memref<1x1x128x128xf32, #tpu.memory_space<hbm>>
    %dma_wait3A_573 = tpu.memref_squeeze %dma_wait3A_572 : memref<1x1x128x128xf32, #tpu.memory_space<hbm>> -> memref<128x128xf32, #tpu.memory_space<hbm>>
    %dma_wait3A_574 = arith.constant 0 : i32
    %dma_wait3A_575 = arith.constant 0 : i32
    %dma_wait3A_576 = tpu.memref_slice %arg6[%dma_wait3A_557, %dma_wait3A_574, %dma_wait3A_575] : memref<6x128x128xf32, #tpu.memory_space<vmem>> -> memref<1x128x128xf32, #tpu.memory_space<vmem>>
    %dma_wait3A_577 = tpu.memref_squeeze %dma_wait3A_576 : memref<1x128x128xf32, #tpu.memory_space<vmem>> -> memref<128x128xf32, #tpu.memory_space<vmem>>
    tpu.wait_dma2 semaphore(%dma_wait3A_569 : memref<!tpu.dma_semaphore, #tpu.memory_space<semaphore_mem>>) src(%dma_wait3A_577 : memref<128x128xf32, #tpu.memory_space<vmem>>) dst(%dma_wait3A_573 : memref<128x128xf32, #tpu.memory_space<hbm>>)
    %dma_start3A_578 = arith.constant 12 : i32
    %dma_start3A_579 = arith.constant 0 : i32
    %dma_start3A_580 = arith.constant 0 : i32
    %dma_start3A_581 = arith.constant 0 : i32
    %dma_start3A_582 = arith.constant 0 : i32
    %dma_start3A_583 = tpu.memref_slice %arg6[%dma_start3A_579, %dma_start3A_581, %dma_start3A_582] : memref<6x128x128xf32, #tpu.memory_space<vmem>> -> memref<1x128x128xf32, #tpu.memory_space<vmem>>
    %dma_start3A_584 = tpu.memref_squeeze %dma_start3A_583 : memref<1x128x128xf32, #tpu.memory_space<vmem>> -> memref<128x128xf32, #tpu.memory_space<vmem>>
    %dma_start3A_585 = arith.constant 0 : i32
    %dma_start3A_586 = tpu.memref_slice %arg5[%dma_start3A_578, %dma_start3A_585] : memref<26x128xi32, #tpu.memory_space<vmem>> -> memref<1x128xi32, #tpu.memory_space<vmem>>
    %dma_start3A_587 = tpu.memref_squeeze %dma_start3A_586 : memref<1x128xi32, #tpu.memory_space<vmem>> -> memref<128xi32, #tpu.memory_space<vmem>>
    %dma_start3A_588 = arith.constant 0 : i32
    %dma_start3A_589 = arith.constant 0 : i32
    %dma_start3A_590 = tpu.memref_slice %arg2[%dma_start3A_588, %dma_start3A_589] : memref<1000000x128xf32, #tpu.memory_space<hbm>> -> memref<1000000x128xf32, #tpu.memory_space<hbm>>
    %dma_start3A_591 = tpu.memref_slice %arg7[%dma_start3A_580] : memref<6x!tpu.dma_semaphore, #tpu.memory_space<semaphore_mem>> -> memref<1x!tpu.dma_semaphore, #tpu.memory_space<semaphore_mem>>
    %dma_start3A_592 = tpu.memref_squeeze %dma_start3A_591 : memref<1x!tpu.dma_semaphore, #tpu.memory_space<semaphore_mem>> -> memref<!tpu.dma_semaphore, #tpu.memory_space<semaphore_mem>>
    tpu.enqueue_indirect_dma source(%dma_start3A_590 : memref<1000000x128xf32, #tpu.memory_space<hbm>>) target(%dma_start3A_584 : memref<128x128xf32, #tpu.memory_space<vmem>>) offsets(%dma_start3A_587 : memref<128xi32, #tpu.memory_space<vmem>>) semaphore(%dma_start3A_592 : memref<!tpu.dma_semaphore, #tpu.memory_space<semaphore_mem>>)
    %dma_wait3A_593 = arith.constant 7 : i32
    %dma_wait3A_594 = arith.constant 1 : i32
    %dma_wait3A_595 = arith.constant 1 : i32
    %dma_wait3A_596 = arith.constant 0 : i32
    %dma_wait3A_597 = arith.constant 0 : i32
    %dma_wait3A_598 = tpu.memref_slice %arg6[%dma_wait3A_594, %dma_wait3A_596, %dma_wait3A_597] : memref<6x128x128xf32, #tpu.memory_space<vmem>> -> memref<1x128x128xf32, #tpu.memory_space<vmem>>
    %dma_wait3A_599 = tpu.memref_squeeze %dma_wait3A_598 : memref<1x128x128xf32, #tpu.memory_space<vmem>> -> memref<128x128xf32, #tpu.memory_space<vmem>>
    %dma_wait3A_600 = arith.constant 0 : i32
    %dma_wait3A_601 = tpu.memref_slice %arg5[%dma_wait3A_593, %dma_wait3A_600] : memref<26x128xi32, #tpu.memory_space<vmem>> -> memref<1x128xi32, #tpu.memory_space<vmem>>
    %dma_wait3A_602 = tpu.memref_squeeze %dma_wait3A_601 : memref<1x128xi32, #tpu.memory_space<vmem>> -> memref<128xi32, #tpu.memory_space<vmem>>
    %dma_wait3A_603 = arith.constant 0 : i32
    %dma_wait3A_604 = arith.constant 0 : i32
    %dma_wait3A_605 = tpu.memref_slice %arg2[%dma_wait3A_603, %dma_wait3A_604] : memref<1000000x128xf32, #tpu.memory_space<hbm>> -> memref<1000000x128xf32, #tpu.memory_space<hbm>>
    %dma_wait3A_606 = tpu.memref_slice %arg7[%dma_wait3A_595] : memref<6x!tpu.dma_semaphore, #tpu.memory_space<semaphore_mem>> -> memref<1x!tpu.dma_semaphore, #tpu.memory_space<semaphore_mem>>
    %dma_wait3A_607 = tpu.memref_squeeze %dma_wait3A_606 : memref<1x!tpu.dma_semaphore, #tpu.memory_space<semaphore_mem>> -> memref<!tpu.dma_semaphore, #tpu.memory_space<semaphore_mem>>
    tpu.wait_indirect_dma semaphore(%dma_wait3A_607 : memref<!tpu.dma_semaphore, #tpu.memory_space<semaphore_mem>>) src(%dma_wait3A_605 : memref<1000000x128xf32, #tpu.memory_space<hbm>>) dst(%dma_wait3A_599 : memref<128x128xf32, #tpu.memory_space<vmem>>)
    %dma_start3A_608 = arith.constant 1 : i32
    %dma_start3A_609 = arith.constant 7 : i32
    %dma_start3A_610 = arith.constant 1 : i32
    %dma_start3A_611 = arith.constant 0 : i32
    %dma_start3A_612 = arith.constant 0 : i32
    %dma_start3A_613 = tpu.memref_slice %arg6[%dma_start3A_608, %dma_start3A_611, %dma_start3A_612] : memref<6x128x128xf32, #tpu.memory_space<vmem>> -> memref<1x128x128xf32, #tpu.memory_space<vmem>>
    %dma_start3A_614 = tpu.memref_squeeze %dma_start3A_613 : memref<1x128x128xf32, #tpu.memory_space<vmem>> -> memref<128x128xf32, #tpu.memory_space<vmem>>
    %dma_start3A_615 = arith.constant 0 : i32
    %dma_start3A_616 = arith.constant 0 : i32
    %dma_start3A_617 = tpu.memref_slice %arg4[%add3A, %dma_start3A_609, %dma_start3A_615, %dma_start3A_616] : memref<32x26x128x128xf32, #tpu.memory_space<hbm>> -> memref<1x1x128x128xf32, #tpu.memory_space<hbm>>
    %dma_start3A_618 = tpu.memref_squeeze %dma_start3A_617 : memref<1x1x128x128xf32, #tpu.memory_space<hbm>> -> memref<128x128xf32, #tpu.memory_space<hbm>>
    %dma_start3A_619 = tpu.memref_slice %arg8[%dma_start3A_610] : memref<6x!tpu.dma_semaphore, #tpu.memory_space<semaphore_mem>> -> memref<1x!tpu.dma_semaphore, #tpu.memory_space<semaphore_mem>>
    %dma_start3A_620 = tpu.memref_squeeze %dma_start3A_619 : memref<1x!tpu.dma_semaphore, #tpu.memory_space<semaphore_mem>> -> memref<!tpu.dma_semaphore, #tpu.memory_space<semaphore_mem>>
    %dma_start3A_621 = arith.constant 0 : i32
    %dma_start3A_622 = arith.constant 0 : i32
    %dma_start3A_623 = tpu.memref_slice %arg4[%add3A, %dma_start3A_609, %dma_start3A_621, %dma_start3A_622] : memref<32x26x128x128xf32, #tpu.memory_space<hbm>> -> memref<1x1x128x128xf32, #tpu.memory_space<hbm>>
    %dma_start3A_624 = tpu.memref_squeeze %dma_start3A_623 : memref<1x1x128x128xf32, #tpu.memory_space<hbm>> -> memref<128x128xf32, #tpu.memory_space<hbm>>
    %dma_start3A_625 = arith.constant 0 : i32
    %dma_start3A_626 = arith.constant 0 : i32
    %dma_start3A_627 = tpu.memref_slice %arg6[%dma_start3A_608, %dma_start3A_625, %dma_start3A_626] : memref<6x128x128xf32, #tpu.memory_space<vmem>> -> memref<1x128x128xf32, #tpu.memory_space<vmem>>
    %dma_start3A_628 = tpu.memref_squeeze %dma_start3A_627 : memref<1x128x128xf32, #tpu.memory_space<vmem>> -> memref<128x128xf32, #tpu.memory_space<vmem>>
    tpu.enqueue_dma source(%dma_start3A_628 : memref<128x128xf32, #tpu.memory_space<vmem>>) target(%dma_start3A_624 : memref<128x128xf32, #tpu.memory_space<hbm>>) target_semaphore(%dma_start3A_620 : memref<!tpu.dma_semaphore, #tpu.memory_space<semaphore_mem>>)
    %dma_wait3A_629 = arith.constant 1 : i32
    %dma_wait3A_630 = arith.constant 7 : i32
    %dma_wait3A_631 = arith.constant 1 : i32
    %dma_wait3A_632 = arith.constant 0 : i32
    %dma_wait3A_633 = arith.constant 0 : i32
    %dma_wait3A_634 = tpu.memref_slice %arg6[%dma_wait3A_629, %dma_wait3A_632, %dma_wait3A_633] : memref<6x128x128xf32, #tpu.memory_space<vmem>> -> memref<1x128x128xf32, #tpu.memory_space<vmem>>
    %dma_wait3A_635 = tpu.memref_squeeze %dma_wait3A_634 : memref<1x128x128xf32, #tpu.memory_space<vmem>> -> memref<128x128xf32, #tpu.memory_space<vmem>>
    %dma_wait3A_636 = arith.constant 0 : i32
    %dma_wait3A_637 = arith.constant 0 : i32
    %dma_wait3A_638 = tpu.memref_slice %arg4[%add3A, %dma_wait3A_630, %dma_wait3A_636, %dma_wait3A_637] : memref<32x26x128x128xf32, #tpu.memory_space<hbm>> -> memref<1x1x128x128xf32, #tpu.memory_space<hbm>>
    %dma_wait3A_639 = tpu.memref_squeeze %dma_wait3A_638 : memref<1x1x128x128xf32, #tpu.memory_space<hbm>> -> memref<128x128xf32, #tpu.memory_space<hbm>>
    %dma_wait3A_640 = tpu.memref_slice %arg8[%dma_wait3A_631] : memref<6x!tpu.dma_semaphore, #tpu.memory_space<semaphore_mem>> -> memref<1x!tpu.dma_semaphore, #tpu.memory_space<semaphore_mem>>
    %dma_wait3A_641 = tpu.memref_squeeze %dma_wait3A_640 : memref<1x!tpu.dma_semaphore, #tpu.memory_space<semaphore_mem>> -> memref<!tpu.dma_semaphore, #tpu.memory_space<semaphore_mem>>
    %dma_wait3A_642 = arith.constant 0 : i32
    %dma_wait3A_643 = arith.constant 0 : i32
    %dma_wait3A_644 = tpu.memref_slice %arg4[%add3A, %dma_wait3A_630, %dma_wait3A_642, %dma_wait3A_643] : memref<32x26x128x128xf32, #tpu.memory_space<hbm>> -> memref<1x1x128x128xf32, #tpu.memory_space<hbm>>
    %dma_wait3A_645 = tpu.memref_squeeze %dma_wait3A_644 : memref<1x1x128x128xf32, #tpu.memory_space<hbm>> -> memref<128x128xf32, #tpu.memory_space<hbm>>
    %dma_wait3A_646 = arith.constant 0 : i32
    %dma_wait3A_647 = arith.constant 0 : i32
    %dma_wait3A_648 = tpu.memref_slice %arg6[%dma_wait3A_629, %dma_wait3A_646, %dma_wait3A_647] : memref<6x128x128xf32, #tpu.memory_space<vmem>> -> memref<1x128x128xf32, #tpu.memory_space<vmem>>
    %dma_wait3A_649 = tpu.memref_squeeze %dma_wait3A_648 : memref<1x128x128xf32, #tpu.memory_space<vmem>> -> memref<128x128xf32, #tpu.memory_space<vmem>>
    tpu.wait_dma2 semaphore(%dma_wait3A_641 : memref<!tpu.dma_semaphore, #tpu.memory_space<semaphore_mem>>) src(%dma_wait3A_649 : memref<128x128xf32, #tpu.memory_space<vmem>>) dst(%dma_wait3A_645 : memref<128x128xf32, #tpu.memory_space<hbm>>)
    %dma_start3A_650 = arith.constant 13 : i32
    %dma_start3A_651 = arith.constant 1 : i32
    %dma_start3A_652 = arith.constant 1 : i32
    %dma_start3A_653 = arith.constant 0 : i32
    %dma_start3A_654 = arith.constant 0 : i32
    %dma_start3A_655 = tpu.memref_slice %arg6[%dma_start3A_651, %dma_start3A_653, %dma_start3A_654] : memref<6x128x128xf32, #tpu.memory_space<vmem>> -> memref<1x128x128xf32, #tpu.memory_space<vmem>>
    %dma_start3A_656 = tpu.memref_squeeze %dma_start3A_655 : memref<1x128x128xf32, #tpu.memory_space<vmem>> -> memref<128x128xf32, #tpu.memory_space<vmem>>
    %dma_start3A_657 = arith.constant 0 : i32
    %dma_start3A_658 = tpu.memref_slice %arg5[%dma_start3A_650, %dma_start3A_657] : memref<26x128xi32, #tpu.memory_space<vmem>> -> memref<1x128xi32, #tpu.memory_space<vmem>>
    %dma_start3A_659 = tpu.memref_squeeze %dma_start3A_658 : memref<1x128xi32, #tpu.memory_space<vmem>> -> memref<128xi32, #tpu.memory_space<vmem>>
    %dma_start3A_660 = arith.constant 0 : i32
    %dma_start3A_661 = arith.constant 0 : i32
    %dma_start3A_662 = tpu.memref_slice %arg2[%dma_start3A_660, %dma_start3A_661] : memref<1000000x128xf32, #tpu.memory_space<hbm>> -> memref<1000000x128xf32, #tpu.memory_space<hbm>>
    %dma_start3A_663 = tpu.memref_slice %arg7[%dma_start3A_652] : memref<6x!tpu.dma_semaphore, #tpu.memory_space<semaphore_mem>> -> memref<1x!tpu.dma_semaphore, #tpu.memory_space<semaphore_mem>>
    %dma_start3A_664 = tpu.memref_squeeze %dma_start3A_663 : memref<1x!tpu.dma_semaphore, #tpu.memory_space<semaphore_mem>> -> memref<!tpu.dma_semaphore, #tpu.memory_space<semaphore_mem>>
    tpu.enqueue_indirect_dma source(%dma_start3A_662 : memref<1000000x128xf32, #tpu.memory_space<hbm>>) target(%dma_start3A_656 : memref<128x128xf32, #tpu.memory_space<vmem>>) offsets(%dma_start3A_659 : memref<128xi32, #tpu.memory_space<vmem>>) semaphore(%dma_start3A_664 : memref<!tpu.dma_semaphore, #tpu.memory_space<semaphore_mem>>)
    %dma_wait3A_665 = arith.constant 8 : i32
    %dma_wait3A_666 = arith.constant 2 : i32
    %dma_wait3A_667 = arith.constant 2 : i32
    %dma_wait3A_668 = arith.constant 0 : i32
    %dma_wait3A_669 = arith.constant 0 : i32
    %dma_wait3A_670 = tpu.memref_slice %arg6[%dma_wait3A_666, %dma_wait3A_668, %dma_wait3A_669] : memref<6x128x128xf32, #tpu.memory_space<vmem>> -> memref<1x128x128xf32, #tpu.memory_space<vmem>>
    %dma_wait3A_671 = tpu.memref_squeeze %dma_wait3A_670 : memref<1x128x128xf32, #tpu.memory_space<vmem>> -> memref<128x128xf32, #tpu.memory_space<vmem>>
    %dma_wait3A_672 = arith.constant 0 : i32
    %dma_wait3A_673 = tpu.memref_slice %arg5[%dma_wait3A_665, %dma_wait3A_672] : memref<26x128xi32, #tpu.memory_space<vmem>> -> memref<1x128xi32, #tpu.memory_space<vmem>>
    %dma_wait3A_674 = tpu.memref_squeeze %dma_wait3A_673 : memref<1x128xi32, #tpu.memory_space<vmem>> -> memref<128xi32, #tpu.memory_space<vmem>>
    %dma_wait3A_675 = arith.constant 0 : i32
    %dma_wait3A_676 = arith.constant 0 : i32
    %dma_wait3A_677 = tpu.memref_slice %arg2[%dma_wait3A_675, %dma_wait3A_676] : memref<1000000x128xf32, #tpu.memory_space<hbm>> -> memref<1000000x128xf32, #tpu.memory_space<hbm>>
    %dma_wait3A_678 = tpu.memref_slice %arg7[%dma_wait3A_667] : memref<6x!tpu.dma_semaphore, #tpu.memory_space<semaphore_mem>> -> memref<1x!tpu.dma_semaphore, #tpu.memory_space<semaphore_mem>>
    %dma_wait3A_679 = tpu.memref_squeeze %dma_wait3A_678 : memref<1x!tpu.dma_semaphore, #tpu.memory_space<semaphore_mem>> -> memref<!tpu.dma_semaphore, #tpu.memory_space<semaphore_mem>>
    tpu.wait_indirect_dma semaphore(%dma_wait3A_679 : memref<!tpu.dma_semaphore, #tpu.memory_space<semaphore_mem>>) src(%dma_wait3A_677 : memref<1000000x128xf32, #tpu.memory_space<hbm>>) dst(%dma_wait3A_671 : memref<128x128xf32, #tpu.memory_space<vmem>>)
    %dma_start3A_680 = arith.constant 2 : i32
    %dma_start3A_681 = arith.constant 8 : i32
    %dma_start3A_682 = arith.constant 2 : i32
    %dma_start3A_683 = arith.constant 0 : i32
    %dma_start3A_684 = arith.constant 0 : i32
    %dma_start3A_685 = tpu.memref_slice %arg6[%dma_start3A_680, %dma_start3A_683, %dma_start3A_684] : memref<6x128x128xf32, #tpu.memory_space<vmem>> -> memref<1x128x128xf32, #tpu.memory_space<vmem>>
    %dma_start3A_686 = tpu.memref_squeeze %dma_start3A_685 : memref<1x128x128xf32, #tpu.memory_space<vmem>> -> memref<128x128xf32, #tpu.memory_space<vmem>>
    %dma_start3A_687 = arith.constant 0 : i32
    %dma_start3A_688 = arith.constant 0 : i32
    %dma_start3A_689 = tpu.memref_slice %arg4[%add3A, %dma_start3A_681, %dma_start3A_687, %dma_start3A_688] : memref<32x26x128x128xf32, #tpu.memory_space<hbm>> -> memref<1x1x128x128xf32, #tpu.memory_space<hbm>>
    %dma_start3A_690 = tpu.memref_squeeze %dma_start3A_689 : memref<1x1x128x128xf32, #tpu.memory_space<hbm>> -> memref<128x128xf32, #tpu.memory_space<hbm>>
    %dma_start3A_691 = tpu.memref_slice %arg8[%dma_start3A_682] : memref<6x!tpu.dma_semaphore, #tpu.memory_space<semaphore_mem>> -> memref<1x!tpu.dma_semaphore, #tpu.memory_space<semaphore_mem>>
    %dma_start3A_692 = tpu.memref_squeeze %dma_start3A_691 : memref<1x!tpu.dma_semaphore, #tpu.memory_space<semaphore_mem>> -> memref<!tpu.dma_semaphore, #tpu.memory_space<semaphore_mem>>
    %dma_start3A_693 = arith.constant 0 : i32
    %dma_start3A_694 = arith.constant 0 : i32
    %dma_start3A_695 = tpu.memref_slice %arg4[%add3A, %dma_start3A_681, %dma_start3A_693, %dma_start3A_694] : memref<32x26x128x128xf32, #tpu.memory_space<hbm>> -> memref<1x1x128x128xf32, #tpu.memory_space<hbm>>
    %dma_start3A_696 = tpu.memref_squeeze %dma_start3A_695 : memref<1x1x128x128xf32, #tpu.memory_space<hbm>> -> memref<128x128xf32, #tpu.memory_space<hbm>>
    %dma_start3A_697 = arith.constant 0 : i32
    %dma_start3A_698 = arith.constant 0 : i32
    %dma_start3A_699 = tpu.memref_slice %arg6[%dma_start3A_680, %dma_start3A_697, %dma_start3A_698] : memref<6x128x128xf32, #tpu.memory_space<vmem>> -> memref<1x128x128xf32, #tpu.memory_space<vmem>>
    %dma_start3A_700 = tpu.memref_squeeze %dma_start3A_699 : memref<1x128x128xf32, #tpu.memory_space<vmem>> -> memref<128x128xf32, #tpu.memory_space<vmem>>
    tpu.enqueue_dma source(%dma_start3A_700 : memref<128x128xf32, #tpu.memory_space<vmem>>) target(%dma_start3A_696 : memref<128x128xf32, #tpu.memory_space<hbm>>) target_semaphore(%dma_start3A_692 : memref<!tpu.dma_semaphore, #tpu.memory_space<semaphore_mem>>)
    %dma_wait3A_701 = arith.constant 2 : i32
    %dma_wait3A_702 = arith.constant 8 : i32
    %dma_wait3A_703 = arith.constant 2 : i32
    %dma_wait3A_704 = arith.constant 0 : i32
    %dma_wait3A_705 = arith.constant 0 : i32
    %dma_wait3A_706 = tpu.memref_slice %arg6[%dma_wait3A_701, %dma_wait3A_704, %dma_wait3A_705] : memref<6x128x128xf32, #tpu.memory_space<vmem>> -> memref<1x128x128xf32, #tpu.memory_space<vmem>>
    %dma_wait3A_707 = tpu.memref_squeeze %dma_wait3A_706 : memref<1x128x128xf32, #tpu.memory_space<vmem>> -> memref<128x128xf32, #tpu.memory_space<vmem>>
    %dma_wait3A_708 = arith.constant 0 : i32
    %dma_wait3A_709 = arith.constant 0 : i32
    %dma_wait3A_710 = tpu.memref_slice %arg4[%add3A, %dma_wait3A_702, %dma_wait3A_708, %dma_wait3A_709] : memref<32x26x128x128xf32, #tpu.memory_space<hbm>> -> memref<1x1x128x128xf32, #tpu.memory_space<hbm>>
    %dma_wait3A_711 = tpu.memref_squeeze %dma_wait3A_710 : memref<1x1x128x128xf32, #tpu.memory_space<hbm>> -> memref<128x128xf32, #tpu.memory_space<hbm>>
    %dma_wait3A_712 = tpu.memref_slice %arg8[%dma_wait3A_703] : memref<6x!tpu.dma_semaphore, #tpu.memory_space<semaphore_mem>> -> memref<1x!tpu.dma_semaphore, #tpu.memory_space<semaphore_mem>>
    %dma_wait3A_713 = tpu.memref_squeeze %dma_wait3A_712 : memref<1x!tpu.dma_semaphore, #tpu.memory_space<semaphore_mem>> -> memref<!tpu.dma_semaphore, #tpu.memory_space<semaphore_mem>>
    %dma_wait3A_714 = arith.constant 0 : i32
    %dma_wait3A_715 = arith.constant 0 : i32
    %dma_wait3A_716 = tpu.memref_slice %arg4[%add3A, %dma_wait3A_702, %dma_wait3A_714, %dma_wait3A_715] : memref<32x26x128x128xf32, #tpu.memory_space<hbm>> -> memref<1x1x128x128xf32, #tpu.memory_space<hbm>>
    %dma_wait3A_717 = tpu.memref_squeeze %dma_wait3A_716 : memref<1x1x128x128xf32, #tpu.memory_space<hbm>> -> memref<128x128xf32, #tpu.memory_space<hbm>>
    %dma_wait3A_718 = arith.constant 0 : i32
    %dma_wait3A_719 = arith.constant 0 : i32
    %dma_wait3A_720 = tpu.memref_slice %arg6[%dma_wait3A_701, %dma_wait3A_718, %dma_wait3A_719] : memref<6x128x128xf32, #tpu.memory_space<vmem>> -> memref<1x128x128xf32, #tpu.memory_space<vmem>>
    %dma_wait3A_721 = tpu.memref_squeeze %dma_wait3A_720 : memref<1x128x128xf32, #tpu.memory_space<vmem>> -> memref<128x128xf32, #tpu.memory_space<vmem>>
    tpu.wait_dma2 semaphore(%dma_wait3A_713 : memref<!tpu.dma_semaphore, #tpu.memory_space<semaphore_mem>>) src(%dma_wait3A_721 : memref<128x128xf32, #tpu.memory_space<vmem>>) dst(%dma_wait3A_717 : memref<128x128xf32, #tpu.memory_space<hbm>>)
    %dma_start3A_722 = arith.constant 14 : i32
    %dma_start3A_723 = arith.constant 2 : i32
    %dma_start3A_724 = arith.constant 2 : i32
    %dma_start3A_725 = arith.constant 0 : i32
    %dma_start3A_726 = arith.constant 0 : i32
    %dma_start3A_727 = tpu.memref_slice %arg6[%dma_start3A_723, %dma_start3A_725, %dma_start3A_726] : memref<6x128x128xf32, #tpu.memory_space<vmem>> -> memref<1x128x128xf32, #tpu.memory_space<vmem>>
    %dma_start3A_728 = tpu.memref_squeeze %dma_start3A_727 : memref<1x128x128xf32, #tpu.memory_space<vmem>> -> memref<128x128xf32, #tpu.memory_space<vmem>>
    %dma_start3A_729 = arith.constant 0 : i32
    %dma_start3A_730 = tpu.memref_slice %arg5[%dma_start3A_722, %dma_start3A_729] : memref<26x128xi32, #tpu.memory_space<vmem>> -> memref<1x128xi32, #tpu.memory_space<vmem>>
    %dma_start3A_731 = tpu.memref_squeeze %dma_start3A_730 : memref<1x128xi32, #tpu.memory_space<vmem>> -> memref<128xi32, #tpu.memory_space<vmem>>
    %dma_start3A_732 = arith.constant 0 : i32
    %dma_start3A_733 = arith.constant 0 : i32
    %dma_start3A_734 = tpu.memref_slice %arg2[%dma_start3A_732, %dma_start3A_733] : memref<1000000x128xf32, #tpu.memory_space<hbm>> -> memref<1000000x128xf32, #tpu.memory_space<hbm>>
    %dma_start3A_735 = tpu.memref_slice %arg7[%dma_start3A_724] : memref<6x!tpu.dma_semaphore, #tpu.memory_space<semaphore_mem>> -> memref<1x!tpu.dma_semaphore, #tpu.memory_space<semaphore_mem>>
    %dma_start3A_736 = tpu.memref_squeeze %dma_start3A_735 : memref<1x!tpu.dma_semaphore, #tpu.memory_space<semaphore_mem>> -> memref<!tpu.dma_semaphore, #tpu.memory_space<semaphore_mem>>
    tpu.enqueue_indirect_dma source(%dma_start3A_734 : memref<1000000x128xf32, #tpu.memory_space<hbm>>) target(%dma_start3A_728 : memref<128x128xf32, #tpu.memory_space<vmem>>) offsets(%dma_start3A_731 : memref<128xi32, #tpu.memory_space<vmem>>) semaphore(%dma_start3A_736 : memref<!tpu.dma_semaphore, #tpu.memory_space<semaphore_mem>>)
    %dma_wait3A_737 = arith.constant 9 : i32
    %dma_wait3A_738 = arith.constant 3 : i32
    %dma_wait3A_739 = arith.constant 3 : i32
    %dma_wait3A_740 = arith.constant 0 : i32
    %dma_wait3A_741 = arith.constant 0 : i32
    %dma_wait3A_742 = tpu.memref_slice %arg6[%dma_wait3A_738, %dma_wait3A_740, %dma_wait3A_741] : memref<6x128x128xf32, #tpu.memory_space<vmem>> -> memref<1x128x128xf32, #tpu.memory_space<vmem>>
    %dma_wait3A_743 = tpu.memref_squeeze %dma_wait3A_742 : memref<1x128x128xf32, #tpu.memory_space<vmem>> -> memref<128x128xf32, #tpu.memory_space<vmem>>
    %dma_wait3A_744 = arith.constant 0 : i32
    %dma_wait3A_745 = tpu.memref_slice %arg5[%dma_wait3A_737, %dma_wait3A_744] : memref<26x128xi32, #tpu.memory_space<vmem>> -> memref<1x128xi32, #tpu.memory_space<vmem>>
    %dma_wait3A_746 = tpu.memref_squeeze %dma_wait3A_745 : memref<1x128xi32, #tpu.memory_space<vmem>> -> memref<128xi32, #tpu.memory_space<vmem>>
    %dma_wait3A_747 = arith.constant 0 : i32
    %dma_wait3A_748 = arith.constant 0 : i32
    %dma_wait3A_749 = tpu.memref_slice %arg2[%dma_wait3A_747, %dma_wait3A_748] : memref<1000000x128xf32, #tpu.memory_space<hbm>> -> memref<1000000x128xf32, #tpu.memory_space<hbm>>
    %dma_wait3A_750 = tpu.memref_slice %arg7[%dma_wait3A_739] : memref<6x!tpu.dma_semaphore, #tpu.memory_space<semaphore_mem>> -> memref<1x!tpu.dma_semaphore, #tpu.memory_space<semaphore_mem>>
    %dma_wait3A_751 = tpu.memref_squeeze %dma_wait3A_750 : memref<1x!tpu.dma_semaphore, #tpu.memory_space<semaphore_mem>> -> memref<!tpu.dma_semaphore, #tpu.memory_space<semaphore_mem>>
    tpu.wait_indirect_dma semaphore(%dma_wait3A_751 : memref<!tpu.dma_semaphore, #tpu.memory_space<semaphore_mem>>) src(%dma_wait3A_749 : memref<1000000x128xf32, #tpu.memory_space<hbm>>) dst(%dma_wait3A_743 : memref<128x128xf32, #tpu.memory_space<vmem>>)
    %dma_start3A_752 = arith.constant 3 : i32
    %dma_start3A_753 = arith.constant 9 : i32
    %dma_start3A_754 = arith.constant 3 : i32
    %dma_start3A_755 = arith.constant 0 : i32
    %dma_start3A_756 = arith.constant 0 : i32
    %dma_start3A_757 = tpu.memref_slice %arg6[%dma_start3A_752, %dma_start3A_755, %dma_start3A_756] : memref<6x128x128xf32, #tpu.memory_space<vmem>> -> memref<1x128x128xf32, #tpu.memory_space<vmem>>
    %dma_start3A_758 = tpu.memref_squeeze %dma_start3A_757 : memref<1x128x128xf32, #tpu.memory_space<vmem>> -> memref<128x128xf32, #tpu.memory_space<vmem>>
    %dma_start3A_759 = arith.constant 0 : i32
    %dma_start3A_760 = arith.constant 0 : i32
    %dma_start3A_761 = tpu.memref_slice %arg4[%add3A, %dma_start3A_753, %dma_start3A_759, %dma_start3A_760] : memref<32x26x128x128xf32, #tpu.memory_space<hbm>> -> memref<1x1x128x128xf32, #tpu.memory_space<hbm>>
    %dma_start3A_762 = tpu.memref_squeeze %dma_start3A_761 : memref<1x1x128x128xf32, #tpu.memory_space<hbm>> -> memref<128x128xf32, #tpu.memory_space<hbm>>
    %dma_start3A_763 = tpu.memref_slice %arg8[%dma_start3A_754] : memref<6x!tpu.dma_semaphore, #tpu.memory_space<semaphore_mem>> -> memref<1x!tpu.dma_semaphore, #tpu.memory_space<semaphore_mem>>
    %dma_start3A_764 = tpu.memref_squeeze %dma_start3A_763 : memref<1x!tpu.dma_semaphore, #tpu.memory_space<semaphore_mem>> -> memref<!tpu.dma_semaphore, #tpu.memory_space<semaphore_mem>>
    %dma_start3A_765 = arith.constant 0 : i32
    %dma_start3A_766 = arith.constant 0 : i32
    %dma_start3A_767 = tpu.memref_slice %arg4[%add3A, %dma_start3A_753, %dma_start3A_765, %dma_start3A_766] : memref<32x26x128x128xf32, #tpu.memory_space<hbm>> -> memref<1x1x128x128xf32, #tpu.memory_space<hbm>>
    %dma_start3A_768 = tpu.memref_squeeze %dma_start3A_767 : memref<1x1x128x128xf32, #tpu.memory_space<hbm>> -> memref<128x128xf32, #tpu.memory_space<hbm>>
    %dma_start3A_769 = arith.constant 0 : i32
    %dma_start3A_770 = arith.constant 0 : i32
    %dma_start3A_771 = tpu.memref_slice %arg6[%dma_start3A_752, %dma_start3A_769, %dma_start3A_770] : memref<6x128x128xf32, #tpu.memory_space<vmem>> -> memref<1x128x128xf32, #tpu.memory_space<vmem>>
    %dma_start3A_772 = tpu.memref_squeeze %dma_start3A_771 : memref<1x128x128xf32, #tpu.memory_space<vmem>> -> memref<128x128xf32, #tpu.memory_space<vmem>>
    tpu.enqueue_dma source(%dma_start3A_772 : memref<128x128xf32, #tpu.memory_space<vmem>>) target(%dma_start3A_768 : memref<128x128xf32, #tpu.memory_space<hbm>>) target_semaphore(%dma_start3A_764 : memref<!tpu.dma_semaphore, #tpu.memory_space<semaphore_mem>>)
    %dma_wait3A_773 = arith.constant 3 : i32
    %dma_wait3A_774 = arith.constant 9 : i32
    %dma_wait3A_775 = arith.constant 3 : i32
    %dma_wait3A_776 = arith.constant 0 : i32
    %dma_wait3A_777 = arith.constant 0 : i32
    %dma_wait3A_778 = tpu.memref_slice %arg6[%dma_wait3A_773, %dma_wait3A_776, %dma_wait3A_777] : memref<6x128x128xf32, #tpu.memory_space<vmem>> -> memref<1x128x128xf32, #tpu.memory_space<vmem>>
    %dma_wait3A_779 = tpu.memref_squeeze %dma_wait3A_778 : memref<1x128x128xf32, #tpu.memory_space<vmem>> -> memref<128x128xf32, #tpu.memory_space<vmem>>
    %dma_wait3A_780 = arith.constant 0 : i32
    %dma_wait3A_781 = arith.constant 0 : i32
    %dma_wait3A_782 = tpu.memref_slice %arg4[%add3A, %dma_wait3A_774, %dma_wait3A_780, %dma_wait3A_781] : memref<32x26x128x128xf32, #tpu.memory_space<hbm>> -> memref<1x1x128x128xf32, #tpu.memory_space<hbm>>
    %dma_wait3A_783 = tpu.memref_squeeze %dma_wait3A_782 : memref<1x1x128x128xf32, #tpu.memory_space<hbm>> -> memref<128x128xf32, #tpu.memory_space<hbm>>
    %dma_wait3A_784 = tpu.memref_slice %arg8[%dma_wait3A_775] : memref<6x!tpu.dma_semaphore, #tpu.memory_space<semaphore_mem>> -> memref<1x!tpu.dma_semaphore, #tpu.memory_space<semaphore_mem>>
    %dma_wait3A_785 = tpu.memref_squeeze %dma_wait3A_784 : memref<1x!tpu.dma_semaphore, #tpu.memory_space<semaphore_mem>> -> memref<!tpu.dma_semaphore, #tpu.memory_space<semaphore_mem>>
    %dma_wait3A_786 = arith.constant 0 : i32
    %dma_wait3A_787 = arith.constant 0 : i32
    %dma_wait3A_788 = tpu.memref_slice %arg4[%add3A, %dma_wait3A_774, %dma_wait3A_786, %dma_wait3A_787] : memref<32x26x128x128xf32, #tpu.memory_space<hbm>> -> memref<1x1x128x128xf32, #tpu.memory_space<hbm>>
    %dma_wait3A_789 = tpu.memref_squeeze %dma_wait3A_788 : memref<1x1x128x128xf32, #tpu.memory_space<hbm>> -> memref<128x128xf32, #tpu.memory_space<hbm>>
    %dma_wait3A_790 = arith.constant 0 : i32
    %dma_wait3A_791 = arith.constant 0 : i32
    %dma_wait3A_792 = tpu.memref_slice %arg6[%dma_wait3A_773, %dma_wait3A_790, %dma_wait3A_791] : memref<6x128x128xf32, #tpu.memory_space<vmem>> -> memref<1x128x128xf32, #tpu.memory_space<vmem>>
    %dma_wait3A_793 = tpu.memref_squeeze %dma_wait3A_792 : memref<1x128x128xf32, #tpu.memory_space<vmem>> -> memref<128x128xf32, #tpu.memory_space<vmem>>
    tpu.wait_dma2 semaphore(%dma_wait3A_785 : memref<!tpu.dma_semaphore, #tpu.memory_space<semaphore_mem>>) src(%dma_wait3A_793 : memref<128x128xf32, #tpu.memory_space<vmem>>) dst(%dma_wait3A_789 : memref<128x128xf32, #tpu.memory_space<hbm>>)
    %dma_start3A_794 = arith.constant 15 : i32
    %dma_start3A_795 = arith.constant 3 : i32
    %dma_start3A_796 = arith.constant 3 : i32
    %dma_start3A_797 = arith.constant 0 : i32
    %dma_start3A_798 = arith.constant 0 : i32
    %dma_start3A_799 = tpu.memref_slice %arg6[%dma_start3A_795, %dma_start3A_797, %dma_start3A_798] : memref<6x128x128xf32, #tpu.memory_space<vmem>> -> memref<1x128x128xf32, #tpu.memory_space<vmem>>
    %dma_start3A_800 = tpu.memref_squeeze %dma_start3A_799 : memref<1x128x128xf32, #tpu.memory_space<vmem>> -> memref<128x128xf32, #tpu.memory_space<vmem>>
    %dma_start3A_801 = arith.constant 0 : i32
    %dma_start3A_802 = tpu.memref_slice %arg5[%dma_start3A_794, %dma_start3A_801] : memref<26x128xi32, #tpu.memory_space<vmem>> -> memref<1x128xi32, #tpu.memory_space<vmem>>
    %dma_start3A_803 = tpu.memref_squeeze %dma_start3A_802 : memref<1x128xi32, #tpu.memory_space<vmem>> -> memref<128xi32, #tpu.memory_space<vmem>>
    %dma_start3A_804 = arith.constant 0 : i32
    %dma_start3A_805 = arith.constant 0 : i32
    %dma_start3A_806 = tpu.memref_slice %arg2[%dma_start3A_804, %dma_start3A_805] : memref<1000000x128xf32, #tpu.memory_space<hbm>> -> memref<1000000x128xf32, #tpu.memory_space<hbm>>
    %dma_start3A_807 = tpu.memref_slice %arg7[%dma_start3A_796] : memref<6x!tpu.dma_semaphore, #tpu.memory_space<semaphore_mem>> -> memref<1x!tpu.dma_semaphore, #tpu.memory_space<semaphore_mem>>
    %dma_start3A_808 = tpu.memref_squeeze %dma_start3A_807 : memref<1x!tpu.dma_semaphore, #tpu.memory_space<semaphore_mem>> -> memref<!tpu.dma_semaphore, #tpu.memory_space<semaphore_mem>>
    tpu.enqueue_indirect_dma source(%dma_start3A_806 : memref<1000000x128xf32, #tpu.memory_space<hbm>>) target(%dma_start3A_800 : memref<128x128xf32, #tpu.memory_space<vmem>>) offsets(%dma_start3A_803 : memref<128xi32, #tpu.memory_space<vmem>>) semaphore(%dma_start3A_808 : memref<!tpu.dma_semaphore, #tpu.memory_space<semaphore_mem>>)
    %dma_wait3A_809 = arith.constant 10 : i32
    %dma_wait3A_810 = arith.constant 4 : i32
    %dma_wait3A_811 = arith.constant 4 : i32
    %dma_wait3A_812 = arith.constant 0 : i32
    %dma_wait3A_813 = arith.constant 0 : i32
    %dma_wait3A_814 = tpu.memref_slice %arg6[%dma_wait3A_810, %dma_wait3A_812, %dma_wait3A_813] : memref<6x128x128xf32, #tpu.memory_space<vmem>> -> memref<1x128x128xf32, #tpu.memory_space<vmem>>
    %dma_wait3A_815 = tpu.memref_squeeze %dma_wait3A_814 : memref<1x128x128xf32, #tpu.memory_space<vmem>> -> memref<128x128xf32, #tpu.memory_space<vmem>>
    %dma_wait3A_816 = arith.constant 0 : i32
    %dma_wait3A_817 = tpu.memref_slice %arg5[%dma_wait3A_809, %dma_wait3A_816] : memref<26x128xi32, #tpu.memory_space<vmem>> -> memref<1x128xi32, #tpu.memory_space<vmem>>
    %dma_wait3A_818 = tpu.memref_squeeze %dma_wait3A_817 : memref<1x128xi32, #tpu.memory_space<vmem>> -> memref<128xi32, #tpu.memory_space<vmem>>
    %dma_wait3A_819 = arith.constant 0 : i32
    %dma_wait3A_820 = arith.constant 0 : i32
    %dma_wait3A_821 = tpu.memref_slice %arg2[%dma_wait3A_819, %dma_wait3A_820] : memref<1000000x128xf32, #tpu.memory_space<hbm>> -> memref<1000000x128xf32, #tpu.memory_space<hbm>>
    %dma_wait3A_822 = tpu.memref_slice %arg7[%dma_wait3A_811] : memref<6x!tpu.dma_semaphore, #tpu.memory_space<semaphore_mem>> -> memref<1x!tpu.dma_semaphore, #tpu.memory_space<semaphore_mem>>
    %dma_wait3A_823 = tpu.memref_squeeze %dma_wait3A_822 : memref<1x!tpu.dma_semaphore, #tpu.memory_space<semaphore_mem>> -> memref<!tpu.dma_semaphore, #tpu.memory_space<semaphore_mem>>
    tpu.wait_indirect_dma semaphore(%dma_wait3A_823 : memref<!tpu.dma_semaphore, #tpu.memory_space<semaphore_mem>>) src(%dma_wait3A_821 : memref<1000000x128xf32, #tpu.memory_space<hbm>>) dst(%dma_wait3A_815 : memref<128x128xf32, #tpu.memory_space<vmem>>)
    %dma_start3A_824 = arith.constant 4 : i32
    %dma_start3A_825 = arith.constant 10 : i32
    %dma_start3A_826 = arith.constant 4 : i32
    %dma_start3A_827 = arith.constant 0 : i32
    %dma_start3A_828 = arith.constant 0 : i32
    %dma_start3A_829 = tpu.memref_slice %arg6[%dma_start3A_824, %dma_start3A_827, %dma_start3A_828] : memref<6x128x128xf32, #tpu.memory_space<vmem>> -> memref<1x128x128xf32, #tpu.memory_space<vmem>>
    %dma_start3A_830 = tpu.memref_squeeze %dma_start3A_829 : memref<1x128x128xf32, #tpu.memory_space<vmem>> -> memref<128x128xf32, #tpu.memory_space<vmem>>
    %dma_start3A_831 = arith.constant 0 : i32
    %dma_start3A_832 = arith.constant 0 : i32
    %dma_start3A_833 = tpu.memref_slice %arg4[%add3A, %dma_start3A_825, %dma_start3A_831, %dma_start3A_832] : memref<32x26x128x128xf32, #tpu.memory_space<hbm>> -> memref<1x1x128x128xf32, #tpu.memory_space<hbm>>
    %dma_start3A_834 = tpu.memref_squeeze %dma_start3A_833 : memref<1x1x128x128xf32, #tpu.memory_space<hbm>> -> memref<128x128xf32, #tpu.memory_space<hbm>>
    %dma_start3A_835 = tpu.memref_slice %arg8[%dma_start3A_826] : memref<6x!tpu.dma_semaphore, #tpu.memory_space<semaphore_mem>> -> memref<1x!tpu.dma_semaphore, #tpu.memory_space<semaphore_mem>>
    %dma_start3A_836 = tpu.memref_squeeze %dma_start3A_835 : memref<1x!tpu.dma_semaphore, #tpu.memory_space<semaphore_mem>> -> memref<!tpu.dma_semaphore, #tpu.memory_space<semaphore_mem>>
    %dma_start3A_837 = arith.constant 0 : i32
    %dma_start3A_838 = arith.constant 0 : i32
    %dma_start3A_839 = tpu.memref_slice %arg4[%add3A, %dma_start3A_825, %dma_start3A_837, %dma_start3A_838] : memref<32x26x128x128xf32, #tpu.memory_space<hbm>> -> memref<1x1x128x128xf32, #tpu.memory_space<hbm>>
    %dma_start3A_840 = tpu.memref_squeeze %dma_start3A_839 : memref<1x1x128x128xf32, #tpu.memory_space<hbm>> -> memref<128x128xf32, #tpu.memory_space<hbm>>
    %dma_start3A_841 = arith.constant 0 : i32
    %dma_start3A_842 = arith.constant 0 : i32
    %dma_start3A_843 = tpu.memref_slice %arg6[%dma_start3A_824, %dma_start3A_841, %dma_start3A_842] : memref<6x128x128xf32, #tpu.memory_space<vmem>> -> memref<1x128x128xf32, #tpu.memory_space<vmem>>
    %dma_start3A_844 = tpu.memref_squeeze %dma_start3A_843 : memref<1x128x128xf32, #tpu.memory_space<vmem>> -> memref<128x128xf32, #tpu.memory_space<vmem>>
    tpu.enqueue_dma source(%dma_start3A_844 : memref<128x128xf32, #tpu.memory_space<vmem>>) target(%dma_start3A_840 : memref<128x128xf32, #tpu.memory_space<hbm>>) target_semaphore(%dma_start3A_836 : memref<!tpu.dma_semaphore, #tpu.memory_space<semaphore_mem>>)
    %dma_wait3A_845 = arith.constant 4 : i32
    %dma_wait3A_846 = arith.constant 10 : i32
    %dma_wait3A_847 = arith.constant 4 : i32
    %dma_wait3A_848 = arith.constant 0 : i32
    %dma_wait3A_849 = arith.constant 0 : i32
    %dma_wait3A_850 = tpu.memref_slice %arg6[%dma_wait3A_845, %dma_wait3A_848, %dma_wait3A_849] : memref<6x128x128xf32, #tpu.memory_space<vmem>> -> memref<1x128x128xf32, #tpu.memory_space<vmem>>
    %dma_wait3A_851 = tpu.memref_squeeze %dma_wait3A_850 : memref<1x128x128xf32, #tpu.memory_space<vmem>> -> memref<128x128xf32, #tpu.memory_space<vmem>>
    %dma_wait3A_852 = arith.constant 0 : i32
    %dma_wait3A_853 = arith.constant 0 : i32
    %dma_wait3A_854 = tpu.memref_slice %arg4[%add3A, %dma_wait3A_846, %dma_wait3A_852, %dma_wait3A_853] : memref<32x26x128x128xf32, #tpu.memory_space<hbm>> -> memref<1x1x128x128xf32, #tpu.memory_space<hbm>>
    %dma_wait3A_855 = tpu.memref_squeeze %dma_wait3A_854 : memref<1x1x128x128xf32, #tpu.memory_space<hbm>> -> memref<128x128xf32, #tpu.memory_space<hbm>>
    %dma_wait3A_856 = tpu.memref_slice %arg8[%dma_wait3A_847] : memref<6x!tpu.dma_semaphore, #tpu.memory_space<semaphore_mem>> -> memref<1x!tpu.dma_semaphore, #tpu.memory_space<semaphore_mem>>
    %dma_wait3A_857 = tpu.memref_squeeze %dma_wait3A_856 : memref<1x!tpu.dma_semaphore, #tpu.memory_space<semaphore_mem>> -> memref<!tpu.dma_semaphore, #tpu.memory_space<semaphore_mem>>
    %dma_wait3A_858 = arith.constant 0 : i32
    %dma_wait3A_859 = arith.constant 0 : i32
    %dma_wait3A_860 = tpu.memref_slice %arg4[%add3A, %dma_wait3A_846, %dma_wait3A_858, %dma_wait3A_859] : memref<32x26x128x128xf32, #tpu.memory_space<hbm>> -> memref<1x1x128x128xf32, #tpu.memory_space<hbm>>
    %dma_wait3A_861 = tpu.memref_squeeze %dma_wait3A_860 : memref<1x1x128x128xf32, #tpu.memory_space<hbm>> -> memref<128x128xf32, #tpu.memory_space<hbm>>
    %dma_wait3A_862 = arith.constant 0 : i32
    %dma_wait3A_863 = arith.constant 0 : i32
    %dma_wait3A_864 = tpu.memref_slice %arg6[%dma_wait3A_845, %dma_wait3A_862, %dma_wait3A_863] : memref<6x128x128xf32, #tpu.memory_space<vmem>> -> memref<1x128x128xf32, #tpu.memory_space<vmem>>
    %dma_wait3A_865 = tpu.memref_squeeze %dma_wait3A_864 : memref<1x128x128xf32, #tpu.memory_space<vmem>> -> memref<128x128xf32, #tpu.memory_space<vmem>>
    tpu.wait_dma2 semaphore(%dma_wait3A_857 : memref<!tpu.dma_semaphore, #tpu.memory_space<semaphore_mem>>) src(%dma_wait3A_865 : memref<128x128xf32, #tpu.memory_space<vmem>>) dst(%dma_wait3A_861 : memref<128x128xf32, #tpu.memory_space<hbm>>)
    %dma_start3A_866 = arith.constant 16 : i32
    %dma_start3A_867 = arith.constant 4 : i32
    %dma_start3A_868 = arith.constant 4 : i32
    %dma_start3A_869 = arith.constant 0 : i32
    %dma_start3A_870 = arith.constant 0 : i32
    %dma_start3A_871 = tpu.memref_slice %arg6[%dma_start3A_867, %dma_start3A_869, %dma_start3A_870] : memref<6x128x128xf32, #tpu.memory_space<vmem>> -> memref<1x128x128xf32, #tpu.memory_space<vmem>>
    %dma_start3A_872 = tpu.memref_squeeze %dma_start3A_871 : memref<1x128x128xf32, #tpu.memory_space<vmem>> -> memref<128x128xf32, #tpu.memory_space<vmem>>
    %dma_start3A_873 = arith.constant 0 : i32
    %dma_start3A_874 = tpu.memref_slice %arg5[%dma_start3A_866, %dma_start3A_873] : memref<26x128xi32, #tpu.memory_space<vmem>> -> memref<1x128xi32, #tpu.memory_space<vmem>>
    %dma_start3A_875 = tpu.memref_squeeze %dma_start3A_874 : memref<1x128xi32, #tpu.memory_space<vmem>> -> memref<128xi32, #tpu.memory_space<vmem>>
    %dma_start3A_876 = arith.constant 0 : i32
    %dma_start3A_877 = arith.constant 0 : i32
    %dma_start3A_878 = tpu.memref_slice %arg2[%dma_start3A_876, %dma_start3A_877] : memref<1000000x128xf32, #tpu.memory_space<hbm>> -> memref<1000000x128xf32, #tpu.memory_space<hbm>>
    %dma_start3A_879 = tpu.memref_slice %arg7[%dma_start3A_868] : memref<6x!tpu.dma_semaphore, #tpu.memory_space<semaphore_mem>> -> memref<1x!tpu.dma_semaphore, #tpu.memory_space<semaphore_mem>>
    %dma_start3A_880 = tpu.memref_squeeze %dma_start3A_879 : memref<1x!tpu.dma_semaphore, #tpu.memory_space<semaphore_mem>> -> memref<!tpu.dma_semaphore, #tpu.memory_space<semaphore_mem>>
    tpu.enqueue_indirect_dma source(%dma_start3A_878 : memref<1000000x128xf32, #tpu.memory_space<hbm>>) target(%dma_start3A_872 : memref<128x128xf32, #tpu.memory_space<vmem>>) offsets(%dma_start3A_875 : memref<128xi32, #tpu.memory_space<vmem>>) semaphore(%dma_start3A_880 : memref<!tpu.dma_semaphore, #tpu.memory_space<semaphore_mem>>)
    %dma_wait3A_881 = arith.constant 11 : i32
    %dma_wait3A_882 = arith.constant 5 : i32
    %dma_wait3A_883 = arith.constant 5 : i32
    %dma_wait3A_884 = arith.constant 0 : i32
    %dma_wait3A_885 = arith.constant 0 : i32
    %dma_wait3A_886 = tpu.memref_slice %arg6[%dma_wait3A_882, %dma_wait3A_884, %dma_wait3A_885] : memref<6x128x128xf32, #tpu.memory_space<vmem>> -> memref<1x128x128xf32, #tpu.memory_space<vmem>>
    %dma_wait3A_887 = tpu.memref_squeeze %dma_wait3A_886 : memref<1x128x128xf32, #tpu.memory_space<vmem>> -> memref<128x128xf32, #tpu.memory_space<vmem>>
    %dma_wait3A_888 = arith.constant 0 : i32
    %dma_wait3A_889 = tpu.memref_slice %arg5[%dma_wait3A_881, %dma_wait3A_888] : memref<26x128xi32, #tpu.memory_space<vmem>> -> memref<1x128xi32, #tpu.memory_space<vmem>>
    %dma_wait3A_890 = tpu.memref_squeeze %dma_wait3A_889 : memref<1x128xi32, #tpu.memory_space<vmem>> -> memref<128xi32, #tpu.memory_space<vmem>>
    %dma_wait3A_891 = arith.constant 0 : i32
    %dma_wait3A_892 = arith.constant 0 : i32
    %dma_wait3A_893 = tpu.memref_slice %arg2[%dma_wait3A_891, %dma_wait3A_892] : memref<1000000x128xf32, #tpu.memory_space<hbm>> -> memref<1000000x128xf32, #tpu.memory_space<hbm>>
    %dma_wait3A_894 = tpu.memref_slice %arg7[%dma_wait3A_883] : memref<6x!tpu.dma_semaphore, #tpu.memory_space<semaphore_mem>> -> memref<1x!tpu.dma_semaphore, #tpu.memory_space<semaphore_mem>>
    %dma_wait3A_895 = tpu.memref_squeeze %dma_wait3A_894 : memref<1x!tpu.dma_semaphore, #tpu.memory_space<semaphore_mem>> -> memref<!tpu.dma_semaphore, #tpu.memory_space<semaphore_mem>>
    tpu.wait_indirect_dma semaphore(%dma_wait3A_895 : memref<!tpu.dma_semaphore, #tpu.memory_space<semaphore_mem>>) src(%dma_wait3A_893 : memref<1000000x128xf32, #tpu.memory_space<hbm>>) dst(%dma_wait3A_887 : memref<128x128xf32, #tpu.memory_space<vmem>>)
    %dma_start3A_896 = arith.constant 5 : i32
    %dma_start3A_897 = arith.constant 11 : i32
    %dma_start3A_898 = arith.constant 5 : i32
    %dma_start3A_899 = arith.constant 0 : i32
    %dma_start3A_900 = arith.constant 0 : i32
    %dma_start3A_901 = tpu.memref_slice %arg6[%dma_start3A_896, %dma_start3A_899, %dma_start3A_900] : memref<6x128x128xf32, #tpu.memory_space<vmem>> -> memref<1x128x128xf32, #tpu.memory_space<vmem>>
    %dma_start3A_902 = tpu.memref_squeeze %dma_start3A_901 : memref<1x128x128xf32, #tpu.memory_space<vmem>> -> memref<128x128xf32, #tpu.memory_space<vmem>>
    %dma_start3A_903 = arith.constant 0 : i32
    %dma_start3A_904 = arith.constant 0 : i32
    %dma_start3A_905 = tpu.memref_slice %arg4[%add3A, %dma_start3A_897, %dma_start3A_903, %dma_start3A_904] : memref<32x26x128x128xf32, #tpu.memory_space<hbm>> -> memref<1x1x128x128xf32, #tpu.memory_space<hbm>>
    %dma_start3A_906 = tpu.memref_squeeze %dma_start3A_905 : memref<1x1x128x128xf32, #tpu.memory_space<hbm>> -> memref<128x128xf32, #tpu.memory_space<hbm>>
    %dma_start3A_907 = tpu.memref_slice %arg8[%dma_start3A_898] : memref<6x!tpu.dma_semaphore, #tpu.memory_space<semaphore_mem>> -> memref<1x!tpu.dma_semaphore, #tpu.memory_space<semaphore_mem>>
    %dma_start3A_908 = tpu.memref_squeeze %dma_start3A_907 : memref<1x!tpu.dma_semaphore, #tpu.memory_space<semaphore_mem>> -> memref<!tpu.dma_semaphore, #tpu.memory_space<semaphore_mem>>
    %dma_start3A_909 = arith.constant 0 : i32
    %dma_start3A_910 = arith.constant 0 : i32
    %dma_start3A_911 = tpu.memref_slice %arg4[%add3A, %dma_start3A_897, %dma_start3A_909, %dma_start3A_910] : memref<32x26x128x128xf32, #tpu.memory_space<hbm>> -> memref<1x1x128x128xf32, #tpu.memory_space<hbm>>
    %dma_start3A_912 = tpu.memref_squeeze %dma_start3A_911 : memref<1x1x128x128xf32, #tpu.memory_space<hbm>> -> memref<128x128xf32, #tpu.memory_space<hbm>>
    %dma_start3A_913 = arith.constant 0 : i32
    %dma_start3A_914 = arith.constant 0 : i32
    %dma_start3A_915 = tpu.memref_slice %arg6[%dma_start3A_896, %dma_start3A_913, %dma_start3A_914] : memref<6x128x128xf32, #tpu.memory_space<vmem>> -> memref<1x128x128xf32, #tpu.memory_space<vmem>>
    %dma_start3A_916 = tpu.memref_squeeze %dma_start3A_915 : memref<1x128x128xf32, #tpu.memory_space<vmem>> -> memref<128x128xf32, #tpu.memory_space<vmem>>
    tpu.enqueue_dma source(%dma_start3A_916 : memref<128x128xf32, #tpu.memory_space<vmem>>) target(%dma_start3A_912 : memref<128x128xf32, #tpu.memory_space<hbm>>) target_semaphore(%dma_start3A_908 : memref<!tpu.dma_semaphore, #tpu.memory_space<semaphore_mem>>)
    %dma_wait3A_917 = arith.constant 5 : i32
    %dma_wait3A_918 = arith.constant 11 : i32
    %dma_wait3A_919 = arith.constant 5 : i32
    %dma_wait3A_920 = arith.constant 0 : i32
    %dma_wait3A_921 = arith.constant 0 : i32
    %dma_wait3A_922 = tpu.memref_slice %arg6[%dma_wait3A_917, %dma_wait3A_920, %dma_wait3A_921] : memref<6x128x128xf32, #tpu.memory_space<vmem>> -> memref<1x128x128xf32, #tpu.memory_space<vmem>>
    %dma_wait3A_923 = tpu.memref_squeeze %dma_wait3A_922 : memref<1x128x128xf32, #tpu.memory_space<vmem>> -> memref<128x128xf32, #tpu.memory_space<vmem>>
    %dma_wait3A_924 = arith.constant 0 : i32
    %dma_wait3A_925 = arith.constant 0 : i32
    %dma_wait3A_926 = tpu.memref_slice %arg4[%add3A, %dma_wait3A_918, %dma_wait3A_924, %dma_wait3A_925] : memref<32x26x128x128xf32, #tpu.memory_space<hbm>> -> memref<1x1x128x128xf32, #tpu.memory_space<hbm>>
    %dma_wait3A_927 = tpu.memref_squeeze %dma_wait3A_926 : memref<1x1x128x128xf32, #tpu.memory_space<hbm>> -> memref<128x128xf32, #tpu.memory_space<hbm>>
    %dma_wait3A_928 = tpu.memref_slice %arg8[%dma_wait3A_919] : memref<6x!tpu.dma_semaphore, #tpu.memory_space<semaphore_mem>> -> memref<1x!tpu.dma_semaphore, #tpu.memory_space<semaphore_mem>>
    %dma_wait3A_929 = tpu.memref_squeeze %dma_wait3A_928 : memref<1x!tpu.dma_semaphore, #tpu.memory_space<semaphore_mem>> -> memref<!tpu.dma_semaphore, #tpu.memory_space<semaphore_mem>>
    %dma_wait3A_930 = arith.constant 0 : i32
    %dma_wait3A_931 = arith.constant 0 : i32
    %dma_wait3A_932 = tpu.memref_slice %arg4[%add3A, %dma_wait3A_918, %dma_wait3A_930, %dma_wait3A_931] : memref<32x26x128x128xf32, #tpu.memory_space<hbm>> -> memref<1x1x128x128xf32, #tpu.memory_space<hbm>>
    %dma_wait3A_933 = tpu.memref_squeeze %dma_wait3A_932 : memref<1x1x128x128xf32, #tpu.memory_space<hbm>> -> memref<128x128xf32, #tpu.memory_space<hbm>>
    %dma_wait3A_934 = arith.constant 0 : i32
    %dma_wait3A_935 = arith.constant 0 : i32
    %dma_wait3A_936 = tpu.memref_slice %arg6[%dma_wait3A_917, %dma_wait3A_934, %dma_wait3A_935] : memref<6x128x128xf32, #tpu.memory_space<vmem>> -> memref<1x128x128xf32, #tpu.memory_space<vmem>>
    %dma_wait3A_937 = tpu.memref_squeeze %dma_wait3A_936 : memref<1x128x128xf32, #tpu.memory_space<vmem>> -> memref<128x128xf32, #tpu.memory_space<vmem>>
    tpu.wait_dma2 semaphore(%dma_wait3A_929 : memref<!tpu.dma_semaphore, #tpu.memory_space<semaphore_mem>>) src(%dma_wait3A_937 : memref<128x128xf32, #tpu.memory_space<vmem>>) dst(%dma_wait3A_933 : memref<128x128xf32, #tpu.memory_space<hbm>>)
    %dma_start3A_938 = arith.constant 17 : i32
    %dma_start3A_939 = arith.constant 5 : i32
    %dma_start3A_940 = arith.constant 5 : i32
    %dma_start3A_941 = arith.constant 0 : i32
    %dma_start3A_942 = arith.constant 0 : i32
    %dma_start3A_943 = tpu.memref_slice %arg6[%dma_start3A_939, %dma_start3A_941, %dma_start3A_942] : memref<6x128x128xf32, #tpu.memory_space<vmem>> -> memref<1x128x128xf32, #tpu.memory_space<vmem>>
    %dma_start3A_944 = tpu.memref_squeeze %dma_start3A_943 : memref<1x128x128xf32, #tpu.memory_space<vmem>> -> memref<128x128xf32, #tpu.memory_space<vmem>>
    %dma_start3A_945 = arith.constant 0 : i32
    %dma_start3A_946 = tpu.memref_slice %arg5[%dma_start3A_938, %dma_start3A_945] : memref<26x128xi32, #tpu.memory_space<vmem>> -> memref<1x128xi32, #tpu.memory_space<vmem>>
    %dma_start3A_947 = tpu.memref_squeeze %dma_start3A_946 : memref<1x128xi32, #tpu.memory_space<vmem>> -> memref<128xi32, #tpu.memory_space<vmem>>
    %dma_start3A_948 = arith.constant 0 : i32
    %dma_start3A_949 = arith.constant 0 : i32
    %dma_start3A_950 = tpu.memref_slice %arg2[%dma_start3A_948, %dma_start3A_949] : memref<1000000x128xf32, #tpu.memory_space<hbm>> -> memref<1000000x128xf32, #tpu.memory_space<hbm>>
    %dma_start3A_951 = tpu.memref_slice %arg7[%dma_start3A_940] : memref<6x!tpu.dma_semaphore, #tpu.memory_space<semaphore_mem>> -> memref<1x!tpu.dma_semaphore, #tpu.memory_space<semaphore_mem>>
    %dma_start3A_952 = tpu.memref_squeeze %dma_start3A_951 : memref<1x!tpu.dma_semaphore, #tpu.memory_space<semaphore_mem>> -> memref<!tpu.dma_semaphore, #tpu.memory_space<semaphore_mem>>
    tpu.enqueue_indirect_dma source(%dma_start3A_950 : memref<1000000x128xf32, #tpu.memory_space<hbm>>) target(%dma_start3A_944 : memref<128x128xf32, #tpu.memory_space<vmem>>) offsets(%dma_start3A_947 : memref<128xi32, #tpu.memory_space<vmem>>) semaphore(%dma_start3A_952 : memref<!tpu.dma_semaphore, #tpu.memory_space<semaphore_mem>>)
    %dma_wait3A_953 = arith.constant 12 : i32
    %dma_wait3A_954 = arith.constant 0 : i32
    %dma_wait3A_955 = arith.constant 0 : i32
    %dma_wait3A_956 = arith.constant 0 : i32
    %dma_wait3A_957 = arith.constant 0 : i32
    %dma_wait3A_958 = tpu.memref_slice %arg6[%dma_wait3A_954, %dma_wait3A_956, %dma_wait3A_957] : memref<6x128x128xf32, #tpu.memory_space<vmem>> -> memref<1x128x128xf32, #tpu.memory_space<vmem>>
    %dma_wait3A_959 = tpu.memref_squeeze %dma_wait3A_958 : memref<1x128x128xf32, #tpu.memory_space<vmem>> -> memref<128x128xf32, #tpu.memory_space<vmem>>
    %dma_wait3A_960 = arith.constant 0 : i32
    %dma_wait3A_961 = tpu.memref_slice %arg5[%dma_wait3A_953, %dma_wait3A_960] : memref<26x128xi32, #tpu.memory_space<vmem>> -> memref<1x128xi32, #tpu.memory_space<vmem>>
    %dma_wait3A_962 = tpu.memref_squeeze %dma_wait3A_961 : memref<1x128xi32, #tpu.memory_space<vmem>> -> memref<128xi32, #tpu.memory_space<vmem>>
    %dma_wait3A_963 = arith.constant 0 : i32
    %dma_wait3A_964 = arith.constant 0 : i32
    %dma_wait3A_965 = tpu.memref_slice %arg2[%dma_wait3A_963, %dma_wait3A_964] : memref<1000000x128xf32, #tpu.memory_space<hbm>> -> memref<1000000x128xf32, #tpu.memory_space<hbm>>
    %dma_wait3A_966 = tpu.memref_slice %arg7[%dma_wait3A_955] : memref<6x!tpu.dma_semaphore, #tpu.memory_space<semaphore_mem>> -> memref<1x!tpu.dma_semaphore, #tpu.memory_space<semaphore_mem>>
    %dma_wait3A_967 = tpu.memref_squeeze %dma_wait3A_966 : memref<1x!tpu.dma_semaphore, #tpu.memory_space<semaphore_mem>> -> memref<!tpu.dma_semaphore, #tpu.memory_space<semaphore_mem>>
    tpu.wait_indirect_dma semaphore(%dma_wait3A_967 : memref<!tpu.dma_semaphore, #tpu.memory_space<semaphore_mem>>) src(%dma_wait3A_965 : memref<1000000x128xf32, #tpu.memory_space<hbm>>) dst(%dma_wait3A_959 : memref<128x128xf32, #tpu.memory_space<vmem>>)
    %dma_start3A_968 = arith.constant 0 : i32
    %dma_start3A_969 = arith.constant 12 : i32
    %dma_start3A_970 = arith.constant 0 : i32
    %dma_start3A_971 = arith.constant 0 : i32
    %dma_start3A_972 = arith.constant 0 : i32
    %dma_start3A_973 = tpu.memref_slice %arg6[%dma_start3A_968, %dma_start3A_971, %dma_start3A_972] : memref<6x128x128xf32, #tpu.memory_space<vmem>> -> memref<1x128x128xf32, #tpu.memory_space<vmem>>
    %dma_start3A_974 = tpu.memref_squeeze %dma_start3A_973 : memref<1x128x128xf32, #tpu.memory_space<vmem>> -> memref<128x128xf32, #tpu.memory_space<vmem>>
    %dma_start3A_975 = arith.constant 0 : i32
    %dma_start3A_976 = arith.constant 0 : i32
    %dma_start3A_977 = tpu.memref_slice %arg4[%add3A, %dma_start3A_969, %dma_start3A_975, %dma_start3A_976] : memref<32x26x128x128xf32, #tpu.memory_space<hbm>> -> memref<1x1x128x128xf32, #tpu.memory_space<hbm>>
    %dma_start3A_978 = tpu.memref_squeeze %dma_start3A_977 : memref<1x1x128x128xf32, #tpu.memory_space<hbm>> -> memref<128x128xf32, #tpu.memory_space<hbm>>
    %dma_start3A_979 = tpu.memref_slice %arg8[%dma_start3A_970] : memref<6x!tpu.dma_semaphore, #tpu.memory_space<semaphore_mem>> -> memref<1x!tpu.dma_semaphore, #tpu.memory_space<semaphore_mem>>
    %dma_start3A_980 = tpu.memref_squeeze %dma_start3A_979 : memref<1x!tpu.dma_semaphore, #tpu.memory_space<semaphore_mem>> -> memref<!tpu.dma_semaphore, #tpu.memory_space<semaphore_mem>>
    %dma_start3A_981 = arith.constant 0 : i32
    %dma_start3A_982 = arith.constant 0 : i32
    %dma_start3A_983 = tpu.memref_slice %arg4[%add3A, %dma_start3A_969, %dma_start3A_981, %dma_start3A_982] : memref<32x26x128x128xf32, #tpu.memory_space<hbm>> -> memref<1x1x128x128xf32, #tpu.memory_space<hbm>>
    %dma_start3A_984 = tpu.memref_squeeze %dma_start3A_983 : memref<1x1x128x128xf32, #tpu.memory_space<hbm>> -> memref<128x128xf32, #tpu.memory_space<hbm>>
    %dma_start3A_985 = arith.constant 0 : i32
    %dma_start3A_986 = arith.constant 0 : i32
    %dma_start3A_987 = tpu.memref_slice %arg6[%dma_start3A_968, %dma_start3A_985, %dma_start3A_986] : memref<6x128x128xf32, #tpu.memory_space<vmem>> -> memref<1x128x128xf32, #tpu.memory_space<vmem>>
    %dma_start3A_988 = tpu.memref_squeeze %dma_start3A_987 : memref<1x128x128xf32, #tpu.memory_space<vmem>> -> memref<128x128xf32, #tpu.memory_space<vmem>>
    tpu.enqueue_dma source(%dma_start3A_988 : memref<128x128xf32, #tpu.memory_space<vmem>>) target(%dma_start3A_984 : memref<128x128xf32, #tpu.memory_space<hbm>>) target_semaphore(%dma_start3A_980 : memref<!tpu.dma_semaphore, #tpu.memory_space<semaphore_mem>>)
    %dma_wait3A_989 = arith.constant 0 : i32
    %dma_wait3A_990 = arith.constant 12 : i32
    %dma_wait3A_991 = arith.constant 0 : i32
    %dma_wait3A_992 = arith.constant 0 : i32
    %dma_wait3A_993 = arith.constant 0 : i32
    %dma_wait3A_994 = tpu.memref_slice %arg6[%dma_wait3A_989, %dma_wait3A_992, %dma_wait3A_993] : memref<6x128x128xf32, #tpu.memory_space<vmem>> -> memref<1x128x128xf32, #tpu.memory_space<vmem>>
    %dma_wait3A_995 = tpu.memref_squeeze %dma_wait3A_994 : memref<1x128x128xf32, #tpu.memory_space<vmem>> -> memref<128x128xf32, #tpu.memory_space<vmem>>
    %dma_wait3A_996 = arith.constant 0 : i32
    %dma_wait3A_997 = arith.constant 0 : i32
    %dma_wait3A_998 = tpu.memref_slice %arg4[%add3A, %dma_wait3A_990, %dma_wait3A_996, %dma_wait3A_997] : memref<32x26x128x128xf32, #tpu.memory_space<hbm>> -> memref<1x1x128x128xf32, #tpu.memory_space<hbm>>
    %dma_wait3A_999 = tpu.memref_squeeze %dma_wait3A_998 : memref<1x1x128x128xf32, #tpu.memory_space<hbm>> -> memref<128x128xf32, #tpu.memory_space<hbm>>
    %dma_wait3A_1000 = tpu.memref_slice %arg8[%dma_wait3A_991] : memref<6x!tpu.dma_semaphore, #tpu.memory_space<semaphore_mem>> -> memref<1x!tpu.dma_semaphore, #tpu.memory_space<semaphore_mem>>
    %dma_wait3A_1001 = tpu.memref_squeeze %dma_wait3A_1000 : memref<1x!tpu.dma_semaphore, #tpu.memory_space<semaphore_mem>> -> memref<!tpu.dma_semaphore, #tpu.memory_space<semaphore_mem>>
    %dma_wait3A_1002 = arith.constant 0 : i32
    %dma_wait3A_1003 = arith.constant 0 : i32
    %dma_wait3A_1004 = tpu.memref_slice %arg4[%add3A, %dma_wait3A_990, %dma_wait3A_1002, %dma_wait3A_1003] : memref<32x26x128x128xf32, #tpu.memory_space<hbm>> -> memref<1x1x128x128xf32, #tpu.memory_space<hbm>>
    %dma_wait3A_1005 = tpu.memref_squeeze %dma_wait3A_1004 : memref<1x1x128x128xf32, #tpu.memory_space<hbm>> -> memref<128x128xf32, #tpu.memory_space<hbm>>
    %dma_wait3A_1006 = arith.constant 0 : i32
    %dma_wait3A_1007 = arith.constant 0 : i32
    %dma_wait3A_1008 = tpu.memref_slice %arg6[%dma_wait3A_989, %dma_wait3A_1006, %dma_wait3A_1007] : memref<6x128x128xf32, #tpu.memory_space<vmem>> -> memref<1x128x128xf32, #tpu.memory_space<vmem>>
    %dma_wait3A_1009 = tpu.memref_squeeze %dma_wait3A_1008 : memref<1x128x128xf32, #tpu.memory_space<vmem>> -> memref<128x128xf32, #tpu.memory_space<vmem>>
    tpu.wait_dma2 semaphore(%dma_wait3A_1001 : memref<!tpu.dma_semaphore, #tpu.memory_space<semaphore_mem>>) src(%dma_wait3A_1009 : memref<128x128xf32, #tpu.memory_space<vmem>>) dst(%dma_wait3A_1005 : memref<128x128xf32, #tpu.memory_space<hbm>>)
    %dma_start3A_1010 = arith.constant 18 : i32
    %dma_start3A_1011 = arith.constant 0 : i32
    %dma_start3A_1012 = arith.constant 0 : i32
    %dma_start3A_1013 = arith.constant 0 : i32
    %dma_start3A_1014 = arith.constant 0 : i32
    %dma_start3A_1015 = tpu.memref_slice %arg6[%dma_start3A_1011, %dma_start3A_1013, %dma_start3A_1014] : memref<6x128x128xf32, #tpu.memory_space<vmem>> -> memref<1x128x128xf32, #tpu.memory_space<vmem>>
    %dma_start3A_1016 = tpu.memref_squeeze %dma_start3A_1015 : memref<1x128x128xf32, #tpu.memory_space<vmem>> -> memref<128x128xf32, #tpu.memory_space<vmem>>
    %dma_start3A_1017 = arith.constant 0 : i32
    %dma_start3A_1018 = tpu.memref_slice %arg5[%dma_start3A_1010, %dma_start3A_1017] : memref<26x128xi32, #tpu.memory_space<vmem>> -> memref<1x128xi32, #tpu.memory_space<vmem>>
    %dma_start3A_1019 = tpu.memref_squeeze %dma_start3A_1018 : memref<1x128xi32, #tpu.memory_space<vmem>> -> memref<128xi32, #tpu.memory_space<vmem>>
    %dma_start3A_1020 = arith.constant 0 : i32
    %dma_start3A_1021 = arith.constant 0 : i32
    %dma_start3A_1022 = tpu.memref_slice %arg2[%dma_start3A_1020, %dma_start3A_1021] : memref<1000000x128xf32, #tpu.memory_space<hbm>> -> memref<1000000x128xf32, #tpu.memory_space<hbm>>
    %dma_start3A_1023 = tpu.memref_slice %arg7[%dma_start3A_1012] : memref<6x!tpu.dma_semaphore, #tpu.memory_space<semaphore_mem>> -> memref<1x!tpu.dma_semaphore, #tpu.memory_space<semaphore_mem>>
    %dma_start3A_1024 = tpu.memref_squeeze %dma_start3A_1023 : memref<1x!tpu.dma_semaphore, #tpu.memory_space<semaphore_mem>> -> memref<!tpu.dma_semaphore, #tpu.memory_space<semaphore_mem>>
    tpu.enqueue_indirect_dma source(%dma_start3A_1022 : memref<1000000x128xf32, #tpu.memory_space<hbm>>) target(%dma_start3A_1016 : memref<128x128xf32, #tpu.memory_space<vmem>>) offsets(%dma_start3A_1019 : memref<128xi32, #tpu.memory_space<vmem>>) semaphore(%dma_start3A_1024 : memref<!tpu.dma_semaphore, #tpu.memory_space<semaphore_mem>>)
    %dma_wait3A_1025 = arith.constant 13 : i32
    %dma_wait3A_1026 = arith.constant 1 : i32
    %dma_wait3A_1027 = arith.constant 1 : i32
    %dma_wait3A_1028 = arith.constant 0 : i32
    %dma_wait3A_1029 = arith.constant 0 : i32
    %dma_wait3A_1030 = tpu.memref_slice %arg6[%dma_wait3A_1026, %dma_wait3A_1028, %dma_wait3A_1029] : memref<6x128x128xf32, #tpu.memory_space<vmem>> -> memref<1x128x128xf32, #tpu.memory_space<vmem>>
    %dma_wait3A_1031 = tpu.memref_squeeze %dma_wait3A_1030 : memref<1x128x128xf32, #tpu.memory_space<vmem>> -> memref<128x128xf32, #tpu.memory_space<vmem>>
    %dma_wait3A_1032 = arith.constant 0 : i32
    %dma_wait3A_1033 = tpu.memref_slice %arg5[%dma_wait3A_1025, %dma_wait3A_1032] : memref<26x128xi32, #tpu.memory_space<vmem>> -> memref<1x128xi32, #tpu.memory_space<vmem>>
    %dma_wait3A_1034 = tpu.memref_squeeze %dma_wait3A_1033 : memref<1x128xi32, #tpu.memory_space<vmem>> -> memref<128xi32, #tpu.memory_space<vmem>>
    %dma_wait3A_1035 = arith.constant 0 : i32
    %dma_wait3A_1036 = arith.constant 0 : i32
    %dma_wait3A_1037 = tpu.memref_slice %arg2[%dma_wait3A_1035, %dma_wait3A_1036] : memref<1000000x128xf32, #tpu.memory_space<hbm>> -> memref<1000000x128xf32, #tpu.memory_space<hbm>>
    %dma_wait3A_1038 = tpu.memref_slice %arg7[%dma_wait3A_1027] : memref<6x!tpu.dma_semaphore, #tpu.memory_space<semaphore_mem>> -> memref<1x!tpu.dma_semaphore, #tpu.memory_space<semaphore_mem>>
    %dma_wait3A_1039 = tpu.memref_squeeze %dma_wait3A_1038 : memref<1x!tpu.dma_semaphore, #tpu.memory_space<semaphore_mem>> -> memref<!tpu.dma_semaphore, #tpu.memory_space<semaphore_mem>>
    tpu.wait_indirect_dma semaphore(%dma_wait3A_1039 : memref<!tpu.dma_semaphore, #tpu.memory_space<semaphore_mem>>) src(%dma_wait3A_1037 : memref<1000000x128xf32, #tpu.memory_space<hbm>>) dst(%dma_wait3A_1031 : memref<128x128xf32, #tpu.memory_space<vmem>>)
    %dma_start3A_1040 = arith.constant 1 : i32
    %dma_start3A_1041 = arith.constant 13 : i32
    %dma_start3A_1042 = arith.constant 1 : i32
    %dma_start3A_1043 = arith.constant 0 : i32
    %dma_start3A_1044 = arith.constant 0 : i32
    %dma_start3A_1045 = tpu.memref_slice %arg6[%dma_start3A_1040, %dma_start3A_1043, %dma_start3A_1044] : memref<6x128x128xf32, #tpu.memory_space<vmem>> -> memref<1x128x128xf32, #tpu.memory_space<vmem>>
    %dma_start3A_1046 = tpu.memref_squeeze %dma_start3A_1045 : memref<1x128x128xf32, #tpu.memory_space<vmem>> -> memref<128x128xf32, #tpu.memory_space<vmem>>
    %dma_start3A_1047 = arith.constant 0 : i32
    %dma_start3A_1048 = arith.constant 0 : i32
    %dma_start3A_1049 = tpu.memref_slice %arg4[%add3A, %dma_start3A_1041, %dma_start3A_1047, %dma_start3A_1048] : memref<32x26x128x128xf32, #tpu.memory_space<hbm>> -> memref<1x1x128x128xf32, #tpu.memory_space<hbm>>
    %dma_start3A_1050 = tpu.memref_squeeze %dma_start3A_1049 : memref<1x1x128x128xf32, #tpu.memory_space<hbm>> -> memref<128x128xf32, #tpu.memory_space<hbm>>
    %dma_start3A_1051 = tpu.memref_slice %arg8[%dma_start3A_1042] : memref<6x!tpu.dma_semaphore, #tpu.memory_space<semaphore_mem>> -> memref<1x!tpu.dma_semaphore, #tpu.memory_space<semaphore_mem>>
    %dma_start3A_1052 = tpu.memref_squeeze %dma_start3A_1051 : memref<1x!tpu.dma_semaphore, #tpu.memory_space<semaphore_mem>> -> memref<!tpu.dma_semaphore, #tpu.memory_space<semaphore_mem>>
    %dma_start3A_1053 = arith.constant 0 : i32
    %dma_start3A_1054 = arith.constant 0 : i32
    %dma_start3A_1055 = tpu.memref_slice %arg4[%add3A, %dma_start3A_1041, %dma_start3A_1053, %dma_start3A_1054] : memref<32x26x128x128xf32, #tpu.memory_space<hbm>> -> memref<1x1x128x128xf32, #tpu.memory_space<hbm>>
    %dma_start3A_1056 = tpu.memref_squeeze %dma_start3A_1055 : memref<1x1x128x128xf32, #tpu.memory_space<hbm>> -> memref<128x128xf32, #tpu.memory_space<hbm>>
    %dma_start3A_1057 = arith.constant 0 : i32
    %dma_start3A_1058 = arith.constant 0 : i32
    %dma_start3A_1059 = tpu.memref_slice %arg6[%dma_start3A_1040, %dma_start3A_1057, %dma_start3A_1058] : memref<6x128x128xf32, #tpu.memory_space<vmem>> -> memref<1x128x128xf32, #tpu.memory_space<vmem>>
    %dma_start3A_1060 = tpu.memref_squeeze %dma_start3A_1059 : memref<1x128x128xf32, #tpu.memory_space<vmem>> -> memref<128x128xf32, #tpu.memory_space<vmem>>
    tpu.enqueue_dma source(%dma_start3A_1060 : memref<128x128xf32, #tpu.memory_space<vmem>>) target(%dma_start3A_1056 : memref<128x128xf32, #tpu.memory_space<hbm>>) target_semaphore(%dma_start3A_1052 : memref<!tpu.dma_semaphore, #tpu.memory_space<semaphore_mem>>)
    %dma_wait3A_1061 = arith.constant 1 : i32
    %dma_wait3A_1062 = arith.constant 13 : i32
    %dma_wait3A_1063 = arith.constant 1 : i32
    %dma_wait3A_1064 = arith.constant 0 : i32
    %dma_wait3A_1065 = arith.constant 0 : i32
    %dma_wait3A_1066 = tpu.memref_slice %arg6[%dma_wait3A_1061, %dma_wait3A_1064, %dma_wait3A_1065] : memref<6x128x128xf32, #tpu.memory_space<vmem>> -> memref<1x128x128xf32, #tpu.memory_space<vmem>>
    %dma_wait3A_1067 = tpu.memref_squeeze %dma_wait3A_1066 : memref<1x128x128xf32, #tpu.memory_space<vmem>> -> memref<128x128xf32, #tpu.memory_space<vmem>>
    %dma_wait3A_1068 = arith.constant 0 : i32
    %dma_wait3A_1069 = arith.constant 0 : i32
    %dma_wait3A_1070 = tpu.memref_slice %arg4[%add3A, %dma_wait3A_1062, %dma_wait3A_1068, %dma_wait3A_1069] : memref<32x26x128x128xf32, #tpu.memory_space<hbm>> -> memref<1x1x128x128xf32, #tpu.memory_space<hbm>>
    %dma_wait3A_1071 = tpu.memref_squeeze %dma_wait3A_1070 : memref<1x1x128x128xf32, #tpu.memory_space<hbm>> -> memref<128x128xf32, #tpu.memory_space<hbm>>
    %dma_wait3A_1072 = tpu.memref_slice %arg8[%dma_wait3A_1063] : memref<6x!tpu.dma_semaphore, #tpu.memory_space<semaphore_mem>> -> memref<1x!tpu.dma_semaphore, #tpu.memory_space<semaphore_mem>>
    %dma_wait3A_1073 = tpu.memref_squeeze %dma_wait3A_1072 : memref<1x!tpu.dma_semaphore, #tpu.memory_space<semaphore_mem>> -> memref<!tpu.dma_semaphore, #tpu.memory_space<semaphore_mem>>
    %dma_wait3A_1074 = arith.constant 0 : i32
    %dma_wait3A_1075 = arith.constant 0 : i32
    %dma_wait3A_1076 = tpu.memref_slice %arg4[%add3A, %dma_wait3A_1062, %dma_wait3A_1074, %dma_wait3A_1075] : memref<32x26x128x128xf32, #tpu.memory_space<hbm>> -> memref<1x1x128x128xf32, #tpu.memory_space<hbm>>
    %dma_wait3A_1077 = tpu.memref_squeeze %dma_wait3A_1076 : memref<1x1x128x128xf32, #tpu.memory_space<hbm>> -> memref<128x128xf32, #tpu.memory_space<hbm>>
    %dma_wait3A_1078 = arith.constant 0 : i32
    %dma_wait3A_1079 = arith.constant 0 : i32
    %dma_wait3A_1080 = tpu.memref_slice %arg6[%dma_wait3A_1061, %dma_wait3A_1078, %dma_wait3A_1079] : memref<6x128x128xf32, #tpu.memory_space<vmem>> -> memref<1x128x128xf32, #tpu.memory_space<vmem>>
    %dma_wait3A_1081 = tpu.memref_squeeze %dma_wait3A_1080 : memref<1x128x128xf32, #tpu.memory_space<vmem>> -> memref<128x128xf32, #tpu.memory_space<vmem>>
    tpu.wait_dma2 semaphore(%dma_wait3A_1073 : memref<!tpu.dma_semaphore, #tpu.memory_space<semaphore_mem>>) src(%dma_wait3A_1081 : memref<128x128xf32, #tpu.memory_space<vmem>>) dst(%dma_wait3A_1077 : memref<128x128xf32, #tpu.memory_space<hbm>>)
    %dma_start3A_1082 = arith.constant 19 : i32
    %dma_start3A_1083 = arith.constant 1 : i32
    %dma_start3A_1084 = arith.constant 1 : i32
    %dma_start3A_1085 = arith.constant 0 : i32
    %dma_start3A_1086 = arith.constant 0 : i32
    %dma_start3A_1087 = tpu.memref_slice %arg6[%dma_start3A_1083, %dma_start3A_1085, %dma_start3A_1086] : memref<6x128x128xf32, #tpu.memory_space<vmem>> -> memref<1x128x128xf32, #tpu.memory_space<vmem>>
    %dma_start3A_1088 = tpu.memref_squeeze %dma_start3A_1087 : memref<1x128x128xf32, #tpu.memory_space<vmem>> -> memref<128x128xf32, #tpu.memory_space<vmem>>
    %dma_start3A_1089 = arith.constant 0 : i32
    %dma_start3A_1090 = tpu.memref_slice %arg5[%dma_start3A_1082, %dma_start3A_1089] : memref<26x128xi32, #tpu.memory_space<vmem>> -> memref<1x128xi32, #tpu.memory_space<vmem>>
    %dma_start3A_1091 = tpu.memref_squeeze %dma_start3A_1090 : memref<1x128xi32, #tpu.memory_space<vmem>> -> memref<128xi32, #tpu.memory_space<vmem>>
    %dma_start3A_1092 = arith.constant 0 : i32
    %dma_start3A_1093 = arith.constant 0 : i32
    %dma_start3A_1094 = tpu.memref_slice %arg2[%dma_start3A_1092, %dma_start3A_1093] : memref<1000000x128xf32, #tpu.memory_space<hbm>> -> memref<1000000x128xf32, #tpu.memory_space<hbm>>
    %dma_start3A_1095 = tpu.memref_slice %arg7[%dma_start3A_1084] : memref<6x!tpu.dma_semaphore, #tpu.memory_space<semaphore_mem>> -> memref<1x!tpu.dma_semaphore, #tpu.memory_space<semaphore_mem>>
    %dma_start3A_1096 = tpu.memref_squeeze %dma_start3A_1095 : memref<1x!tpu.dma_semaphore, #tpu.memory_space<semaphore_mem>> -> memref<!tpu.dma_semaphore, #tpu.memory_space<semaphore_mem>>
    tpu.enqueue_indirect_dma source(%dma_start3A_1094 : memref<1000000x128xf32, #tpu.memory_space<hbm>>) target(%dma_start3A_1088 : memref<128x128xf32, #tpu.memory_space<vmem>>) offsets(%dma_start3A_1091 : memref<128xi32, #tpu.memory_space<vmem>>) semaphore(%dma_start3A_1096 : memref<!tpu.dma_semaphore, #tpu.memory_space<semaphore_mem>>)
    %dma_wait3A_1097 = arith.constant 14 : i32
    %dma_wait3A_1098 = arith.constant 2 : i32
    %dma_wait3A_1099 = arith.constant 2 : i32
    %dma_wait3A_1100 = arith.constant 0 : i32
    %dma_wait3A_1101 = arith.constant 0 : i32
    %dma_wait3A_1102 = tpu.memref_slice %arg6[%dma_wait3A_1098, %dma_wait3A_1100, %dma_wait3A_1101] : memref<6x128x128xf32, #tpu.memory_space<vmem>> -> memref<1x128x128xf32, #tpu.memory_space<vmem>>
    %dma_wait3A_1103 = tpu.memref_squeeze %dma_wait3A_1102 : memref<1x128x128xf32, #tpu.memory_space<vmem>> -> memref<128x128xf32, #tpu.memory_space<vmem>>
    %dma_wait3A_1104 = arith.constant 0 : i32
    %dma_wait3A_1105 = tpu.memref_slice %arg5[%dma_wait3A_1097, %dma_wait3A_1104] : memref<26x128xi32, #tpu.memory_space<vmem>> -> memref<1x128xi32, #tpu.memory_space<vmem>>
    %dma_wait3A_1106 = tpu.memref_squeeze %dma_wait3A_1105 : memref<1x128xi32, #tpu.memory_space<vmem>> -> memref<128xi32, #tpu.memory_space<vmem>>
    %dma_wait3A_1107 = arith.constant 0 : i32
    %dma_wait3A_1108 = arith.constant 0 : i32
    %dma_wait3A_1109 = tpu.memref_slice %arg2[%dma_wait3A_1107, %dma_wait3A_1108] : memref<1000000x128xf32, #tpu.memory_space<hbm>> -> memref<1000000x128xf32, #tpu.memory_space<hbm>>
    %dma_wait3A_1110 = tpu.memref_slice %arg7[%dma_wait3A_1099] : memref<6x!tpu.dma_semaphore, #tpu.memory_space<semaphore_mem>> -> memref<1x!tpu.dma_semaphore, #tpu.memory_space<semaphore_mem>>
    %dma_wait3A_1111 = tpu.memref_squeeze %dma_wait3A_1110 : memref<1x!tpu.dma_semaphore, #tpu.memory_space<semaphore_mem>> -> memref<!tpu.dma_semaphore, #tpu.memory_space<semaphore_mem>>
    tpu.wait_indirect_dma semaphore(%dma_wait3A_1111 : memref<!tpu.dma_semaphore, #tpu.memory_space<semaphore_mem>>) src(%dma_wait3A_1109 : memref<1000000x128xf32, #tpu.memory_space<hbm>>) dst(%dma_wait3A_1103 : memref<128x128xf32, #tpu.memory_space<vmem>>)
    %dma_start3A_1112 = arith.constant 2 : i32
    %dma_start3A_1113 = arith.constant 14 : i32
    %dma_start3A_1114 = arith.constant 2 : i32
    %dma_start3A_1115 = arith.constant 0 : i32
    %dma_start3A_1116 = arith.constant 0 : i32
    %dma_start3A_1117 = tpu.memref_slice %arg6[%dma_start3A_1112, %dma_start3A_1115, %dma_start3A_1116] : memref<6x128x128xf32, #tpu.memory_space<vmem>> -> memref<1x128x128xf32, #tpu.memory_space<vmem>>
    %dma_start3A_1118 = tpu.memref_squeeze %dma_start3A_1117 : memref<1x128x128xf32, #tpu.memory_space<vmem>> -> memref<128x128xf32, #tpu.memory_space<vmem>>
    %dma_start3A_1119 = arith.constant 0 : i32
    %dma_start3A_1120 = arith.constant 0 : i32
    %dma_start3A_1121 = tpu.memref_slice %arg4[%add3A, %dma_start3A_1113, %dma_start3A_1119, %dma_start3A_1120] : memref<32x26x128x128xf32, #tpu.memory_space<hbm>> -> memref<1x1x128x128xf32, #tpu.memory_space<hbm>>
    %dma_start3A_1122 = tpu.memref_squeeze %dma_start3A_1121 : memref<1x1x128x128xf32, #tpu.memory_space<hbm>> -> memref<128x128xf32, #tpu.memory_space<hbm>>
    %dma_start3A_1123 = tpu.memref_slice %arg8[%dma_start3A_1114] : memref<6x!tpu.dma_semaphore, #tpu.memory_space<semaphore_mem>> -> memref<1x!tpu.dma_semaphore, #tpu.memory_space<semaphore_mem>>
    %dma_start3A_1124 = tpu.memref_squeeze %dma_start3A_1123 : memref<1x!tpu.dma_semaphore, #tpu.memory_space<semaphore_mem>> -> memref<!tpu.dma_semaphore, #tpu.memory_space<semaphore_mem>>
    %dma_start3A_1125 = arith.constant 0 : i32
    %dma_start3A_1126 = arith.constant 0 : i32
    %dma_start3A_1127 = tpu.memref_slice %arg4[%add3A, %dma_start3A_1113, %dma_start3A_1125, %dma_start3A_1126] : memref<32x26x128x128xf32, #tpu.memory_space<hbm>> -> memref<1x1x128x128xf32, #tpu.memory_space<hbm>>
    %dma_start3A_1128 = tpu.memref_squeeze %dma_start3A_1127 : memref<1x1x128x128xf32, #tpu.memory_space<hbm>> -> memref<128x128xf32, #tpu.memory_space<hbm>>
    %dma_start3A_1129 = arith.constant 0 : i32
    %dma_start3A_1130 = arith.constant 0 : i32
    %dma_start3A_1131 = tpu.memref_slice %arg6[%dma_start3A_1112, %dma_start3A_1129, %dma_start3A_1130] : memref<6x128x128xf32, #tpu.memory_space<vmem>> -> memref<1x128x128xf32, #tpu.memory_space<vmem>>
    %dma_start3A_1132 = tpu.memref_squeeze %dma_start3A_1131 : memref<1x128x128xf32, #tpu.memory_space<vmem>> -> memref<128x128xf32, #tpu.memory_space<vmem>>
    tpu.enqueue_dma source(%dma_start3A_1132 : memref<128x128xf32, #tpu.memory_space<vmem>>) target(%dma_start3A_1128 : memref<128x128xf32, #tpu.memory_space<hbm>>) target_semaphore(%dma_start3A_1124 : memref<!tpu.dma_semaphore, #tpu.memory_space<semaphore_mem>>)
    %dma_wait3A_1133 = arith.constant 2 : i32
    %dma_wait3A_1134 = arith.constant 14 : i32
    %dma_wait3A_1135 = arith.constant 2 : i32
    %dma_wait3A_1136 = arith.constant 0 : i32
    %dma_wait3A_1137 = arith.constant 0 : i32
    %dma_wait3A_1138 = tpu.memref_slice %arg6[%dma_wait3A_1133, %dma_wait3A_1136, %dma_wait3A_1137] : memref<6x128x128xf32, #tpu.memory_space<vmem>> -> memref<1x128x128xf32, #tpu.memory_space<vmem>>
    %dma_wait3A_1139 = tpu.memref_squeeze %dma_wait3A_1138 : memref<1x128x128xf32, #tpu.memory_space<vmem>> -> memref<128x128xf32, #tpu.memory_space<vmem>>
    %dma_wait3A_1140 = arith.constant 0 : i32
    %dma_wait3A_1141 = arith.constant 0 : i32
    %dma_wait3A_1142 = tpu.memref_slice %arg4[%add3A, %dma_wait3A_1134, %dma_wait3A_1140, %dma_wait3A_1141] : memref<32x26x128x128xf32, #tpu.memory_space<hbm>> -> memref<1x1x128x128xf32, #tpu.memory_space<hbm>>
    %dma_wait3A_1143 = tpu.memref_squeeze %dma_wait3A_1142 : memref<1x1x128x128xf32, #tpu.memory_space<hbm>> -> memref<128x128xf32, #tpu.memory_space<hbm>>
    %dma_wait3A_1144 = tpu.memref_slice %arg8[%dma_wait3A_1135] : memref<6x!tpu.dma_semaphore, #tpu.memory_space<semaphore_mem>> -> memref<1x!tpu.dma_semaphore, #tpu.memory_space<semaphore_mem>>
    %dma_wait3A_1145 = tpu.memref_squeeze %dma_wait3A_1144 : memref<1x!tpu.dma_semaphore, #tpu.memory_space<semaphore_mem>> -> memref<!tpu.dma_semaphore, #tpu.memory_space<semaphore_mem>>
    %dma_wait3A_1146 = arith.constant 0 : i32
    %dma_wait3A_1147 = arith.constant 0 : i32
    %dma_wait3A_1148 = tpu.memref_slice %arg4[%add3A, %dma_wait3A_1134, %dma_wait3A_1146, %dma_wait3A_1147] : memref<32x26x128x128xf32, #tpu.memory_space<hbm>> -> memref<1x1x128x128xf32, #tpu.memory_space<hbm>>
    %dma_wait3A_1149 = tpu.memref_squeeze %dma_wait3A_1148 : memref<1x1x128x128xf32, #tpu.memory_space<hbm>> -> memref<128x128xf32, #tpu.memory_space<hbm>>
    %dma_wait3A_1150 = arith.constant 0 : i32
    %dma_wait3A_1151 = arith.constant 0 : i32
    %dma_wait3A_1152 = tpu.memref_slice %arg6[%dma_wait3A_1133, %dma_wait3A_1150, %dma_wait3A_1151] : memref<6x128x128xf32, #tpu.memory_space<vmem>> -> memref<1x128x128xf32, #tpu.memory_space<vmem>>
    %dma_wait3A_1153 = tpu.memref_squeeze %dma_wait3A_1152 : memref<1x128x128xf32, #tpu.memory_space<vmem>> -> memref<128x128xf32, #tpu.memory_space<vmem>>
    tpu.wait_dma2 semaphore(%dma_wait3A_1145 : memref<!tpu.dma_semaphore, #tpu.memory_space<semaphore_mem>>) src(%dma_wait3A_1153 : memref<128x128xf32, #tpu.memory_space<vmem>>) dst(%dma_wait3A_1149 : memref<128x128xf32, #tpu.memory_space<hbm>>)
    %dma_start3A_1154 = arith.constant 20 : i32
    %dma_start3A_1155 = arith.constant 2 : i32
    %dma_start3A_1156 = arith.constant 2 : i32
    %dma_start3A_1157 = arith.constant 0 : i32
    %dma_start3A_1158 = arith.constant 0 : i32
    %dma_start3A_1159 = tpu.memref_slice %arg6[%dma_start3A_1155, %dma_start3A_1157, %dma_start3A_1158] : memref<6x128x128xf32, #tpu.memory_space<vmem>> -> memref<1x128x128xf32, #tpu.memory_space<vmem>>
    %dma_start3A_1160 = tpu.memref_squeeze %dma_start3A_1159 : memref<1x128x128xf32, #tpu.memory_space<vmem>> -> memref<128x128xf32, #tpu.memory_space<vmem>>
    %dma_start3A_1161 = arith.constant 0 : i32
    %dma_start3A_1162 = tpu.memref_slice %arg5[%dma_start3A_1154, %dma_start3A_1161] : memref<26x128xi32, #tpu.memory_space<vmem>> -> memref<1x128xi32, #tpu.memory_space<vmem>>
    %dma_start3A_1163 = tpu.memref_squeeze %dma_start3A_1162 : memref<1x128xi32, #tpu.memory_space<vmem>> -> memref<128xi32, #tpu.memory_space<vmem>>
    %dma_start3A_1164 = arith.constant 0 : i32
    %dma_start3A_1165 = arith.constant 0 : i32
    %dma_start3A_1166 = tpu.memref_slice %arg2[%dma_start3A_1164, %dma_start3A_1165] : memref<1000000x128xf32, #tpu.memory_space<hbm>> -> memref<1000000x128xf32, #tpu.memory_space<hbm>>
    %dma_start3A_1167 = tpu.memref_slice %arg7[%dma_start3A_1156] : memref<6x!tpu.dma_semaphore, #tpu.memory_space<semaphore_mem>> -> memref<1x!tpu.dma_semaphore, #tpu.memory_space<semaphore_mem>>
    %dma_start3A_1168 = tpu.memref_squeeze %dma_start3A_1167 : memref<1x!tpu.dma_semaphore, #tpu.memory_space<semaphore_mem>> -> memref<!tpu.dma_semaphore, #tpu.memory_space<semaphore_mem>>
    tpu.enqueue_indirect_dma source(%dma_start3A_1166 : memref<1000000x128xf32, #tpu.memory_space<hbm>>) target(%dma_start3A_1160 : memref<128x128xf32, #tpu.memory_space<vmem>>) offsets(%dma_start3A_1163 : memref<128xi32, #tpu.memory_space<vmem>>) semaphore(%dma_start3A_1168 : memref<!tpu.dma_semaphore, #tpu.memory_space<semaphore_mem>>)
    %dma_wait3A_1169 = arith.constant 15 : i32
    %dma_wait3A_1170 = arith.constant 3 : i32
    %dma_wait3A_1171 = arith.constant 3 : i32
    %dma_wait3A_1172 = arith.constant 0 : i32
    %dma_wait3A_1173 = arith.constant 0 : i32
    %dma_wait3A_1174 = tpu.memref_slice %arg6[%dma_wait3A_1170, %dma_wait3A_1172, %dma_wait3A_1173] : memref<6x128x128xf32, #tpu.memory_space<vmem>> -> memref<1x128x128xf32, #tpu.memory_space<vmem>>
    %dma_wait3A_1175 = tpu.memref_squeeze %dma_wait3A_1174 : memref<1x128x128xf32, #tpu.memory_space<vmem>> -> memref<128x128xf32, #tpu.memory_space<vmem>>
    %dma_wait3A_1176 = arith.constant 0 : i32
    %dma_wait3A_1177 = tpu.memref_slice %arg5[%dma_wait3A_1169, %dma_wait3A_1176] : memref<26x128xi32, #tpu.memory_space<vmem>> -> memref<1x128xi32, #tpu.memory_space<vmem>>
    %dma_wait3A_1178 = tpu.memref_squeeze %dma_wait3A_1177 : memref<1x128xi32, #tpu.memory_space<vmem>> -> memref<128xi32, #tpu.memory_space<vmem>>
    %dma_wait3A_1179 = arith.constant 0 : i32
    %dma_wait3A_1180 = arith.constant 0 : i32
    %dma_wait3A_1181 = tpu.memref_slice %arg2[%dma_wait3A_1179, %dma_wait3A_1180] : memref<1000000x128xf32, #tpu.memory_space<hbm>> -> memref<1000000x128xf32, #tpu.memory_space<hbm>>
    %dma_wait3A_1182 = tpu.memref_slice %arg7[%dma_wait3A_1171] : memref<6x!tpu.dma_semaphore, #tpu.memory_space<semaphore_mem>> -> memref<1x!tpu.dma_semaphore, #tpu.memory_space<semaphore_mem>>
    %dma_wait3A_1183 = tpu.memref_squeeze %dma_wait3A_1182 : memref<1x!tpu.dma_semaphore, #tpu.memory_space<semaphore_mem>> -> memref<!tpu.dma_semaphore, #tpu.memory_space<semaphore_mem>>
    tpu.wait_indirect_dma semaphore(%dma_wait3A_1183 : memref<!tpu.dma_semaphore, #tpu.memory_space<semaphore_mem>>) src(%dma_wait3A_1181 : memref<1000000x128xf32, #tpu.memory_space<hbm>>) dst(%dma_wait3A_1175 : memref<128x128xf32, #tpu.memory_space<vmem>>)
    %dma_start3A_1184 = arith.constant 3 : i32
    %dma_start3A_1185 = arith.constant 15 : i32
    %dma_start3A_1186 = arith.constant 3 : i32
    %dma_start3A_1187 = arith.constant 0 : i32
    %dma_start3A_1188 = arith.constant 0 : i32
    %dma_start3A_1189 = tpu.memref_slice %arg6[%dma_start3A_1184, %dma_start3A_1187, %dma_start3A_1188] : memref<6x128x128xf32, #tpu.memory_space<vmem>> -> memref<1x128x128xf32, #tpu.memory_space<vmem>>
    %dma_start3A_1190 = tpu.memref_squeeze %dma_start3A_1189 : memref<1x128x128xf32, #tpu.memory_space<vmem>> -> memref<128x128xf32, #tpu.memory_space<vmem>>
    %dma_start3A_1191 = arith.constant 0 : i32
    %dma_start3A_1192 = arith.constant 0 : i32
    %dma_start3A_1193 = tpu.memref_slice %arg4[%add3A, %dma_start3A_1185, %dma_start3A_1191, %dma_start3A_1192] : memref<32x26x128x128xf32, #tpu.memory_space<hbm>> -> memref<1x1x128x128xf32, #tpu.memory_space<hbm>>
    %dma_start3A_1194 = tpu.memref_squeeze %dma_start3A_1193 : memref<1x1x128x128xf32, #tpu.memory_space<hbm>> -> memref<128x128xf32, #tpu.memory_space<hbm>>
    %dma_start3A_1195 = tpu.memref_slice %arg8[%dma_start3A_1186] : memref<6x!tpu.dma_semaphore, #tpu.memory_space<semaphore_mem>> -> memref<1x!tpu.dma_semaphore, #tpu.memory_space<semaphore_mem>>
    %dma_start3A_1196 = tpu.memref_squeeze %dma_start3A_1195 : memref<1x!tpu.dma_semaphore, #tpu.memory_space<semaphore_mem>> -> memref<!tpu.dma_semaphore, #tpu.memory_space<semaphore_mem>>
    %dma_start3A_1197 = arith.constant 0 : i32
    %dma_start3A_1198 = arith.constant 0 : i32
    %dma_start3A_1199 = tpu.memref_slice %arg4[%add3A, %dma_start3A_1185, %dma_start3A_1197, %dma_start3A_1198] : memref<32x26x128x128xf32, #tpu.memory_space<hbm>> -> memref<1x1x128x128xf32, #tpu.memory_space<hbm>>
    %dma_start3A_1200 = tpu.memref_squeeze %dma_start3A_1199 : memref<1x1x128x128xf32, #tpu.memory_space<hbm>> -> memref<128x128xf32, #tpu.memory_space<hbm>>
    %dma_start3A_1201 = arith.constant 0 : i32
    %dma_start3A_1202 = arith.constant 0 : i32
    %dma_start3A_1203 = tpu.memref_slice %arg6[%dma_start3A_1184, %dma_start3A_1201, %dma_start3A_1202] : memref<6x128x128xf32, #tpu.memory_space<vmem>> -> memref<1x128x128xf32, #tpu.memory_space<vmem>>
    %dma_start3A_1204 = tpu.memref_squeeze %dma_start3A_1203 : memref<1x128x128xf32, #tpu.memory_space<vmem>> -> memref<128x128xf32, #tpu.memory_space<vmem>>
    tpu.enqueue_dma source(%dma_start3A_1204 : memref<128x128xf32, #tpu.memory_space<vmem>>) target(%dma_start3A_1200 : memref<128x128xf32, #tpu.memory_space<hbm>>) target_semaphore(%dma_start3A_1196 : memref<!tpu.dma_semaphore, #tpu.memory_space<semaphore_mem>>)
    %dma_wait3A_1205 = arith.constant 3 : i32
    %dma_wait3A_1206 = arith.constant 15 : i32
    %dma_wait3A_1207 = arith.constant 3 : i32
    %dma_wait3A_1208 = arith.constant 0 : i32
    %dma_wait3A_1209 = arith.constant 0 : i32
    %dma_wait3A_1210 = tpu.memref_slice %arg6[%dma_wait3A_1205, %dma_wait3A_1208, %dma_wait3A_1209] : memref<6x128x128xf32, #tpu.memory_space<vmem>> -> memref<1x128x128xf32, #tpu.memory_space<vmem>>
    %dma_wait3A_1211 = tpu.memref_squeeze %dma_wait3A_1210 : memref<1x128x128xf32, #tpu.memory_space<vmem>> -> memref<128x128xf32, #tpu.memory_space<vmem>>
    %dma_wait3A_1212 = arith.constant 0 : i32
    %dma_wait3A_1213 = arith.constant 0 : i32
    %dma_wait3A_1214 = tpu.memref_slice %arg4[%add3A, %dma_wait3A_1206, %dma_wait3A_1212, %dma_wait3A_1213] : memref<32x26x128x128xf32, #tpu.memory_space<hbm>> -> memref<1x1x128x128xf32, #tpu.memory_space<hbm>>
    %dma_wait3A_1215 = tpu.memref_squeeze %dma_wait3A_1214 : memref<1x1x128x128xf32, #tpu.memory_space<hbm>> -> memref<128x128xf32, #tpu.memory_space<hbm>>
    %dma_wait3A_1216 = tpu.memref_slice %arg8[%dma_wait3A_1207] : memref<6x!tpu.dma_semaphore, #tpu.memory_space<semaphore_mem>> -> memref<1x!tpu.dma_semaphore, #tpu.memory_space<semaphore_mem>>
    %dma_wait3A_1217 = tpu.memref_squeeze %dma_wait3A_1216 : memref<1x!tpu.dma_semaphore, #tpu.memory_space<semaphore_mem>> -> memref<!tpu.dma_semaphore, #tpu.memory_space<semaphore_mem>>
    %dma_wait3A_1218 = arith.constant 0 : i32
    %dma_wait3A_1219 = arith.constant 0 : i32
    %dma_wait3A_1220 = tpu.memref_slice %arg4[%add3A, %dma_wait3A_1206, %dma_wait3A_1218, %dma_wait3A_1219] : memref<32x26x128x128xf32, #tpu.memory_space<hbm>> -> memref<1x1x128x128xf32, #tpu.memory_space<hbm>>
    %dma_wait3A_1221 = tpu.memref_squeeze %dma_wait3A_1220 : memref<1x1x128x128xf32, #tpu.memory_space<hbm>> -> memref<128x128xf32, #tpu.memory_space<hbm>>
    %dma_wait3A_1222 = arith.constant 0 : i32
    %dma_wait3A_1223 = arith.constant 0 : i32
    %dma_wait3A_1224 = tpu.memref_slice %arg6[%dma_wait3A_1205, %dma_wait3A_1222, %dma_wait3A_1223] : memref<6x128x128xf32, #tpu.memory_space<vmem>> -> memref<1x128x128xf32, #tpu.memory_space<vmem>>
    %dma_wait3A_1225 = tpu.memref_squeeze %dma_wait3A_1224 : memref<1x128x128xf32, #tpu.memory_space<vmem>> -> memref<128x128xf32, #tpu.memory_space<vmem>>
    tpu.wait_dma2 semaphore(%dma_wait3A_1217 : memref<!tpu.dma_semaphore, #tpu.memory_space<semaphore_mem>>) src(%dma_wait3A_1225 : memref<128x128xf32, #tpu.memory_space<vmem>>) dst(%dma_wait3A_1221 : memref<128x128xf32, #tpu.memory_space<hbm>>)
    %dma_start3A_1226 = arith.constant 21 : i32
    %dma_start3A_1227 = arith.constant 3 : i32
    %dma_start3A_1228 = arith.constant 3 : i32
    %dma_start3A_1229 = arith.constant 0 : i32
    %dma_start3A_1230 = arith.constant 0 : i32
    %dma_start3A_1231 = tpu.memref_slice %arg6[%dma_start3A_1227, %dma_start3A_1229, %dma_start3A_1230] : memref<6x128x128xf32, #tpu.memory_space<vmem>> -> memref<1x128x128xf32, #tpu.memory_space<vmem>>
    %dma_start3A_1232 = tpu.memref_squeeze %dma_start3A_1231 : memref<1x128x128xf32, #tpu.memory_space<vmem>> -> memref<128x128xf32, #tpu.memory_space<vmem>>
    %dma_start3A_1233 = arith.constant 0 : i32
    %dma_start3A_1234 = tpu.memref_slice %arg5[%dma_start3A_1226, %dma_start3A_1233] : memref<26x128xi32, #tpu.memory_space<vmem>> -> memref<1x128xi32, #tpu.memory_space<vmem>>
    %dma_start3A_1235 = tpu.memref_squeeze %dma_start3A_1234 : memref<1x128xi32, #tpu.memory_space<vmem>> -> memref<128xi32, #tpu.memory_space<vmem>>
    %dma_start3A_1236 = arith.constant 0 : i32
    %dma_start3A_1237 = arith.constant 0 : i32
    %dma_start3A_1238 = tpu.memref_slice %arg2[%dma_start3A_1236, %dma_start3A_1237] : memref<1000000x128xf32, #tpu.memory_space<hbm>> -> memref<1000000x128xf32, #tpu.memory_space<hbm>>
    %dma_start3A_1239 = tpu.memref_slice %arg7[%dma_start3A_1228] : memref<6x!tpu.dma_semaphore, #tpu.memory_space<semaphore_mem>> -> memref<1x!tpu.dma_semaphore, #tpu.memory_space<semaphore_mem>>
    %dma_start3A_1240 = tpu.memref_squeeze %dma_start3A_1239 : memref<1x!tpu.dma_semaphore, #tpu.memory_space<semaphore_mem>> -> memref<!tpu.dma_semaphore, #tpu.memory_space<semaphore_mem>>
    tpu.enqueue_indirect_dma source(%dma_start3A_1238 : memref<1000000x128xf32, #tpu.memory_space<hbm>>) target(%dma_start3A_1232 : memref<128x128xf32, #tpu.memory_space<vmem>>) offsets(%dma_start3A_1235 : memref<128xi32, #tpu.memory_space<vmem>>) semaphore(%dma_start3A_1240 : memref<!tpu.dma_semaphore, #tpu.memory_space<semaphore_mem>>)
    %dma_wait3A_1241 = arith.constant 16 : i32
    %dma_wait3A_1242 = arith.constant 4 : i32
    %dma_wait3A_1243 = arith.constant 4 : i32
    %dma_wait3A_1244 = arith.constant 0 : i32
    %dma_wait3A_1245 = arith.constant 0 : i32
    %dma_wait3A_1246 = tpu.memref_slice %arg6[%dma_wait3A_1242, %dma_wait3A_1244, %dma_wait3A_1245] : memref<6x128x128xf32, #tpu.memory_space<vmem>> -> memref<1x128x128xf32, #tpu.memory_space<vmem>>
    %dma_wait3A_1247 = tpu.memref_squeeze %dma_wait3A_1246 : memref<1x128x128xf32, #tpu.memory_space<vmem>> -> memref<128x128xf32, #tpu.memory_space<vmem>>
    %dma_wait3A_1248 = arith.constant 0 : i32
    %dma_wait3A_1249 = tpu.memref_slice %arg5[%dma_wait3A_1241, %dma_wait3A_1248] : memref<26x128xi32, #tpu.memory_space<vmem>> -> memref<1x128xi32, #tpu.memory_space<vmem>>
    %dma_wait3A_1250 = tpu.memref_squeeze %dma_wait3A_1249 : memref<1x128xi32, #tpu.memory_space<vmem>> -> memref<128xi32, #tpu.memory_space<vmem>>
    %dma_wait3A_1251 = arith.constant 0 : i32
    %dma_wait3A_1252 = arith.constant 0 : i32
    %dma_wait3A_1253 = tpu.memref_slice %arg2[%dma_wait3A_1251, %dma_wait3A_1252] : memref<1000000x128xf32, #tpu.memory_space<hbm>> -> memref<1000000x128xf32, #tpu.memory_space<hbm>>
    %dma_wait3A_1254 = tpu.memref_slice %arg7[%dma_wait3A_1243] : memref<6x!tpu.dma_semaphore, #tpu.memory_space<semaphore_mem>> -> memref<1x!tpu.dma_semaphore, #tpu.memory_space<semaphore_mem>>
    %dma_wait3A_1255 = tpu.memref_squeeze %dma_wait3A_1254 : memref<1x!tpu.dma_semaphore, #tpu.memory_space<semaphore_mem>> -> memref<!tpu.dma_semaphore, #tpu.memory_space<semaphore_mem>>
    tpu.wait_indirect_dma semaphore(%dma_wait3A_1255 : memref<!tpu.dma_semaphore, #tpu.memory_space<semaphore_mem>>) src(%dma_wait3A_1253 : memref<1000000x128xf32, #tpu.memory_space<hbm>>) dst(%dma_wait3A_1247 : memref<128x128xf32, #tpu.memory_space<vmem>>)
    %dma_start3A_1256 = arith.constant 4 : i32
    %dma_start3A_1257 = arith.constant 16 : i32
    %dma_start3A_1258 = arith.constant 4 : i32
    %dma_start3A_1259 = arith.constant 0 : i32
    %dma_start3A_1260 = arith.constant 0 : i32
    %dma_start3A_1261 = tpu.memref_slice %arg6[%dma_start3A_1256, %dma_start3A_1259, %dma_start3A_1260] : memref<6x128x128xf32, #tpu.memory_space<vmem>> -> memref<1x128x128xf32, #tpu.memory_space<vmem>>
    %dma_start3A_1262 = tpu.memref_squeeze %dma_start3A_1261 : memref<1x128x128xf32, #tpu.memory_space<vmem>> -> memref<128x128xf32, #tpu.memory_space<vmem>>
    %dma_start3A_1263 = arith.constant 0 : i32
    %dma_start3A_1264 = arith.constant 0 : i32
    %dma_start3A_1265 = tpu.memref_slice %arg4[%add3A, %dma_start3A_1257, %dma_start3A_1263, %dma_start3A_1264] : memref<32x26x128x128xf32, #tpu.memory_space<hbm>> -> memref<1x1x128x128xf32, #tpu.memory_space<hbm>>
    %dma_start3A_1266 = tpu.memref_squeeze %dma_start3A_1265 : memref<1x1x128x128xf32, #tpu.memory_space<hbm>> -> memref<128x128xf32, #tpu.memory_space<hbm>>
    %dma_start3A_1267 = tpu.memref_slice %arg8[%dma_start3A_1258] : memref<6x!tpu.dma_semaphore, #tpu.memory_space<semaphore_mem>> -> memref<1x!tpu.dma_semaphore, #tpu.memory_space<semaphore_mem>>
    %dma_start3A_1268 = tpu.memref_squeeze %dma_start3A_1267 : memref<1x!tpu.dma_semaphore, #tpu.memory_space<semaphore_mem>> -> memref<!tpu.dma_semaphore, #tpu.memory_space<semaphore_mem>>
    %dma_start3A_1269 = arith.constant 0 : i32
    %dma_start3A_1270 = arith.constant 0 : i32
    %dma_start3A_1271 = tpu.memref_slice %arg4[%add3A, %dma_start3A_1257, %dma_start3A_1269, %dma_start3A_1270] : memref<32x26x128x128xf32, #tpu.memory_space<hbm>> -> memref<1x1x128x128xf32, #tpu.memory_space<hbm>>
    %dma_start3A_1272 = tpu.memref_squeeze %dma_start3A_1271 : memref<1x1x128x128xf32, #tpu.memory_space<hbm>> -> memref<128x128xf32, #tpu.memory_space<hbm>>
    %dma_start3A_1273 = arith.constant 0 : i32
    %dma_start3A_1274 = arith.constant 0 : i32
    %dma_start3A_1275 = tpu.memref_slice %arg6[%dma_start3A_1256, %dma_start3A_1273, %dma_start3A_1274] : memref<6x128x128xf32, #tpu.memory_space<vmem>> -> memref<1x128x128xf32, #tpu.memory_space<vmem>>
    %dma_start3A_1276 = tpu.memref_squeeze %dma_start3A_1275 : memref<1x128x128xf32, #tpu.memory_space<vmem>> -> memref<128x128xf32, #tpu.memory_space<vmem>>
    tpu.enqueue_dma source(%dma_start3A_1276 : memref<128x128xf32, #tpu.memory_space<vmem>>) target(%dma_start3A_1272 : memref<128x128xf32, #tpu.memory_space<hbm>>) target_semaphore(%dma_start3A_1268 : memref<!tpu.dma_semaphore, #tpu.memory_space<semaphore_mem>>)
    %dma_wait3A_1277 = arith.constant 4 : i32
    %dma_wait3A_1278 = arith.constant 16 : i32
    %dma_wait3A_1279 = arith.constant 4 : i32
    %dma_wait3A_1280 = arith.constant 0 : i32
    %dma_wait3A_1281 = arith.constant 0 : i32
    %dma_wait3A_1282 = tpu.memref_slice %arg6[%dma_wait3A_1277, %dma_wait3A_1280, %dma_wait3A_1281] : memref<6x128x128xf32, #tpu.memory_space<vmem>> -> memref<1x128x128xf32, #tpu.memory_space<vmem>>
    %dma_wait3A_1283 = tpu.memref_squeeze %dma_wait3A_1282 : memref<1x128x128xf32, #tpu.memory_space<vmem>> -> memref<128x128xf32, #tpu.memory_space<vmem>>
    %dma_wait3A_1284 = arith.constant 0 : i32
    %dma_wait3A_1285 = arith.constant 0 : i32
    %dma_wait3A_1286 = tpu.memref_slice %arg4[%add3A, %dma_wait3A_1278, %dma_wait3A_1284, %dma_wait3A_1285] : memref<32x26x128x128xf32, #tpu.memory_space<hbm>> -> memref<1x1x128x128xf32, #tpu.memory_space<hbm>>
    %dma_wait3A_1287 = tpu.memref_squeeze %dma_wait3A_1286 : memref<1x1x128x128xf32, #tpu.memory_space<hbm>> -> memref<128x128xf32, #tpu.memory_space<hbm>>
    %dma_wait3A_1288 = tpu.memref_slice %arg8[%dma_wait3A_1279] : memref<6x!tpu.dma_semaphore, #tpu.memory_space<semaphore_mem>> -> memref<1x!tpu.dma_semaphore, #tpu.memory_space<semaphore_mem>>
    %dma_wait3A_1289 = tpu.memref_squeeze %dma_wait3A_1288 : memref<1x!tpu.dma_semaphore, #tpu.memory_space<semaphore_mem>> -> memref<!tpu.dma_semaphore, #tpu.memory_space<semaphore_mem>>
    %dma_wait3A_1290 = arith.constant 0 : i32
    %dma_wait3A_1291 = arith.constant 0 : i32
    %dma_wait3A_1292 = tpu.memref_slice %arg4[%add3A, %dma_wait3A_1278, %dma_wait3A_1290, %dma_wait3A_1291] : memref<32x26x128x128xf32, #tpu.memory_space<hbm>> -> memref<1x1x128x128xf32, #tpu.memory_space<hbm>>
    %dma_wait3A_1293 = tpu.memref_squeeze %dma_wait3A_1292 : memref<1x1x128x128xf32, #tpu.memory_space<hbm>> -> memref<128x128xf32, #tpu.memory_space<hbm>>
    %dma_wait3A_1294 = arith.constant 0 : i32
    %dma_wait3A_1295 = arith.constant 0 : i32
    %dma_wait3A_1296 = tpu.memref_slice %arg6[%dma_wait3A_1277, %dma_wait3A_1294, %dma_wait3A_1295] : memref<6x128x128xf32, #tpu.memory_space<vmem>> -> memref<1x128x128xf32, #tpu.memory_space<vmem>>
    %dma_wait3A_1297 = tpu.memref_squeeze %dma_wait3A_1296 : memref<1x128x128xf32, #tpu.memory_space<vmem>> -> memref<128x128xf32, #tpu.memory_space<vmem>>
    tpu.wait_dma2 semaphore(%dma_wait3A_1289 : memref<!tpu.dma_semaphore, #tpu.memory_space<semaphore_mem>>) src(%dma_wait3A_1297 : memref<128x128xf32, #tpu.memory_space<vmem>>) dst(%dma_wait3A_1293 : memref<128x128xf32, #tpu.memory_space<hbm>>)
    %dma_start3A_1298 = arith.constant 22 : i32
    %dma_start3A_1299 = arith.constant 4 : i32
    %dma_start3A_1300 = arith.constant 4 : i32
    %dma_start3A_1301 = arith.constant 0 : i32
    %dma_start3A_1302 = arith.constant 0 : i32
    %dma_start3A_1303 = tpu.memref_slice %arg6[%dma_start3A_1299, %dma_start3A_1301, %dma_start3A_1302] : memref<6x128x128xf32, #tpu.memory_space<vmem>> -> memref<1x128x128xf32, #tpu.memory_space<vmem>>
    %dma_start3A_1304 = tpu.memref_squeeze %dma_start3A_1303 : memref<1x128x128xf32, #tpu.memory_space<vmem>> -> memref<128x128xf32, #tpu.memory_space<vmem>>
    %dma_start3A_1305 = arith.constant 0 : i32
    %dma_start3A_1306 = tpu.memref_slice %arg5[%dma_start3A_1298, %dma_start3A_1305] : memref<26x128xi32, #tpu.memory_space<vmem>> -> memref<1x128xi32, #tpu.memory_space<vmem>>
    %dma_start3A_1307 = tpu.memref_squeeze %dma_start3A_1306 : memref<1x128xi32, #tpu.memory_space<vmem>> -> memref<128xi32, #tpu.memory_space<vmem>>
    %dma_start3A_1308 = arith.constant 0 : i32
    %dma_start3A_1309 = arith.constant 0 : i32
    %dma_start3A_1310 = tpu.memref_slice %arg2[%dma_start3A_1308, %dma_start3A_1309] : memref<1000000x128xf32, #tpu.memory_space<hbm>> -> memref<1000000x128xf32, #tpu.memory_space<hbm>>
    %dma_start3A_1311 = tpu.memref_slice %arg7[%dma_start3A_1300] : memref<6x!tpu.dma_semaphore, #tpu.memory_space<semaphore_mem>> -> memref<1x!tpu.dma_semaphore, #tpu.memory_space<semaphore_mem>>
    %dma_start3A_1312 = tpu.memref_squeeze %dma_start3A_1311 : memref<1x!tpu.dma_semaphore, #tpu.memory_space<semaphore_mem>> -> memref<!tpu.dma_semaphore, #tpu.memory_space<semaphore_mem>>
    tpu.enqueue_indirect_dma source(%dma_start3A_1310 : memref<1000000x128xf32, #tpu.memory_space<hbm>>) target(%dma_start3A_1304 : memref<128x128xf32, #tpu.memory_space<vmem>>) offsets(%dma_start3A_1307 : memref<128xi32, #tpu.memory_space<vmem>>) semaphore(%dma_start3A_1312 : memref<!tpu.dma_semaphore, #tpu.memory_space<semaphore_mem>>)
    %dma_wait3A_1313 = arith.constant 17 : i32
    %dma_wait3A_1314 = arith.constant 5 : i32
    %dma_wait3A_1315 = arith.constant 5 : i32
    %dma_wait3A_1316 = arith.constant 0 : i32
    %dma_wait3A_1317 = arith.constant 0 : i32
    %dma_wait3A_1318 = tpu.memref_slice %arg6[%dma_wait3A_1314, %dma_wait3A_1316, %dma_wait3A_1317] : memref<6x128x128xf32, #tpu.memory_space<vmem>> -> memref<1x128x128xf32, #tpu.memory_space<vmem>>
    %dma_wait3A_1319 = tpu.memref_squeeze %dma_wait3A_1318 : memref<1x128x128xf32, #tpu.memory_space<vmem>> -> memref<128x128xf32, #tpu.memory_space<vmem>>
    %dma_wait3A_1320 = arith.constant 0 : i32
    %dma_wait3A_1321 = tpu.memref_slice %arg5[%dma_wait3A_1313, %dma_wait3A_1320] : memref<26x128xi32, #tpu.memory_space<vmem>> -> memref<1x128xi32, #tpu.memory_space<vmem>>
    %dma_wait3A_1322 = tpu.memref_squeeze %dma_wait3A_1321 : memref<1x128xi32, #tpu.memory_space<vmem>> -> memref<128xi32, #tpu.memory_space<vmem>>
    %dma_wait3A_1323 = arith.constant 0 : i32
    %dma_wait3A_1324 = arith.constant 0 : i32
    %dma_wait3A_1325 = tpu.memref_slice %arg2[%dma_wait3A_1323, %dma_wait3A_1324] : memref<1000000x128xf32, #tpu.memory_space<hbm>> -> memref<1000000x128xf32, #tpu.memory_space<hbm>>
    %dma_wait3A_1326 = tpu.memref_slice %arg7[%dma_wait3A_1315] : memref<6x!tpu.dma_semaphore, #tpu.memory_space<semaphore_mem>> -> memref<1x!tpu.dma_semaphore, #tpu.memory_space<semaphore_mem>>
    %dma_wait3A_1327 = tpu.memref_squeeze %dma_wait3A_1326 : memref<1x!tpu.dma_semaphore, #tpu.memory_space<semaphore_mem>> -> memref<!tpu.dma_semaphore, #tpu.memory_space<semaphore_mem>>
    tpu.wait_indirect_dma semaphore(%dma_wait3A_1327 : memref<!tpu.dma_semaphore, #tpu.memory_space<semaphore_mem>>) src(%dma_wait3A_1325 : memref<1000000x128xf32, #tpu.memory_space<hbm>>) dst(%dma_wait3A_1319 : memref<128x128xf32, #tpu.memory_space<vmem>>)
    %dma_start3A_1328 = arith.constant 5 : i32
    %dma_start3A_1329 = arith.constant 17 : i32
    %dma_start3A_1330 = arith.constant 5 : i32
    %dma_start3A_1331 = arith.constant 0 : i32
    %dma_start3A_1332 = arith.constant 0 : i32
    %dma_start3A_1333 = tpu.memref_slice %arg6[%dma_start3A_1328, %dma_start3A_1331, %dma_start3A_1332] : memref<6x128x128xf32, #tpu.memory_space<vmem>> -> memref<1x128x128xf32, #tpu.memory_space<vmem>>
    %dma_start3A_1334 = tpu.memref_squeeze %dma_start3A_1333 : memref<1x128x128xf32, #tpu.memory_space<vmem>> -> memref<128x128xf32, #tpu.memory_space<vmem>>
    %dma_start3A_1335 = arith.constant 0 : i32
    %dma_start3A_1336 = arith.constant 0 : i32
    %dma_start3A_1337 = tpu.memref_slice %arg4[%add3A, %dma_start3A_1329, %dma_start3A_1335, %dma_start3A_1336] : memref<32x26x128x128xf32, #tpu.memory_space<hbm>> -> memref<1x1x128x128xf32, #tpu.memory_space<hbm>>
    %dma_start3A_1338 = tpu.memref_squeeze %dma_start3A_1337 : memref<1x1x128x128xf32, #tpu.memory_space<hbm>> -> memref<128x128xf32, #tpu.memory_space<hbm>>
    %dma_start3A_1339 = tpu.memref_slice %arg8[%dma_start3A_1330] : memref<6x!tpu.dma_semaphore, #tpu.memory_space<semaphore_mem>> -> memref<1x!tpu.dma_semaphore, #tpu.memory_space<semaphore_mem>>
    %dma_start3A_1340 = tpu.memref_squeeze %dma_start3A_1339 : memref<1x!tpu.dma_semaphore, #tpu.memory_space<semaphore_mem>> -> memref<!tpu.dma_semaphore, #tpu.memory_space<semaphore_mem>>
    %dma_start3A_1341 = arith.constant 0 : i32
    %dma_start3A_1342 = arith.constant 0 : i32
    %dma_start3A_1343 = tpu.memref_slice %arg4[%add3A, %dma_start3A_1329, %dma_start3A_1341, %dma_start3A_1342] : memref<32x26x128x128xf32, #tpu.memory_space<hbm>> -> memref<1x1x128x128xf32, #tpu.memory_space<hbm>>
    %dma_start3A_1344 = tpu.memref_squeeze %dma_start3A_1343 : memref<1x1x128x128xf32, #tpu.memory_space<hbm>> -> memref<128x128xf32, #tpu.memory_space<hbm>>
    %dma_start3A_1345 = arith.constant 0 : i32
    %dma_start3A_1346 = arith.constant 0 : i32
    %dma_start3A_1347 = tpu.memref_slice %arg6[%dma_start3A_1328, %dma_start3A_1345, %dma_start3A_1346] : memref<6x128x128xf32, #tpu.memory_space<vmem>> -> memref<1x128x128xf32, #tpu.memory_space<vmem>>
    %dma_start3A_1348 = tpu.memref_squeeze %dma_start3A_1347 : memref<1x128x128xf32, #tpu.memory_space<vmem>> -> memref<128x128xf32, #tpu.memory_space<vmem>>
    tpu.enqueue_dma source(%dma_start3A_1348 : memref<128x128xf32, #tpu.memory_space<vmem>>) target(%dma_start3A_1344 : memref<128x128xf32, #tpu.memory_space<hbm>>) target_semaphore(%dma_start3A_1340 : memref<!tpu.dma_semaphore, #tpu.memory_space<semaphore_mem>>)
    %dma_wait3A_1349 = arith.constant 5 : i32
    %dma_wait3A_1350 = arith.constant 17 : i32
    %dma_wait3A_1351 = arith.constant 5 : i32
    %dma_wait3A_1352 = arith.constant 0 : i32
    %dma_wait3A_1353 = arith.constant 0 : i32
    %dma_wait3A_1354 = tpu.memref_slice %arg6[%dma_wait3A_1349, %dma_wait3A_1352, %dma_wait3A_1353] : memref<6x128x128xf32, #tpu.memory_space<vmem>> -> memref<1x128x128xf32, #tpu.memory_space<vmem>>
    %dma_wait3A_1355 = tpu.memref_squeeze %dma_wait3A_1354 : memref<1x128x128xf32, #tpu.memory_space<vmem>> -> memref<128x128xf32, #tpu.memory_space<vmem>>
    %dma_wait3A_1356 = arith.constant 0 : i32
    %dma_wait3A_1357 = arith.constant 0 : i32
    %dma_wait3A_1358 = tpu.memref_slice %arg4[%add3A, %dma_wait3A_1350, %dma_wait3A_1356, %dma_wait3A_1357] : memref<32x26x128x128xf32, #tpu.memory_space<hbm>> -> memref<1x1x128x128xf32, #tpu.memory_space<hbm>>
    %dma_wait3A_1359 = tpu.memref_squeeze %dma_wait3A_1358 : memref<1x1x128x128xf32, #tpu.memory_space<hbm>> -> memref<128x128xf32, #tpu.memory_space<hbm>>
    %dma_wait3A_1360 = tpu.memref_slice %arg8[%dma_wait3A_1351] : memref<6x!tpu.dma_semaphore, #tpu.memory_space<semaphore_mem>> -> memref<1x!tpu.dma_semaphore, #tpu.memory_space<semaphore_mem>>
    %dma_wait3A_1361 = tpu.memref_squeeze %dma_wait3A_1360 : memref<1x!tpu.dma_semaphore, #tpu.memory_space<semaphore_mem>> -> memref<!tpu.dma_semaphore, #tpu.memory_space<semaphore_mem>>
    %dma_wait3A_1362 = arith.constant 0 : i32
    %dma_wait3A_1363 = arith.constant 0 : i32
    %dma_wait3A_1364 = tpu.memref_slice %arg4[%add3A, %dma_wait3A_1350, %dma_wait3A_1362, %dma_wait3A_1363] : memref<32x26x128x128xf32, #tpu.memory_space<hbm>> -> memref<1x1x128x128xf32, #tpu.memory_space<hbm>>
    %dma_wait3A_1365 = tpu.memref_squeeze %dma_wait3A_1364 : memref<1x1x128x128xf32, #tpu.memory_space<hbm>> -> memref<128x128xf32, #tpu.memory_space<hbm>>
    %dma_wait3A_1366 = arith.constant 0 : i32
    %dma_wait3A_1367 = arith.constant 0 : i32
    %dma_wait3A_1368 = tpu.memref_slice %arg6[%dma_wait3A_1349, %dma_wait3A_1366, %dma_wait3A_1367] : memref<6x128x128xf32, #tpu.memory_space<vmem>> -> memref<1x128x128xf32, #tpu.memory_space<vmem>>
    %dma_wait3A_1369 = tpu.memref_squeeze %dma_wait3A_1368 : memref<1x128x128xf32, #tpu.memory_space<vmem>> -> memref<128x128xf32, #tpu.memory_space<vmem>>
    tpu.wait_dma2 semaphore(%dma_wait3A_1361 : memref<!tpu.dma_semaphore, #tpu.memory_space<semaphore_mem>>) src(%dma_wait3A_1369 : memref<128x128xf32, #tpu.memory_space<vmem>>) dst(%dma_wait3A_1365 : memref<128x128xf32, #tpu.memory_space<hbm>>)
    %dma_start3A_1370 = arith.constant 23 : i32
    %dma_start3A_1371 = arith.constant 5 : i32
    %dma_start3A_1372 = arith.constant 5 : i32
    %dma_start3A_1373 = arith.constant 0 : i32
    %dma_start3A_1374 = arith.constant 0 : i32
    %dma_start3A_1375 = tpu.memref_slice %arg6[%dma_start3A_1371, %dma_start3A_1373, %dma_start3A_1374] : memref<6x128x128xf32, #tpu.memory_space<vmem>> -> memref<1x128x128xf32, #tpu.memory_space<vmem>>
    %dma_start3A_1376 = tpu.memref_squeeze %dma_start3A_1375 : memref<1x128x128xf32, #tpu.memory_space<vmem>> -> memref<128x128xf32, #tpu.memory_space<vmem>>
    %dma_start3A_1377 = arith.constant 0 : i32
    %dma_start3A_1378 = tpu.memref_slice %arg5[%dma_start3A_1370, %dma_start3A_1377] : memref<26x128xi32, #tpu.memory_space<vmem>> -> memref<1x128xi32, #tpu.memory_space<vmem>>
    %dma_start3A_1379 = tpu.memref_squeeze %dma_start3A_1378 : memref<1x128xi32, #tpu.memory_space<vmem>> -> memref<128xi32, #tpu.memory_space<vmem>>
    %dma_start3A_1380 = arith.constant 0 : i32
    %dma_start3A_1381 = arith.constant 0 : i32
    %dma_start3A_1382 = tpu.memref_slice %arg2[%dma_start3A_1380, %dma_start3A_1381] : memref<1000000x128xf32, #tpu.memory_space<hbm>> -> memref<1000000x128xf32, #tpu.memory_space<hbm>>
    %dma_start3A_1383 = tpu.memref_slice %arg7[%dma_start3A_1372] : memref<6x!tpu.dma_semaphore, #tpu.memory_space<semaphore_mem>> -> memref<1x!tpu.dma_semaphore, #tpu.memory_space<semaphore_mem>>
    %dma_start3A_1384 = tpu.memref_squeeze %dma_start3A_1383 : memref<1x!tpu.dma_semaphore, #tpu.memory_space<semaphore_mem>> -> memref<!tpu.dma_semaphore, #tpu.memory_space<semaphore_mem>>
    tpu.enqueue_indirect_dma source(%dma_start3A_1382 : memref<1000000x128xf32, #tpu.memory_space<hbm>>) target(%dma_start3A_1376 : memref<128x128xf32, #tpu.memory_space<vmem>>) offsets(%dma_start3A_1379 : memref<128xi32, #tpu.memory_space<vmem>>) semaphore(%dma_start3A_1384 : memref<!tpu.dma_semaphore, #tpu.memory_space<semaphore_mem>>)
    %dma_wait3A_1385 = arith.constant 18 : i32
    %dma_wait3A_1386 = arith.constant 0 : i32
    %dma_wait3A_1387 = arith.constant 0 : i32
    %dma_wait3A_1388 = arith.constant 0 : i32
    %dma_wait3A_1389 = arith.constant 0 : i32
    %dma_wait3A_1390 = tpu.memref_slice %arg6[%dma_wait3A_1386, %dma_wait3A_1388, %dma_wait3A_1389] : memref<6x128x128xf32, #tpu.memory_space<vmem>> -> memref<1x128x128xf32, #tpu.memory_space<vmem>>
    %dma_wait3A_1391 = tpu.memref_squeeze %dma_wait3A_1390 : memref<1x128x128xf32, #tpu.memory_space<vmem>> -> memref<128x128xf32, #tpu.memory_space<vmem>>
    %dma_wait3A_1392 = arith.constant 0 : i32
    %dma_wait3A_1393 = tpu.memref_slice %arg5[%dma_wait3A_1385, %dma_wait3A_1392] : memref<26x128xi32, #tpu.memory_space<vmem>> -> memref<1x128xi32, #tpu.memory_space<vmem>>
    %dma_wait3A_1394 = tpu.memref_squeeze %dma_wait3A_1393 : memref<1x128xi32, #tpu.memory_space<vmem>> -> memref<128xi32, #tpu.memory_space<vmem>>
    %dma_wait3A_1395 = arith.constant 0 : i32
    %dma_wait3A_1396 = arith.constant 0 : i32
    %dma_wait3A_1397 = tpu.memref_slice %arg2[%dma_wait3A_1395, %dma_wait3A_1396] : memref<1000000x128xf32, #tpu.memory_space<hbm>> -> memref<1000000x128xf32, #tpu.memory_space<hbm>>
    %dma_wait3A_1398 = tpu.memref_slice %arg7[%dma_wait3A_1387] : memref<6x!tpu.dma_semaphore, #tpu.memory_space<semaphore_mem>> -> memref<1x!tpu.dma_semaphore, #tpu.memory_space<semaphore_mem>>
    %dma_wait3A_1399 = tpu.memref_squeeze %dma_wait3A_1398 : memref<1x!tpu.dma_semaphore, #tpu.memory_space<semaphore_mem>> -> memref<!tpu.dma_semaphore, #tpu.memory_space<semaphore_mem>>
    tpu.wait_indirect_dma semaphore(%dma_wait3A_1399 : memref<!tpu.dma_semaphore, #tpu.memory_space<semaphore_mem>>) src(%dma_wait3A_1397 : memref<1000000x128xf32, #tpu.memory_space<hbm>>) dst(%dma_wait3A_1391 : memref<128x128xf32, #tpu.memory_space<vmem>>)
    %dma_start3A_1400 = arith.constant 0 : i32
    %dma_start3A_1401 = arith.constant 18 : i32
    %dma_start3A_1402 = arith.constant 0 : i32
    %dma_start3A_1403 = arith.constant 0 : i32
    %dma_start3A_1404 = arith.constant 0 : i32
    %dma_start3A_1405 = tpu.memref_slice %arg6[%dma_start3A_1400, %dma_start3A_1403, %dma_start3A_1404] : memref<6x128x128xf32, #tpu.memory_space<vmem>> -> memref<1x128x128xf32, #tpu.memory_space<vmem>>
    %dma_start3A_1406 = tpu.memref_squeeze %dma_start3A_1405 : memref<1x128x128xf32, #tpu.memory_space<vmem>> -> memref<128x128xf32, #tpu.memory_space<vmem>>
    %dma_start3A_1407 = arith.constant 0 : i32
    %dma_start3A_1408 = arith.constant 0 : i32
    %dma_start3A_1409 = tpu.memref_slice %arg4[%add3A, %dma_start3A_1401, %dma_start3A_1407, %dma_start3A_1408] : memref<32x26x128x128xf32, #tpu.memory_space<hbm>> -> memref<1x1x128x128xf32, #tpu.memory_space<hbm>>
    %dma_start3A_1410 = tpu.memref_squeeze %dma_start3A_1409 : memref<1x1x128x128xf32, #tpu.memory_space<hbm>> -> memref<128x128xf32, #tpu.memory_space<hbm>>
    %dma_start3A_1411 = tpu.memref_slice %arg8[%dma_start3A_1402] : memref<6x!tpu.dma_semaphore, #tpu.memory_space<semaphore_mem>> -> memref<1x!tpu.dma_semaphore, #tpu.memory_space<semaphore_mem>>
    %dma_start3A_1412 = tpu.memref_squeeze %dma_start3A_1411 : memref<1x!tpu.dma_semaphore, #tpu.memory_space<semaphore_mem>> -> memref<!tpu.dma_semaphore, #tpu.memory_space<semaphore_mem>>
    %dma_start3A_1413 = arith.constant 0 : i32
    %dma_start3A_1414 = arith.constant 0 : i32
    %dma_start3A_1415 = tpu.memref_slice %arg4[%add3A, %dma_start3A_1401, %dma_start3A_1413, %dma_start3A_1414] : memref<32x26x128x128xf32, #tpu.memory_space<hbm>> -> memref<1x1x128x128xf32, #tpu.memory_space<hbm>>
    %dma_start3A_1416 = tpu.memref_squeeze %dma_start3A_1415 : memref<1x1x128x128xf32, #tpu.memory_space<hbm>> -> memref<128x128xf32, #tpu.memory_space<hbm>>
    %dma_start3A_1417 = arith.constant 0 : i32
    %dma_start3A_1418 = arith.constant 0 : i32
    %dma_start3A_1419 = tpu.memref_slice %arg6[%dma_start3A_1400, %dma_start3A_1417, %dma_start3A_1418] : memref<6x128x128xf32, #tpu.memory_space<vmem>> -> memref<1x128x128xf32, #tpu.memory_space<vmem>>
    %dma_start3A_1420 = tpu.memref_squeeze %dma_start3A_1419 : memref<1x128x128xf32, #tpu.memory_space<vmem>> -> memref<128x128xf32, #tpu.memory_space<vmem>>
    tpu.enqueue_dma source(%dma_start3A_1420 : memref<128x128xf32, #tpu.memory_space<vmem>>) target(%dma_start3A_1416 : memref<128x128xf32, #tpu.memory_space<hbm>>) target_semaphore(%dma_start3A_1412 : memref<!tpu.dma_semaphore, #tpu.memory_space<semaphore_mem>>)
    %dma_wait3A_1421 = arith.constant 0 : i32
    %dma_wait3A_1422 = arith.constant 18 : i32
    %dma_wait3A_1423 = arith.constant 0 : i32
    %dma_wait3A_1424 = arith.constant 0 : i32
    %dma_wait3A_1425 = arith.constant 0 : i32
    %dma_wait3A_1426 = tpu.memref_slice %arg6[%dma_wait3A_1421, %dma_wait3A_1424, %dma_wait3A_1425] : memref<6x128x128xf32, #tpu.memory_space<vmem>> -> memref<1x128x128xf32, #tpu.memory_space<vmem>>
    %dma_wait3A_1427 = tpu.memref_squeeze %dma_wait3A_1426 : memref<1x128x128xf32, #tpu.memory_space<vmem>> -> memref<128x128xf32, #tpu.memory_space<vmem>>
    %dma_wait3A_1428 = arith.constant 0 : i32
    %dma_wait3A_1429 = arith.constant 0 : i32
    %dma_wait3A_1430 = tpu.memref_slice %arg4[%add3A, %dma_wait3A_1422, %dma_wait3A_1428, %dma_wait3A_1429] : memref<32x26x128x128xf32, #tpu.memory_space<hbm>> -> memref<1x1x128x128xf32, #tpu.memory_space<hbm>>
    %dma_wait3A_1431 = tpu.memref_squeeze %dma_wait3A_1430 : memref<1x1x128x128xf32, #tpu.memory_space<hbm>> -> memref<128x128xf32, #tpu.memory_space<hbm>>
    %dma_wait3A_1432 = tpu.memref_slice %arg8[%dma_wait3A_1423] : memref<6x!tpu.dma_semaphore, #tpu.memory_space<semaphore_mem>> -> memref<1x!tpu.dma_semaphore, #tpu.memory_space<semaphore_mem>>
    %dma_wait3A_1433 = tpu.memref_squeeze %dma_wait3A_1432 : memref<1x!tpu.dma_semaphore, #tpu.memory_space<semaphore_mem>> -> memref<!tpu.dma_semaphore, #tpu.memory_space<semaphore_mem>>
    %dma_wait3A_1434 = arith.constant 0 : i32
    %dma_wait3A_1435 = arith.constant 0 : i32
    %dma_wait3A_1436 = tpu.memref_slice %arg4[%add3A, %dma_wait3A_1422, %dma_wait3A_1434, %dma_wait3A_1435] : memref<32x26x128x128xf32, #tpu.memory_space<hbm>> -> memref<1x1x128x128xf32, #tpu.memory_space<hbm>>
    %dma_wait3A_1437 = tpu.memref_squeeze %dma_wait3A_1436 : memref<1x1x128x128xf32, #tpu.memory_space<hbm>> -> memref<128x128xf32, #tpu.memory_space<hbm>>
    %dma_wait3A_1438 = arith.constant 0 : i32
    %dma_wait3A_1439 = arith.constant 0 : i32
    %dma_wait3A_1440 = tpu.memref_slice %arg6[%dma_wait3A_1421, %dma_wait3A_1438, %dma_wait3A_1439] : memref<6x128x128xf32, #tpu.memory_space<vmem>> -> memref<1x128x128xf32, #tpu.memory_space<vmem>>
    %dma_wait3A_1441 = tpu.memref_squeeze %dma_wait3A_1440 : memref<1x128x128xf32, #tpu.memory_space<vmem>> -> memref<128x128xf32, #tpu.memory_space<vmem>>
    tpu.wait_dma2 semaphore(%dma_wait3A_1433 : memref<!tpu.dma_semaphore, #tpu.memory_space<semaphore_mem>>) src(%dma_wait3A_1441 : memref<128x128xf32, #tpu.memory_space<vmem>>) dst(%dma_wait3A_1437 : memref<128x128xf32, #tpu.memory_space<hbm>>)
    %dma_start3A_1442 = arith.constant 24 : i32
    %dma_start3A_1443 = arith.constant 0 : i32
    %dma_start3A_1444 = arith.constant 0 : i32
    %dma_start3A_1445 = arith.constant 0 : i32
    %dma_start3A_1446 = arith.constant 0 : i32
    %dma_start3A_1447 = tpu.memref_slice %arg6[%dma_start3A_1443, %dma_start3A_1445, %dma_start3A_1446] : memref<6x128x128xf32, #tpu.memory_space<vmem>> -> memref<1x128x128xf32, #tpu.memory_space<vmem>>
    %dma_start3A_1448 = tpu.memref_squeeze %dma_start3A_1447 : memref<1x128x128xf32, #tpu.memory_space<vmem>> -> memref<128x128xf32, #tpu.memory_space<vmem>>
    %dma_start3A_1449 = arith.constant 0 : i32
    %dma_start3A_1450 = tpu.memref_slice %arg5[%dma_start3A_1442, %dma_start3A_1449] : memref<26x128xi32, #tpu.memory_space<vmem>> -> memref<1x128xi32, #tpu.memory_space<vmem>>
    %dma_start3A_1451 = tpu.memref_squeeze %dma_start3A_1450 : memref<1x128xi32, #tpu.memory_space<vmem>> -> memref<128xi32, #tpu.memory_space<vmem>>
    %dma_start3A_1452 = arith.constant 0 : i32
    %dma_start3A_1453 = arith.constant 0 : i32
    %dma_start3A_1454 = tpu.memref_slice %arg2[%dma_start3A_1452, %dma_start3A_1453] : memref<1000000x128xf32, #tpu.memory_space<hbm>> -> memref<1000000x128xf32, #tpu.memory_space<hbm>>
    %dma_start3A_1455 = tpu.memref_slice %arg7[%dma_start3A_1444] : memref<6x!tpu.dma_semaphore, #tpu.memory_space<semaphore_mem>> -> memref<1x!tpu.dma_semaphore, #tpu.memory_space<semaphore_mem>>
    %dma_start3A_1456 = tpu.memref_squeeze %dma_start3A_1455 : memref<1x!tpu.dma_semaphore, #tpu.memory_space<semaphore_mem>> -> memref<!tpu.dma_semaphore, #tpu.memory_space<semaphore_mem>>
    tpu.enqueue_indirect_dma source(%dma_start3A_1454 : memref<1000000x128xf32, #tpu.memory_space<hbm>>) target(%dma_start3A_1448 : memref<128x128xf32, #tpu.memory_space<vmem>>) offsets(%dma_start3A_1451 : memref<128xi32, #tpu.memory_space<vmem>>) semaphore(%dma_start3A_1456 : memref<!tpu.dma_semaphore, #tpu.memory_space<semaphore_mem>>)
    %dma_wait3A_1457 = arith.constant 19 : i32
    %dma_wait3A_1458 = arith.constant 1 : i32
    %dma_wait3A_1459 = arith.constant 1 : i32
    %dma_wait3A_1460 = arith.constant 0 : i32
    %dma_wait3A_1461 = arith.constant 0 : i32
    %dma_wait3A_1462 = tpu.memref_slice %arg6[%dma_wait3A_1458, %dma_wait3A_1460, %dma_wait3A_1461] : memref<6x128x128xf32, #tpu.memory_space<vmem>> -> memref<1x128x128xf32, #tpu.memory_space<vmem>>
    %dma_wait3A_1463 = tpu.memref_squeeze %dma_wait3A_1462 : memref<1x128x128xf32, #tpu.memory_space<vmem>> -> memref<128x128xf32, #tpu.memory_space<vmem>>
    %dma_wait3A_1464 = arith.constant 0 : i32
    %dma_wait3A_1465 = tpu.memref_slice %arg5[%dma_wait3A_1457, %dma_wait3A_1464] : memref<26x128xi32, #tpu.memory_space<vmem>> -> memref<1x128xi32, #tpu.memory_space<vmem>>
    %dma_wait3A_1466 = tpu.memref_squeeze %dma_wait3A_1465 : memref<1x128xi32, #tpu.memory_space<vmem>> -> memref<128xi32, #tpu.memory_space<vmem>>
    %dma_wait3A_1467 = arith.constant 0 : i32
    %dma_wait3A_1468 = arith.constant 0 : i32
    %dma_wait3A_1469 = tpu.memref_slice %arg2[%dma_wait3A_1467, %dma_wait3A_1468] : memref<1000000x128xf32, #tpu.memory_space<hbm>> -> memref<1000000x128xf32, #tpu.memory_space<hbm>>
    %dma_wait3A_1470 = tpu.memref_slice %arg7[%dma_wait3A_1459] : memref<6x!tpu.dma_semaphore, #tpu.memory_space<semaphore_mem>> -> memref<1x!tpu.dma_semaphore, #tpu.memory_space<semaphore_mem>>
    %dma_wait3A_1471 = tpu.memref_squeeze %dma_wait3A_1470 : memref<1x!tpu.dma_semaphore, #tpu.memory_space<semaphore_mem>> -> memref<!tpu.dma_semaphore, #tpu.memory_space<semaphore_mem>>
    tpu.wait_indirect_dma semaphore(%dma_wait3A_1471 : memref<!tpu.dma_semaphore, #tpu.memory_space<semaphore_mem>>) src(%dma_wait3A_1469 : memref<1000000x128xf32, #tpu.memory_space<hbm>>) dst(%dma_wait3A_1463 : memref<128x128xf32, #tpu.memory_space<vmem>>)
    %dma_start3A_1472 = arith.constant 1 : i32
    %dma_start3A_1473 = arith.constant 19 : i32
    %dma_start3A_1474 = arith.constant 1 : i32
    %dma_start3A_1475 = arith.constant 0 : i32
    %dma_start3A_1476 = arith.constant 0 : i32
    %dma_start3A_1477 = tpu.memref_slice %arg6[%dma_start3A_1472, %dma_start3A_1475, %dma_start3A_1476] : memref<6x128x128xf32, #tpu.memory_space<vmem>> -> memref<1x128x128xf32, #tpu.memory_space<vmem>>
    %dma_start3A_1478 = tpu.memref_squeeze %dma_start3A_1477 : memref<1x128x128xf32, #tpu.memory_space<vmem>> -> memref<128x128xf32, #tpu.memory_space<vmem>>
    %dma_start3A_1479 = arith.constant 0 : i32
    %dma_start3A_1480 = arith.constant 0 : i32
    %dma_start3A_1481 = tpu.memref_slice %arg4[%add3A, %dma_start3A_1473, %dma_start3A_1479, %dma_start3A_1480] : memref<32x26x128x128xf32, #tpu.memory_space<hbm>> -> memref<1x1x128x128xf32, #tpu.memory_space<hbm>>
    %dma_start3A_1482 = tpu.memref_squeeze %dma_start3A_1481 : memref<1x1x128x128xf32, #tpu.memory_space<hbm>> -> memref<128x128xf32, #tpu.memory_space<hbm>>
    %dma_start3A_1483 = tpu.memref_slice %arg8[%dma_start3A_1474] : memref<6x!tpu.dma_semaphore, #tpu.memory_space<semaphore_mem>> -> memref<1x!tpu.dma_semaphore, #tpu.memory_space<semaphore_mem>>
    %dma_start3A_1484 = tpu.memref_squeeze %dma_start3A_1483 : memref<1x!tpu.dma_semaphore, #tpu.memory_space<semaphore_mem>> -> memref<!tpu.dma_semaphore, #tpu.memory_space<semaphore_mem>>
    %dma_start3A_1485 = arith.constant 0 : i32
    %dma_start3A_1486 = arith.constant 0 : i32
    %dma_start3A_1487 = tpu.memref_slice %arg4[%add3A, %dma_start3A_1473, %dma_start3A_1485, %dma_start3A_1486] : memref<32x26x128x128xf32, #tpu.memory_space<hbm>> -> memref<1x1x128x128xf32, #tpu.memory_space<hbm>>
    %dma_start3A_1488 = tpu.memref_squeeze %dma_start3A_1487 : memref<1x1x128x128xf32, #tpu.memory_space<hbm>> -> memref<128x128xf32, #tpu.memory_space<hbm>>
    %dma_start3A_1489 = arith.constant 0 : i32
    %dma_start3A_1490 = arith.constant 0 : i32
    %dma_start3A_1491 = tpu.memref_slice %arg6[%dma_start3A_1472, %dma_start3A_1489, %dma_start3A_1490] : memref<6x128x128xf32, #tpu.memory_space<vmem>> -> memref<1x128x128xf32, #tpu.memory_space<vmem>>
    %dma_start3A_1492 = tpu.memref_squeeze %dma_start3A_1491 : memref<1x128x128xf32, #tpu.memory_space<vmem>> -> memref<128x128xf32, #tpu.memory_space<vmem>>
    tpu.enqueue_dma source(%dma_start3A_1492 : memref<128x128xf32, #tpu.memory_space<vmem>>) target(%dma_start3A_1488 : memref<128x128xf32, #tpu.memory_space<hbm>>) target_semaphore(%dma_start3A_1484 : memref<!tpu.dma_semaphore, #tpu.memory_space<semaphore_mem>>)
    %dma_wait3A_1493 = arith.constant 1 : i32
    %dma_wait3A_1494 = arith.constant 19 : i32
    %dma_wait3A_1495 = arith.constant 1 : i32
    %dma_wait3A_1496 = arith.constant 0 : i32
    %dma_wait3A_1497 = arith.constant 0 : i32
    %dma_wait3A_1498 = tpu.memref_slice %arg6[%dma_wait3A_1493, %dma_wait3A_1496, %dma_wait3A_1497] : memref<6x128x128xf32, #tpu.memory_space<vmem>> -> memref<1x128x128xf32, #tpu.memory_space<vmem>>
    %dma_wait3A_1499 = tpu.memref_squeeze %dma_wait3A_1498 : memref<1x128x128xf32, #tpu.memory_space<vmem>> -> memref<128x128xf32, #tpu.memory_space<vmem>>
    %dma_wait3A_1500 = arith.constant 0 : i32
    %dma_wait3A_1501 = arith.constant 0 : i32
    %dma_wait3A_1502 = tpu.memref_slice %arg4[%add3A, %dma_wait3A_1494, %dma_wait3A_1500, %dma_wait3A_1501] : memref<32x26x128x128xf32, #tpu.memory_space<hbm>> -> memref<1x1x128x128xf32, #tpu.memory_space<hbm>>
    %dma_wait3A_1503 = tpu.memref_squeeze %dma_wait3A_1502 : memref<1x1x128x128xf32, #tpu.memory_space<hbm>> -> memref<128x128xf32, #tpu.memory_space<hbm>>
    %dma_wait3A_1504 = tpu.memref_slice %arg8[%dma_wait3A_1495] : memref<6x!tpu.dma_semaphore, #tpu.memory_space<semaphore_mem>> -> memref<1x!tpu.dma_semaphore, #tpu.memory_space<semaphore_mem>>
    %dma_wait3A_1505 = tpu.memref_squeeze %dma_wait3A_1504 : memref<1x!tpu.dma_semaphore, #tpu.memory_space<semaphore_mem>> -> memref<!tpu.dma_semaphore, #tpu.memory_space<semaphore_mem>>
    %dma_wait3A_1506 = arith.constant 0 : i32
    %dma_wait3A_1507 = arith.constant 0 : i32
    %dma_wait3A_1508 = tpu.memref_slice %arg4[%add3A, %dma_wait3A_1494, %dma_wait3A_1506, %dma_wait3A_1507] : memref<32x26x128x128xf32, #tpu.memory_space<hbm>> -> memref<1x1x128x128xf32, #tpu.memory_space<hbm>>
    %dma_wait3A_1509 = tpu.memref_squeeze %dma_wait3A_1508 : memref<1x1x128x128xf32, #tpu.memory_space<hbm>> -> memref<128x128xf32, #tpu.memory_space<hbm>>
    %dma_wait3A_1510 = arith.constant 0 : i32
    %dma_wait3A_1511 = arith.constant 0 : i32
    %dma_wait3A_1512 = tpu.memref_slice %arg6[%dma_wait3A_1493, %dma_wait3A_1510, %dma_wait3A_1511] : memref<6x128x128xf32, #tpu.memory_space<vmem>> -> memref<1x128x128xf32, #tpu.memory_space<vmem>>
    %dma_wait3A_1513 = tpu.memref_squeeze %dma_wait3A_1512 : memref<1x128x128xf32, #tpu.memory_space<vmem>> -> memref<128x128xf32, #tpu.memory_space<vmem>>
    tpu.wait_dma2 semaphore(%dma_wait3A_1505 : memref<!tpu.dma_semaphore, #tpu.memory_space<semaphore_mem>>) src(%dma_wait3A_1513 : memref<128x128xf32, #tpu.memory_space<vmem>>) dst(%dma_wait3A_1509 : memref<128x128xf32, #tpu.memory_space<hbm>>)
    %dma_start3A_1514 = arith.constant 25 : i32
    %dma_start3A_1515 = arith.constant 1 : i32
    %dma_start3A_1516 = arith.constant 1 : i32
    %dma_start3A_1517 = arith.constant 0 : i32
    %dma_start3A_1518 = arith.constant 0 : i32
    %dma_start3A_1519 = tpu.memref_slice %arg6[%dma_start3A_1515, %dma_start3A_1517, %dma_start3A_1518] : memref<6x128x128xf32, #tpu.memory_space<vmem>> -> memref<1x128x128xf32, #tpu.memory_space<vmem>>
    %dma_start3A_1520 = tpu.memref_squeeze %dma_start3A_1519 : memref<1x128x128xf32, #tpu.memory_space<vmem>> -> memref<128x128xf32, #tpu.memory_space<vmem>>
    %dma_start3A_1521 = arith.constant 0 : i32
    %dma_start3A_1522 = tpu.memref_slice %arg5[%dma_start3A_1514, %dma_start3A_1521] : memref<26x128xi32, #tpu.memory_space<vmem>> -> memref<1x128xi32, #tpu.memory_space<vmem>>
    %dma_start3A_1523 = tpu.memref_squeeze %dma_start3A_1522 : memref<1x128xi32, #tpu.memory_space<vmem>> -> memref<128xi32, #tpu.memory_space<vmem>>
    %dma_start3A_1524 = arith.constant 0 : i32
    %dma_start3A_1525 = arith.constant 0 : i32
    %dma_start3A_1526 = tpu.memref_slice %arg2[%dma_start3A_1524, %dma_start3A_1525] : memref<1000000x128xf32, #tpu.memory_space<hbm>> -> memref<1000000x128xf32, #tpu.memory_space<hbm>>
    %dma_start3A_1527 = tpu.memref_slice %arg7[%dma_start3A_1516] : memref<6x!tpu.dma_semaphore, #tpu.memory_space<semaphore_mem>> -> memref<1x!tpu.dma_semaphore, #tpu.memory_space<semaphore_mem>>
    %dma_start3A_1528 = tpu.memref_squeeze %dma_start3A_1527 : memref<1x!tpu.dma_semaphore, #tpu.memory_space<semaphore_mem>> -> memref<!tpu.dma_semaphore, #tpu.memory_space<semaphore_mem>>
    tpu.enqueue_indirect_dma source(%dma_start3A_1526 : memref<1000000x128xf32, #tpu.memory_space<hbm>>) target(%dma_start3A_1520 : memref<128x128xf32, #tpu.memory_space<vmem>>) offsets(%dma_start3A_1523 : memref<128xi32, #tpu.memory_space<vmem>>) semaphore(%dma_start3A_1528 : memref<!tpu.dma_semaphore, #tpu.memory_space<semaphore_mem>>)
    %dma_wait3A_1529 = arith.constant 20 : i32
    %dma_wait3A_1530 = arith.constant 2 : i32
    %dma_wait3A_1531 = arith.constant 2 : i32
    %dma_wait3A_1532 = arith.constant 0 : i32
    %dma_wait3A_1533 = arith.constant 0 : i32
    %dma_wait3A_1534 = tpu.memref_slice %arg6[%dma_wait3A_1530, %dma_wait3A_1532, %dma_wait3A_1533] : memref<6x128x128xf32, #tpu.memory_space<vmem>> -> memref<1x128x128xf32, #tpu.memory_space<vmem>>
    %dma_wait3A_1535 = tpu.memref_squeeze %dma_wait3A_1534 : memref<1x128x128xf32, #tpu.memory_space<vmem>> -> memref<128x128xf32, #tpu.memory_space<vmem>>
    %dma_wait3A_1536 = arith.constant 0 : i32
    %dma_wait3A_1537 = tpu.memref_slice %arg5[%dma_wait3A_1529, %dma_wait3A_1536] : memref<26x128xi32, #tpu.memory_space<vmem>> -> memref<1x128xi32, #tpu.memory_space<vmem>>
    %dma_wait3A_1538 = tpu.memref_squeeze %dma_wait3A_1537 : memref<1x128xi32, #tpu.memory_space<vmem>> -> memref<128xi32, #tpu.memory_space<vmem>>
    %dma_wait3A_1539 = arith.constant 0 : i32
    %dma_wait3A_1540 = arith.constant 0 : i32
    %dma_wait3A_1541 = tpu.memref_slice %arg2[%dma_wait3A_1539, %dma_wait3A_1540] : memref<1000000x128xf32, #tpu.memory_space<hbm>> -> memref<1000000x128xf32, #tpu.memory_space<hbm>>
    %dma_wait3A_1542 = tpu.memref_slice %arg7[%dma_wait3A_1531] : memref<6x!tpu.dma_semaphore, #tpu.memory_space<semaphore_mem>> -> memref<1x!tpu.dma_semaphore, #tpu.memory_space<semaphore_mem>>
    %dma_wait3A_1543 = tpu.memref_squeeze %dma_wait3A_1542 : memref<1x!tpu.dma_semaphore, #tpu.memory_space<semaphore_mem>> -> memref<!tpu.dma_semaphore, #tpu.memory_space<semaphore_mem>>
    tpu.wait_indirect_dma semaphore(%dma_wait3A_1543 : memref<!tpu.dma_semaphore, #tpu.memory_space<semaphore_mem>>) src(%dma_wait3A_1541 : memref<1000000x128xf32, #tpu.memory_space<hbm>>) dst(%dma_wait3A_1535 : memref<128x128xf32, #tpu.memory_space<vmem>>)
    %dma_start3A_1544 = arith.constant 2 : i32
    %dma_start3A_1545 = arith.constant 20 : i32
    %dma_start3A_1546 = arith.constant 2 : i32
    %dma_start3A_1547 = arith.constant 0 : i32
    %dma_start3A_1548 = arith.constant 0 : i32
    %dma_start3A_1549 = tpu.memref_slice %arg6[%dma_start3A_1544, %dma_start3A_1547, %dma_start3A_1548] : memref<6x128x128xf32, #tpu.memory_space<vmem>> -> memref<1x128x128xf32, #tpu.memory_space<vmem>>
    %dma_start3A_1550 = tpu.memref_squeeze %dma_start3A_1549 : memref<1x128x128xf32, #tpu.memory_space<vmem>> -> memref<128x128xf32, #tpu.memory_space<vmem>>
    %dma_start3A_1551 = arith.constant 0 : i32
    %dma_start3A_1552 = arith.constant 0 : i32
    %dma_start3A_1553 = tpu.memref_slice %arg4[%add3A, %dma_start3A_1545, %dma_start3A_1551, %dma_start3A_1552] : memref<32x26x128x128xf32, #tpu.memory_space<hbm>> -> memref<1x1x128x128xf32, #tpu.memory_space<hbm>>
    %dma_start3A_1554 = tpu.memref_squeeze %dma_start3A_1553 : memref<1x1x128x128xf32, #tpu.memory_space<hbm>> -> memref<128x128xf32, #tpu.memory_space<hbm>>
    %dma_start3A_1555 = tpu.memref_slice %arg8[%dma_start3A_1546] : memref<6x!tpu.dma_semaphore, #tpu.memory_space<semaphore_mem>> -> memref<1x!tpu.dma_semaphore, #tpu.memory_space<semaphore_mem>>
    %dma_start3A_1556 = tpu.memref_squeeze %dma_start3A_1555 : memref<1x!tpu.dma_semaphore, #tpu.memory_space<semaphore_mem>> -> memref<!tpu.dma_semaphore, #tpu.memory_space<semaphore_mem>>
    %dma_start3A_1557 = arith.constant 0 : i32
    %dma_start3A_1558 = arith.constant 0 : i32
    %dma_start3A_1559 = tpu.memref_slice %arg4[%add3A, %dma_start3A_1545, %dma_start3A_1557, %dma_start3A_1558] : memref<32x26x128x128xf32, #tpu.memory_space<hbm>> -> memref<1x1x128x128xf32, #tpu.memory_space<hbm>>
    %dma_start3A_1560 = tpu.memref_squeeze %dma_start3A_1559 : memref<1x1x128x128xf32, #tpu.memory_space<hbm>> -> memref<128x128xf32, #tpu.memory_space<hbm>>
    %dma_start3A_1561 = arith.constant 0 : i32
    %dma_start3A_1562 = arith.constant 0 : i32
    %dma_start3A_1563 = tpu.memref_slice %arg6[%dma_start3A_1544, %dma_start3A_1561, %dma_start3A_1562] : memref<6x128x128xf32, #tpu.memory_space<vmem>> -> memref<1x128x128xf32, #tpu.memory_space<vmem>>
    %dma_start3A_1564 = tpu.memref_squeeze %dma_start3A_1563 : memref<1x128x128xf32, #tpu.memory_space<vmem>> -> memref<128x128xf32, #tpu.memory_space<vmem>>
    tpu.enqueue_dma source(%dma_start3A_1564 : memref<128x128xf32, #tpu.memory_space<vmem>>) target(%dma_start3A_1560 : memref<128x128xf32, #tpu.memory_space<hbm>>) target_semaphore(%dma_start3A_1556 : memref<!tpu.dma_semaphore, #tpu.memory_space<semaphore_mem>>)
    %dma_wait3A_1565 = arith.constant 21 : i32
    %dma_wait3A_1566 = arith.constant 3 : i32
    %dma_wait3A_1567 = arith.constant 3 : i32
    %dma_wait3A_1568 = arith.constant 0 : i32
    %dma_wait3A_1569 = arith.constant 0 : i32
    %dma_wait3A_1570 = tpu.memref_slice %arg6[%dma_wait3A_1566, %dma_wait3A_1568, %dma_wait3A_1569] : memref<6x128x128xf32, #tpu.memory_space<vmem>> -> memref<1x128x128xf32, #tpu.memory_space<vmem>>
    %dma_wait3A_1571 = tpu.memref_squeeze %dma_wait3A_1570 : memref<1x128x128xf32, #tpu.memory_space<vmem>> -> memref<128x128xf32, #tpu.memory_space<vmem>>
    %dma_wait3A_1572 = arith.constant 0 : i32
    %dma_wait3A_1573 = tpu.memref_slice %arg5[%dma_wait3A_1565, %dma_wait3A_1572] : memref<26x128xi32, #tpu.memory_space<vmem>> -> memref<1x128xi32, #tpu.memory_space<vmem>>
    %dma_wait3A_1574 = tpu.memref_squeeze %dma_wait3A_1573 : memref<1x128xi32, #tpu.memory_space<vmem>> -> memref<128xi32, #tpu.memory_space<vmem>>
    %dma_wait3A_1575 = arith.constant 0 : i32
    %dma_wait3A_1576 = arith.constant 0 : i32
    %dma_wait3A_1577 = tpu.memref_slice %arg2[%dma_wait3A_1575, %dma_wait3A_1576] : memref<1000000x128xf32, #tpu.memory_space<hbm>> -> memref<1000000x128xf32, #tpu.memory_space<hbm>>
    %dma_wait3A_1578 = tpu.memref_slice %arg7[%dma_wait3A_1567] : memref<6x!tpu.dma_semaphore, #tpu.memory_space<semaphore_mem>> -> memref<1x!tpu.dma_semaphore, #tpu.memory_space<semaphore_mem>>
    %dma_wait3A_1579 = tpu.memref_squeeze %dma_wait3A_1578 : memref<1x!tpu.dma_semaphore, #tpu.memory_space<semaphore_mem>> -> memref<!tpu.dma_semaphore, #tpu.memory_space<semaphore_mem>>
    tpu.wait_indirect_dma semaphore(%dma_wait3A_1579 : memref<!tpu.dma_semaphore, #tpu.memory_space<semaphore_mem>>) src(%dma_wait3A_1577 : memref<1000000x128xf32, #tpu.memory_space<hbm>>) dst(%dma_wait3A_1571 : memref<128x128xf32, #tpu.memory_space<vmem>>)
    %dma_start3A_1580 = arith.constant 3 : i32
    %dma_start3A_1581 = arith.constant 21 : i32
    %dma_start3A_1582 = arith.constant 3 : i32
    %dma_start3A_1583 = arith.constant 0 : i32
    %dma_start3A_1584 = arith.constant 0 : i32
    %dma_start3A_1585 = tpu.memref_slice %arg6[%dma_start3A_1580, %dma_start3A_1583, %dma_start3A_1584] : memref<6x128x128xf32, #tpu.memory_space<vmem>> -> memref<1x128x128xf32, #tpu.memory_space<vmem>>
    %dma_start3A_1586 = tpu.memref_squeeze %dma_start3A_1585 : memref<1x128x128xf32, #tpu.memory_space<vmem>> -> memref<128x128xf32, #tpu.memory_space<vmem>>
    %dma_start3A_1587 = arith.constant 0 : i32
    %dma_start3A_1588 = arith.constant 0 : i32
    %dma_start3A_1589 = tpu.memref_slice %arg4[%add3A, %dma_start3A_1581, %dma_start3A_1587, %dma_start3A_1588] : memref<32x26x128x128xf32, #tpu.memory_space<hbm>> -> memref<1x1x128x128xf32, #tpu.memory_space<hbm>>
    %dma_start3A_1590 = tpu.memref_squeeze %dma_start3A_1589 : memref<1x1x128x128xf32, #tpu.memory_space<hbm>> -> memref<128x128xf32, #tpu.memory_space<hbm>>
    %dma_start3A_1591 = tpu.memref_slice %arg8[%dma_start3A_1582] : memref<6x!tpu.dma_semaphore, #tpu.memory_space<semaphore_mem>> -> memref<1x!tpu.dma_semaphore, #tpu.memory_space<semaphore_mem>>
    %dma_start3A_1592 = tpu.memref_squeeze %dma_start3A_1591 : memref<1x!tpu.dma_semaphore, #tpu.memory_space<semaphore_mem>> -> memref<!tpu.dma_semaphore, #tpu.memory_space<semaphore_mem>>
    %dma_start3A_1593 = arith.constant 0 : i32
    %dma_start3A_1594 = arith.constant 0 : i32
    %dma_start3A_1595 = tpu.memref_slice %arg4[%add3A, %dma_start3A_1581, %dma_start3A_1593, %dma_start3A_1594] : memref<32x26x128x128xf32, #tpu.memory_space<hbm>> -> memref<1x1x128x128xf32, #tpu.memory_space<hbm>>
    %dma_start3A_1596 = tpu.memref_squeeze %dma_start3A_1595 : memref<1x1x128x128xf32, #tpu.memory_space<hbm>> -> memref<128x128xf32, #tpu.memory_space<hbm>>
    %dma_start3A_1597 = arith.constant 0 : i32
    %dma_start3A_1598 = arith.constant 0 : i32
    %dma_start3A_1599 = tpu.memref_slice %arg6[%dma_start3A_1580, %dma_start3A_1597, %dma_start3A_1598] : memref<6x128x128xf32, #tpu.memory_space<vmem>> -> memref<1x128x128xf32, #tpu.memory_space<vmem>>
    %dma_start3A_1600 = tpu.memref_squeeze %dma_start3A_1599 : memref<1x128x128xf32, #tpu.memory_space<vmem>> -> memref<128x128xf32, #tpu.memory_space<vmem>>
    tpu.enqueue_dma source(%dma_start3A_1600 : memref<128x128xf32, #tpu.memory_space<vmem>>) target(%dma_start3A_1596 : memref<128x128xf32, #tpu.memory_space<hbm>>) target_semaphore(%dma_start3A_1592 : memref<!tpu.dma_semaphore, #tpu.memory_space<semaphore_mem>>)
    %dma_wait3A_1601 = arith.constant 22 : i32
    %dma_wait3A_1602 = arith.constant 4 : i32
    %dma_wait3A_1603 = arith.constant 4 : i32
    %dma_wait3A_1604 = arith.constant 0 : i32
    %dma_wait3A_1605 = arith.constant 0 : i32
    %dma_wait3A_1606 = tpu.memref_slice %arg6[%dma_wait3A_1602, %dma_wait3A_1604, %dma_wait3A_1605] : memref<6x128x128xf32, #tpu.memory_space<vmem>> -> memref<1x128x128xf32, #tpu.memory_space<vmem>>
    %dma_wait3A_1607 = tpu.memref_squeeze %dma_wait3A_1606 : memref<1x128x128xf32, #tpu.memory_space<vmem>> -> memref<128x128xf32, #tpu.memory_space<vmem>>
    %dma_wait3A_1608 = arith.constant 0 : i32
    %dma_wait3A_1609 = tpu.memref_slice %arg5[%dma_wait3A_1601, %dma_wait3A_1608] : memref<26x128xi32, #tpu.memory_space<vmem>> -> memref<1x128xi32, #tpu.memory_space<vmem>>
    %dma_wait3A_1610 = tpu.memref_squeeze %dma_wait3A_1609 : memref<1x128xi32, #tpu.memory_space<vmem>> -> memref<128xi32, #tpu.memory_space<vmem>>
    %dma_wait3A_1611 = arith.constant 0 : i32
    %dma_wait3A_1612 = arith.constant 0 : i32
    %dma_wait3A_1613 = tpu.memref_slice %arg2[%dma_wait3A_1611, %dma_wait3A_1612] : memref<1000000x128xf32, #tpu.memory_space<hbm>> -> memref<1000000x128xf32, #tpu.memory_space<hbm>>
    %dma_wait3A_1614 = tpu.memref_slice %arg7[%dma_wait3A_1603] : memref<6x!tpu.dma_semaphore, #tpu.memory_space<semaphore_mem>> -> memref<1x!tpu.dma_semaphore, #tpu.memory_space<semaphore_mem>>
    %dma_wait3A_1615 = tpu.memref_squeeze %dma_wait3A_1614 : memref<1x!tpu.dma_semaphore, #tpu.memory_space<semaphore_mem>> -> memref<!tpu.dma_semaphore, #tpu.memory_space<semaphore_mem>>
    tpu.wait_indirect_dma semaphore(%dma_wait3A_1615 : memref<!tpu.dma_semaphore, #tpu.memory_space<semaphore_mem>>) src(%dma_wait3A_1613 : memref<1000000x128xf32, #tpu.memory_space<hbm>>) dst(%dma_wait3A_1607 : memref<128x128xf32, #tpu.memory_space<vmem>>)
    %dma_start3A_1616 = arith.constant 4 : i32
    %dma_start3A_1617 = arith.constant 22 : i32
    %dma_start3A_1618 = arith.constant 4 : i32
    %dma_start3A_1619 = arith.constant 0 : i32
    %dma_start3A_1620 = arith.constant 0 : i32
    %dma_start3A_1621 = tpu.memref_slice %arg6[%dma_start3A_1616, %dma_start3A_1619, %dma_start3A_1620] : memref<6x128x128xf32, #tpu.memory_space<vmem>> -> memref<1x128x128xf32, #tpu.memory_space<vmem>>
    %dma_start3A_1622 = tpu.memref_squeeze %dma_start3A_1621 : memref<1x128x128xf32, #tpu.memory_space<vmem>> -> memref<128x128xf32, #tpu.memory_space<vmem>>
    %dma_start3A_1623 = arith.constant 0 : i32
    %dma_start3A_1624 = arith.constant 0 : i32
    %dma_start3A_1625 = tpu.memref_slice %arg4[%add3A, %dma_start3A_1617, %dma_start3A_1623, %dma_start3A_1624] : memref<32x26x128x128xf32, #tpu.memory_space<hbm>> -> memref<1x1x128x128xf32, #tpu.memory_space<hbm>>
    %dma_start3A_1626 = tpu.memref_squeeze %dma_start3A_1625 : memref<1x1x128x128xf32, #tpu.memory_space<hbm>> -> memref<128x128xf32, #tpu.memory_space<hbm>>
    %dma_start3A_1627 = tpu.memref_slice %arg8[%dma_start3A_1618] : memref<6x!tpu.dma_semaphore, #tpu.memory_space<semaphore_mem>> -> memref<1x!tpu.dma_semaphore, #tpu.memory_space<semaphore_mem>>
    %dma_start3A_1628 = tpu.memref_squeeze %dma_start3A_1627 : memref<1x!tpu.dma_semaphore, #tpu.memory_space<semaphore_mem>> -> memref<!tpu.dma_semaphore, #tpu.memory_space<semaphore_mem>>
    %dma_start3A_1629 = arith.constant 0 : i32
    %dma_start3A_1630 = arith.constant 0 : i32
    %dma_start3A_1631 = tpu.memref_slice %arg4[%add3A, %dma_start3A_1617, %dma_start3A_1629, %dma_start3A_1630] : memref<32x26x128x128xf32, #tpu.memory_space<hbm>> -> memref<1x1x128x128xf32, #tpu.memory_space<hbm>>
    %dma_start3A_1632 = tpu.memref_squeeze %dma_start3A_1631 : memref<1x1x128x128xf32, #tpu.memory_space<hbm>> -> memref<128x128xf32, #tpu.memory_space<hbm>>
    %dma_start3A_1633 = arith.constant 0 : i32
    %dma_start3A_1634 = arith.constant 0 : i32
    %dma_start3A_1635 = tpu.memref_slice %arg6[%dma_start3A_1616, %dma_start3A_1633, %dma_start3A_1634] : memref<6x128x128xf32, #tpu.memory_space<vmem>> -> memref<1x128x128xf32, #tpu.memory_space<vmem>>
    %dma_start3A_1636 = tpu.memref_squeeze %dma_start3A_1635 : memref<1x128x128xf32, #tpu.memory_space<vmem>> -> memref<128x128xf32, #tpu.memory_space<vmem>>
    tpu.enqueue_dma source(%dma_start3A_1636 : memref<128x128xf32, #tpu.memory_space<vmem>>) target(%dma_start3A_1632 : memref<128x128xf32, #tpu.memory_space<hbm>>) target_semaphore(%dma_start3A_1628 : memref<!tpu.dma_semaphore, #tpu.memory_space<semaphore_mem>>)
    %dma_wait3A_1637 = arith.constant 23 : i32
    %dma_wait3A_1638 = arith.constant 5 : i32
    %dma_wait3A_1639 = arith.constant 5 : i32
    %dma_wait3A_1640 = arith.constant 0 : i32
    %dma_wait3A_1641 = arith.constant 0 : i32
    %dma_wait3A_1642 = tpu.memref_slice %arg6[%dma_wait3A_1638, %dma_wait3A_1640, %dma_wait3A_1641] : memref<6x128x128xf32, #tpu.memory_space<vmem>> -> memref<1x128x128xf32, #tpu.memory_space<vmem>>
    %dma_wait3A_1643 = tpu.memref_squeeze %dma_wait3A_1642 : memref<1x128x128xf32, #tpu.memory_space<vmem>> -> memref<128x128xf32, #tpu.memory_space<vmem>>
    %dma_wait3A_1644 = arith.constant 0 : i32
    %dma_wait3A_1645 = tpu.memref_slice %arg5[%dma_wait3A_1637, %dma_wait3A_1644] : memref<26x128xi32, #tpu.memory_space<vmem>> -> memref<1x128xi32, #tpu.memory_space<vmem>>
    %dma_wait3A_1646 = tpu.memref_squeeze %dma_wait3A_1645 : memref<1x128xi32, #tpu.memory_space<vmem>> -> memref<128xi32, #tpu.memory_space<vmem>>
    %dma_wait3A_1647 = arith.constant 0 : i32
    %dma_wait3A_1648 = arith.constant 0 : i32
    %dma_wait3A_1649 = tpu.memref_slice %arg2[%dma_wait3A_1647, %dma_wait3A_1648] : memref<1000000x128xf32, #tpu.memory_space<hbm>> -> memref<1000000x128xf32, #tpu.memory_space<hbm>>
    %dma_wait3A_1650 = tpu.memref_slice %arg7[%dma_wait3A_1639] : memref<6x!tpu.dma_semaphore, #tpu.memory_space<semaphore_mem>> -> memref<1x!tpu.dma_semaphore, #tpu.memory_space<semaphore_mem>>
    %dma_wait3A_1651 = tpu.memref_squeeze %dma_wait3A_1650 : memref<1x!tpu.dma_semaphore, #tpu.memory_space<semaphore_mem>> -> memref<!tpu.dma_semaphore, #tpu.memory_space<semaphore_mem>>
    tpu.wait_indirect_dma semaphore(%dma_wait3A_1651 : memref<!tpu.dma_semaphore, #tpu.memory_space<semaphore_mem>>) src(%dma_wait3A_1649 : memref<1000000x128xf32, #tpu.memory_space<hbm>>) dst(%dma_wait3A_1643 : memref<128x128xf32, #tpu.memory_space<vmem>>)
    %dma_start3A_1652 = arith.constant 5 : i32
    %dma_start3A_1653 = arith.constant 23 : i32
    %dma_start3A_1654 = arith.constant 5 : i32
    %dma_start3A_1655 = arith.constant 0 : i32
    %dma_start3A_1656 = arith.constant 0 : i32
    %dma_start3A_1657 = tpu.memref_slice %arg6[%dma_start3A_1652, %dma_start3A_1655, %dma_start3A_1656] : memref<6x128x128xf32, #tpu.memory_space<vmem>> -> memref<1x128x128xf32, #tpu.memory_space<vmem>>
    %dma_start3A_1658 = tpu.memref_squeeze %dma_start3A_1657 : memref<1x128x128xf32, #tpu.memory_space<vmem>> -> memref<128x128xf32, #tpu.memory_space<vmem>>
    %dma_start3A_1659 = arith.constant 0 : i32
    %dma_start3A_1660 = arith.constant 0 : i32
    %dma_start3A_1661 = tpu.memref_slice %arg4[%add3A, %dma_start3A_1653, %dma_start3A_1659, %dma_start3A_1660] : memref<32x26x128x128xf32, #tpu.memory_space<hbm>> -> memref<1x1x128x128xf32, #tpu.memory_space<hbm>>
    %dma_start3A_1662 = tpu.memref_squeeze %dma_start3A_1661 : memref<1x1x128x128xf32, #tpu.memory_space<hbm>> -> memref<128x128xf32, #tpu.memory_space<hbm>>
    %dma_start3A_1663 = tpu.memref_slice %arg8[%dma_start3A_1654] : memref<6x!tpu.dma_semaphore, #tpu.memory_space<semaphore_mem>> -> memref<1x!tpu.dma_semaphore, #tpu.memory_space<semaphore_mem>>
    %dma_start3A_1664 = tpu.memref_squeeze %dma_start3A_1663 : memref<1x!tpu.dma_semaphore, #tpu.memory_space<semaphore_mem>> -> memref<!tpu.dma_semaphore, #tpu.memory_space<semaphore_mem>>
    %dma_start3A_1665 = arith.constant 0 : i32
    %dma_start3A_1666 = arith.constant 0 : i32
    %dma_start3A_1667 = tpu.memref_slice %arg4[%add3A, %dma_start3A_1653, %dma_start3A_1665, %dma_start3A_1666] : memref<32x26x128x128xf32, #tpu.memory_space<hbm>> -> memref<1x1x128x128xf32, #tpu.memory_space<hbm>>
    %dma_start3A_1668 = tpu.memref_squeeze %dma_start3A_1667 : memref<1x1x128x128xf32, #tpu.memory_space<hbm>> -> memref<128x128xf32, #tpu.memory_space<hbm>>
    %dma_start3A_1669 = arith.constant 0 : i32
    %dma_start3A_1670 = arith.constant 0 : i32
    %dma_start3A_1671 = tpu.memref_slice %arg6[%dma_start3A_1652, %dma_start3A_1669, %dma_start3A_1670] : memref<6x128x128xf32, #tpu.memory_space<vmem>> -> memref<1x128x128xf32, #tpu.memory_space<vmem>>
    %dma_start3A_1672 = tpu.memref_squeeze %dma_start3A_1671 : memref<1x128x128xf32, #tpu.memory_space<vmem>> -> memref<128x128xf32, #tpu.memory_space<vmem>>
    tpu.enqueue_dma source(%dma_start3A_1672 : memref<128x128xf32, #tpu.memory_space<vmem>>) target(%dma_start3A_1668 : memref<128x128xf32, #tpu.memory_space<hbm>>) target_semaphore(%dma_start3A_1664 : memref<!tpu.dma_semaphore, #tpu.memory_space<semaphore_mem>>)
    %dma_wait3A_1673 = arith.constant 24 : i32
    %dma_wait3A_1674 = arith.constant 0 : i32
    %dma_wait3A_1675 = arith.constant 0 : i32
    %dma_wait3A_1676 = arith.constant 0 : i32
    %dma_wait3A_1677 = arith.constant 0 : i32
    %dma_wait3A_1678 = tpu.memref_slice %arg6[%dma_wait3A_1674, %dma_wait3A_1676, %dma_wait3A_1677] : memref<6x128x128xf32, #tpu.memory_space<vmem>> -> memref<1x128x128xf32, #tpu.memory_space<vmem>>
    %dma_wait3A_1679 = tpu.memref_squeeze %dma_wait3A_1678 : memref<1x128x128xf32, #tpu.memory_space<vmem>> -> memref<128x128xf32, #tpu.memory_space<vmem>>
    %dma_wait3A_1680 = arith.constant 0 : i32
    %dma_wait3A_1681 = tpu.memref_slice %arg5[%dma_wait3A_1673, %dma_wait3A_1680] : memref<26x128xi32, #tpu.memory_space<vmem>> -> memref<1x128xi32, #tpu.memory_space<vmem>>
    %dma_wait3A_1682 = tpu.memref_squeeze %dma_wait3A_1681 : memref<1x128xi32, #tpu.memory_space<vmem>> -> memref<128xi32, #tpu.memory_space<vmem>>
    %dma_wait3A_1683 = arith.constant 0 : i32
    %dma_wait3A_1684 = arith.constant 0 : i32
    %dma_wait3A_1685 = tpu.memref_slice %arg2[%dma_wait3A_1683, %dma_wait3A_1684] : memref<1000000x128xf32, #tpu.memory_space<hbm>> -> memref<1000000x128xf32, #tpu.memory_space<hbm>>
    %dma_wait3A_1686 = tpu.memref_slice %arg7[%dma_wait3A_1675] : memref<6x!tpu.dma_semaphore, #tpu.memory_space<semaphore_mem>> -> memref<1x!tpu.dma_semaphore, #tpu.memory_space<semaphore_mem>>
    %dma_wait3A_1687 = tpu.memref_squeeze %dma_wait3A_1686 : memref<1x!tpu.dma_semaphore, #tpu.memory_space<semaphore_mem>> -> memref<!tpu.dma_semaphore, #tpu.memory_space<semaphore_mem>>
    tpu.wait_indirect_dma semaphore(%dma_wait3A_1687 : memref<!tpu.dma_semaphore, #tpu.memory_space<semaphore_mem>>) src(%dma_wait3A_1685 : memref<1000000x128xf32, #tpu.memory_space<hbm>>) dst(%dma_wait3A_1679 : memref<128x128xf32, #tpu.memory_space<vmem>>)
    %dma_start3A_1688 = arith.constant 0 : i32
    %dma_start3A_1689 = arith.constant 24 : i32
    %dma_start3A_1690 = arith.constant 0 : i32
    %dma_start3A_1691 = arith.constant 0 : i32
    %dma_start3A_1692 = arith.constant 0 : i32
    %dma_start3A_1693 = tpu.memref_slice %arg6[%dma_start3A_1688, %dma_start3A_1691, %dma_start3A_1692] : memref<6x128x128xf32, #tpu.memory_space<vmem>> -> memref<1x128x128xf32, #tpu.memory_space<vmem>>
    %dma_start3A_1694 = tpu.memref_squeeze %dma_start3A_1693 : memref<1x128x128xf32, #tpu.memory_space<vmem>> -> memref<128x128xf32, #tpu.memory_space<vmem>>
    %dma_start3A_1695 = arith.constant 0 : i32
    %dma_start3A_1696 = arith.constant 0 : i32
    %dma_start3A_1697 = tpu.memref_slice %arg4[%add3A, %dma_start3A_1689, %dma_start3A_1695, %dma_start3A_1696] : memref<32x26x128x128xf32, #tpu.memory_space<hbm>> -> memref<1x1x128x128xf32, #tpu.memory_space<hbm>>
    %dma_start3A_1698 = tpu.memref_squeeze %dma_start3A_1697 : memref<1x1x128x128xf32, #tpu.memory_space<hbm>> -> memref<128x128xf32, #tpu.memory_space<hbm>>
    %dma_start3A_1699 = tpu.memref_slice %arg8[%dma_start3A_1690] : memref<6x!tpu.dma_semaphore, #tpu.memory_space<semaphore_mem>> -> memref<1x!tpu.dma_semaphore, #tpu.memory_space<semaphore_mem>>
    %dma_start3A_1700 = tpu.memref_squeeze %dma_start3A_1699 : memref<1x!tpu.dma_semaphore, #tpu.memory_space<semaphore_mem>> -> memref<!tpu.dma_semaphore, #tpu.memory_space<semaphore_mem>>
    %dma_start3A_1701 = arith.constant 0 : i32
    %dma_start3A_1702 = arith.constant 0 : i32
    %dma_start3A_1703 = tpu.memref_slice %arg4[%add3A, %dma_start3A_1689, %dma_start3A_1701, %dma_start3A_1702] : memref<32x26x128x128xf32, #tpu.memory_space<hbm>> -> memref<1x1x128x128xf32, #tpu.memory_space<hbm>>
    %dma_start3A_1704 = tpu.memref_squeeze %dma_start3A_1703 : memref<1x1x128x128xf32, #tpu.memory_space<hbm>> -> memref<128x128xf32, #tpu.memory_space<hbm>>
    %dma_start3A_1705 = arith.constant 0 : i32
    %dma_start3A_1706 = arith.constant 0 : i32
    %dma_start3A_1707 = tpu.memref_slice %arg6[%dma_start3A_1688, %dma_start3A_1705, %dma_start3A_1706] : memref<6x128x128xf32, #tpu.memory_space<vmem>> -> memref<1x128x128xf32, #tpu.memory_space<vmem>>
    %dma_start3A_1708 = tpu.memref_squeeze %dma_start3A_1707 : memref<1x128x128xf32, #tpu.memory_space<vmem>> -> memref<128x128xf32, #tpu.memory_space<vmem>>
    tpu.enqueue_dma source(%dma_start3A_1708 : memref<128x128xf32, #tpu.memory_space<vmem>>) target(%dma_start3A_1704 : memref<128x128xf32, #tpu.memory_space<hbm>>) target_semaphore(%dma_start3A_1700 : memref<!tpu.dma_semaphore, #tpu.memory_space<semaphore_mem>>)
    %dma_wait3A_1709 = arith.constant 25 : i32
    %dma_wait3A_1710 = arith.constant 1 : i32
    %dma_wait3A_1711 = arith.constant 1 : i32
    %dma_wait3A_1712 = arith.constant 0 : i32
    %dma_wait3A_1713 = arith.constant 0 : i32
    %dma_wait3A_1714 = tpu.memref_slice %arg6[%dma_wait3A_1710, %dma_wait3A_1712, %dma_wait3A_1713] : memref<6x128x128xf32, #tpu.memory_space<vmem>> -> memref<1x128x128xf32, #tpu.memory_space<vmem>>
    %dma_wait3A_1715 = tpu.memref_squeeze %dma_wait3A_1714 : memref<1x128x128xf32, #tpu.memory_space<vmem>> -> memref<128x128xf32, #tpu.memory_space<vmem>>
    %dma_wait3A_1716 = arith.constant 0 : i32
    %dma_wait3A_1717 = tpu.memref_slice %arg5[%dma_wait3A_1709, %dma_wait3A_1716] : memref<26x128xi32, #tpu.memory_space<vmem>> -> memref<1x128xi32, #tpu.memory_space<vmem>>
    %dma_wait3A_1718 = tpu.memref_squeeze %dma_wait3A_1717 : memref<1x128xi32, #tpu.memory_space<vmem>> -> memref<128xi32, #tpu.memory_space<vmem>>
    %dma_wait3A_1719 = arith.constant 0 : i32
    %dma_wait3A_1720 = arith.constant 0 : i32
    %dma_wait3A_1721 = tpu.memref_slice %arg2[%dma_wait3A_1719, %dma_wait3A_1720] : memref<1000000x128xf32, #tpu.memory_space<hbm>> -> memref<1000000x128xf32, #tpu.memory_space<hbm>>
    %dma_wait3A_1722 = tpu.memref_slice %arg7[%dma_wait3A_1711] : memref<6x!tpu.dma_semaphore, #tpu.memory_space<semaphore_mem>> -> memref<1x!tpu.dma_semaphore, #tpu.memory_space<semaphore_mem>>
    %dma_wait3A_1723 = tpu.memref_squeeze %dma_wait3A_1722 : memref<1x!tpu.dma_semaphore, #tpu.memory_space<semaphore_mem>> -> memref<!tpu.dma_semaphore, #tpu.memory_space<semaphore_mem>>
    tpu.wait_indirect_dma semaphore(%dma_wait3A_1723 : memref<!tpu.dma_semaphore, #tpu.memory_space<semaphore_mem>>) src(%dma_wait3A_1721 : memref<1000000x128xf32, #tpu.memory_space<hbm>>) dst(%dma_wait3A_1715 : memref<128x128xf32, #tpu.memory_space<vmem>>)
    %dma_start3A_1724 = arith.constant 1 : i32
    %dma_start3A_1725 = arith.constant 25 : i32
    %dma_start3A_1726 = arith.constant 1 : i32
    %dma_start3A_1727 = arith.constant 0 : i32
    %dma_start3A_1728 = arith.constant 0 : i32
    %dma_start3A_1729 = tpu.memref_slice %arg6[%dma_start3A_1724, %dma_start3A_1727, %dma_start3A_1728] : memref<6x128x128xf32, #tpu.memory_space<vmem>> -> memref<1x128x128xf32, #tpu.memory_space<vmem>>
    %dma_start3A_1730 = tpu.memref_squeeze %dma_start3A_1729 : memref<1x128x128xf32, #tpu.memory_space<vmem>> -> memref<128x128xf32, #tpu.memory_space<vmem>>
    %dma_start3A_1731 = arith.constant 0 : i32
    %dma_start3A_1732 = arith.constant 0 : i32
    %dma_start3A_1733 = tpu.memref_slice %arg4[%add3A, %dma_start3A_1725, %dma_start3A_1731, %dma_start3A_1732] : memref<32x26x128x128xf32, #tpu.memory_space<hbm>> -> memref<1x1x128x128xf32, #tpu.memory_space<hbm>>
    %dma_start3A_1734 = tpu.memref_squeeze %dma_start3A_1733 : memref<1x1x128x128xf32, #tpu.memory_space<hbm>> -> memref<128x128xf32, #tpu.memory_space<hbm>>
    %dma_start3A_1735 = tpu.memref_slice %arg8[%dma_start3A_1726] : memref<6x!tpu.dma_semaphore, #tpu.memory_space<semaphore_mem>> -> memref<1x!tpu.dma_semaphore, #tpu.memory_space<semaphore_mem>>
    %dma_start3A_1736 = tpu.memref_squeeze %dma_start3A_1735 : memref<1x!tpu.dma_semaphore, #tpu.memory_space<semaphore_mem>> -> memref<!tpu.dma_semaphore, #tpu.memory_space<semaphore_mem>>
    %dma_start3A_1737 = arith.constant 0 : i32
    %dma_start3A_1738 = arith.constant 0 : i32
    %dma_start3A_1739 = tpu.memref_slice %arg4[%add3A, %dma_start3A_1725, %dma_start3A_1737, %dma_start3A_1738] : memref<32x26x128x128xf32, #tpu.memory_space<hbm>> -> memref<1x1x128x128xf32, #tpu.memory_space<hbm>>
    %dma_start3A_1740 = tpu.memref_squeeze %dma_start3A_1739 : memref<1x1x128x128xf32, #tpu.memory_space<hbm>> -> memref<128x128xf32, #tpu.memory_space<hbm>>
    %dma_start3A_1741 = arith.constant 0 : i32
    %dma_start3A_1742 = arith.constant 0 : i32
    %dma_start3A_1743 = tpu.memref_slice %arg6[%dma_start3A_1724, %dma_start3A_1741, %dma_start3A_1742] : memref<6x128x128xf32, #tpu.memory_space<vmem>> -> memref<1x128x128xf32, #tpu.memory_space<vmem>>
    %dma_start3A_1744 = tpu.memref_squeeze %dma_start3A_1743 : memref<1x128x128xf32, #tpu.memory_space<vmem>> -> memref<128x128xf32, #tpu.memory_space<vmem>>
    tpu.enqueue_dma source(%dma_start3A_1744 : memref<128x128xf32, #tpu.memory_space<vmem>>) target(%dma_start3A_1740 : memref<128x128xf32, #tpu.memory_space<hbm>>) target_semaphore(%dma_start3A_1736 : memref<!tpu.dma_semaphore, #tpu.memory_space<semaphore_mem>>)
    %dma_wait3A_1745 = arith.constant 2 : i32
    %dma_wait3A_1746 = arith.constant 20 : i32
    %dma_wait3A_1747 = arith.constant 2 : i32
    %dma_wait3A_1748 = arith.constant 0 : i32
    %dma_wait3A_1749 = arith.constant 0 : i32
    %dma_wait3A_1750 = tpu.memref_slice %arg6[%dma_wait3A_1745, %dma_wait3A_1748, %dma_wait3A_1749] : memref<6x128x128xf32, #tpu.memory_space<vmem>> -> memref<1x128x128xf32, #tpu.memory_space<vmem>>
    %dma_wait3A_1751 = tpu.memref_squeeze %dma_wait3A_1750 : memref<1x128x128xf32, #tpu.memory_space<vmem>> -> memref<128x128xf32, #tpu.memory_space<vmem>>
    %dma_wait3A_1752 = arith.constant 0 : i32
    %dma_wait3A_1753 = arith.constant 0 : i32
    %dma_wait3A_1754 = tpu.memref_slice %arg4[%add3A, %dma_wait3A_1746, %dma_wait3A_1752, %dma_wait3A_1753] : memref<32x26x128x128xf32, #tpu.memory_space<hbm>> -> memref<1x1x128x128xf32, #tpu.memory_space<hbm>>
    %dma_wait3A_1755 = tpu.memref_squeeze %dma_wait3A_1754 : memref<1x1x128x128xf32, #tpu.memory_space<hbm>> -> memref<128x128xf32, #tpu.memory_space<hbm>>
    %dma_wait3A_1756 = tpu.memref_slice %arg8[%dma_wait3A_1747] : memref<6x!tpu.dma_semaphore, #tpu.memory_space<semaphore_mem>> -> memref<1x!tpu.dma_semaphore, #tpu.memory_space<semaphore_mem>>
    %dma_wait3A_1757 = tpu.memref_squeeze %dma_wait3A_1756 : memref<1x!tpu.dma_semaphore, #tpu.memory_space<semaphore_mem>> -> memref<!tpu.dma_semaphore, #tpu.memory_space<semaphore_mem>>
    %dma_wait3A_1758 = arith.constant 0 : i32
    %dma_wait3A_1759 = arith.constant 0 : i32
    %dma_wait3A_1760 = tpu.memref_slice %arg4[%add3A, %dma_wait3A_1746, %dma_wait3A_1758, %dma_wait3A_1759] : memref<32x26x128x128xf32, #tpu.memory_space<hbm>> -> memref<1x1x128x128xf32, #tpu.memory_space<hbm>>
    %dma_wait3A_1761 = tpu.memref_squeeze %dma_wait3A_1760 : memref<1x1x128x128xf32, #tpu.memory_space<hbm>> -> memref<128x128xf32, #tpu.memory_space<hbm>>
    %dma_wait3A_1762 = arith.constant 0 : i32
    %dma_wait3A_1763 = arith.constant 0 : i32
    %dma_wait3A_1764 = tpu.memref_slice %arg6[%dma_wait3A_1745, %dma_wait3A_1762, %dma_wait3A_1763] : memref<6x128x128xf32, #tpu.memory_space<vmem>> -> memref<1x128x128xf32, #tpu.memory_space<vmem>>
    %dma_wait3A_1765 = tpu.memref_squeeze %dma_wait3A_1764 : memref<1x128x128xf32, #tpu.memory_space<vmem>> -> memref<128x128xf32, #tpu.memory_space<vmem>>
    tpu.wait_dma2 semaphore(%dma_wait3A_1757 : memref<!tpu.dma_semaphore, #tpu.memory_space<semaphore_mem>>) src(%dma_wait3A_1765 : memref<128x128xf32, #tpu.memory_space<vmem>>) dst(%dma_wait3A_1761 : memref<128x128xf32, #tpu.memory_space<hbm>>)
    %dma_wait3A_1766 = arith.constant 3 : i32
    %dma_wait3A_1767 = arith.constant 21 : i32
    %dma_wait3A_1768 = arith.constant 3 : i32
    %dma_wait3A_1769 = arith.constant 0 : i32
    %dma_wait3A_1770 = arith.constant 0 : i32
    %dma_wait3A_1771 = tpu.memref_slice %arg6[%dma_wait3A_1766, %dma_wait3A_1769, %dma_wait3A_1770] : memref<6x128x128xf32, #tpu.memory_space<vmem>> -> memref<1x128x128xf32, #tpu.memory_space<vmem>>
    %dma_wait3A_1772 = tpu.memref_squeeze %dma_wait3A_1771 : memref<1x128x128xf32, #tpu.memory_space<vmem>> -> memref<128x128xf32, #tpu.memory_space<vmem>>
    %dma_wait3A_1773 = arith.constant 0 : i32
    %dma_wait3A_1774 = arith.constant 0 : i32
    %dma_wait3A_1775 = tpu.memref_slice %arg4[%add3A, %dma_wait3A_1767, %dma_wait3A_1773, %dma_wait3A_1774] : memref<32x26x128x128xf32, #tpu.memory_space<hbm>> -> memref<1x1x128x128xf32, #tpu.memory_space<hbm>>
    %dma_wait3A_1776 = tpu.memref_squeeze %dma_wait3A_1775 : memref<1x1x128x128xf32, #tpu.memory_space<hbm>> -> memref<128x128xf32, #tpu.memory_space<hbm>>
    %dma_wait3A_1777 = tpu.memref_slice %arg8[%dma_wait3A_1768] : memref<6x!tpu.dma_semaphore, #tpu.memory_space<semaphore_mem>> -> memref<1x!tpu.dma_semaphore, #tpu.memory_space<semaphore_mem>>
    %dma_wait3A_1778 = tpu.memref_squeeze %dma_wait3A_1777 : memref<1x!tpu.dma_semaphore, #tpu.memory_space<semaphore_mem>> -> memref<!tpu.dma_semaphore, #tpu.memory_space<semaphore_mem>>
    %dma_wait3A_1779 = arith.constant 0 : i32
    %dma_wait3A_1780 = arith.constant 0 : i32
    %dma_wait3A_1781 = tpu.memref_slice %arg4[%add3A, %dma_wait3A_1767, %dma_wait3A_1779, %dma_wait3A_1780] : memref<32x26x128x128xf32, #tpu.memory_space<hbm>> -> memref<1x1x128x128xf32, #tpu.memory_space<hbm>>
    %dma_wait3A_1782 = tpu.memref_squeeze %dma_wait3A_1781 : memref<1x1x128x128xf32, #tpu.memory_space<hbm>> -> memref<128x128xf32, #tpu.memory_space<hbm>>
    %dma_wait3A_1783 = arith.constant 0 : i32
    %dma_wait3A_1784 = arith.constant 0 : i32
    %dma_wait3A_1785 = tpu.memref_slice %arg6[%dma_wait3A_1766, %dma_wait3A_1783, %dma_wait3A_1784] : memref<6x128x128xf32, #tpu.memory_space<vmem>> -> memref<1x128x128xf32, #tpu.memory_space<vmem>>
    %dma_wait3A_1786 = tpu.memref_squeeze %dma_wait3A_1785 : memref<1x128x128xf32, #tpu.memory_space<vmem>> -> memref<128x128xf32, #tpu.memory_space<vmem>>
    tpu.wait_dma2 semaphore(%dma_wait3A_1778 : memref<!tpu.dma_semaphore, #tpu.memory_space<semaphore_mem>>) src(%dma_wait3A_1786 : memref<128x128xf32, #tpu.memory_space<vmem>>) dst(%dma_wait3A_1782 : memref<128x128xf32, #tpu.memory_space<hbm>>)
    %dma_wait3A_1787 = arith.constant 4 : i32
    %dma_wait3A_1788 = arith.constant 22 : i32
    %dma_wait3A_1789 = arith.constant 4 : i32
    %dma_wait3A_1790 = arith.constant 0 : i32
    %dma_wait3A_1791 = arith.constant 0 : i32
    %dma_wait3A_1792 = tpu.memref_slice %arg6[%dma_wait3A_1787, %dma_wait3A_1790, %dma_wait3A_1791] : memref<6x128x128xf32, #tpu.memory_space<vmem>> -> memref<1x128x128xf32, #tpu.memory_space<vmem>>
    %dma_wait3A_1793 = tpu.memref_squeeze %dma_wait3A_1792 : memref<1x128x128xf32, #tpu.memory_space<vmem>> -> memref<128x128xf32, #tpu.memory_space<vmem>>
    %dma_wait3A_1794 = arith.constant 0 : i32
    %dma_wait3A_1795 = arith.constant 0 : i32
    %dma_wait3A_1796 = tpu.memref_slice %arg4[%add3A, %dma_wait3A_1788, %dma_wait3A_1794, %dma_wait3A_1795] : memref<32x26x128x128xf32, #tpu.memory_space<hbm>> -> memref<1x1x128x128xf32, #tpu.memory_space<hbm>>
    %dma_wait3A_1797 = tpu.memref_squeeze %dma_wait3A_1796 : memref<1x1x128x128xf32, #tpu.memory_space<hbm>> -> memref<128x128xf32, #tpu.memory_space<hbm>>
    %dma_wait3A_1798 = tpu.memref_slice %arg8[%dma_wait3A_1789] : memref<6x!tpu.dma_semaphore, #tpu.memory_space<semaphore_mem>> -> memref<1x!tpu.dma_semaphore, #tpu.memory_space<semaphore_mem>>
    %dma_wait3A_1799 = tpu.memref_squeeze %dma_wait3A_1798 : memref<1x!tpu.dma_semaphore, #tpu.memory_space<semaphore_mem>> -> memref<!tpu.dma_semaphore, #tpu.memory_space<semaphore_mem>>
    %dma_wait3A_1800 = arith.constant 0 : i32
    %dma_wait3A_1801 = arith.constant 0 : i32
    %dma_wait3A_1802 = tpu.memref_slice %arg4[%add3A, %dma_wait3A_1788, %dma_wait3A_1800, %dma_wait3A_1801] : memref<32x26x128x128xf32, #tpu.memory_space<hbm>> -> memref<1x1x128x128xf32, #tpu.memory_space<hbm>>
    %dma_wait3A_1803 = tpu.memref_squeeze %dma_wait3A_1802 : memref<1x1x128x128xf32, #tpu.memory_space<hbm>> -> memref<128x128xf32, #tpu.memory_space<hbm>>
    %dma_wait3A_1804 = arith.constant 0 : i32
    %dma_wait3A_1805 = arith.constant 0 : i32
    %dma_wait3A_1806 = tpu.memref_slice %arg6[%dma_wait3A_1787, %dma_wait3A_1804, %dma_wait3A_1805] : memref<6x128x128xf32, #tpu.memory_space<vmem>> -> memref<1x128x128xf32, #tpu.memory_space<vmem>>
    %dma_wait3A_1807 = tpu.memref_squeeze %dma_wait3A_1806 : memref<1x128x128xf32, #tpu.memory_space<vmem>> -> memref<128x128xf32, #tpu.memory_space<vmem>>
    tpu.wait_dma2 semaphore(%dma_wait3A_1799 : memref<!tpu.dma_semaphore, #tpu.memory_space<semaphore_mem>>) src(%dma_wait3A_1807 : memref<128x128xf32, #tpu.memory_space<vmem>>) dst(%dma_wait3A_1803 : memref<128x128xf32, #tpu.memory_space<hbm>>)
    %dma_wait3A_1808 = arith.constant 5 : i32
    %dma_wait3A_1809 = arith.constant 23 : i32
    %dma_wait3A_1810 = arith.constant 5 : i32
    %dma_wait3A_1811 = arith.constant 0 : i32
    %dma_wait3A_1812 = arith.constant 0 : i32
    %dma_wait3A_1813 = tpu.memref_slice %arg6[%dma_wait3A_1808, %dma_wait3A_1811, %dma_wait3A_1812] : memref<6x128x128xf32, #tpu.memory_space<vmem>> -> memref<1x128x128xf32, #tpu.memory_space<vmem>>
    %dma_wait3A_1814 = tpu.memref_squeeze %dma_wait3A_1813 : memref<1x128x128xf32, #tpu.memory_space<vmem>> -> memref<128x128xf32, #tpu.memory_space<vmem>>
    %dma_wait3A_1815 = arith.constant 0 : i32
    %dma_wait3A_1816 = arith.constant 0 : i32
    %dma_wait3A_1817 = tpu.memref_slice %arg4[%add3A, %dma_wait3A_1809, %dma_wait3A_1815, %dma_wait3A_1816] : memref<32x26x128x128xf32, #tpu.memory_space<hbm>> -> memref<1x1x128x128xf32, #tpu.memory_space<hbm>>
    %dma_wait3A_1818 = tpu.memref_squeeze %dma_wait3A_1817 : memref<1x1x128x128xf32, #tpu.memory_space<hbm>> -> memref<128x128xf32, #tpu.memory_space<hbm>>
    %dma_wait3A_1819 = tpu.memref_slice %arg8[%dma_wait3A_1810] : memref<6x!tpu.dma_semaphore, #tpu.memory_space<semaphore_mem>> -> memref<1x!tpu.dma_semaphore, #tpu.memory_space<semaphore_mem>>
    %dma_wait3A_1820 = tpu.memref_squeeze %dma_wait3A_1819 : memref<1x!tpu.dma_semaphore, #tpu.memory_space<semaphore_mem>> -> memref<!tpu.dma_semaphore, #tpu.memory_space<semaphore_mem>>
    %dma_wait3A_1821 = arith.constant 0 : i32
    %dma_wait3A_1822 = arith.constant 0 : i32
    %dma_wait3A_1823 = tpu.memref_slice %arg4[%add3A, %dma_wait3A_1809, %dma_wait3A_1821, %dma_wait3A_1822] : memref<32x26x128x128xf32, #tpu.memory_space<hbm>> -> memref<1x1x128x128xf32, #tpu.memory_space<hbm>>
    %dma_wait3A_1824 = tpu.memref_squeeze %dma_wait3A_1823 : memref<1x1x128x128xf32, #tpu.memory_space<hbm>> -> memref<128x128xf32, #tpu.memory_space<hbm>>
    %dma_wait3A_1825 = arith.constant 0 : i32
    %dma_wait3A_1826 = arith.constant 0 : i32
    %dma_wait3A_1827 = tpu.memref_slice %arg6[%dma_wait3A_1808, %dma_wait3A_1825, %dma_wait3A_1826] : memref<6x128x128xf32, #tpu.memory_space<vmem>> -> memref<1x128x128xf32, #tpu.memory_space<vmem>>
    %dma_wait3A_1828 = tpu.memref_squeeze %dma_wait3A_1827 : memref<1x128x128xf32, #tpu.memory_space<vmem>> -> memref<128x128xf32, #tpu.memory_space<vmem>>
    tpu.wait_dma2 semaphore(%dma_wait3A_1820 : memref<!tpu.dma_semaphore, #tpu.memory_space<semaphore_mem>>) src(%dma_wait3A_1828 : memref<128x128xf32, #tpu.memory_space<vmem>>) dst(%dma_wait3A_1824 : memref<128x128xf32, #tpu.memory_space<hbm>>)
    %dma_wait3A_1829 = arith.constant 0 : i32
    %dma_wait3A_1830 = arith.constant 24 : i32
    %dma_wait3A_1831 = arith.constant 0 : i32
    %dma_wait3A_1832 = arith.constant 0 : i32
    %dma_wait3A_1833 = arith.constant 0 : i32
    %dma_wait3A_1834 = tpu.memref_slice %arg6[%dma_wait3A_1829, %dma_wait3A_1832, %dma_wait3A_1833] : memref<6x128x128xf32, #tpu.memory_space<vmem>> -> memref<1x128x128xf32, #tpu.memory_space<vmem>>
    %dma_wait3A_1835 = tpu.memref_squeeze %dma_wait3A_1834 : memref<1x128x128xf32, #tpu.memory_space<vmem>> -> memref<128x128xf32, #tpu.memory_space<vmem>>
    %dma_wait3A_1836 = arith.constant 0 : i32
    %dma_wait3A_1837 = arith.constant 0 : i32
    %dma_wait3A_1838 = tpu.memref_slice %arg4[%add3A, %dma_wait3A_1830, %dma_wait3A_1836, %dma_wait3A_1837] : memref<32x26x128x128xf32, #tpu.memory_space<hbm>> -> memref<1x1x128x128xf32, #tpu.memory_space<hbm>>
    %dma_wait3A_1839 = tpu.memref_squeeze %dma_wait3A_1838 : memref<1x1x128x128xf32, #tpu.memory_space<hbm>> -> memref<128x128xf32, #tpu.memory_space<hbm>>
    %dma_wait3A_1840 = tpu.memref_slice %arg8[%dma_wait3A_1831] : memref<6x!tpu.dma_semaphore, #tpu.memory_space<semaphore_mem>> -> memref<1x!tpu.dma_semaphore, #tpu.memory_space<semaphore_mem>>
    %dma_wait3A_1841 = tpu.memref_squeeze %dma_wait3A_1840 : memref<1x!tpu.dma_semaphore, #tpu.memory_space<semaphore_mem>> -> memref<!tpu.dma_semaphore, #tpu.memory_space<semaphore_mem>>
    %dma_wait3A_1842 = arith.constant 0 : i32
    %dma_wait3A_1843 = arith.constant 0 : i32
    %dma_wait3A_1844 = tpu.memref_slice %arg4[%add3A, %dma_wait3A_1830, %dma_wait3A_1842, %dma_wait3A_1843] : memref<32x26x128x128xf32, #tpu.memory_space<hbm>> -> memref<1x1x128x128xf32, #tpu.memory_space<hbm>>
    %dma_wait3A_1845 = tpu.memref_squeeze %dma_wait3A_1844 : memref<1x1x128x128xf32, #tpu.memory_space<hbm>> -> memref<128x128xf32, #tpu.memory_space<hbm>>
    %dma_wait3A_1846 = arith.constant 0 : i32
    %dma_wait3A_1847 = arith.constant 0 : i32
    %dma_wait3A_1848 = tpu.memref_slice %arg6[%dma_wait3A_1829, %dma_wait3A_1846, %dma_wait3A_1847] : memref<6x128x128xf32, #tpu.memory_space<vmem>> -> memref<1x128x128xf32, #tpu.memory_space<vmem>>
    %dma_wait3A_1849 = tpu.memref_squeeze %dma_wait3A_1848 : memref<1x128x128xf32, #tpu.memory_space<vmem>> -> memref<128x128xf32, #tpu.memory_space<vmem>>
    tpu.wait_dma2 semaphore(%dma_wait3A_1841 : memref<!tpu.dma_semaphore, #tpu.memory_space<semaphore_mem>>) src(%dma_wait3A_1849 : memref<128x128xf32, #tpu.memory_space<vmem>>) dst(%dma_wait3A_1845 : memref<128x128xf32, #tpu.memory_space<hbm>>)
    %dma_wait3A_1850 = arith.constant 1 : i32
    %dma_wait3A_1851 = arith.constant 25 : i32
    %dma_wait3A_1852 = arith.constant 1 : i32
    %dma_wait3A_1853 = arith.constant 0 : i32
    %dma_wait3A_1854 = arith.constant 0 : i32
    %dma_wait3A_1855 = tpu.memref_slice %arg6[%dma_wait3A_1850, %dma_wait3A_1853, %dma_wait3A_1854] : memref<6x128x128xf32, #tpu.memory_space<vmem>> -> memref<1x128x128xf32, #tpu.memory_space<vmem>>
    %dma_wait3A_1856 = tpu.memref_squeeze %dma_wait3A_1855 : memref<1x128x128xf32, #tpu.memory_space<vmem>> -> memref<128x128xf32, #tpu.memory_space<vmem>>
    %dma_wait3A_1857 = arith.constant 0 : i32
    %dma_wait3A_1858 = arith.constant 0 : i32
    %dma_wait3A_1859 = tpu.memref_slice %arg4[%add3A, %dma_wait3A_1851, %dma_wait3A_1857, %dma_wait3A_1858] : memref<32x26x128x128xf32, #tpu.memory_space<hbm>> -> memref<1x1x128x128xf32, #tpu.memory_space<hbm>>
    %dma_wait3A_1860 = tpu.memref_squeeze %dma_wait3A_1859 : memref<1x1x128x128xf32, #tpu.memory_space<hbm>> -> memref<128x128xf32, #tpu.memory_space<hbm>>
    %dma_wait3A_1861 = tpu.memref_slice %arg8[%dma_wait3A_1852] : memref<6x!tpu.dma_semaphore, #tpu.memory_space<semaphore_mem>> -> memref<1x!tpu.dma_semaphore, #tpu.memory_space<semaphore_mem>>
    %dma_wait3A_1862 = tpu.memref_squeeze %dma_wait3A_1861 : memref<1x!tpu.dma_semaphore, #tpu.memory_space<semaphore_mem>> -> memref<!tpu.dma_semaphore, #tpu.memory_space<semaphore_mem>>
    %dma_wait3A_1863 = arith.constant 0 : i32
    %dma_wait3A_1864 = arith.constant 0 : i32
    %dma_wait3A_1865 = tpu.memref_slice %arg4[%add3A, %dma_wait3A_1851, %dma_wait3A_1863, %dma_wait3A_1864] : memref<32x26x128x128xf32, #tpu.memory_space<hbm>> -> memref<1x1x128x128xf32, #tpu.memory_space<hbm>>
    %dma_wait3A_1866 = tpu.memref_squeeze %dma_wait3A_1865 : memref<1x1x128x128xf32, #tpu.memory_space<hbm>> -> memref<128x128xf32, #tpu.memory_space<hbm>>
    %dma_wait3A_1867 = arith.constant 0 : i32
    %dma_wait3A_1868 = arith.constant 0 : i32
    %dma_wait3A_1869 = tpu.memref_slice %arg6[%dma_wait3A_1850, %dma_wait3A_1867, %dma_wait3A_1868] : memref<6x128x128xf32, #tpu.memory_space<vmem>> -> memref<1x128x128xf32, #tpu.memory_space<vmem>>
    %dma_wait3A_1870 = tpu.memref_squeeze %dma_wait3A_1869 : memref<1x128x128xf32, #tpu.memory_space<vmem>> -> memref<128x128xf32, #tpu.memory_space<vmem>>
    tpu.wait_dma2 semaphore(%dma_wait3A_1862 : memref<!tpu.dma_semaphore, #tpu.memory_space<semaphore_mem>>) src(%dma_wait3A_1870 : memref<128x128xf32, #tpu.memory_space<vmem>>) dst(%dma_wait3A_1866 : memref<128x128xf32, #tpu.memory_space<hbm>>)
    return
  }
}

module attributes {stable_mosaic.version = 14 : i64} {
  func.func @_proj_body(%arg0: i32, %arg1: memref<32x1000000xf32, #tpu.memory_space<any>>, %arg2: memref<32x128xf32, #tpu.memory_space<vmem>>, %arg3: memref<1x128xf32, #tpu.memory_space<vmem>>, %arg4: memref<1000000x128xf32, #tpu.memory_space<any>>, %arg5: memref<2x32x15872xf32, #tpu.memory_space<vmem>>, %arg6: memref<2x15872x128xf32, #tpu.memory_space<vmem>>, %arg7: memref<32x64xf32, #tpu.memory_space<vmem>>, %arg8: memref<64x128xf32, #tpu.memory_space<vmem>>, %arg9: memref<2x!tpu.dma_semaphore, #tpu.memory_space<semaphore_mem>>, %arg10: memref<2x!tpu.dma_semaphore, #tpu.memory_space<semaphore_mem>>) attributes {dimension_semantics = [#tpu.dimension_semantics<arbitrary>], iteration_bounds = array<i64: 64>, scalar_prefetch = 0 : i64, scratch_operands = 6 : i64, tpu.core_type = #tpu.core_type<tc>, window_params = [{}, {pipeline_mode = #tpu.pipeline_mode<synchronous>, transform_indices = @transform_1, window_bounds = array<i64: 32, 128>}, {pipeline_mode = #tpu.pipeline_mode<synchronous>, transform_indices = @transform_2, window_bounds = array<i64: 1, 128>}, {}]} {
    %eq3A = arith.constant 0 : i32
    %eq3A_0 = arith.cmpi eq, %arg0, %eq3A : i32
    %convert_element_type3A = arith.extui %eq3A_0 : i1 to i32
    %cond3A = arith.constant 0 : i32
    %cond3A_1 = arith.cmpi ne, %convert_element_type3A, %cond3A : i32
    scf.if %cond3A_1 {
      %dma_start3A = arith.constant 0 : i32
      %dma_start3A_24 = arith.constant 0 : i32
      %dma_start3A_25 = tpu.memref_slice %arg9[%dma_start3A_24] : memref<2x!tpu.dma_semaphore, #tpu.memory_space<semaphore_mem>> -> memref<1x!tpu.dma_semaphore, #tpu.memory_space<semaphore_mem>>
      %dma_start3A_26 = tpu.memref_squeeze %dma_start3A_25 : memref<1x!tpu.dma_semaphore, #tpu.memory_space<semaphore_mem>> -> memref<!tpu.dma_semaphore, #tpu.memory_space<semaphore_mem>>
      %dma_start3A_27 = arith.constant 0 : i32
      %dma_start3A_28 = arith.constant 0 : i32
      %dma_start3A_29 = tpu.memref_slice %arg5[%dma_start3A, %dma_start3A_27, %dma_start3A_28] : memref<2x32x15872xf32, #tpu.memory_space<vmem>> -> memref<1x32x15872xf32, #tpu.memory_space<vmem>>
      %dma_start3A_30 = tpu.memref_squeeze %dma_start3A_29 : memref<1x32x15872xf32, #tpu.memory_space<vmem>> -> memref<32x15872xf32, #tpu.memory_space<vmem>>
      %dma_start3A_31 = arith.constant 0 : i32
      %dma_start3A_32 = arith.constant 0 : i32
      %dma_start3A_33 = tpu.memref_slice %arg1[%dma_start3A_31, %dma_start3A_32] : memref<32x1000000xf32, #tpu.memory_space<any>> -> memref<32x15872xf32, #tpu.memory_space<any>>
      tpu.enqueue_dma source(%dma_start3A_33 : memref<32x15872xf32, #tpu.memory_space<any>>) target(%dma_start3A_30 : memref<32x15872xf32, #tpu.memory_space<vmem>>) target_semaphore(%dma_start3A_26 : memref<!tpu.dma_semaphore, #tpu.memory_space<semaphore_mem>>)
    } else {
    }
    %add3A = arith.constant 1 : i32
    %add3A_2 = arith.addi %arg0, %add3A : i32
    %lt3A = arith.constant 63 : i32
    %lt3A_3 = arith.cmpi slt, %add3A_2, %lt3A : i32
    %convert_element_type3A_4 = arith.extui %lt3A_3 : i1 to i32
    %cond3A_5 = arith.constant 0 : i32
    %cond3A_6 = arith.cmpi ne, %convert_element_type3A_4, %cond3A_5 : i32
    scf.if %cond3A_6 {
      %add3A_24 = arith.constant 1 : i32
      %add3A_25 = arith.addi %arg0, %add3A_24 : i32
      %mul3A = arith.constant 15872 : i32
      %mul3A_26 = arith.muli %add3A_25, %mul3A : i32
      %jit3A = arith.constant 2 : i32
      %eq3A_27 = arith.constant 0 : i32
      %eq3A_28 = arith.cmpi eq, %jit3A, %eq3A_27 : i32
      %jit3A_29 = arith.constant 1 : i32
      %select_n3A = arith.select %eq3A_28, %jit3A_29, %jit3A : i32
      %rem3A = arith.remsi %add3A_25, %select_n3A : i32
      %ne3A = arith.constant 0 : i32
      %ne3A_30 = arith.cmpi ne, %rem3A, %ne3A : i32
      %lt3A_31 = arith.constant 0 : i32
      %lt3A_32 = arith.cmpi slt, %rem3A, %lt3A_31 : i32
      %lt3A_33 = arith.constant 0 : i32
      %lt3A_34 = arith.cmpi slt, %select_n3A, %lt3A_33 : i32
      %ne3A_35 = arith.xori %lt3A_32, %lt3A_34 : i1
      %and3A = arith.andi %ne3A_35, %ne3A_30 : i1
      %add3A_36 = arith.addi %rem3A, %select_n3A : i32
      %select_n3A_37 = arith.select %and3A, %add3A_36, %rem3A : i32
      %jit3A_38 = arith.constant 2 : i32
      %eq3A_39 = arith.constant 0 : i32
      %eq3A_40 = arith.cmpi eq, %jit3A_38, %eq3A_39 : i32
      %jit3A_41 = arith.constant 1 : i32
      %select_n3A_42 = arith.select %eq3A_40, %jit3A_41, %jit3A_38 : i32
      %rem3A_43 = arith.remsi %add3A_25, %select_n3A_42 : i32
      %ne3A_44 = arith.constant 0 : i32
      %ne3A_45 = arith.cmpi ne, %rem3A_43, %ne3A_44 : i32
      %lt3A_46 = arith.constant 0 : i32
      %lt3A_47 = arith.cmpi slt, %rem3A_43, %lt3A_46 : i32
      %lt3A_48 = arith.constant 0 : i32
      %lt3A_49 = arith.cmpi slt, %select_n3A_42, %lt3A_48 : i32
      %ne3A_50 = arith.xori %lt3A_47, %lt3A_49 : i1
      %and3A_51 = arith.andi %ne3A_50, %ne3A_45 : i1
      %add3A_52 = arith.addi %rem3A_43, %select_n3A_42 : i32
      %select_n3A_53 = arith.select %and3A_51, %add3A_52, %rem3A_43 : i32
      %dma_start3A = tpu.memref_slice %arg9[%select_n3A_53] : memref<2x!tpu.dma_semaphore, #tpu.memory_space<semaphore_mem>> -> memref<1x!tpu.dma_semaphore, #tpu.memory_space<semaphore_mem>>
      %dma_start3A_54 = tpu.memref_squeeze %dma_start3A : memref<1x!tpu.dma_semaphore, #tpu.memory_space<semaphore_mem>> -> memref<!tpu.dma_semaphore, #tpu.memory_space<semaphore_mem>>
      %dma_start3A_55 = arith.constant 0 : i32
      %dma_start3A_56 = arith.constant 0 : i32
      %dma_start3A_57 = tpu.memref_slice %arg5[%select_n3A_37, %dma_start3A_55, %dma_start3A_56] : memref<2x32x15872xf32, #tpu.memory_space<vmem>> -> memref<1x32x15872xf32, #tpu.memory_space<vmem>>
      %dma_start3A_58 = tpu.memref_squeeze %dma_start3A_57 : memref<1x32x15872xf32, #tpu.memory_space<vmem>> -> memref<32x15872xf32, #tpu.memory_space<vmem>>
      %dma_start3A_59 = arith.constant 0 : i32
      %dma_start3A_60 = tpu.memref_slice %arg1[%dma_start3A_59, %mul3A_26] : memref<32x1000000xf32, #tpu.memory_space<any>> -> memref<32x15872xf32, #tpu.memory_space<any>>
      tpu.enqueue_dma source(%dma_start3A_60 : memref<32x15872xf32, #tpu.memory_space<any>>) target(%dma_start3A_58 : memref<32x15872xf32, #tpu.memory_space<vmem>>) target_semaphore(%dma_start3A_54 : memref<!tpu.dma_semaphore, #tpu.memory_space<semaphore_mem>>)
    } else {
    }
    %add3A_7 = arith.constant 1 : i32
    %add3A_8 = arith.addi %arg0, %add3A_7 : i32
    %eq3A_9 = arith.constant 63 : i32
    %eq3A_10 = arith.cmpi eq, %add3A_8, %eq3A_9 : i32
    %convert_element_type3A_11 = arith.extui %eq3A_10 : i1 to i32
    %cond3A_12 = arith.constant 0 : i32
    %cond3A_13 = arith.cmpi ne, %convert_element_type3A_11, %cond3A_12 : i32
    scf.if %cond3A_13 {
      %dma_start3A = arith.constant 1 : i32
      %dma_start3A_24 = tpu.memref_slice %arg9[%dma_start3A] : memref<2x!tpu.dma_semaphore, #tpu.memory_space<semaphore_mem>> -> memref<1x!tpu.dma_semaphore, #tpu.memory_space<semaphore_mem>>
      %dma_start3A_25 = tpu.memref_squeeze %dma_start3A_24 : memref<1x!tpu.dma_semaphore, #tpu.memory_space<semaphore_mem>> -> memref<!tpu.dma_semaphore, #tpu.memory_space<semaphore_mem>>
      %dma_start3A_26 = arith.constant 0 : i32
      %dma_start3A_27 = arith.constant 999936 : i32
      %dma_start3A_28 = tpu.memref_slice %arg1[%dma_start3A_26, %dma_start3A_27] : memref<32x1000000xf32, #tpu.memory_space<any>> -> memref<32x64xf32, #tpu.memory_space<any>>
      tpu.enqueue_dma source(%dma_start3A_28 : memref<32x64xf32, #tpu.memory_space<any>>) target(%arg7 : memref<32x64xf32, #tpu.memory_space<vmem>>) target_semaphore(%dma_start3A_25 : memref<!tpu.dma_semaphore, #tpu.memory_space<semaphore_mem>>)
    } else {
    }
    %lt3A_14 = arith.constant 63 : i32
    %lt3A_15 = arith.cmpi slt, %arg0, %lt3A_14 : i32
    %convert_element_type3A_16 = arith.extui %lt3A_15 : i1 to i32
    %cond3A_17 = arith.constant 0 : i32
    %cond3A_18 = arith.cmpi ne, %convert_element_type3A_16, %cond3A_17 : i32
    scf.if %cond3A_18 {
      %mul3A = arith.constant 15872 : i32
      %mul3A_24 = arith.muli %arg0, %mul3A : i32
      %jit3A = arith.constant 2 : i32
      %eq3A_25 = arith.constant 0 : i32
      %eq3A_26 = arith.cmpi eq, %jit3A, %eq3A_25 : i32
      %jit3A_27 = arith.constant 1 : i32
      %select_n3A = arith.select %eq3A_26, %jit3A_27, %jit3A : i32
      %rem3A = arith.remsi %arg0, %select_n3A : i32
      %ne3A = arith.constant 0 : i32
      %ne3A_28 = arith.cmpi ne, %rem3A, %ne3A : i32
      %lt3A_29 = arith.constant 0 : i32
      %lt3A_30 = arith.cmpi slt, %rem3A, %lt3A_29 : i32
      %lt3A_31 = arith.constant 0 : i32
      %lt3A_32 = arith.cmpi slt, %select_n3A, %lt3A_31 : i32
      %ne3A_33 = arith.xori %lt3A_30, %lt3A_32 : i1
      %and3A = arith.andi %ne3A_33, %ne3A_28 : i1
      %add3A_34 = arith.addi %rem3A, %select_n3A : i32
      %select_n3A_35 = arith.select %and3A, %add3A_34, %rem3A : i32
      %jit3A_36 = arith.constant 2 : i32
      %eq3A_37 = arith.constant 0 : i32
      %eq3A_38 = arith.cmpi eq, %jit3A_36, %eq3A_37 : i32
      %jit3A_39 = arith.constant 1 : i32
      %select_n3A_40 = arith.select %eq3A_38, %jit3A_39, %jit3A_36 : i32
      %rem3A_41 = arith.remsi %arg0, %select_n3A_40 : i32
      %ne3A_42 = arith.constant 0 : i32
      %ne3A_43 = arith.cmpi ne, %rem3A_41, %ne3A_42 : i32
      %lt3A_44 = arith.constant 0 : i32
      %lt3A_45 = arith.cmpi slt, %rem3A_41, %lt3A_44 : i32
      %lt3A_46 = arith.constant 0 : i32
      %lt3A_47 = arith.cmpi slt, %select_n3A_40, %lt3A_46 : i32
      %ne3A_48 = arith.xori %lt3A_45, %lt3A_47 : i1
      %and3A_49 = arith.andi %ne3A_48, %ne3A_43 : i1
      %add3A_50 = arith.addi %rem3A_41, %select_n3A_40 : i32
      %select_n3A_51 = arith.select %and3A_49, %add3A_50, %rem3A_41 : i32
      %dma_wait3A = tpu.memref_slice %arg9[%select_n3A_51] : memref<2x!tpu.dma_semaphore, #tpu.memory_space<semaphore_mem>> -> memref<1x!tpu.dma_semaphore, #tpu.memory_space<semaphore_mem>>
      %dma_wait3A_52 = tpu.memref_squeeze %dma_wait3A : memref<1x!tpu.dma_semaphore, #tpu.memory_space<semaphore_mem>> -> memref<!tpu.dma_semaphore, #tpu.memory_space<semaphore_mem>>
      %dma_wait3A_53 = arith.constant 0 : i32
      %dma_wait3A_54 = arith.constant 0 : i32
      %dma_wait3A_55 = tpu.memref_slice %arg5[%select_n3A_35, %dma_wait3A_53, %dma_wait3A_54] : memref<2x32x15872xf32, #tpu.memory_space<vmem>> -> memref<1x32x15872xf32, #tpu.memory_space<vmem>>
      %dma_wait3A_56 = tpu.memref_squeeze %dma_wait3A_55 : memref<1x32x15872xf32, #tpu.memory_space<vmem>> -> memref<32x15872xf32, #tpu.memory_space<vmem>>
      %dma_wait3A_57 = arith.constant 0 : i32
      %dma_wait3A_58 = tpu.memref_slice %arg1[%dma_wait3A_57, %mul3A_24] : memref<32x1000000xf32, #tpu.memory_space<any>> -> memref<32x15872xf32, #tpu.memory_space<any>>
      tpu.wait_dma2 semaphore(%dma_wait3A_52 : memref<!tpu.dma_semaphore, #tpu.memory_space<semaphore_mem>>) src(%dma_wait3A_58 : memref<32x15872xf32, #tpu.memory_space<any>>) dst(%dma_wait3A_56 : memref<32x15872xf32, #tpu.memory_space<vmem>>)
      %ge3A = arith.constant 2 : i32
      %ge3A_59 = arith.cmpi sge, %arg0, %ge3A : i32
      %convert_element_type3A_60 = arith.extui %ge3A_59 : i1 to i32
      %cond3A_61 = arith.constant 0 : i32
      %cond3A_62 = arith.cmpi ne, %convert_element_type3A_60, %cond3A_61 : i32
      scf.if %cond3A_62 {
        %jit3A_154 = arith.constant 2 : i32
        %eq3A_155 = arith.constant 0 : i32
        %eq3A_156 = arith.cmpi eq, %jit3A_154, %eq3A_155 : i32
        %jit3A_157 = arith.constant 1 : i32
        %select_n3A_158 = arith.select %eq3A_156, %jit3A_157, %jit3A_154 : i32
        %rem3A_159 = arith.remsi %arg0, %select_n3A_158 : i32
        %ne3A_160 = arith.constant 0 : i32
        %ne3A_161 = arith.cmpi ne, %rem3A_159, %ne3A_160 : i32
        %lt3A_162 = arith.constant 0 : i32
        %lt3A_163 = arith.cmpi slt, %rem3A_159, %lt3A_162 : i32
        %lt3A_164 = arith.constant 0 : i32
        %lt3A_165 = arith.cmpi slt, %select_n3A_158, %lt3A_164 : i32
        %ne3A_166 = arith.xori %lt3A_163, %lt3A_165 : i1
        %and3A_167 = arith.andi %ne3A_166, %ne3A_161 : i1
        %add3A_168 = arith.addi %rem3A_159, %select_n3A_158 : i32
        %select_n3A_169 = arith.select %and3A_167, %add3A_168, %rem3A_159 : i32
        %sub3A = arith.constant 2 : i32
        %sub3A_170 = arith.subi %arg0, %sub3A : i32
        %mul3A_171 = arith.constant 15872 : i32
        %mul3A_172 = arith.muli %sub3A_170, %mul3A_171 : i32
        %jit3A_173 = arith.constant 2 : i32
        %eq3A_174 = arith.constant 0 : i32
        %eq3A_175 = arith.cmpi eq, %jit3A_173, %eq3A_174 : i32
        %jit3A_176 = arith.constant 1 : i32
        %select_n3A_177 = arith.select %eq3A_175, %jit3A_176, %jit3A_173 : i32
        %rem3A_178 = arith.remsi %arg0, %select_n3A_177 : i32
        %ne3A_179 = arith.constant 0 : i32
        %ne3A_180 = arith.cmpi ne, %rem3A_178, %ne3A_179 : i32
        %lt3A_181 = arith.constant 0 : i32
        %lt3A_182 = arith.cmpi slt, %rem3A_178, %lt3A_181 : i32
        %lt3A_183 = arith.constant 0 : i32
        %lt3A_184 = arith.cmpi slt, %select_n3A_177, %lt3A_183 : i32
        %ne3A_185 = arith.xori %lt3A_182, %lt3A_184 : i1
        %and3A_186 = arith.andi %ne3A_185, %ne3A_180 : i1
        %add3A_187 = arith.addi %rem3A_178, %select_n3A_177 : i32
        %select_n3A_188 = arith.select %and3A_186, %add3A_187, %rem3A_178 : i32
        %dma_wait3A_189 = tpu.memref_slice %arg10[%select_n3A_188] : memref<2x!tpu.dma_semaphore, #tpu.memory_space<semaphore_mem>> -> memref<1x!tpu.dma_semaphore, #tpu.memory_space<semaphore_mem>>
        %dma_wait3A_190 = tpu.memref_squeeze %dma_wait3A_189 : memref<1x!tpu.dma_semaphore, #tpu.memory_space<semaphore_mem>> -> memref<!tpu.dma_semaphore, #tpu.memory_space<semaphore_mem>>
        %dma_wait3A_191 = arith.constant 0 : i32
        %dma_wait3A_192 = tpu.memref_slice %arg4[%mul3A_172, %dma_wait3A_191] : memref<1000000x128xf32, #tpu.memory_space<any>> -> memref<15872x128xf32, #tpu.memory_space<any>>
        %dma_wait3A_193 = arith.constant 0 : i32
        %dma_wait3A_194 = arith.constant 0 : i32
        %dma_wait3A_195 = tpu.memref_slice %arg6[%select_n3A_169, %dma_wait3A_193, %dma_wait3A_194] : memref<2x15872x128xf32, #tpu.memory_space<vmem>> -> memref<1x15872x128xf32, #tpu.memory_space<vmem>>
        %dma_wait3A_196 = tpu.memref_squeeze %dma_wait3A_195 : memref<1x15872x128xf32, #tpu.memory_space<vmem>> -> memref<15872x128xf32, #tpu.memory_space<vmem>>
        tpu.wait_dma2 semaphore(%dma_wait3A_190 : memref<!tpu.dma_semaphore, #tpu.memory_space<semaphore_mem>>) src(%dma_wait3A_196 : memref<15872x128xf32, #tpu.memory_space<vmem>>) dst(%dma_wait3A_192 : memref<15872x128xf32, #tpu.memory_space<any>>)
      } else {
      }
      %jit3A_63 = arith.constant 2 : i32
      %eq3A_64 = arith.constant 0 : i32
      %eq3A_65 = arith.cmpi eq, %jit3A_63, %eq3A_64 : i32
      %jit3A_66 = arith.constant 1 : i32
      %select_n3A_67 = arith.select %eq3A_65, %jit3A_66, %jit3A_63 : i32
      %rem3A_68 = arith.remsi %arg0, %select_n3A_67 : i32
      %ne3A_69 = arith.constant 0 : i32
      %ne3A_70 = arith.cmpi ne, %rem3A_68, %ne3A_69 : i32
      %lt3A_71 = arith.constant 0 : i32
      %lt3A_72 = arith.cmpi slt, %rem3A_68, %lt3A_71 : i32
      %lt3A_73 = arith.constant 0 : i32
      %lt3A_74 = arith.cmpi slt, %select_n3A_67, %lt3A_73 : i32
      %ne3A_75 = arith.xori %lt3A_72, %lt3A_74 : i1
      %and3A_76 = arith.andi %ne3A_75, %ne3A_70 : i1
      %add3A_77 = arith.addi %rem3A_68, %select_n3A_67 : i32
      %select_n3A_78 = arith.select %and3A_76, %add3A_77, %rem3A_68 : i32
      %get3A = arith.index_cast %select_n3A_78 : i32 to index
      %get3A_79 = arith.constant 0 : index
      %get3A_80 = arith.constant 0 : index
      %get3A_81 = vector.load %arg5[%get3A, %get3A_79, %get3A_80] : memref<2x32x15872xf32, #tpu.memory_space<vmem>>, vector<1x32x15872xf32>
      %get3A_82 = vector.shape_cast %get3A_81 : vector<1x32x15872xf32> to vector<32x15872xf32>
      %get3A_83 = arith.constant 0 : index
      %get3A_84 = arith.constant 0 : index
      %get3A_85 = vector.load %arg2[%get3A_83, %get3A_84] : memref<32x128xf32, #tpu.memory_space<vmem>>, vector<32x128xf32>
      %dot_general3A = arith.constant dense<0.000000e+00> : vector<15872x128xf32>
      %dot_general3A_86 = tpu.matmul %get3A_82, %get3A_85, %dot_general3A {dimension_numbers = #tpu.dot_dimension_numbers<[0], [0], [1], [1], [0, 1, 1, 1], [], []>, transpose_lhs_hint = false} : vector<32x15872xf32>, vector<32x128xf32>, vector<15872x128xf32> -> vector<15872x128xf32>
      %get3A_87 = arith.constant 0 : index
      %get3A_88 = arith.constant 0 : index
      %get3A_89 = vector.load %arg3[%get3A_87, %get3A_88] : memref<1x128xf32, #tpu.memory_space<vmem>>, vector<1x128xf32>
      %add3A_90 = vector.broadcast %get3A_89 : vector<1x128xf32> to vector<15872x128xf32>
      %add3A_91 = arith.addf %dot_general3A_86, %add3A_90 : vector<15872x128xf32>
      %jit3A_92 = arith.constant 2 : i32
      %eq3A_93 = arith.constant 0 : i32
      %eq3A_94 = arith.cmpi eq, %jit3A_92, %eq3A_93 : i32
      %jit3A_95 = arith.constant 1 : i32
      %select_n3A_96 = arith.select %eq3A_94, %jit3A_95, %jit3A_92 : i32
      %rem3A_97 = arith.remsi %arg0, %select_n3A_96 : i32
      %ne3A_98 = arith.constant 0 : i32
      %ne3A_99 = arith.cmpi ne, %rem3A_97, %ne3A_98 : i32
      %lt3A_100 = arith.constant 0 : i32
      %lt3A_101 = arith.cmpi slt, %rem3A_97, %lt3A_100 : i32
      %lt3A_102 = arith.constant 0 : i32
      %lt3A_103 = arith.cmpi slt, %select_n3A_96, %lt3A_102 : i32
      %ne3A_104 = arith.xori %lt3A_101, %lt3A_103 : i1
      %and3A_105 = arith.andi %ne3A_104, %ne3A_99 : i1
      %add3A_106 = arith.addi %rem3A_97, %select_n3A_96 : i32
      %select_n3A_107 = arith.select %and3A_105, %add3A_106, %rem3A_97 : i32
      %swap3A = arith.index_cast %select_n3A_107 : i32 to index
      %swap3A_108 = arith.constant 0 : index
      %swap3A_109 = arith.constant 0 : index
      %swap3A_110 = vector.load %arg6[%swap3A, %swap3A_108, %swap3A_109] : memref<2x15872x128xf32, #tpu.memory_space<vmem>>, vector<1x15872x128xf32>
      %swap3A_111 = vector.shape_cast %swap3A_110 : vector<1x15872x128xf32> to vector<15872x128xf32>
      %swap3A_112 = vector.shape_cast %add3A_91 : vector<15872x128xf32> to vector<1x15872x128xf32>
      tpu.vector_store %arg6[%swap3A, %swap3A_108, %swap3A_109], %swap3A_112 {strides = array<i32>} : memref<2x15872x128xf32, #tpu.memory_space<vmem>>, vector<1x15872x128xf32>,
      %jit3A_113 = arith.constant 2 : i32
      %eq3A_114 = arith.constant 0 : i32
      %eq3A_115 = arith.cmpi eq, %jit3A_113, %eq3A_114 : i32
      %jit3A_116 = arith.constant 1 : i32
      %select_n3A_117 = arith.select %eq3A_115, %jit3A_116, %jit3A_113 : i32
      %rem3A_118 = arith.remsi %arg0, %select_n3A_117 : i32
      %ne3A_119 = arith.constant 0 : i32
      %ne3A_120 = arith.cmpi ne, %rem3A_118, %ne3A_119 : i32
      %lt3A_121 = arith.constant 0 : i32
      %lt3A_122 = arith.cmpi slt, %rem3A_118, %lt3A_121 : i32
      %lt3A_123 = arith.constant 0 : i32
      %lt3A_124 = arith.cmpi slt, %select_n3A_117, %lt3A_123 : i32
      %ne3A_125 = arith.xori %lt3A_122, %lt3A_124 : i1
      %and3A_126 = arith.andi %ne3A_125, %ne3A_120 : i1
      %add3A_127 = arith.addi %rem3A_118, %select_n3A_117 : i32
      %select_n3A_128 = arith.select %and3A_126, %add3A_127, %rem3A_118 : i32
      %mul3A_129 = arith.constant 15872 : i32
      %mul3A_130 = arith.muli %arg0, %mul3A_129 : i32
      %jit3A_131 = arith.constant 2 : i32
      %eq3A_132 = arith.constant 0 : i32
      %eq3A_133 = arith.cmpi eq, %jit3A_131, %eq3A_132 : i32
      %jit3A_134 = arith.constant 1 : i32
      %select_n3A_135 = arith.select %eq3A_133, %jit3A_134, %jit3A_131 : i32
      %rem3A_136 = arith.remsi %arg0, %select_n3A_135 : i32
      %ne3A_137 = arith.constant 0 : i32
      %ne3A_138 = arith.cmpi ne, %rem3A_136, %ne3A_137 : i32
      %lt3A_139 = arith.constant 0 : i32
      %lt3A_140 = arith.cmpi slt, %rem3A_136, %lt3A_139 : i32
      %lt3A_141 = arith.constant 0 : i32
      %lt3A_142 = arith.cmpi slt, %select_n3A_135, %lt3A_141 : i32
      %ne3A_143 = arith.xori %lt3A_140, %lt3A_142 : i1
      %and3A_144 = arith.andi %ne3A_143, %ne3A_138 : i1
      %add3A_145 = arith.addi %rem3A_136, %select_n3A_135 : i32
      %select_n3A_146 = arith.select %and3A_144, %add3A_145, %rem3A_136 : i32
      %dma_start3A = tpu.memref_slice %arg10[%select_n3A_146] : memref<2x!tpu.dma_semaphore, #tpu.memory_space<semaphore_mem>> -> memref<1x!tpu.dma_semaphore, #tpu.memory_space<semaphore_mem>>
      %dma_start3A_147 = tpu.memref_squeeze %dma_start3A : memref<1x!tpu.dma_semaphore, #tpu.memory_space<semaphore_mem>> -> memref<!tpu.dma_semaphore, #tpu.memory_space<semaphore_mem>>
      %dma_start3A_148 = arith.constant 0 : i32
      %dma_start3A_149 = tpu.memref_slice %arg4[%mul3A_130, %dma_start3A_148] : memref<1000000x128xf32, #tpu.memory_space<any>> -> memref<15872x128xf32, #tpu.memory_space<any>>
      %dma_start3A_150 = arith.constant 0 : i32
      %dma_start3A_151 = arith.constant 0 : i32
      %dma_start3A_152 = tpu.memref_slice %arg6[%select_n3A_128, %dma_start3A_150, %dma_start3A_151] : memref<2x15872x128xf32, #tpu.memory_space<vmem>> -> memref<1x15872x128xf32, #tpu.memory_space<vmem>>
      %dma_start3A_153 = tpu.memref_squeeze %dma_start3A_152 : memref<1x15872x128xf32, #tpu.memory_space<vmem>> -> memref<15872x128xf32, #tpu.memory_space<vmem>>
      tpu.enqueue_dma source(%dma_start3A_153 : memref<15872x128xf32, #tpu.memory_space<vmem>>) target(%dma_start3A_149 : memref<15872x128xf32, #tpu.memory_space<any>>) target_semaphore(%dma_start3A_147 : memref<!tpu.dma_semaphore, #tpu.memory_space<semaphore_mem>>)
    } else {
    }
    %eq3A_19 = arith.constant 63 : i32
    %eq3A_20 = arith.cmpi eq, %arg0, %eq3A_19 : i32
    %convert_element_type3A_21 = arith.extui %eq3A_20 : i1 to i32
    %cond3A_22 = arith.constant 0 : i32
    %cond3A_23 = arith.cmpi ne, %convert_element_type3A_21, %cond3A_22 : i32
    scf.if %cond3A_23 {
      %dma_wait3A = arith.constant 1 : i32
      %dma_wait3A_24 = tpu.memref_slice %arg9[%dma_wait3A] : memref<2x!tpu.dma_semaphore, #tpu.memory_space<semaphore_mem>> -> memref<1x!tpu.dma_semaphore, #tpu.memory_space<semaphore_mem>>
      %dma_wait3A_25 = tpu.memref_squeeze %dma_wait3A_24 : memref<1x!tpu.dma_semaphore, #tpu.memory_space<semaphore_mem>> -> memref<!tpu.dma_semaphore, #tpu.memory_space<semaphore_mem>>
      %dma_wait3A_26 = arith.constant 0 : i32
      %dma_wait3A_27 = arith.constant 999936 : i32
      %dma_wait3A_28 = tpu.memref_slice %arg1[%dma_wait3A_26, %dma_wait3A_27] : memref<32x1000000xf32, #tpu.memory_space<any>> -> memref<32x64xf32, #tpu.memory_space<any>>
      tpu.wait_dma2 semaphore(%dma_wait3A_25 : memref<!tpu.dma_semaphore, #tpu.memory_space<semaphore_mem>>) src(%dma_wait3A_28 : memref<32x64xf32, #tpu.memory_space<any>>) dst(%arg7 : memref<32x64xf32, #tpu.memory_space<vmem>>)
      %dma_wait3A_29 = arith.constant 1 : i32
      %dma_wait3A_30 = arith.constant 1 : i32
      %dma_wait3A_31 = tpu.memref_slice %arg10[%dma_wait3A_30] : memref<2x!tpu.dma_semaphore, #tpu.memory_space<semaphore_mem>> -> memref<1x!tpu.dma_semaphore, #tpu.memory_space<semaphore_mem>>
      %dma_wait3A_32 = tpu.memref_squeeze %dma_wait3A_31 : memref<1x!tpu.dma_semaphore, #tpu.memory_space<semaphore_mem>> -> memref<!tpu.dma_semaphore, #tpu.memory_space<semaphore_mem>>
      %dma_wait3A_33 = arith.constant 968192 : i32
      %dma_wait3A_34 = arith.constant 0 : i32
      %dma_wait3A_35 = tpu.memref_slice %arg4[%dma_wait3A_33, %dma_wait3A_34] : memref<1000000x128xf32, #tpu.memory_space<any>> -> memref<15872x128xf32, #tpu.memory_space<any>>
      %dma_wait3A_36 = arith.constant 0 : i32
      %dma_wait3A_37 = arith.constant 0 : i32
      %dma_wait3A_38 = tpu.memref_slice %arg6[%dma_wait3A_29, %dma_wait3A_36, %dma_wait3A_37] : memref<2x15872x128xf32, #tpu.memory_space<vmem>> -> memref<1x15872x128xf32, #tpu.memory_space<vmem>>
      %dma_wait3A_39 = tpu.memref_squeeze %dma_wait3A_38 : memref<1x15872x128xf32, #tpu.memory_space<vmem>> -> memref<15872x128xf32, #tpu.memory_space<vmem>>
      tpu.wait_dma2 semaphore(%dma_wait3A_32 : memref<!tpu.dma_semaphore, #tpu.memory_space<semaphore_mem>>) src(%dma_wait3A_39 : memref<15872x128xf32, #tpu.memory_space<vmem>>) dst(%dma_wait3A_35 : memref<15872x128xf32, #tpu.memory_space<any>>)
      %dma_wait3A_40 = arith.constant 0 : i32
      %dma_wait3A_41 = arith.constant 0 : i32
      %dma_wait3A_42 = tpu.memref_slice %arg10[%dma_wait3A_41] : memref<2x!tpu.dma_semaphore, #tpu.memory_space<semaphore_mem>> -> memref<1x!tpu.dma_semaphore, #tpu.memory_space<semaphore_mem>>
      %dma_wait3A_43 = tpu.memref_squeeze %dma_wait3A_42 : memref<1x!tpu.dma_semaphore, #tpu.memory_space<semaphore_mem>> -> memref<!tpu.dma_semaphore, #tpu.memory_space<semaphore_mem>>
      %dma_wait3A_44 = arith.constant 984064 : i32
      %dma_wait3A_45 = arith.constant 0 : i32
      %dma_wait3A_46 = tpu.memref_slice %arg4[%dma_wait3A_44, %dma_wait3A_45] : memref<1000000x128xf32, #tpu.memory_space<any>> -> memref<15872x128xf32, #tpu.memory_space<any>>
      %dma_wait3A_47 = arith.constant 0 : i32
      %dma_wait3A_48 = arith.constant 0 : i32
      %dma_wait3A_49 = tpu.memref_slice %arg6[%dma_wait3A_40, %dma_wait3A_47, %dma_wait3A_48] : memref<2x15872x128xf32, #tpu.memory_space<vmem>> -> memref<1x15872x128xf32, #tpu.memory_space<vmem>>
      %dma_wait3A_50 = tpu.memref_squeeze %dma_wait3A_49 : memref<1x15872x128xf32, #tpu.memory_space<vmem>> -> memref<15872x128xf32, #tpu.memory_space<vmem>>
      tpu.wait_dma2 semaphore(%dma_wait3A_43 : memref<!tpu.dma_semaphore, #tpu.memory_space<semaphore_mem>>) src(%dma_wait3A_50 : memref<15872x128xf32, #tpu.memory_space<vmem>>) dst(%dma_wait3A_46 : memref<15872x128xf32, #tpu.memory_space<any>>)
      %get3A = arith.constant 0 : index
      %get3A_51 = arith.constant 0 : index
      %get3A_52 = vector.load %arg7[%get3A, %get3A_51] : memref<32x64xf32, #tpu.memory_space<vmem>>, vector<32x64xf32>
      %get3A_53 = arith.constant 0 : index
      %get3A_54 = arith.constant 0 : index
      %get3A_55 = vector.load %arg2[%get3A_53, %get3A_54] : memref<32x128xf32, #tpu.memory_space<vmem>>, vector<32x128xf32>
      %dot_general3A = arith.constant dense<0.000000e+00> : vector<64x128xf32>
      %dot_general3A_56 = tpu.matmul %get3A_52, %get3A_55, %dot_general3A {dimension_numbers = #tpu.dot_dimension_numbers<[0], [0], [1], [1], [0, 1, 1, 1], [], []>, transpose_lhs_hint = false} : vector<32x64xf32>, vector<32x128xf32>, vector<64x128xf32> -> vector<64x128xf32>
      %get3A_57 = arith.constant 0 : index
      %get3A_58 = arith.constant 0 : index
      %get3A_59 = vector.load %arg3[%get3A_57, %get3A_58] : memref<1x128xf32, #tpu.memory_space<vmem>>, vector<1x128xf32>
      %add3A_60 = vector.broadcast %get3A_59 : vector<1x128xf32> to vector<64x128xf32>
      %add3A_61 = arith.addf %dot_general3A_56, %add3A_60 : vector<64x128xf32>
      %swap3A = arith.constant 0 : index
      %swap3A_62 = arith.constant 0 : index
      %swap3A_63 = vector.load %arg8[%swap3A, %swap3A_62] : memref<64x128xf32, #tpu.memory_space<vmem>>, vector<64x128xf32>
      tpu.vector_store %arg8[%swap3A, %swap3A_62], %add3A_61 {strides = array<i32>} : memref<64x128xf32, #tpu.memory_space<vmem>>, vector<64x128xf32>,
      %dma_start3A = arith.constant 0 : i32
      %dma_start3A_64 = tpu.memref_slice %arg10[%dma_start3A] : memref<2x!tpu.dma_semaphore, #tpu.memory_space<semaphore_mem>> -> memref<1x!tpu.dma_semaphore, #tpu.memory_space<semaphore_mem>>
      %dma_start3A_65 = tpu.memref_squeeze %dma_start3A_64 : memref<1x!tpu.dma_semaphore, #tpu.memory_space<semaphore_mem>> -> memref<!tpu.dma_semaphore, #tpu.memory_space<semaphore_mem>>
      %dma_start3A_66 = arith.constant 999936 : i32
      %dma_start3A_67 = arith.constant 0 : i32
      %dma_start3A_68 = tpu.memref_slice %arg4[%dma_start3A_66, %dma_start3A_67] : memref<1000000x128xf32, #tpu.memory_space<any>> -> memref<64x128xf32, #tpu.memory_space<any>>
      tpu.enqueue_dma source(%arg8 : memref<64x128xf32, #tpu.memory_space<vmem>>) target(%dma_start3A_68 : memref<64x128xf32, #tpu.memory_space<any>>) target_semaphore(%dma_start3A_65 : memref<!tpu.dma_semaphore, #tpu.memory_space<semaphore_mem>>)
      %dma_wait3A_69 = arith.constant 0 : i32
      %dma_wait3A_70 = tpu.memref_slice %arg10[%dma_wait3A_69] : memref<2x!tpu.dma_semaphore, #tpu.memory_space<semaphore_mem>> -> memref<1x!tpu.dma_semaphore, #tpu.memory_space<semaphore_mem>>
      %dma_wait3A_71 = tpu.memref_squeeze %dma_wait3A_70 : memref<1x!tpu.dma_semaphore, #tpu.memory_space<semaphore_mem>> -> memref<!tpu.dma_semaphore, #tpu.memory_space<semaphore_mem>>
      %dma_wait3A_72 = arith.constant 999936 : i32
      %dma_wait3A_73 = arith.constant 0 : i32
      %dma_wait3A_74 = tpu.memref_slice %arg4[%dma_wait3A_72, %dma_wait3A_73] : memref<1000000x128xf32, #tpu.memory_space<any>> -> memref<64x128xf32, #tpu.memory_space<any>>
      tpu.wait_dma2 semaphore(%dma_wait3A_71 : memref<!tpu.dma_semaphore, #tpu.memory_space<semaphore_mem>>) src(%arg8 : memref<64x128xf32, #tpu.memory_space<vmem>>) dst(%dma_wait3A_74 : memref<64x128xf32, #tpu.memory_space<any>>)
    } else {
    }
    return
  }
  func.func @transform_1(%arg0: i32) -> (i32, i32) {
    %c0_i32 = arith.constant 0 : i32
    %c0_i32_0 = arith.constant 0 : i32
    %c0_i32_1 = arith.constant 0 : i32
    return %c0_i32, %c0_i32_0 : i32, i32
  }
  func.func @transform_2(%arg0: i32) -> (i32, i32) {
    %c0_i32 = arith.constant 0 : i32
    %c0_i32_0 = arith.constant 0 : i32
    %c0_i32_1 = arith.constant 0 : i32
    return %c0_i32, %c0_i32_0 : i32, i32
  }
}

</mosaic_0001>

<sc_bundles>
// kernel: kernel.4.cloned.1.call-start
scs
__scs_entry_jumppad:
0x0: {  	(pc) =	sbr.rel $0x88, $3  }
0x1: {  	(tag) =	ssettag $0x0;
	lr =	simm.s32 $0x1  }
0x2: {  	[smem:$0x3F9D] =	sst lr;
	_ =	strace $0xD0000000  }
0x3: {  	_ = 	snop  }
0x4: {  	_ = 	snop  }
0x5: {  	_ = 	snop  }
0x6: {  	_ = 	snop  }
0x7: {  	_ = 	snop  }
__scs_overlays_trampoline_lowered:
0x8: {  	[smem:$0x3FAC] =	sst s0  }
0x9: {  	[smem:$0x3FAD] =	sst s1  }
0xa: {  	[smem:$0x3FAE] =	sst s2  }
0xb: {  	[smem:$0x3FAF] =	sst s3  }
0xc: {  	[smem:$0x3FB0] =	sst s4  }
0xd: {  	[smem:$0x3FB1] =	sst s5  }
0xe: {  	[smem:$0x3FB2] =	sst s6  }
0xf: {  	[smem:$0x3FB3] =	sst s7  }
0x10: {  	[smem:$0x3FB4] =	sst s8  }
0x11: {  	[smem:$0x3FB5] =	sst s9;
	s0 =	simm.s32 @!p0 $0x0  }
0x12: {  	s1 =	sld [smem:$0x3F9B];
	s0 =	simm.s32 @p0 $0x1  }
0x13: {  	[smem:$0x3FB6] =	sst s0;
	s0 =	simm.s32 @!p1 $0x0  }
0x14: {  	s2 =	sld [smem:$0x3F9A];
	s0 =	simm.s32 @p1 $0x1  }
0x15: {  	[smem:$0x3FB7] =	sst s0;
	s0 =	simm.s32 @!p2 $0x0  }
0x16: {  	s3 =	sld [smem:$0x3FDB];
	s0 =	simm.s32 @p2 $0x1  }
0x17: {  	s4 =	simm.s32 $0x1BF5;
	[smem:$0x3FB9] =	sst s0  }
0x18: {  	s0 =	sld [smem:$0x3F9C];
	_ =	swait.ge [sflag:s4], $0x0  }
0x19: {  	s7 =	sld [smem:$0x3F9D]  }
0x1a: {  	s8 =	sadd.s32 $0xFFFFE003, lr  }
0x1b: {  	s9 =	sadd.s32 $0xFFFFFEF7, lr;
	s5 =	simm.s32 $0xFFFFFFFF;
	p2 =	slt.u32 s8, $0xFFFFF086  }
0x1c: {  	p1 =	slt.u32 s9, $0xF7A;
	s5 =	simm.s32 @!p2 $0x0  }
0x1d: {  	s5 =	simm.s32 @p1 $0x1;
	p0 =	seq.s32 s7, s2  }
0x1e: {  	s7 =	smul.u32 @!p0 $0xF7A, s2;
	p2 =	seq.s32 @!p0 s5, $0x0  }
0x1f: {  	s9 =	smul.u32 $0xF7A, s1;
	s8 =	simm.s32 @!p0 $0x1BF5;
	p2 =	por !p2, p0  }
0x20: {  	[sflag:s8] =	ssyncset.s32 @!p0 $0xFFFFF086;
	s6 =	sadd.s32 @!p0 s3, s7;
	s7 =	simm.s32 @!p0 $0x108  }
0x21: {  	s3 =	sadd.s32 s3, s9;
	s6 =	sadd.s32 @!p0 $0x88, s6;
	s7 =	simm.s32 @p2 $0x1082  }
0x22: {  	[simem:s7], [sflag:s8] =	dma.local @!p0 [hbm:s6], $0xF7A  }
0x23: {  	s9 =	sor.u32 $0xD0000000, s2;
	s6 =	simm.s32 $0x108;
	_ =	swait.ge @!p0 [sflag:s8], $0x0  }
0x24: {  	s3 =	sadd.s32 $0x88, s3;
	s6 =	simm.s32 @!p1 $0x1082;
	[sflag:s4] =	ssyncset.s32 $0xFFFFF086  }
0x25: {  	[simem:s6], [sflag:s4] =	dma.local [hbm:s3], $0xF7A  }
0x26: {  	[smem:$0x3F9D] =	sst s1;
	(tag) =	ssettag s2;
	_ =	strace s9  }
0x27: {  	s1 =	sld [smem:$0x3FAD]  }
0x28: {  	s2 =	sld [smem:$0x3FAE]  }
0x29: {  	s4 =	sld [smem:$0x3FB0]  }
0x2a: {  	p0 =	seq.s32 s5, $0x0;
	s5 =	sld [smem:$0x3FB1]  }
0x2b: {  	s6 =	sld [smem:$0x3FB2]  }
0x2c: {  	s7 =	sld [smem:$0x3FB3]  }
0x2d: {  	s3 =	simm.s32 $0x108;
	s8 =	sld [smem:$0x3FB4]  }
0x2e: {  	s3 =	simm.s32 @!p0 $0x1082;
	s9 =	sld [smem:$0x3FB5]  }
0x2f: {  	lr =	sadd.s32 s0, s3;
	s0 =	sld [smem:$0x3FAC]  }
0x30: {  	s3 =	sld [smem:$0x3FAF]  }
0x31: {  	[smem:$0x3FB8] =	sst s10  }
0x32: {  	s10 =	sld [smem:$0x3FB6];
	_ =	sdelay $0x3  }
0x33: {  	p0 =	seq.s32 s10, $0x1;
	s10 =	sld [smem:$0x3FB8];
	_ =	sdelay $0x3  }
0x34: {  	[smem:$0x3FB8] =	sst s10  }
0x35: {  	s10 =	sld [smem:$0x3FB7];
	_ =	sdelay $0x3  }
0x36: {  	p1 =	seq.s32 s10, $0x1;
	s10 =	sld [smem:$0x3FB8];
	_ =	sdelay $0x3  }
0x37: {  	[smem:$0x3FB8] =	sst s10  }
0x38: {  	s10 =	sld [smem:$0x3FB9]  }
0x39: {  	_ = 	snop;
	(pc) =	sbr.ind lr, $3  }
0x3a: {  	_ = 	snop  }
0x3b: {  	_ = 	snop  }
0x3c: {  	p2 =	seq.s32 s10, $0x1;
	s10 =	sld [smem:$0x3FB8]  }
0x3d: {  	_ =	shalt  }
0x3e: {  	_ =	shalt  }
0x3f: {  	_ =	shalt  }
0x40: {  	_ =	shalt  }
0x41: {  	_ =	shalt  }
0x42: {  	_ =	shalt  }
0x43: {  	_ =	shalt  }
0x44: {  	_ =	shalt  }
0x45: {  	_ =	shalt  }
0x46: {  	_ =	shalt  }
0x47: {  	_ =	shalt  }
0x48: {  	_ =	shalt  }
0x49: {  	_ =	shalt  }
0x4a: {  	_ =	shalt  }
0x4b: {  	_ =	shalt  }
0x4c: {  	_ =	shalt  }
0x4d: {  	_ =	shalt  }
0x4e: {  	_ =	shalt  }
0x4f: {  	_ =	shalt  }
0x50: {  	_ =	shalt  }
0x51: {  	_ =	shalt  }
0x52: {  	_ =	shalt  }
0x53: {  	_ =	shalt  }
0x54: {  	_ =	shalt  }
0x55: {  	_ =	shalt  }
0x56: {  	_ =	shalt  }
0x57: {  	_ =	shalt  }
0x58: {  	_ =	shalt  }
0x59: {  	_ =	shalt  }
0x5a: {  	_ =	shalt  }
0x5b: {  	_ =	shalt  }
0x5c: {  	_ =	shalt  }
0x5d: {  	_ =	shalt  }
0x5e: {  	_ =	shalt  }
0x5f: {  	_ =	shalt  }
0x60: {  	_ =	shalt  }
0x61: {  	_ =	shalt  }
0x62: {  	_ =	shalt  }
0x63: {  	_ =	shalt  }
0x64: {  	_ =	shalt  }
0x65: {  	_ =	shalt  }
0x66: {  	_ =	shalt  }
0x67: {  	_ =	shalt  }
0x68: {  	_ =	shalt  }
0x69: {  	_ =	shalt  }
0x6a: {  	_ =	shalt  }
0x6b: {  	_ =	shalt  }
0x6c: {  	_ =	shalt  }
0x6d: {  	_ =	shalt  }
0x6e: {  	_ =	shalt  }
0x6f: {  	_ =	shalt  }
0x70: {  	_ =	shalt  }
0x71: {  	_ =	shalt  }
0x72: {  	_ =	shalt  }
0x73: {  	_ =	shalt  }
0x74: {  	_ =	shalt  }
0x75: {  	_ =	shalt  }
0x76: {  	_ =	shalt  }
0x77: {  	_ =	shalt  }
0x78: {  	_ =	shalt  }
0x79: {  	_ =	shalt  }
0x7a: {  	_ =	shalt  }
0x7b: {  	_ =	shalt  }
0x7c: {  	_ =	shalt  }
0x7d: {  	_ =	shalt  }
0x7e: {  	_ =	shalt  }
0x7f: {  	_ =	shalt  }
0x80: {  	_ =	shalt  }
0x81: {  	_ =	shalt  }
0x82: {  	_ =	shalt  }
0x83: {  	_ =	shalt  }
0x84: {  	_ =	shalt  }
0x85: {  	_ =	shalt  }
0x86: {  	_ =	shalt  }
0x87: {  	_ =	shalt  }
.Lfunc_end0:
.L_simem_size_0:
called_computation_lowered:
.L_overlay_start_0:
0x88: {  	s2 =	sld [smem:$0x3FD9]  }
0x89: {  	s3 =	sld [smem:$0x3FFE];
	_ =	sdelay $0x1  }
0x8a: {  	s1 =	srdreg.scid  }
0x8b: {  	s0 =	sand.u32 $0x1, s1  }
0x8c: {  	s17 =	sshll.u32 s0, $0xA;
	s2 =	sadd.s32 s3, s2  }
0x8d: {  	s2 =	sadd.s32 s2, s17  }
0x8e: {  	[smem:$0x3FC4] =	sst s2  }
0x8f: {  	_ = 	snop  }
0x90: {  	s2 =	sld [smem:$0x3FD0];
	(tm) =	ssettm $0x1  }
0x91: {  	s18 =	sld [smem:$0x3FFB];
	_ =	sdelay $0x3  }
0x92: {  	_ =	strace s18  }
0x93: {  	s3 =	sld [smem:$0x3FFC];
	_ =	sdelay $0x3  }
0x94: {  	_ =	strace s3  }
0x95: {  	s3 =	sld [smem:$0x3FFD];
	_ =	sdelay $0x3  }
0x96: {  	_ =	strace s3  }
0x97: {  	_ =	strace $0x8FFFFFFF  }
0x98: {  	s19 =	sld [smem:$0x3FDB];
	_ =	sdelay $0x1  }
0x99: {  	s4 =	simm.s32 $_scs_section_size  }
0x9a: {  	s5 =	simm.s32 $_size__tile_overlayer_lowered;
	s6 =	simm.s32 $_tile_overlayer_lowered  }
0x9b: {  	s22 =	simm.s32 $0x1BFF;
	s21 =	sshll.u32 s6, $0x1;
	s3 =	sadd.s32 s4, s19  }
0x9c: {  	s7 =	simm.s32 $0x0;
	s20 =	sshll.u32 s5, $0x1;
	s5 =	sadd.s32 s21, s3  }
0x9d: {  	[timem:s7], [sflag:s22] =	dma.local [hbm:s5], s20  }
0x9e: {  	_ =	swait.ge [sflag:s22], s20  }
0x9f: {  	s4 =	ssub.s32 $0x0, s20;
	[sflag:s22] =	ssyncset.done $0x0  }
0xa0: {  	[sflag:s22] =	ssyncadd.s32 s4;
	_ =	sdelay $0x1  }
0xa1: {  	s23 =	simm.s32 $0x1B8B  }
0xa2: {  	_ =	swait.ge [sflag:s23], $0x1  }
0xa3: {  	[sflag:s23] =	ssyncset.done $0x0  }
0xa4: {  	s25 =	simm.s32 $0x1B8E;
	s24 =	sld [smem:$0x3FFE];
	[sflag:s23] =	ssyncadd.s32 $0xFFFFFFFF  }
0xa5: {  	s26 =	simm.s32 $execute0_lowered;
	[smem:$0x3FD2] =	sst s25  }
0xa6: {  	s5 =	sshll.u32 s26, $0x1;
	_ =	strace $0x80000046;
	[dreg:$0x1] =	wrdreg $0xFFFFFFFF  }
0xa7: {  	s28 =	simm.s32 $_size_execute0_lowered;
	s3 =	sadd.s32 s3, s5;
	[dreg:$0x0] =	wrdreg $0x0  }
0xa8: {  	s5 =	sshll.u32 s28, $0x1;
	[dreg:$0x2] =	wrdreg s3  }
0xa9: {  	[dreg:$0x3] =	wrdreg s5  }
0xaa: {  	[dreg:$0x4] =	wrdreg $0xC0  }
0xab: {  	_ =	task [dreg:s7], $0x5FFFF  }
0xac: {  	[dreg:$0x1] =	wrdreg $0xFFFFFFFF  }
0xad: {  	[dreg:$0x0] =	wrdreg $0x60  }
0xae: {  	[dreg:$0x2] =	wrdreg s24  }
0xaf: {  	[dreg:$0x3] =	wrdreg s2  }
0xb0: {  	[dreg:$0x4] =	wrdreg $0x9  }
0xb1: {  	_ =	task.clear_ibuf [dreg:s7], $0x5FFFF;
	_ =	strace $0x90000046  }
0xb2: {  	s29 =	simm.s32 $0x9;
	_ =	strace $0x80000048  }
0xb3: {  	_ =	swait.ge [sflag:s29], $0x1  }
0xb4: {  	[sflag:s29] =	ssyncadd.s32 $0xFFFFFFFF  }
0xb5: {  	_ =	strace $0x90000048  }
0xb6: {  	_ =	sfence  }
0xb7: {  	s30 =	sld [smem:$0x0];
	_ =	sdelay $0x2  }
0xb8: {  	s31 =	sshll.u32 s1, $0xD;
	s1 =	sshrl.u32 s1, $0x2  }
0xb9: {  	s3 =	sand.u32 $0x4000, s31;
	s1 =	sadd.s32 s1, s30  }
0xba: {  	s0 =	sor.u32 s3, s0;
	s1 =	sshll.u32 s1, $0x11  }
0xbb: {  	s0 =	sor.u32 s1, s0  }
0xbc: {  	s0 =	sadd.s32 $0x8F2B, s0  }
0xbd: {  	[sflag:s0] =	ssyncadd.remote.s32 $0x1  }
0xbe: {  	_ =	sfence.sel $0xFFFF  }
0xbf: {  	[dreg:$0x0] =	wrdreg $0xFFFFFFFF;
	(pc) =	sbr.abs _section_cstart, $3  }
0xc0: {  	[dreg:$0x1] =	wrdreg $0xFFFFFFFF  }
0xc1: {  	_ =	task.clear_ibuf [dreg:s7], $0x2FFFF;
	_ =	strace $0x9FFFFFFF  }
0xc2: {  	(tm) =	ssettm $0x7FFFFFFF  }
0xc3: {  	_ =	shalt  }
tec
execute0_lowered:
.L_overlay_start_1:
0x0: {  	(tag) =	ssettag $0x1  }
0x1: {  	s0 =	srdreg.scid;
	s23 =	stileid.u32  }
0x2: {  	s0 =	sand.u32 $0x1, s0;
	s1 =	sshll.u32 s23, $0x1  }
0x3: {  	s2 =	sor.u32 s0, s1  }
0x4: {  	s3 =	smul.u32 $0x1A0, s2  }
0x5: {  	s4 =	rddreg [dreg:$0x1];
	s5 =	smul.u32 $0x68000, s2  }
0x6: {  	s1 =	rddreg [dreg:$0x0]  }
0x7: {  	s2 =	simm.s32 $0x0;
	s3 =	sadd.s32 s3, s1;
	s5 =	sshrl.u32 s5, $0x3  }
0x8: {  	[smem:$0x7FF] =	sst s2;
	s3 =	sadd.s32 $0x800, s3;
	s30 =	sadd.s32 s4, s5  }
0x9: {  	_ =	strace $0x80000047;
	[dreg:$0x3] =	wrdreg s3;
	s14 =	sadd.s32 $0x800, s30  }
0xa: {  	s15 =	sadd.s32 $0x1000, s30;
	[dreg:$0x4] =	wrdreg s14  }
0xb: {  	s16 =	sadd.s32 $0x1800, s30;
	[dreg:$0x5] =	wrdreg s15  }
0xc: {  	s17 =	sadd.s32 $0x2000, s30;
	[dreg:$0x6] =	wrdreg s16  }
0xd: {  	s18 =	sadd.s32 $0x2800, s30;
	[dreg:$0x7] =	wrdreg s17  }
0xe: {  	s19 =	sadd.s32 $0x3000, s30;
	[dreg:$0x8] =	wrdreg s18  }
0xf: {  	s20 =	sadd.s32 $0x3800, s30;
	[dreg:$0x9] =	wrdreg s19  }
0x10: {  	s21 =	sadd.s32 $0x4000, s30;
	[dreg:$0xa] =	wrdreg s20  }
0x11: {  	s22 =	sadd.s32 $0x4800, s30;
	[dreg:$0xb] =	wrdreg s21  }
0x12: {  	s24 =	sadd.s32 $0x5000, s30;
	[dreg:$0xc] =	wrdreg s22  }
0x13: {  	s25 =	sadd.s32 $0x5800, s30;
	[dreg:$0xd] =	wrdreg s24  }
0x14: {  	s26 =	sadd.s32 $0x6000, s30;
	[dreg:$0xe] =	wrdreg s25  }
0x15: {  	s4 =	sadd.s32 $0x6800, s30;
	[dreg:$0xf] =	wrdreg s26  }
0x16: {  	s5 =	sadd.s32 $0x7000, s30;
	[dreg:$0x10] =	wrdreg s4  }
0x17: {  	s6 =	sadd.s32 $0x7800, s30;
	[dreg:$0x11] =	wrdreg s5  }
0x18: {  	s7 =	sadd.s32 $0x8000, s30;
	[dreg:$0x12] =	wrdreg s6  }
0x19: {  	s31 =	simm.s32 $0xD;
	s8 =	sadd.s32 $0x8800, s30;
	[dreg:$0x13] =	wrdreg s7  }
0x1a: {  	p0 =	por $0x0, $0x0;
	s9 =	sadd.s32 $0x9000, s30;
	[dreg:$0x14] =	wrdreg s8  }
0x1b: {  	s29 =	simm.s32 $0xA80;
	s10 =	sadd.s32 $0x9800, s30;
	[dreg:$0x15] =	wrdreg s9  }
0x1c: {  	s28 =	simm.s32 $0xB00;
	s11 =	sadd.s32 $0xA000, s30;
	[dreg:$0x16] =	wrdreg s10  }
0x1d: {  	s0 =	ssub.s32 $0x2, s0;
	s12 =	sadd.s32 $0xA800, s30;
	[dreg:$0x17] =	wrdreg s11  }
0x1e: {  	s13 =	sadd.s32 $0xB000, s30;
	s3 =	simm.s32 $0x4D00;
	[dreg:$0x18] =	wrdreg s12  }
0x1f: {  	[dreg:$0x19] =	wrdreg s13;
	s14 =	sadd.s32 $0xB800, s30;
	s15 =	sshrl.u32 s0, $0x1  }
0x20: {  	s16 =	sadd.s32 $0xC000, s30;
	s17 =	sadd.s32 $0xC800, s30;
	[dreg:$0x1a] =	wrdreg s14  }
0x21: {  	s7 =	sadd.s32 $0x3C00, s1;
	s12 =	simm.s32 $0x80;
	[dreg:$0x1b] =	wrdreg s16  }
0x22: {  	s18 =	simm.s32 $0x100;
	s4 =	simm.s32 $0xD00;
	[dreg:$0x1c] =	wrdreg s17  }
0x23: {  	s19 =	simm.s32 $0x180;
	s20 =	simm.s32 $0x200;
	[dreg:$0x1d] =	wrdreg s18  }
0x24: {  	s21 =	simm.s32 $0x280;
	s13 =	simm.s32 $0xCD00;
	[dreg:$0x1e] =	wrdreg s19  }
0x25: {  	s22 =	simm.s32 $0x300;
	s11 =	simm.s32 $0x10D00;
	[dreg:$0x1f] =	wrdreg s20  }
0x26: {  	s24 =	simm.s32 $0x380;
	s9 =	simm.s32 $0x14D00;
	[smem:$0x7EF] =	sst s21  }
0x27: {  	s25 =	simm.s32 $0x400;
	s8 =	simm.s32 $0x1;
	[smem:$0x7F0] =	sst s22  }
0x28: {  	s26 =	simm.s32 $0x480;
	s5 =	simm.s32 $0x7;
	[smem:$0x7F1] =	sst s24  }
0x29: {  	s6 =	simm.s32 $0x500;
	s10 =	simm.s32 $0x2;
	[smem:$0x7F2] =	sst s25  }
0x2a: {  	s0 =	ssub.s32 s0, s15;
	s15 =	simm.s32 $0x8D00;
	[smem:$0x7F3] =	sst s26  }
0x2b: {  	[smem:$0x7F4] =	sst s6;
	s14 =	simm.s32 $0x580;
	s6 =	simm.s32 $0x8  }
0x2c: {  	s16 =	simm.s32 $0x600;
	s19 =	simm.s32 $0x3;
	[smem:$0x7F5] =	sst s14  }
0x2d: {  	s17 =	simm.s32 $0x680;
	s18 =	simm.s32 $0x700;
	[smem:$0x7F6] =	sst s16  }
0x2e: {  	s20 =	simm.s32 $0x4;
	s21 =	simm.s32 $0x780;
	[smem:$0x7F7] =	sst s17  }
0x2f: {  	s22 =	simm.s32 $0x800;
	s24 =	simm.s32 $0x880;
	[smem:$0x7F8] =	sst s18  }
0x30: {  	s25 =	simm.s32 $0x900;
	s0 =	smax.u32 s0, $0x1;
	[smem:$0x7F9] =	sst s21  }
0x31: {  	s26 =	simm.s32 $0x980;
	[smem:$0x7FA] =	sst s22;
	p1 =	sne.s32 s0, $0x1  }
.Ltmp0:
0x32: {  	s14 =	simm.s32 $0x9;
	[smem:$0x7FB] =	sst s24;
	(pc) =	sbr.rel @!p1 .LBB2_1-.Ltmp0, $4  }
0x33: {  	s16 =	simm.s32 $0xA;
	s21 =	simm.s32 $0x5;
	[smem:$0x7FC] =	sst s25  }
0x34: {  	s17 =	simm.s32 $0xB;
	s22 =	simm.s32 $0x6;
	[smem:$0x7FD] =	sst s26  }
0x35: {  	s18 =	simm.s32 $0xC;
	s26 =	simm.s32 $0xB80;
	s25 =	simm.s32 $0xC00  }
0x36: {  	s24 =	simm.s32 $0xC80;
	s1 =	sadd.s32 $0xFFFFFFFF, s0;
	s0 =	rddreg [dreg:$0x3]  }
0x37: {  	[tilespmem:s2], [sflag:$0xD] =	stream.linear.gather [hbm4b:s0+s2], $0xD00, $0x38;
	[tilespmem:$0x18D00] =	vst v63  }
0x38: {  	_ =	swait.ge [sflag:s31], $0xD00  }
0x39: {  	[sflag:s31] =	ssyncset.done $0x0  }
0x3a: {  	[sflag:s31] =	ssyncadd.s32 $0xFFFFF300  }
0x3b: {  	[tilespmem:s4], [sflag:$0x1] =	stream.indirect.gather [hbm4b:s7+s12], $0x80, s2, s12, $0xb8;
	[tilespmem:$0x18D00] =	vst v63  }
0x3c: {  	s0 =	rddreg [dreg:$0x1d]  }
0x3d: {  	[tilespmem:s3], [sflag:$0x2] =	stream.indirect.gather [hbm4b:s7+s12], $0x80, s12, s12, $0xb8;
	[tilespmem:$0x18D00] =	vst v63  }
0x3e: {  	s23 =	smov.u32 s1;
	s1 =	rddreg [dreg:$0x1e]  }
0x3f: {  	[tilespmem:s15], [sflag:$0x3] =	stream.indirect.gather [hbm4b:s7+s12], $0x80, s0, s12, $0xb8;
	[tilespmem:$0x18D00] =	vst v63  }
0x40: {  	s0 =	rddreg [dreg:$0x1f]  }
0x41: {  	[tilespmem:s13], [sflag:$0x4] =	stream.indirect.gather [hbm4b:s7+s12], $0x80, s1, s12, $0xb8;
	[tilespmem:$0x18D00] =	vst v63  }
0x42: {  	s1 =	sld [smem:$0x7EF]  }
0x43: {  	[tilespmem:s11], [sflag:$0x5] =	stream.indirect.gather [hbm4b:s7+s12], $0x80, s0, s12, $0xb8;
	[tilespmem:$0x18D00] =	vst v63  }
0x44: {  	_ = 	snop  }
0x45: {  	[tilespmem:s9], [sflag:$0x6] =	stream.indirect.gather [hbm4b:s7+s12], $0x80, s1, s12, $0xb8;
	[tilespmem:$0x18D00] =	vst v63  }
0x46: {  	_ =	swait.ge [sflag:s8], $0x4000  }
0x47: {  	[sflag:s8] =	ssyncset.done $0x0  }
0x48: {  	[sflag:s8] =	ssyncadd.s32 $0xFFFFC000  }
0x49: {  	[hbm4b:s30+s2] =	stream.linear.scatter [tilespmem:s4], [sflag:$0x7], $0x4000, $0x38;
	[tilespmem:$0x18D00] =	vst v63  }
0x4a: {  	_ =	swait.ge [sflag:s5], $0x4000  }
0x4b: {  	s1 =	sld [smem:$0x7F0]  }
0x4c: {  	[sflag:s5] =	ssyncset.done $0x0  }
0x4d: {  	[sflag:s5] =	ssyncadd.s32 $0xFFFFC000  }
0x4e: {  	[tilespmem:s4], [sflag:$0x1] =	stream.indirect.gather [hbm4b:s7+s12], $0x80, s1, s12, $0xb8;
	[tilespmem:$0x18D00] =	vst v63  }
0x4f: {  	_ =	swait.ge [sflag:s10], $0x4000  }
0x50: {  	[sflag:s10] =	ssyncset.done $0x0  }
0x51: {  	s1 =	rddreg [dreg:$0x4];
	[sflag:s10] =	ssyncadd.s32 $0xFFFFC000  }
0x52: {  	[hbm4b:s1+s2] =	stream.linear.scatter [tilespmem:s3], [sflag:$0x8], $0x4000, $0x38;
	[tilespmem:$0x18D00] =	vst v63  }
0x53: {  	_ =	swait.ge [sflag:s6], $0x4000  }
0x54: {  	s1 =	sld [smem:$0x7F1]  }
0x55: {  	[sflag:s6] =	ssyncset.done $0x0  }
0x56: {  	[sflag:s6] =	ssyncadd.s32 $0xFFFFC000  }
0x57: {  	[tilespmem:s3], [sflag:$0x2] =	stream.indirect.gather [hbm4b:s7+s12], $0x80, s1, s12, $0xb8;
	[tilespmem:$0x18D00] =	vst v63  }
0x58: {  	_ =	swait.ge [sflag:s19], $0x4000  }
0x59: {  	[sflag:s19] =	ssyncset.done $0x0  }
0x5a: {  	s1 =	rddreg [dreg:$0x5];
	[sflag:s19] =	ssyncadd.s32 $0xFFFFC000  }
0x5b: {  	[hbm4b:s1+s2] =	stream.linear.scatter [tilespmem:s15], [sflag:$0x9], $0x4000, $0x38;
	[tilespmem:$0x18D00] =	vst v63  }
0x5c: {  	_ =	swait.ge [sflag:s14], $0x4000  }
0x5d: {  	s1 =	sld [smem:$0x7F2]  }
0x5e: {  	[sflag:s14] =	ssyncset.done $0x0  }
0x5f: {  	[sflag:s14] =	ssyncadd.s32 $0xFFFFC000  }
0x60: {  	[tilespmem:s15], [sflag:$0x3] =	stream.indirect.gather [hbm4b:s7+s12], $0x80, s1, s12, $0xb8;
	[tilespmem:$0x18D00] =	vst v63  }
0x61: {  	_ =	swait.ge [sflag:s20], $0x4000  }
0x62: {  	[sflag:s20] =	ssyncset.done $0x0  }
0x63: {  	s1 =	rddreg [dreg:$0x6];
	[sflag:s20] =	ssyncadd.s32 $0xFFFFC000  }
0x64: {  	[hbm4b:s1+s2] =	stream.linear.scatter [tilespmem:s13], [sflag:$0xA], $0x4000, $0x38;
	[tilespmem:$0x18D00] =	vst v63  }
0x65: {  	_ =	swait.ge [sflag:s16], $0x4000  }
0x66: {  	s1 =	sld [smem:$0x7F3]  }
0x67: {  	[sflag:s16] =	ssyncset.done $0x0  }
0x68: {  	[sflag:s16] =	ssyncadd.s32 $0xFFFFC000  }
0x69: {  	[tilespmem:s13], [sflag:$0x4] =	stream.indirect.gather [hbm4b:s7+s12], $0x80, s1, s12, $0xb8;
	[tilespmem:$0x18D00] =	vst v63  }
0x6a: {  	_ =	swait.ge [sflag:s21], $0x4000  }
0x6b: {  	[sflag:s21] =	ssyncset.done $0x0  }
0x6c: {  	s1 =	rddreg [dreg:$0x7];
	[sflag:s21] =	ssyncadd.s32 $0xFFFFC000  }
0x6d: {  	[hbm4b:s1+s2] =	stream.linear.scatter [tilespmem:s11], [sflag:$0xB], $0x4000, $0x38;
	[tilespmem:$0x18D00] =	vst v63  }
0x6e: {  	_ =	swait.ge [sflag:s17], $0x4000  }
0x6f: {  	s1 =	sld [smem:$0x7F4]  }
0x70: {  	[sflag:s17] =	ssyncset.done $0x0  }
0x71: {  	[sflag:s17] =	ssyncadd.s32 $0xFFFFC000  }
0x72: {  	[tilespmem:s11], [sflag:$0x5] =	stream.indirect.gather [hbm4b:s7+s12], $0x80, s1, s12, $0xb8;
	[tilespmem:$0x18D00] =	vst v63  }
0x73: {  	_ =	swait.ge [sflag:s22], $0x4000  }
0x74: {  	[sflag:s22] =	ssyncset.done $0x0  }
0x75: {  	s1 =	rddreg [dreg:$0x8];
	[sflag:s22] =	ssyncadd.s32 $0xFFFFC000  }
0x76: {  	[hbm4b:s1+s2] =	stream.linear.scatter [tilespmem:s9], [sflag:$0xC], $0x4000, $0x38;
	[tilespmem:$0x18D00] =	vst v63  }
0x77: {  	_ =	swait.ge [sflag:s18], $0x4000  }
0x78: {  	s1 =	sld [smem:$0x7F5]  }
0x79: {  	[sflag:s18] =	ssyncset.done $0x0  }
0x7a: {  	[sflag:s18] =	ssyncadd.s32 $0xFFFFC000  }
0x7b: {  	[tilespmem:s9], [sflag:$0x6] =	stream.indirect.gather [hbm4b:s7+s12], $0x80, s1, s12, $0xb8;
	[tilespmem:$0x18D00] =	vst v63  }
0x7c: {  	_ =	swait.ge [sflag:s8], $0x4000  }
0x7d: {  	[sflag:s8] =	ssyncset.done $0x0  }
0x7e: {  	s1 =	rddreg [dreg:$0x9];
	[sflag:s8] =	ssyncadd.s32 $0xFFFFC000  }
0x7f: {  	[hbm4b:s1+s2] =	stream.linear.scatter [tilespmem:s4], [sflag:$0x7], $0x4000, $0x38;
	[tilespmem:$0x18D00] =	vst v63  }
0x80: {  	_ =	swait.ge [sflag:s5], $0x4000  }
0x81: {  	s1 =	sld [smem:$0x7F6]  }
0x82: {  	[sflag:s5] =	ssyncset.done $0x0  }
0x83: {  	[sflag:s5] =	ssyncadd.s32 $0xFFFFC000  }
0x84: {  	[tilespmem:s4], [sflag:$0x1] =	stream.indirect.gather [hbm4b:s7+s12], $0x80, s1, s12, $0xb8;
	[tilespmem:$0x18D00] =	vst v63  }
0x85: {  	_ =	swait.ge [sflag:s10], $0x4000  }
0x86: {  	[sflag:s10] =	ssyncset.done $0x0  }
0x87: {  	s1 =	rddreg [dreg:$0xa];
	[sflag:s10] =	ssyncadd.s32 $0xFFFFC000  }
0x88: {  	[hbm4b:s1+s2] =	stream.linear.scatter [tilespmem:s3], [sflag:$0x8], $0x4000, $0x38;
	[tilespmem:$0x18D00] =	vst v63  }
0x89: {  	_ =	swait.ge [sflag:s6], $0x4000  }
0x8a: {  	s1 =	sld [smem:$0x7F7]  }
0x8b: {  	[sflag:s6] =	ssyncset.done $0x0  }
0x8c: {  	[sflag:s6] =	ssyncadd.s32 $0xFFFFC000  }
0x8d: {  	[tilespmem:s3], [sflag:$0x2] =	stream.indirect.gather [hbm4b:s7+s12], $0x80, s1, s12, $0xb8;
	[tilespmem:$0x18D00] =	vst v63  }
0x8e: {  	_ =	swait.ge [sflag:s19], $0x4000  }
0x8f: {  	[sflag:s19] =	ssyncset.done $0x0  }
0x90: {  	s1 =	rddreg [dreg:$0xb];
	[sflag:s19] =	ssyncadd.s32 $0xFFFFC000  }
0x91: {  	[hbm4b:s1+s2] =	stream.linear.scatter [tilespmem:s15], [sflag:$0x9], $0x4000, $0x38;
	[tilespmem:$0x18D00] =	vst v63  }
0x92: {  	_ =	swait.ge [sflag:s14], $0x4000  }
0x93: {  	s1 =	sld [smem:$0x7F8]  }
0x94: {  	[sflag:s14] =	ssyncset.done $0x0  }
0x95: {  	[sflag:s14] =	ssyncadd.s32 $0xFFFFC000  }
0x96: {  	[tilespmem:s15], [sflag:$0x3] =	stream.indirect.gather [hbm4b:s7+s12], $0x80, s1, s12, $0xb8;
	[tilespmem:$0x18D00] =	vst v63  }
0x97: {  	_ =	swait.ge [sflag:s20], $0x4000  }
0x98: {  	[sflag:s20] =	ssyncset.done $0x0  }
0x99: {  	s1 =	rddreg [dreg:$0xc];
	[sflag:s20] =	ssyncadd.s32 $0xFFFFC000  }
0x9a: {  	[hbm4b:s1+s2] =	stream.linear.scatter [tilespmem:s13], [sflag:$0xA], $0x4000, $0x38;
	[tilespmem:$0x18D00] =	vst v63  }
0x9b: {  	_ =	swait.ge [sflag:s16], $0x4000  }
0x9c: {  	s1 =	sld [smem:$0x7F9]  }
0x9d: {  	[sflag:s16] =	ssyncset.done $0x0  }
0x9e: {  	[sflag:s16] =	ssyncadd.s32 $0xFFFFC000  }
0x9f: {  	[tilespmem:s13], [sflag:$0x4] =	stream.indirect.gather [hbm4b:s7+s12], $0x80, s1, s12, $0xb8;
	[tilespmem:$0x18D00] =	vst v63  }
0xa0: {  	_ =	swait.ge [sflag:s21], $0x4000  }
0xa1: {  	[sflag:s21] =	ssyncset.done $0x0  }
0xa2: {  	s1 =	rddreg [dreg:$0xd];
	[sflag:s21] =	ssyncadd.s32 $0xFFFFC000  }
0xa3: {  	[hbm4b:s1+s2] =	stream.linear.scatter [tilespmem:s11], [sflag:$0xB], $0x4000, $0x38;
	[tilespmem:$0x18D00] =	vst v63  }
0xa4: {  	_ =	swait.ge [sflag:s17], $0x4000  }
0xa5: {  	s1 =	sld [smem:$0x7FA]  }
0xa6: {  	[sflag:s17] =	ssyncset.done $0x0  }
0xa7: {  	[sflag:s17] =	ssyncadd.s32 $0xFFFFC000  }
0xa8: {  	[tilespmem:s11], [sflag:$0x5] =	stream.indirect.gather [hbm4b:s7+s12], $0x80, s1, s12, $0xb8;
	[tilespmem:$0x18D00] =	vst v63  }
0xa9: {  	_ =	swait.ge [sflag:s22], $0x4000  }
0xaa: {  	[sflag:s22] =	ssyncset.done $0x0  }
0xab: {  	s1 =	rddreg [dreg:$0xe];
	[sflag:s22] =	ssyncadd.s32 $0xFFFFC000  }
0xac: {  	[hbm4b:s1+s2] =	stream.linear.scatter [tilespmem:s9], [sflag:$0xC], $0x4000, $0x38;
	[tilespmem:$0x18D00] =	vst v63  }
0xad: {  	_ =	swait.ge [sflag:s18], $0x4000  }
0xae: {  	s1 =	sld [smem:$0x7FB]  }
0xaf: {  	[sflag:s18] =	ssyncset.done $0x0  }
0xb0: {  	[sflag:s18] =	ssyncadd.s32 $0xFFFFC000  }
0xb1: {  	[tilespmem:s9], [sflag:$0x6] =	stream.indirect.gather [hbm4b:s7+s12], $0x80, s1, s12, $0xb8;
	[tilespmem:$0x18D00] =	vst v63  }
0xb2: {  	_ =	swait.ge [sflag:s8], $0x4000  }
0xb3: {  	[sflag:s8] =	ssyncset.done $0x0  }
0xb4: {  	s1 =	rddreg [dreg:$0xf];
	[sflag:s8] =	ssyncadd.s32 $0xFFFFC000  }
0xb5: {  	[hbm4b:s1+s2] =	stream.linear.scatter [tilespmem:s4], [sflag:$0x7], $0x4000, $0x38;
	[tilespmem:$0x18D00] =	vst v63  }
0xb6: {  	_ =	swait.ge [sflag:s5], $0x4000  }
0xb7: {  	s1 =	sld [smem:$0x7FC]  }
0xb8: {  	[sflag:s5] =	ssyncset.done $0x0  }
0xb9: {  	[sflag:s5] =	ssyncadd.s32 $0xFFFFC000  }
0xba: {  	[tilespmem:s4], [sflag:$0x1] =	stream.indirect.gather [hbm4b:s7+s12], $0x80, s1, s12, $0xb8;
	[tilespmem:$0x18D00] =	vst v63  }
0xbb: {  	_ =	swait.ge [sflag:s10], $0x4000  }
0xbc: {  	[sflag:s10] =	ssyncset.done $0x0  }
0xbd: {  	s1 =	rddreg [dreg:$0x10];
	[sflag:s10] =	ssyncadd.s32 $0xFFFFC000  }
0xbe: {  	[hbm4b:s1+s2] =	stream.linear.scatter [tilespmem:s3], [sflag:$0x8], $0x4000, $0x38;
	[tilespmem:$0x18D00] =	vst v63  }
0xbf: {  	_ =	swait.ge [sflag:s6], $0x4000  }
0xc0: {  	s1 =	sld [smem:$0x7FD]  }
0xc1: {  	[sflag:s6] =	ssyncset.done $0x0  }
0xc2: {  	[sflag:s6] =	ssyncadd.s32 $0xFFFFC000  }
0xc3: {  	[tilespmem:s3], [sflag:$0x2] =	stream.indirect.gather [hbm4b:s7+s12], $0x80, s1, s12, $0xb8;
	[tilespmem:$0x18D00] =	vst v63  }
0xc4: {  	_ =	swait.ge [sflag:s19], $0x4000  }
0xc5: {  	[sflag:s19] =	ssyncset.done $0x0  }
0xc6: {  	s1 =	rddreg [dreg:$0x11];
	[sflag:s19] =	ssyncadd.s32 $0xFFFFC000  }
0xc7: {  	[hbm4b:s1+s2] =	stream.linear.scatter [tilespmem:s15], [sflag:$0x9], $0x4000, $0x38;
	[tilespmem:$0x18D00] =	vst v63  }
0xc8: {  	_ =	swait.ge [sflag:s14], $0x4000  }
0xc9: {  	[sflag:s14] =	ssyncset.done $0x0  }
0xca: {  	s1 =	simm.s32 $0xA00;
	[sflag:s14] =	ssyncadd.s32 $0xFFFFC000  }
0xcb: {  	[tilespmem:s15], [sflag:$0x3] =	stream.indirect.gather [hbm4b:s7+s12], $0x80, s1, s12, $0xb8;
	[tilespmem:$0x18D00] =	vst v63  }
0xcc: {  	_ =	swait.ge [sflag:s20], $0x4000  }
0xcd: {  	[sflag:s20] =	ssyncset.done $0x0  }
0xce: {  	s1 =	rddreg [dreg:$0x12];
	[sflag:s20] =	ssyncadd.s32 $0xFFFFC000  }
0xcf: {  	[hbm4b:s1+s2] =	stream.linear.scatter [tilespmem:s13], [sflag:$0xA], $0x4000, $0x38;
	[tilespmem:$0x18D00] =	vst v63  }
0xd0: {  	_ =	swait.ge [sflag:s16], $0x4000  }
0xd1: {  	[sflag:s16] =	ssyncset.done $0x0  }
0xd2: {  	[sflag:s16] =	ssyncadd.s32 $0xFFFFC000  }
0xd3: {  	[tilespmem:s13], [sflag:$0x4] =	stream.indirect.gather [hbm4b:s7+s12], $0x80, s29, s12, $0xb8;
	[tilespmem:$0x18D00] =	vst v63  }
0xd4: {  	_ =	swait.ge [sflag:s21], $0x4000  }
0xd5: {  	[sflag:s21] =	ssyncset.done $0x0  }
0xd6: {  	s1 =	rddreg [dreg:$0x13];
	[sflag:s21] =	ssyncadd.s32 $0xFFFFC000  }
0xd7: {  	[hbm4b:s1+s2] =	stream.linear.scatter [tilespmem:s11], [sflag:$0xB], $0x4000, $0x38;
	[tilespmem:$0x18D00] =	vst v63  }
0xd8: {  	_ =	swait.ge [sflag:s17], $0x4000  }
0xd9: {  	[sflag:s17] =	ssyncset.done $0x0  }
0xda: {  	[sflag:s17] =	ssyncadd.s32 $0xFFFFC000  }
0xdb: {  	[tilespmem:s11], [sflag:$0x5] =	stream.indirect.gather [hbm4b:s7+s12], $0x80, s28, s12, $0xb8;
	[tilespmem:$0x18D00] =	vst v63  }
0xdc: {  	_ =	swait.ge [sflag:s22], $0x4000  }
0xdd: {  	[sflag:s22] =	ssyncset.done $0x0  }
0xde: {  	s1 =	rddreg [dreg:$0x14];
	[sflag:s22] =	ssyncadd.s32 $0xFFFFC000  }
0xdf: {  	[hbm4b:s1+s2] =	stream.linear.scatter [tilespmem:s9], [sflag:$0xC], $0x4000, $0x38;
	[tilespmem:$0x18D00] =	vst v63  }
0xe0: {  	_ =	swait.ge [sflag:s18], $0x4000  }
0xe1: {  	[sflag:s18] =	ssyncset.done $0x0  }
0xe2: {  	[sflag:s18] =	ssyncadd.s32 $0xFFFFC000  }
0xe3: {  	[tilespmem:s9], [sflag:$0x6] =	stream.indirect.gather [hbm4b:s7+s12], $0x80, s26, s12, $0xb8;
	[tilespmem:$0x18D00] =	vst v63  }
0xe4: {  	_ =	swait.ge [sflag:s8], $0x4000  }
0xe5: {  	[sflag:s8] =	ssyncset.done $0x0  }
0xe6: {  	s1 =	rddreg [dreg:$0x15];
	[sflag:s8] =	ssyncadd.s32 $0xFFFFC000  }
0xe7: {  	[hbm4b:s1+s2] =	stream.linear.scatter [tilespmem:s4], [sflag:$0x7], $0x4000, $0x38;
	[tilespmem:$0x18D00] =	vst v63  }
0xe8: {  	_ =	swait.ge [sflag:s5], $0x4000  }
0xe9: {  	[sflag:s5] =	ssyncset.done $0x0  }
0xea: {  	[sflag:s5] =	ssyncadd.s32 $0xFFFFC000  }
0xeb: {  	[tilespmem:s4], [sflag:$0x1] =	stream.indirect.gather [hbm4b:s7+s12], $0x80, s25, s12, $0xb8;
	[tilespmem:$0x18D00] =	vst v63  }
0xec: {  	_ =	swait.ge [sflag:s10], $0x4000  }
0xed: {  	[sflag:s10] =	ssyncset.done $0x0  }
0xee: {  	s1 =	rddreg [dreg:$0x16];
	[sflag:s10] =	ssyncadd.s32 $0xFFFFC000  }
0xef: {  	[hbm4b:s1+s2] =	stream.linear.scatter [tilespmem:s3], [sflag:$0x8], $0x4000, $0x38;
	[tilespmem:$0x18D00] =	vst v63  }
0xf0: {  	_ =	swait.ge [sflag:s6], $0x4000  }
0xf1: {  	[sflag:s6] =	ssyncset.done $0x0  }
0xf2: {  	[sflag:s6] =	ssyncadd.s32 $0xFFFFC000  }
0xf3: {  	[tilespmem:s3], [sflag:$0x2] =	stream.indirect.gather [hbm4b:s7+s12], $0x80, s24, s12, $0xb8;
	[tilespmem:$0x18D00] =	vst v63  }
0xf4: {  	_ =	swait.ge [sflag:s19], $0x4000  }
0xf5: {  	[sflag:s19] =	ssyncset.done $0x0  }
0xf6: {  	s1 =	rddreg [dreg:$0x17];
	[sflag:s19] =	ssyncadd.s32 $0xFFFFC000  }
0xf7: {  	[hbm4b:s1+s2] =	stream.linear.scatter [tilespmem:s15], [sflag:$0x9], $0x4000, $0x38;
	[tilespmem:$0x18D00] =	vst v63  }
0xf8: {  	_ =	swait.ge [sflag:s20], $0x4000  }
0xf9: {  	[sflag:s20] =	ssyncset.done $0x0  }
0xfa: {  	s1 =	rddreg [dreg:$0x18];
	[sflag:s20] =	ssyncadd.s32 $0xFFFFC000  }
0xfb: {  	[hbm4b:s1+s2] =	stream.linear.scatter [tilespmem:s13], [sflag:$0xA], $0x4000, $0x38;
	[tilespmem:$0x18D00] =	vst v63  }
0xfc: {  	_ =	swait.ge [sflag:s21], $0x4000  }
0xfd: {  	[sflag:s21] =	ssyncset.done $0x0  }
0xfe: {  	s1 =	rddreg [dreg:$0x19];
	[sflag:s21] =	ssyncadd.s32 $0xFFFFC000  }
0xff: {  	[hbm4b:s1+s2] =	stream.linear.scatter [tilespmem:s11], [sflag:$0xB], $0x4000, $0x38;
	[tilespmem:$0x18D00] =	vst v63  }
0x100: {  	_ =	swait.ge [sflag:s22], $0x4000  }
0x101: {  	[sflag:s22] =	ssyncset.done $0x0  }
0x102: {  	s1 =	rddreg [dreg:$0x1a];
	[sflag:s22] =	ssyncadd.s32 $0xFFFFC000  }
0x103: {  	[hbm4b:s1+s2] =	stream.linear.scatter [tilespmem:s9], [sflag:$0xC], $0x4000, $0x38;
	[tilespmem:$0x18D00] =	vst v63  }
0x104: {  	_ =	swait.ge [sflag:s8], $0x4000  }
0x105: {  	[sflag:s8] =	ssyncset.done $0x0  }
0x106: {  	s1 =	rddreg [dreg:$0x1b];
	[sflag:s8] =	ssyncadd.s32 $0xFFFFC000  }
0x107: {  	[hbm4b:s1+s2] =	stream.linear.scatter [tilespmem:s4], [sflag:$0x7], $0x4000, $0x38;
	[tilespmem:$0x18D00] =	vst v63  }
0x108: {  	_ =	swait.ge [sflag:s10], $0x4000  }
0x109: {  	[sflag:s10] =	ssyncset.done $0x0  }
0x10a: {  	s1 =	rddreg [dreg:$0x1c];
	[sflag:s10] =	ssyncadd.s32 $0xFFFFC000  }
0x10b: {  	[hbm4b:s1+s2] =	stream.linear.scatter [tilespmem:s3], [sflag:$0x8], $0x4000, $0x38;
	[tilespmem:$0x18D00] =	vst v63  }
0x10c: {  	_ =	swait.ge [sflag:s14], $0x4000  }
0x10d: {  	[sflag:s14] =	ssyncset.done $0x0  }
0x10e: {  	[sflag:s14] =	ssyncadd.s32 $0xFFFFC000  }
0x10f: {  	_ =	swait.ge [sflag:s16], $0x4000  }
0x110: {  	[sflag:s16] =	ssyncset.done $0x0  }
0x111: {  	[sflag:s16] =	ssyncadd.s32 $0xFFFFC000  }
0x112: {  	_ =	swait.ge [sflag:s17], $0x4000  }
0x113: {  	[sflag:s17] =	ssyncset.done $0x0  }
0x114: {  	[sflag:s17] =	ssyncadd.s32 $0xFFFFC000  }
0x115: {  	_ =	swait.ge [sflag:s18], $0x4000  }
0x116: {  	[sflag:s18] =	ssyncset.done $0x0  }
0x117: {  	p1 =	sne.s32 s23, $0x1;
	[sflag:s18] =	ssyncadd.s32 $0xFFFFC000  }
.Ltmp1:
0x118: {  	_ =	swait.ge [sflag:s5], $0x4000;
	(pc) =	sbr.rel @!p1 .LBB2_3-.Ltmp1, $4  }
0x119: {  	[sflag:s5] =	ssyncset.done $0x0  }
0x11a: {  	[sflag:s5] =	ssyncadd.s32 $0xFFFFC000  }
0x11b: {  	p0 =	por $0x1, $0x1;
	_ =	swait.ge [sflag:s6], $0x4000  }
0x11c: {  	s1 =	sadd.s32 $0xFFFFFFFF, s23;
	s0 =	rddreg [dreg:$0x3];
	[sflag:s6] =	ssyncset.done $0x0  }
.LBB2_4:
0x11d: {  	[sflag:s6] =	ssyncadd.s32 $0xFFFFC000  }
0x11e: {  	[tilespmem:s2], [sflag:$0xD] =	stream.linear.gather [hbm4b:s0+s2], $0xD00, $0x38;
	[tilespmem:$0x18D00] =	vst v63  }
0x11f: {  	_ =	swait.ge [sflag:s31], $0xD00  }
0x120: {  	[sflag:s31] =	ssyncset.done $0x0  }
0x121: {  	[sflag:s31] =	ssyncadd.s32 $0xFFFFF300  }
0x122: {  	[tilespmem:s4], [sflag:$0x1] =	stream.indirect.gather [hbm4b:s7+s12], $0x80, s2, s12, $0xb8;
	[tilespmem:$0x18D00] =	vst v63  }
0x123: {  	s0 =	rddreg [dreg:$0x1d]  }
0x124: {  	[tilespmem:s3], [sflag:$0x2] =	stream.indirect.gather [hbm4b:s7+s12], $0x80, s12, s12, $0xb8;
	[tilespmem:$0x18D00] =	vst v63  }
0x125: {  	s23 =	rddreg [dreg:$0x1e]  }
0x126: {  	[tilespmem:s15], [sflag:$0x3] =	stream.indirect.gather [hbm4b:s7+s12], $0x80, s0, s12, $0xb8;
	[tilespmem:$0x18D00] =	vst v63  }
0x127: {  	s0 =	rddreg [dreg:$0x1f]  }
0x128: {  	[tilespmem:s13], [sflag:$0x4] =	stream.indirect.gather [hbm4b:s7+s12], $0x80, s23, s12, $0xb8;
	[tilespmem:$0x18D00] =	vst v63  }
0x129: {  	s23 =	sld [smem:$0x7EF]  }
0x12a: {  	[tilespmem:s11], [sflag:$0x5] =	stream.indirect.gather [hbm4b:s7+s12], $0x80, s0, s12, $0xb8;
	[tilespmem:$0x18D00] =	vst v63  }
0x12b: {  	_ = 	snop  }
0x12c: {  	[tilespmem:s9], [sflag:$0x6] =	stream.indirect.gather [hbm4b:s7+s12], $0x80, s23, s12, $0xb8;
	[tilespmem:$0x18D00] =	vst v63  }
0x12d: {  	_ =	swait.ge [sflag:s8], $0x4000  }
0x12e: {  	[sflag:s8] =	ssyncset.done $0x0  }
0x12f: {  	[sflag:s8] =	ssyncadd.s32 $0xFFFFC000  }
0x130: {  	[hbm4b:s30+s2] =	stream.linear.scatter [tilespmem:s4], [sflag:$0x7], $0x4000, $0x38;
	[tilespmem:$0x18D00] =	vst v63  }
0x131: {  	_ =	swait.ge [sflag:s5], $0x4000  }
0x132: {  	s23 =	sld [smem:$0x7F0]  }
0x133: {  	[sflag:s5] =	ssyncset.done $0x0  }
0x134: {  	[sflag:s5] =	ssyncadd.s32 $0xFFFFC000  }
0x135: {  	[tilespmem:s4], [sflag:$0x1] =	stream.indirect.gather [hbm4b:s7+s12], $0x80, s23, s12, $0xb8;
	[tilespmem:$0x18D00] =	vst v63  }
0x136: {  	_ =	swait.ge [sflag:s10], $0x4000  }
0x137: {  	[sflag:s10] =	ssyncset.done $0x0  }
0x138: {  	s23 =	rddreg [dreg:$0x4];
	[sflag:s10] =	ssyncadd.s32 $0xFFFFC000  }
0x139: {  	[hbm4b:s23+s2] =	stream.linear.scatter [tilespmem:s3], [sflag:$0x8], $0x4000, $0x38;
	[tilespmem:$0x18D00] =	vst v63  }
0x13a: {  	_ =	swait.ge [sflag:s6], $0x4000  }
0x13b: {  	s23 =	sld [smem:$0x7F1]  }
0x13c: {  	[sflag:s6] =	ssyncset.done $0x0  }
0x13d: {  	[sflag:s6] =	ssyncadd.s32 $0xFFFFC000  }
0x13e: {  	[tilespmem:s3], [sflag:$0x2] =	stream.indirect.gather [hbm4b:s7+s12], $0x80, s23, s12, $0xb8;
	[tilespmem:$0x18D00] =	vst v63  }
0x13f: {  	_ =	swait.ge [sflag:s19], $0x4000  }
0x140: {  	[sflag:s19] =	ssyncset.done $0x0  }
0x141: {  	s23 =	rddreg [dreg:$0x5];
	[sflag:s19] =	ssyncadd.s32 $0xFFFFC000  }
0x142: {  	[hbm4b:s23+s2] =	stream.linear.scatter [tilespmem:s15], [sflag:$0x9], $0x4000, $0x38;
	[tilespmem:$0x18D00] =	vst v63  }
0x143: {  	_ =	swait.ge [sflag:s14], $0x4000  }
0x144: {  	s23 =	sld [smem:$0x7F2]  }
0x145: {  	[sflag:s14] =	ssyncset.done $0x0  }
0x146: {  	[sflag:s14] =	ssyncadd.s32 $0xFFFFC000  }
0x147: {  	[tilespmem:s15], [sflag:$0x3] =	stream.indirect.gather [hbm4b:s7+s12], $0x80, s23, s12, $0xb8;
	[tilespmem:$0x18D00] =	vst v63  }
0x148: {  	_ =	swait.ge [sflag:s20], $0x4000  }
0x149: {  	[sflag:s20] =	ssyncset.done $0x0  }
0x14a: {  	s23 =	rddreg [dreg:$0x6];
	[sflag:s20] =	ssyncadd.s32 $0xFFFFC000  }
0x14b: {  	[hbm4b:s23+s2] =	stream.linear.scatter [tilespmem:s13], [sflag:$0xA], $0x4000, $0x38;
	[tilespmem:$0x18D00] =	vst v63  }
0x14c: {  	_ =	swait.ge [sflag:s16], $0x4000  }
0x14d: {  	s23 =	sld [smem:$0x7F3]  }
0x14e: {  	[sflag:s16] =	ssyncset.done $0x0  }
0x14f: {  	[sflag:s16] =	ssyncadd.s32 $0xFFFFC000  }
0x150: {  	[tilespmem:s13], [sflag:$0x4] =	stream.indirect.gather [hbm4b:s7+s12], $0x80, s23, s12, $0xb8;
	[tilespmem:$0x18D00] =	vst v63  }
0x151: {  	_ =	swait.ge [sflag:s21], $0x4000  }
0x152: {  	[sflag:s21] =	ssyncset.done $0x0  }
0x153: {  	s23 =	rddreg [dreg:$0x7];
	[sflag:s21] =	ssyncadd.s32 $0xFFFFC000  }
0x154: {  	[hbm4b:s23+s2] =	stream.linear.scatter [tilespmem:s11], [sflag:$0xB], $0x4000, $0x38;
	[tilespmem:$0x18D00] =	vst v63  }
0x155: {  	_ =	swait.ge [sflag:s17], $0x4000  }
0x156: {  	s23 =	sld [smem:$0x7F4]  }
0x157: {  	[sflag:s17] =	ssyncset.done $0x0  }
0x158: {  	[sflag:s17] =	ssyncadd.s32 $0xFFFFC000  }
0x159: {  	[tilespmem:s11], [sflag:$0x5] =	stream.indirect.gather [hbm4b:s7+s12], $0x80, s23, s12, $0xb8;
	[tilespmem:$0x18D00] =	vst v63  }
0x15a: {  	_ =	swait.ge [sflag:s22], $0x4000  }
0x15b: {  	[sflag:s22] =	ssyncset.done $0x0  }
0x15c: {  	s23 =	rddreg [dreg:$0x8];
	[sflag:s22] =	ssyncadd.s32 $0xFFFFC000  }
0x15d: {  	[hbm4b:s23+s2] =	stream.linear.scatter [tilespmem:s9], [sflag:$0xC], $0x4000, $0x38;
	[tilespmem:$0x18D00] =	vst v63  }
0x15e: {  	_ =	swait.ge [sflag:s18], $0x4000  }
0x15f: {  	s23 =	sld [smem:$0x7F5]  }
0x160: {  	[sflag:s18] =	ssyncset.done $0x0  }
0x161: {  	[sflag:s18] =	ssyncadd.s32 $0xFFFFC000  }
0x162: {  	[tilespmem:s9], [sflag:$0x6] =	stream.indirect.gather [hbm4b:s7+s12], $0x80, s23, s12, $0xb8;
	[tilespmem:$0x18D00] =	vst v63  }
0x163: {  	_ =	swait.ge [sflag:s8], $0x4000  }
0x164: {  	[sflag:s8] =	ssyncset.done $0x0  }
0x165: {  	s23 =	rddreg [dreg:$0x9];
	[sflag:s8] =	ssyncadd.s32 $0xFFFFC000  }
0x166: {  	[hbm4b:s23+s2] =	stream.linear.scatter [tilespmem:s4], [sflag:$0x7], $0x4000, $0x38;
	[tilespmem:$0x18D00] =	vst v63  }
0x167: {  	_ =	swait.ge [sflag:s5], $0x4000  }
0x168: {  	s23 =	sld [smem:$0x7F6]  }
0x169: {  	[sflag:s5] =	ssyncset.done $0x0  }
0x16a: {  	[sflag:s5] =	ssyncadd.s32 $0xFFFFC000  }
0x16b: {  	[tilespmem:s4], [sflag:$0x1] =	stream.indirect.gather [hbm4b:s7+s12], $0x80, s23, s12, $0xb8;
	[tilespmem:$0x18D00] =	vst v63  }
0x16c: {  	_ =	swait.ge [sflag:s10], $0x4000  }
0x16d: {  	[sflag:s10] =	ssyncset.done $0x0  }
0x16e: {  	s23 =	rddreg [dreg:$0xa];
	[sflag:s10] =	ssyncadd.s32 $0xFFFFC000  }
0x16f: {  	[hbm4b:s23+s2] =	stream.linear.scatter [tilespmem:s3], [sflag:$0x8], $0x4000, $0x38;
	[tilespmem:$0x18D00] =	vst v63  }
0x170: {  	_ =	swait.ge [sflag:s6], $0x4000  }
0x171: {  	s23 =	sld [smem:$0x7F7]  }
0x172: {  	[sflag:s6] =	ssyncset.done $0x0  }
0x173: {  	[sflag:s6] =	ssyncadd.s32 $0xFFFFC000  }
0x174: {  	[tilespmem:s3], [sflag:$0x2] =	stream.indirect.gather [hbm4b:s7+s12], $0x80, s23, s12, $0xb8;
	[tilespmem:$0x18D00] =	vst v63  }
0x175: {  	_ =	swait.ge [sflag:s19], $0x4000  }
0x176: {  	[sflag:s19] =	ssyncset.done $0x0  }
0x177: {  	s23 =	rddreg [dreg:$0xb];
	[sflag:s19] =	ssyncadd.s32 $0xFFFFC000  }
0x178: {  	[hbm4b:s23+s2] =	stream.linear.scatter [tilespmem:s15], [sflag:$0x9], $0x4000, $0x38;
	[tilespmem:$0x18D00] =	vst v63  }
0x179: {  	_ =	swait.ge [sflag:s14], $0x4000  }
0x17a: {  	s23 =	sld [smem:$0x7F8]  }
0x17b: {  	[sflag:s14] =	ssyncset.done $0x0  }
0x17c: {  	[sflag:s14] =	ssyncadd.s32 $0xFFFFC000  }
0x17d: {  	[tilespmem:s15], [sflag:$0x3] =	stream.indirect.gather [hbm4b:s7+s12], $0x80, s23, s12, $0xb8;
	[tilespmem:$0x18D00] =	vst v63  }
0x17e: {  	_ =	swait.ge [sflag:s20], $0x4000  }
0x17f: {  	[sflag:s20] =	ssyncset.done $0x0  }
0x180: {  	s23 =	rddreg [dreg:$0xc];
	[sflag:s20] =	ssyncadd.s32 $0xFFFFC000  }
0x181: {  	[hbm4b:s23+s2] =	stream.linear.scatter [tilespmem:s13], [sflag:$0xA], $0x4000, $0x38;
	[tilespmem:$0x18D00] =	vst v63  }
0x182: {  	_ =	swait.ge [sflag:s16], $0x4000  }
0x183: {  	s23 =	sld [smem:$0x7F9]  }
0x184: {  	[sflag:s16] =	ssyncset.done $0x0  }
0x185: {  	[sflag:s16] =	ssyncadd.s32 $0xFFFFC000  }
0x186: {  	[tilespmem:s13], [sflag:$0x4] =	stream.indirect.gather [hbm4b:s7+s12], $0x80, s23, s12, $0xb8;
	[tilespmem:$0x18D00] =	vst v63  }
0x187: {  	_ =	swait.ge [sflag:s21], $0x4000  }
0x188: {  	[sflag:s21] =	ssyncset.done $0x0  }
0x189: {  	s23 =	rddreg [dreg:$0xd];
	[sflag:s21] =	ssyncadd.s32 $0xFFFFC000  }
0x18a: {  	[hbm4b:s23+s2] =	stream.linear.scatter [tilespmem:s11], [sflag:$0xB], $0x4000, $0x38;
	[tilespmem:$0x18D00] =	vst v63  }
0x18b: {  	_ =	swait.ge [sflag:s17], $0x4000  }
0x18c: {  	s23 =	sld [smem:$0x7FA]  }
0x18d: {  	[sflag:s17] =	ssyncset.done $0x0  }
0x18e: {  	[sflag:s17] =	ssyncadd.s32 $0xFFFFC000  }
0x18f: {  	[tilespmem:s11], [sflag:$0x5] =	stream.indirect.gather [hbm4b:s7+s12], $0x80, s23, s12, $0xb8;
	[tilespmem:$0x18D00] =	vst v63  }
0x190: {  	_ =	swait.ge [sflag:s22], $0x4000  }
0x191: {  	[sflag:s22] =	ssyncset.done $0x0  }
0x192: {  	s23 =	rddreg [dreg:$0xe];
	[sflag:s22] =	ssyncadd.s32 $0xFFFFC000  }
0x193: {  	[hbm4b:s23+s2] =	stream.linear.scatter [tilespmem:s9], [sflag:$0xC], $0x4000, $0x38;
	[tilespmem:$0x18D00] =	vst v63  }
0x194: {  	_ =	swait.ge [sflag:s18], $0x4000  }
0x195: {  	s23 =	sld [smem:$0x7FB]  }
0x196: {  	[sflag:s18] =	ssyncset.done $0x0  }
0x197: {  	[sflag:s18] =	ssyncadd.s32 $0xFFFFC000  }
0x198: {  	[tilespmem:s9], [sflag:$0x6] =	stream.indirect.gather [hbm4b:s7+s12], $0x80, s23, s12, $0xb8;
	[tilespmem:$0x18D00] =	vst v63  }
0x199: {  	_ =	swait.ge [sflag:s8], $0x4000  }
0x19a: {  	[sflag:s8] =	ssyncset.done $0x0  }
0x19b: {  	s23 =	rddreg [dreg:$0xf];
	[sflag:s8] =	ssyncadd.s32 $0xFFFFC000  }
0x19c: {  	[hbm4b:s23+s2] =	stream.linear.scatter [tilespmem:s4], [sflag:$0x7], $0x4000, $0x38;
	[tilespmem:$0x18D00] =	vst v63  }
0x19d: {  	_ =	swait.ge [sflag:s5], $0x4000  }
0x19e: {  	s23 =	sld [smem:$0x7FC]  }
0x19f: {  	[sflag:s5] =	ssyncset.done $0x0  }
0x1a0: {  	[sflag:s5] =	ssyncadd.s32 $0xFFFFC000  }
0x1a1: {  	[tilespmem:s4], [sflag:$0x1] =	stream.indirect.gather [hbm4b:s7+s12], $0x80, s23, s12, $0xb8;
	[tilespmem:$0x18D00] =	vst v63  }
0x1a2: {  	_ =	swait.ge [sflag:s10], $0x4000  }
0x1a3: {  	[sflag:s10] =	ssyncset.done $0x0  }
0x1a4: {  	s23 =	rddreg [dreg:$0x10];
	[sflag:s10] =	ssyncadd.s32 $0xFFFFC000  }
0x1a5: {  	[hbm4b:s23+s2] =	stream.linear.scatter [tilespmem:s3], [sflag:$0x8], $0x4000, $0x38;
	[tilespmem:$0x18D00] =	vst v63  }
0x1a6: {  	_ =	swait.ge [sflag:s6], $0x4000  }
0x1a7: {  	s23 =	sld [smem:$0x7FD]  }
0x1a8: {  	[sflag:s6] =	ssyncset.done $0x0  }
0x1a9: {  	[sflag:s6] =	ssyncadd.s32 $0xFFFFC000  }
0x1aa: {  	[tilespmem:s3], [sflag:$0x2] =	stream.indirect.gather [hbm4b:s7+s12], $0x80, s23, s12, $0xb8;
	[tilespmem:$0x18D00] =	vst v63  }
0x1ab: {  	_ =	swait.ge [sflag:s19], $0x4000  }
0x1ac: {  	[sflag:s19] =	ssyncset.done $0x0  }
0x1ad: {  	s23 =	rddreg [dreg:$0x11];
	[sflag:s19] =	ssyncadd.s32 $0xFFFFC000  }
0x1ae: {  	[hbm4b:s23+s2] =	stream.linear.scatter [tilespmem:s15], [sflag:$0x9], $0x4000, $0x38;
	[tilespmem:$0x18D00] =	vst v63  }
0x1af: {  	_ =	swait.ge [sflag:s14], $0x4000  }
0x1b0: {  	[sflag:s14] =	ssyncset.done $0x0  }
0x1b1: {  	s23 =	simm.s32 $0xA00;
	[sflag:s14] =	ssyncadd.s32 $0xFFFFC000  }
0x1b2: {  	[tilespmem:s15], [sflag:$0x3] =	stream.indirect.gather [hbm4b:s7+s12], $0x80, s23, s12, $0xb8;
	[tilespmem:$0x18D00] =	vst v63  }
0x1b3: {  	_ =	swait.ge [sflag:s20], $0x4000  }
0x1b4: {  	[sflag:s20] =	ssyncset.done $0x0  }
0x1b5: {  	s23 =	rddreg [dreg:$0x12];
	[sflag:s20] =	ssyncadd.s32 $0xFFFFC000  }
0x1b6: {  	[hbm4b:s23+s2] =	stream.linear.scatter [tilespmem:s13], [sflag:$0xA], $0x4000, $0x38;
	[tilespmem:$0x18D00] =	vst v63  }
0x1b7: {  	_ =	swait.ge [sflag:s16], $0x4000  }
0x1b8: {  	[sflag:s16] =	ssyncset.done $0x0  }
0x1b9: {  	[sflag:s16] =	ssyncadd.s32 $0xFFFFC000  }
0x1ba: {  	[tilespmem:s13], [sflag:$0x4] =	stream.indirect.gather [hbm4b:s7+s12], $0x80, s29, s12, $0xb8;
	[tilespmem:$0x18D00] =	vst v63  }
0x1bb: {  	_ =	swait.ge [sflag:s21], $0x4000  }
0x1bc: {  	[sflag:s21] =	ssyncset.done $0x0  }
0x1bd: {  	s23 =	rddreg [dreg:$0x13];
	[sflag:s21] =	ssyncadd.s32 $0xFFFFC000  }
0x1be: {  	[hbm4b:s23+s2] =	stream.linear.scatter [tilespmem:s11], [sflag:$0xB], $0x4000, $0x38;
	[tilespmem:$0x18D00] =	vst v63  }
0x1bf: {  	_ =	swait.ge [sflag:s17], $0x4000  }
0x1c0: {  	[sflag:s17] =	ssyncset.done $0x0  }
0x1c1: {  	[sflag:s17] =	ssyncadd.s32 $0xFFFFC000  }
0x1c2: {  	[tilespmem:s11], [sflag:$0x5] =	stream.indirect.gather [hbm4b:s7+s12], $0x80, s28, s12, $0xb8;
	[tilespmem:$0x18D00] =	vst v63  }
0x1c3: {  	_ =	swait.ge [sflag:s22], $0x4000  }
0x1c4: {  	[sflag:s22] =	ssyncset.done $0x0  }
0x1c5: {  	s23 =	rddreg [dreg:$0x14];
	[sflag:s22] =	ssyncadd.s32 $0xFFFFC000  }
0x1c6: {  	[hbm4b:s23+s2] =	stream.linear.scatter [tilespmem:s9], [sflag:$0xC], $0x4000, $0x38;
	[tilespmem:$0x18D00] =	vst v63  }
0x1c7: {  	_ =	swait.ge [sflag:s18], $0x4000  }
0x1c8: {  	[sflag:s18] =	ssyncset.done $0x0  }
0x1c9: {  	[sflag:s18] =	ssyncadd.s32 $0xFFFFC000  }
0x1ca: {  	[tilespmem:s9], [sflag:$0x6] =	stream.indirect.gather [hbm4b:s7+s12], $0x80, s26, s12, $0xb8;
	[tilespmem:$0x18D00] =	vst v63  }
0x1cb: {  	_ =	swait.ge [sflag:s8], $0x4000  }
0x1cc: {  	[sflag:s8] =	ssyncset.done $0x0  }
0x1cd: {  	s23 =	rddreg [dreg:$0x15];
	[sflag:s8] =	ssyncadd.s32 $0xFFFFC000  }
0x1ce: {  	[hbm4b:s23+s2] =	stream.linear.scatter [tilespmem:s4], [sflag:$0x7], $0x4000, $0x38;
	[tilespmem:$0x18D00] =	vst v63  }
0x1cf: {  	_ =	swait.ge [sflag:s5], $0x4000  }
0x1d0: {  	[sflag:s5] =	ssyncset.done $0x0  }
0x1d1: {  	[sflag:s5] =	ssyncadd.s32 $0xFFFFC000  }
0x1d2: {  	[tilespmem:s4], [sflag:$0x1] =	stream.indirect.gather [hbm4b:s7+s12], $0x80, s25, s12, $0xb8;
	[tilespmem:$0x18D00] =	vst v63  }
0x1d3: {  	_ =	swait.ge [sflag:s10], $0x4000  }
0x1d4: {  	[sflag:s10] =	ssyncset.done $0x0  }
0x1d5: {  	s23 =	rddreg [dreg:$0x16];
	[sflag:s10] =	ssyncadd.s32 $0xFFFFC000  }
0x1d6: {  	[hbm4b:s23+s2] =	stream.linear.scatter [tilespmem:s3], [sflag:$0x8], $0x4000, $0x38;
	[tilespmem:$0x18D00] =	vst v63  }
0x1d7: {  	_ =	swait.ge [sflag:s6], $0x4000  }
0x1d8: {  	[sflag:s6] =	ssyncset.done $0x0  }
0x1d9: {  	[sflag:s6] =	ssyncadd.s32 $0xFFFFC000  }
0x1da: {  	[tilespmem:s3], [sflag:$0x2] =	stream.indirect.gather [hbm4b:s7+s12], $0x80, s24, s12, $0xb8;
	[tilespmem:$0x18D00] =	vst v63  }
0x1db: {  	_ =	swait.ge [sflag:s19], $0x4000  }
0x1dc: {  	[sflag:s19] =	ssyncset.done $0x0  }
0x1dd: {  	s23 =	rddreg [dreg:$0x17];
	[sflag:s19] =	ssyncadd.s32 $0xFFFFC000  }
0x1de: {  	[hbm4b:s23+s2] =	stream.linear.scatter [tilespmem:s15], [sflag:$0x9], $0x4000, $0x38;
	[tilespmem:$0x18D00] =	vst v63  }
0x1df: {  	_ =	swait.ge [sflag:s20], $0x4000  }
0x1e0: {  	[sflag:s20] =	ssyncset.done $0x0  }
0x1e1: {  	s23 =	rddreg [dreg:$0x18];
	[sflag:s20] =	ssyncadd.s32 $0xFFFFC000  }
0x1e2: {  	[hbm4b:s23+s2] =	stream.linear.scatter [tilespmem:s13], [sflag:$0xA], $0x4000, $0x38;
	[tilespmem:$0x18D00] =	vst v63  }
0x1e3: {  	_ =	swait.ge [sflag:s21], $0x4000  }
0x1e4: {  	[sflag:s21] =	ssyncset.done $0x0  }
0x1e5: {  	s23 =	rddreg [dreg:$0x19];
	[sflag:s21] =	ssyncadd.s32 $0xFFFFC000  }
0x1e6: {  	[hbm4b:s23+s2] =	stream.linear.scatter [tilespmem:s11], [sflag:$0xB], $0x4000, $0x38;
	[tilespmem:$0x18D00] =	vst v63  }
0x1e7: {  	_ =	swait.ge [sflag:s22], $0x4000  }
0x1e8: {  	[sflag:s22] =	ssyncset.done $0x0  }
0x1e9: {  	s23 =	rddreg [dreg:$0x1a];
	[sflag:s22] =	ssyncadd.s32 $0xFFFFC000  }
0x1ea: {  	[hbm4b:s23+s2] =	stream.linear.scatter [tilespmem:s9], [sflag:$0xC], $0x4000, $0x38;
	[tilespmem:$0x18D00] =	vst v63  }
0x1eb: {  	_ =	swait.ge [sflag:s8], $0x4000  }
0x1ec: {  	[sflag:s8] =	ssyncset.done $0x0  }
0x1ed: {  	s23 =	rddreg [dreg:$0x1b];
	[sflag:s8] =	ssyncadd.s32 $0xFFFFC000  }
0x1ee: {  	[hbm4b:s23+s2] =	stream.linear.scatter [tilespmem:s4], [sflag:$0x7], $0x4000, $0x38;
	[tilespmem:$0x18D00] =	vst v63  }
0x1ef: {  	_ =	swait.ge [sflag:s10], $0x4000  }
0x1f0: {  	[sflag:s10] =	ssyncset.done $0x0  }
0x1f1: {  	s23 =	rddreg [dreg:$0x1c];
	[sflag:s10] =	ssyncadd.s32 $0xFFFFC000  }
0x1f2: {  	[hbm4b:s23+s2] =	stream.linear.scatter [tilespmem:s3], [sflag:$0x8], $0x4000, $0x38;
	[tilespmem:$0x18D00] =	vst v63  }
0x1f3: {  	_ =	swait.ge [sflag:s14], $0x4000  }
0x1f4: {  	[sflag:s14] =	ssyncset.done $0x0  }
0x1f5: {  	[sflag:s14] =	ssyncadd.s32 $0xFFFFC000  }
0x1f6: {  	_ =	swait.ge [sflag:s16], $0x4000  }
0x1f7: {  	[sflag:s16] =	ssyncset.done $0x0  }
0x1f8: {  	[sflag:s16] =	ssyncadd.s32 $0xFFFFC000  }
0x1f9: {  	_ =	swait.ge [sflag:s17], $0x4000  }
0x1fa: {  	[sflag:s17] =	ssyncset.done $0x0  }
0x1fb: {  	[sflag:s17] =	ssyncadd.s32 $0xFFFFC000  }
0x1fc: {  	_ =	swait.ge [sflag:s18], $0x4000  }
0x1fd: {  	[sflag:s18] =	ssyncset.done $0x0  }
0x1fe: {  	p1 =	sne.s32 s1, $0x1;
	[sflag:s18] =	ssyncadd.s32 $0xFFFFC000  }
.Ltmp2:
0x1ff: {  	_ =	swait.ge [sflag:s5], $0x4000;
	(pc) =	sbr.rel @p1 .LBB2_4-.Ltmp2, $4  }
0x200: {  	[sflag:s5] =	ssyncset.done $0x0  }
0x201: {  	[sflag:s5] =	ssyncadd.s32 $0xFFFFC000  }
0x202: {  	_ =	swait.ge [sflag:s6], $0x4000  }
0x203: {  	s1 =	sadd.s32 $0xFFFFFFFF, s1;
	s0 =	rddreg [dreg:$0x3];
	[sflag:s6] =	ssyncset.done $0x0  }
0x204: {  	s24 =	simm.s32 $0xA00;
	s29 =	simm.s32 $0xA80;
	s28 =	simm.s32 $0xB00  }
0x205: {  	s26 =	simm.s32 $0xB80;
	s25 =	simm.s32 $0xC00;
	s23 =	stileid.u32  }
.LBB2_6:
0x206: {  	[sflag:s6] =	ssyncadd.s32 @p0 $0xFFFFC000  }
0x207: {  	[tilespmem:s2], [sflag:$0xD] =	stream.linear.gather [hbm4b:s0+s2], $0xD00, $0x38;
	[tilespmem:$0x18D00] =	vst v63  }
0x208: {  	_ =	swait.ge [sflag:s31], $0xD00  }
0x209: {  	[sflag:s31] =	ssyncset.done $0x0  }
0x20a: {  	[sflag:s31] =	ssyncadd.s32 $0xFFFFF300  }
0x20b: {  	[tilespmem:s4], [sflag:$0x1] =	stream.indirect.gather [hbm4b:s7+s12], $0x80, s2, s12, $0xb8;
	[tilespmem:$0x18D00] =	vst v63  }
0x20c: {  	s1 =	rddreg [dreg:$0x1e]  }
0x20d: {  	[tilespmem:s3], [sflag:$0x2] =	stream.indirect.gather [hbm4b:s7+s12], $0x80, s12, s12, $0xb8;
	[tilespmem:$0x18D00] =	vst v63  }
0x20e: {  	s31 =	rddreg [dreg:$0x1d]  }
0x20f: {  	[tilespmem:s15], [sflag:$0x3] =	stream.indirect.gather [hbm4b:s7+s12], $0x80, s31, s12, $0xb8;
	[tilespmem:$0x18D00] =	vst v63  }
0x210: {  	s0 =	rddreg [dreg:$0x1f]  }
0x211: {  	[tilespmem:s13], [sflag:$0x4] =	stream.indirect.gather [hbm4b:s7+s12], $0x80, s1, s12, $0xb8;
	[tilespmem:$0x18D00] =	vst v63  }
0x212: {  	s31 =	sld [smem:$0x7EF]  }
0x213: {  	[tilespmem:s11], [sflag:$0x5] =	stream.indirect.gather [hbm4b:s7+s12], $0x80, s0, s12, $0xb8;
	[tilespmem:$0x18D00] =	vst v63  }
0x214: {  	_ = 	snop  }
0x215: {  	[tilespmem:s9], [sflag:$0x6] =	stream.indirect.gather [hbm4b:s7+s12], $0x80, s31, s12, $0xb8;
	[tilespmem:$0x18D00] =	vst v63  }
0x216: {  	_ =	swait.ge [sflag:s8], $0x4000  }
0x217: {  	[sflag:s8] =	ssyncset.done $0x0  }
0x218: {  	[sflag:s8] =	ssyncadd.s32 $0xFFFFC000  }
0x219: {  	[hbm4b:s30+s2] =	stream.linear.scatter [tilespmem:s4], [sflag:$0x7], $0x4000, $0x38;
	[tilespmem:$0x18D00] =	vst v63  }
0x21a: {  	_ =	swait.ge [sflag:s5], $0x4000  }
0x21b: {  	s1 =	sld [smem:$0x7F0]  }
0x21c: {  	[sflag:s5] =	ssyncset.done $0x0  }
0x21d: {  	[sflag:s5] =	ssyncadd.s32 $0xFFFFC000  }
0x21e: {  	[tilespmem:s4], [sflag:$0x1] =	stream.indirect.gather [hbm4b:s7+s12], $0x80, s1, s12, $0xb8;
	[tilespmem:$0x18D00] =	vst v63  }
0x21f: {  	_ =	swait.ge [sflag:s10], $0x4000  }
0x220: {  	[sflag:s10] =	ssyncset.done $0x0  }
0x221: {  	s30 =	rddreg [dreg:$0x4];
	[sflag:s10] =	ssyncadd.s32 $0xFFFFC000  }
0x222: {  	[hbm4b:s30+s2] =	stream.linear.scatter [tilespmem:s3], [sflag:$0x8], $0x4000, $0x38;
	[tilespmem:$0x18D00] =	vst v63  }
0x223: {  	_ =	swait.ge [sflag:s6], $0x4000  }
0x224: {  	s31 =	sld [smem:$0x7F1]  }
0x225: {  	[sflag:s6] =	ssyncset.done $0x0  }
0x226: {  	[sflag:s6] =	ssyncadd.s32 $0xFFFFC000  }
0x227: {  	[tilespmem:s3], [sflag:$0x2] =	stream.indirect.gather [hbm4b:s7+s12], $0x80, s31, s12, $0xb8;
	[tilespmem:$0x18D00] =	vst v63  }
0x228: {  	_ =	swait.ge [sflag:s19], $0x4000  }
0x229: {  	[sflag:s19] =	ssyncset.done $0x0  }
0x22a: {  	s1 =	rddreg [dreg:$0x5];
	[sflag:s19] =	ssyncadd.s32 $0xFFFFC000  }
0x22b: {  	[hbm4b:s1+s2] =	stream.linear.scatter [tilespmem:s15], [sflag:$0x9], $0x4000, $0x38;
	[tilespmem:$0x18D00] =	vst v63  }
0x22c: {  	_ =	swait.ge [sflag:s14], $0x4000  }
0x22d: {  	s30 =	sld [smem:$0x7F2]  }
0x22e: {  	[sflag:s14] =	ssyncset.done $0x0  }
0x22f: {  	[sflag:s14] =	ssyncadd.s32 $0xFFFFC000  }
0x230: {  	[tilespmem:s15], [sflag:$0x3] =	stream.indirect.gather [hbm4b:s7+s12], $0x80, s30, s12, $0xb8;
	[tilespmem:$0x18D00] =	vst v63  }
0x231: {  	_ =	swait.ge [sflag:s20], $0x4000  }
0x232: {  	[sflag:s20] =	ssyncset.done $0x0  }
0x233: {  	s31 =	rddreg [dreg:$0x6];
	[sflag:s20] =	ssyncadd.s32 $0xFFFFC000  }
0x234: {  	[hbm4b:s31+s2] =	stream.linear.scatter [tilespmem:s13], [sflag:$0xA], $0x4000, $0x38;
	[tilespmem:$0x18D00] =	vst v63  }
0x235: {  	_ =	swait.ge [sflag:s16], $0x4000  }
0x236: {  	s1 =	sld [smem:$0x7F3]  }
0x237: {  	[sflag:s16] =	ssyncset.done $0x0  }
0x238: {  	[sflag:s16] =	ssyncadd.s32 $0xFFFFC000  }
0x239: {  	[tilespmem:s13], [sflag:$0x4] =	stream.indirect.gather [hbm4b:s7+s12], $0x80, s1, s12, $0xb8;
	[tilespmem:$0x18D00] =	vst v63  }
0x23a: {  	_ =	swait.ge [sflag:s21], $0x4000  }
0x23b: {  	[sflag:s21] =	ssyncset.done $0x0  }
0x23c: {  	s30 =	rddreg [dreg:$0x7];
	[sflag:s21] =	ssyncadd.s32 $0xFFFFC000  }
0x23d: {  	[hbm4b:s30+s2] =	stream.linear.scatter [tilespmem:s11], [sflag:$0xB], $0x4000, $0x38;
	[tilespmem:$0x18D00] =	vst v63  }
0x23e: {  	_ =	swait.ge [sflag:s17], $0x4000  }
0x23f: {  	s31 =	sld [smem:$0x7F4]  }
0x240: {  	[sflag:s17] =	ssyncset.done $0x0  }
0x241: {  	[sflag:s17] =	ssyncadd.s32 $0xFFFFC000  }
0x242: {  	[tilespmem:s11], [sflag:$0x5] =	stream.indirect.gather [hbm4b:s7+s12], $0x80, s31, s12, $0xb8;
	[tilespmem:$0x18D00] =	vst v63  }
0x243: {  	_ =	swait.ge [sflag:s22], $0x4000  }
0x244: {  	[sflag:s22] =	ssyncset.done $0x0  }
0x245: {  	s1 =	rddreg [dreg:$0x8];
	[sflag:s22] =	ssyncadd.s32 $0xFFFFC000  }
0x246: {  	[hbm4b:s1+s2] =	stream.linear.scatter [tilespmem:s9], [sflag:$0xC], $0x4000, $0x38;
	[tilespmem:$0x18D00] =	vst v63  }
0x247: {  	_ =	swait.ge [sflag:s18], $0x4000  }
0x248: {  	s30 =	sld [smem:$0x7F5]  }
0x249: {  	[sflag:s18] =	ssyncset.done $0x0  }
0x24a: {  	[sflag:s18] =	ssyncadd.s32 $0xFFFFC000  }
0x24b: {  	[tilespmem:s9], [sflag:$0x6] =	stream.indirect.gather [hbm4b:s7+s12], $0x80, s30, s12, $0xb8;
	[tilespmem:$0x18D00] =	vst v63  }
0x24c: {  	_ =	swait.ge [sflag:s8], $0x4000  }
0x24d: {  	[sflag:s8] =	ssyncset.done $0x0  }
0x24e: {  	s31 =	rddreg [dreg:$0x9];
	[sflag:s8] =	ssyncadd.s32 $0xFFFFC000  }
0x24f: {  	[hbm4b:s31+s2] =	stream.linear.scatter [tilespmem:s4], [sflag:$0x7], $0x4000, $0x38;
	[tilespmem:$0x18D00] =	vst v63  }
0x250: {  	_ =	swait.ge [sflag:s5], $0x4000  }
0x251: {  	s1 =	sld [smem:$0x7F6]  }
0x252: {  	[sflag:s5] =	ssyncset.done $0x0  }
0x253: {  	[sflag:s5] =	ssyncadd.s32 $0xFFFFC000  }
0x254: {  	[tilespmem:s4], [sflag:$0x1] =	stream.indirect.gather [hbm4b:s7+s12], $0x80, s1, s12, $0xb8;
	[tilespmem:$0x18D00] =	vst v63  }
0x255: {  	_ =	swait.ge [sflag:s10], $0x4000  }
0x256: {  	[sflag:s10] =	ssyncset.done $0x0  }
0x257: {  	s30 =	rddreg [dreg:$0xa];
	[sflag:s10] =	ssyncadd.s32 $0xFFFFC000  }
0x258: {  	[hbm4b:s30+s2] =	stream.linear.scatter [tilespmem:s3], [sflag:$0x8], $0x4000, $0x38;
	[tilespmem:$0x18D00] =	vst v63  }
0x259: {  	_ =	swait.ge [sflag:s6], $0x4000  }
0x25a: {  	s31 =	sld [smem:$0x7F7]  }
0x25b: {  	[sflag:s6] =	ssyncset.done $0x0  }
0x25c: {  	[sflag:s6] =	ssyncadd.s32 $0xFFFFC000  }
0x25d: {  	[tilespmem:s3], [sflag:$0x2] =	stream.indirect.gather [hbm4b:s7+s12], $0x80, s31, s12, $0xb8;
	[tilespmem:$0x18D00] =	vst v63  }
0x25e: {  	_ =	swait.ge [sflag:s19], $0x4000  }
0x25f: {  	[sflag:s19] =	ssyncset.done $0x0  }
0x260: {  	s1 =	rddreg [dreg:$0xb];
	[sflag:s19] =	ssyncadd.s32 $0xFFFFC000  }
0x261: {  	[hbm4b:s1+s2] =	stream.linear.scatter [tilespmem:s15], [sflag:$0x9], $0x4000, $0x38;
	[tilespmem:$0x18D00] =	vst v63  }
0x262: {  	_ =	swait.ge [sflag:s14], $0x4000  }
0x263: {  	s30 =	sld [smem:$0x7F8]  }
0x264: {  	[sflag:s14] =	ssyncset.done $0x0  }
0x265: {  	[sflag:s14] =	ssyncadd.s32 $0xFFFFC000  }
0x266: {  	[tilespmem:s15], [sflag:$0x3] =	stream.indirect.gather [hbm4b:s7+s12], $0x80, s30, s12, $0xb8;
	[tilespmem:$0x18D00] =	vst v63  }
0x267: {  	_ =	swait.ge [sflag:s20], $0x4000  }
0x268: {  	[sflag:s20] =	ssyncset.done $0x0  }
0x269: {  	s31 =	rddreg [dreg:$0xc];
	[sflag:s20] =	ssyncadd.s32 $0xFFFFC000  }
0x26a: {  	[hbm4b:s31+s2] =	stream.linear.scatter [tilespmem:s13], [sflag:$0xA], $0x4000, $0x38;
	[tilespmem:$0x18D00] =	vst v63  }
0x26b: {  	_ =	swait.ge [sflag:s16], $0x4000  }
0x26c: {  	s1 =	sld [smem:$0x7F9]  }
0x26d: {  	[sflag:s16] =	ssyncset.done $0x0  }
0x26e: {  	[sflag:s16] =	ssyncadd.s32 $0xFFFFC000  }
0x26f: {  	[tilespmem:s13], [sflag:$0x4] =	stream.indirect.gather [hbm4b:s7+s12], $0x80, s1, s12, $0xb8;
	[tilespmem:$0x18D00] =	vst v63  }
0x270: {  	_ =	swait.ge [sflag:s21], $0x4000  }
0x271: {  	[sflag:s21] =	ssyncset.done $0x0  }
0x272: {  	s30 =	rddreg [dreg:$0xd];
	[sflag:s21] =	ssyncadd.s32 $0xFFFFC000  }
0x273: {  	[hbm4b:s30+s2] =	stream.linear.scatter [tilespmem:s11], [sflag:$0xB], $0x4000, $0x38;
	[tilespmem:$0x18D00] =	vst v63  }
0x274: {  	_ =	swait.ge [sflag:s17], $0x4000  }
0x275: {  	s31 =	sld [smem:$0x7FA]  }
0x276: {  	[sflag:s17] =	ssyncset.done $0x0  }
0x277: {  	[sflag:s17] =	ssyncadd.s32 $0xFFFFC000  }
0x278: {  	[tilespmem:s11], [sflag:$0x5] =	stream.indirect.gather [hbm4b:s7+s12], $0x80, s31, s12, $0xb8;
	[tilespmem:$0x18D00] =	vst v63  }
0x279: {  	_ =	swait.ge [sflag:s22], $0x4000  }
0x27a: {  	[sflag:s22] =	ssyncset.done $0x0  }
0x27b: {  	s1 =	rddreg [dreg:$0xe];
	[sflag:s22] =	ssyncadd.s32 $0xFFFFC000  }
0x27c: {  	[hbm4b:s1+s2] =	stream.linear.scatter [tilespmem:s9], [sflag:$0xC], $0x4000, $0x38;
	[tilespmem:$0x18D00] =	vst v63  }
0x27d: {  	_ =	swait.ge [sflag:s18], $0x4000  }
0x27e: {  	s30 =	sld [smem:$0x7FB]  }
0x27f: {  	[sflag:s18] =	ssyncset.done $0x0  }
0x280: {  	[sflag:s18] =	ssyncadd.s32 $0xFFFFC000  }
0x281: {  	[tilespmem:s9], [sflag:$0x6] =	stream.indirect.gather [hbm4b:s7+s12], $0x80, s30, s12, $0xb8;
	[tilespmem:$0x18D00] =	vst v63  }
0x282: {  	_ =	swait.ge [sflag:s8], $0x4000  }
0x283: {  	[sflag:s8] =	ssyncset.done $0x0  }
0x284: {  	s31 =	rddreg [dreg:$0xf];
	[sflag:s8] =	ssyncadd.s32 $0xFFFFC000  }
0x285: {  	[hbm4b:s31+s2] =	stream.linear.scatter [tilespmem:s4], [sflag:$0x7], $0x4000, $0x38;
	[tilespmem:$0x18D00] =	vst v63  }
0x286: {  	_ =	swait.ge [sflag:s5], $0x4000  }
0x287: {  	s1 =	sld [smem:$0x7FC]  }
0x288: {  	[sflag:s5] =	ssyncset.done $0x0  }
0x289: {  	[sflag:s5] =	ssyncadd.s32 $0xFFFFC000  }
0x28a: {  	[tilespmem:s4], [sflag:$0x1] =	stream.indirect.gather [hbm4b:s7+s12], $0x80, s1, s12, $0xb8;
	[tilespmem:$0x18D00] =	vst v63  }
0x28b: {  	_ =	swait.ge [sflag:s10], $0x4000  }
0x28c: {  	[sflag:s10] =	ssyncset.done $0x0  }
0x28d: {  	s30 =	rddreg [dreg:$0x10];
	[sflag:s10] =	ssyncadd.s32 $0xFFFFC000  }
0x28e: {  	[hbm4b:s30+s2] =	stream.linear.scatter [tilespmem:s3], [sflag:$0x8], $0x4000, $0x38;
	[tilespmem:$0x18D00] =	vst v63  }
0x28f: {  	_ =	swait.ge [sflag:s6], $0x4000  }
0x290: {  	s31 =	sld [smem:$0x7FD]  }
0x291: {  	[sflag:s6] =	ssyncset.done $0x0  }
0x292: {  	[sflag:s6] =	ssyncadd.s32 $0xFFFFC000  }
0x293: {  	[tilespmem:s3], [sflag:$0x2] =	stream.indirect.gather [hbm4b:s7+s12], $0x80, s31, s12, $0xb8;
	[tilespmem:$0x18D00] =	vst v63  }
0x294: {  	_ =	swait.ge [sflag:s19], $0x4000  }
0x295: {  	[sflag:s19] =	ssyncset.done $0x0  }
0x296: {  	s1 =	rddreg [dreg:$0x11];
	[sflag:s19] =	ssyncadd.s32 $0xFFFFC000  }
0x297: {  	[hbm4b:s1+s2] =	stream.linear.scatter [tilespmem:s15], [sflag:$0x9], $0x4000, $0x38;
	[tilespmem:$0x18D00] =	vst v63  }
0x298: {  	_ =	swait.ge [sflag:s14], $0x4000  }
0x299: {  	[sflag:s14] =	ssyncset.done $0x0  }
0x29a: {  	[sflag:s14] =	ssyncadd.s32 $0xFFFFC000  }
0x29b: {  	[tilespmem:s15], [sflag:$0x3] =	stream.indirect.gather [hbm4b:s7+s12], $0x80, s24, s12, $0xb8;
	[tilespmem:$0x18D00] =	vst v63  }
0x29c: {  	_ =	swait.ge [sflag:s20], $0x4000  }
0x29d: {  	[sflag:s20] =	ssyncset.done $0x0  }
0x29e: {  	s24 =	rddreg [dreg:$0x12];
	[sflag:s20] =	ssyncadd.s32 $0xFFFFC000  }
0x29f: {  	[hbm4b:s24+s2] =	stream.linear.scatter [tilespmem:s13], [sflag:$0xA], $0x4000, $0x38;
	[tilespmem:$0x18D00] =	vst v63  }
0x2a0: {  	_ =	swait.ge [sflag:s16], $0x4000  }
0x2a1: {  	[sflag:s16] =	ssyncset.done $0x0  }
0x2a2: {  	[sflag:s16] =	ssyncadd.s32 $0xFFFFC000  }
0x2a3: {  	[tilespmem:s13], [sflag:$0x4] =	stream.indirect.gather [hbm4b:s7+s12], $0x80, s29, s12, $0xb8;
	[tilespmem:$0x18D00] =	vst v63  }
0x2a4: {  	_ =	swait.ge [sflag:s21], $0x4000  }
0x2a5: {  	[sflag:s21] =	ssyncset.done $0x0  }
0x2a6: {  	s29 =	rddreg [dreg:$0x13];
	[sflag:s21] =	ssyncadd.s32 $0xFFFFC000  }
0x2a7: {  	[hbm4b:s29+s2] =	stream.linear.scatter [tilespmem:s11], [sflag:$0xB], $0x4000, $0x38;
	[tilespmem:$0x18D00] =	vst v63  }
0x2a8: {  	_ =	swait.ge [sflag:s17], $0x4000  }
0x2a9: {  	[sflag:s17] =	ssyncset.done $0x0  }
0x2aa: {  	[sflag:s17] =	ssyncadd.s32 $0xFFFFC000  }
0x2ab: {  	[tilespmem:s11], [sflag:$0x5] =	stream.indirect.gather [hbm4b:s7+s12], $0x80, s28, s12, $0xb8;
	[tilespmem:$0x18D00] =	vst v63  }
0x2ac: {  	_ =	swait.ge [sflag:s22], $0x4000  }
0x2ad: {  	[sflag:s22] =	ssyncset.done $0x0  }
0x2ae: {  	s30 =	rddreg [dreg:$0x14];
	[sflag:s22] =	ssyncadd.s32 $0xFFFFC000  }
0x2af: {  	[hbm4b:s30+s2] =	stream.linear.scatter [tilespmem:s9], [sflag:$0xC], $0x4000, $0x38;
	[tilespmem:$0x18D00] =	vst v63  }
0x2b0: {  	_ =	swait.ge [sflag:s18], $0x4000  }
0x2b1: {  	[sflag:s18] =	ssyncset.done $0x0  }
0x2b2: {  	[sflag:s18] =	ssyncadd.s32 $0xFFFFC000  }
0x2b3: {  	[tilespmem:s9], [sflag:$0x6] =	stream.indirect.gather [hbm4b:s7+s12], $0x80, s26, s12, $0xb8;
	[tilespmem:$0x18D00] =	vst v63  }
0x2b4: {  	_ =	swait.ge [sflag:s8], $0x4000  }
0x2b5: {  	[sflag:s8] =	ssyncset.done $0x0  }
0x2b6: {  	s31 =	rddreg [dreg:$0x15];
	[sflag:s8] =	ssyncadd.s32 $0xFFFFC000  }
0x2b7: {  	[hbm4b:s31+s2] =	stream.linear.scatter [tilespmem:s4], [sflag:$0x7], $0x4000, $0x38;
	[tilespmem:$0x18D00] =	vst v63  }
0x2b8: {  	_ =	swait.ge [sflag:s5], $0x4000  }
0x2b9: {  	[sflag:s5] =	ssyncset.done $0x0  }
0x2ba: {  	[sflag:s5] =	ssyncadd.s32 $0xFFFFC000  }
0x2bb: {  	[tilespmem:s4], [sflag:$0x1] =	stream.indirect.gather [hbm4b:s7+s12], $0x80, s25, s12, $0xb8;
	[tilespmem:$0x18D00] =	vst v63  }
0x2bc: {  	_ =	swait.ge [sflag:s10], $0x4000  }
0x2bd: {  	[sflag:s10] =	ssyncset.done $0x0  }
0x2be: {  	s1 =	rddreg [dreg:$0x16];
	[sflag:s10] =	ssyncadd.s32 $0xFFFFC000  }
0x2bf: {  	[hbm4b:s1+s2] =	stream.linear.scatter [tilespmem:s3], [sflag:$0x8], $0x4000, $0x38;
	[tilespmem:$0x18D00] =	vst v63  }
0x2c0: {  	_ =	swait.ge [sflag:s6], $0x4000  }
0x2c1: {  	[sflag:s6] =	ssyncset.done $0x0  }
0x2c2: {  	s24 =	simm.s32 $0xC80;
	[sflag:s6] =	ssyncadd.s32 $0xFFFFC000  }
0x2c3: {  	[tilespmem:s3], [sflag:$0x2] =	stream.indirect.gather [hbm4b:s7+s12], $0x80, s24, s12, $0xb8;
	[tilespmem:$0x18D00] =	vst v63  }
0x2c4: {  	_ =	swait.ge [sflag:s19], $0x4000  }
0x2c5: {  	[sflag:s19] =	ssyncset.done $0x0  }
0x2c6: {  	s25 =	rddreg [dreg:$0x17];
	[sflag:s19] =	ssyncadd.s32 $0xFFFFC000  }
0x2c7: {  	[hbm4b:s25+s2] =	stream.linear.scatter [tilespmem:s15], [sflag:$0x9], $0x4000, $0x38;
	[tilespmem:$0x18D00] =	vst v63  }
0x2c8: {  	_ =	swait.ge [sflag:s20], $0x4000  }
0x2c9: {  	[sflag:s20] =	ssyncset.done $0x0  }
0x2ca: {  	s26 =	rddreg [dreg:$0x18];
	[sflag:s20] =	ssyncadd.s32 $0xFFFFC000  }
0x2cb: {  	[hbm4b:s26+s2] =	stream.linear.scatter [tilespmem:s13], [sflag:$0xA], $0x4000, $0x38;
	[tilespmem:$0x18D00] =	vst v63  }
0x2cc: {  	_ =	swait.ge [sflag:s21], $0x4000  }
0x2cd: {  	[sflag:s21] =	ssyncset.done $0x0  }
0x2ce: {  	s28 =	rddreg [dreg:$0x19];
	[sflag:s21] =	ssyncadd.s32 $0xFFFFC000  }
0x2cf: {  	[hbm4b:s28+s2] =	stream.linear.scatter [tilespmem:s11], [sflag:$0xB], $0x4000, $0x38;
	[tilespmem:$0x18D00] =	vst v63  }
0x2d0: {  	_ =	swait.ge [sflag:s22], $0x4000  }
0x2d1: {  	[sflag:s22] =	ssyncset.done $0x0  }
0x2d2: {  	s29 =	rddreg [dreg:$0x1a];
	[sflag:s22] =	ssyncadd.s32 $0xFFFFC000  }
0x2d3: {  	[hbm4b:s29+s2] =	stream.linear.scatter [tilespmem:s9], [sflag:$0xC], $0x4000, $0x38;
	[tilespmem:$0x18D00] =	vst v63  }
0x2d4: {  	_ =	swait.ge [sflag:s8], $0x4000  }
0x2d5: {  	[sflag:s8] =	ssyncset.done $0x0  }
0x2d6: {  	s30 =	rddreg [dreg:$0x1b];
	[sflag:s8] =	ssyncadd.s32 $0xFFFFC000  }
0x2d7: {  	[hbm4b:s30+s2] =	stream.linear.scatter [tilespmem:s4], [sflag:$0x7], $0x4000, $0x38;
	[tilespmem:$0x18D00] =	vst v63  }
0x2d8: {  	_ =	swait.ge [sflag:s10], $0x4000  }
0x2d9: {  	[sflag:s10] =	ssyncset.done $0x0  }
0x2da: {  	s31 =	rddreg [dreg:$0x1c];
	[sflag:s10] =	ssyncadd.s32 $0xFFFFC000  }
0x2db: {  	[hbm4b:s31+s2] =	stream.linear.scatter [tilespmem:s3], [sflag:$0x8], $0x4000, $0x38;
	[tilespmem:$0x18D00] =	vst v63  }
0x2dc: {  	_ =	swait.ge [sflag:s14], $0x4000  }
0x2dd: {  	[sflag:s14] =	ssyncset.done $0x0  }
0x2de: {  	[sflag:s14] =	ssyncadd.s32 $0xFFFFC000  }
0x2df: {  	_ =	swait.ge [sflag:s16], $0x4000  }
0x2e0: {  	[sflag:s16] =	ssyncset.done $0x0  }
0x2e1: {  	[sflag:s16] =	ssyncadd.s32 $0xFFFFC000  }
0x2e2: {  	_ =	swait.ge [sflag:s17], $0x4000  }
0x2e3: {  	[sflag:s17] =	ssyncset.done $0x0  }
0x2e4: {  	[sflag:s17] =	ssyncadd.s32 $0xFFFFC000  }
0x2e5: {  	_ =	swait.ge [sflag:s18], $0x4000  }
0x2e6: {  	[sflag:s18] =	ssyncset.done $0x0  }
0x2e7: {  	[sflag:s18] =	ssyncadd.s32 $0xFFFFC000  }
0x2e8: {  	_ =	swait.ge [sflag:s5], $0x4000  }
0x2e9: {  	[sflag:s5] =	ssyncset.done $0x0  }
0x2ea: {  	[sflag:s5] =	ssyncadd.s32 $0xFFFFC000  }
0x2eb: {  	_ =	swait.ge [sflag:s6], $0x4000  }
0x2ec: {  	[sflag:s6] =	ssyncset.done $0x0  }
0x2ed: {  	[sflag:s6] =	ssyncadd.s32 $0xFFFFC000  }
0x2ee: {  	_ =	sfence.sel $0x180000  }
0x2ef: {  	[bflag:$0x0] =	sbarrier.arrive $0xFFFF  }
0x2f0: {  	_ =	strace $0x90000047  }
0x2f1: {  	[bflag:$0x2] =	sbarrier.arrive $0xFFFF  }
0x2f2: {  	p0 =	sne.s32 s23, $0x0;
	s0 =	rddreg [dreg:$0x2]  }
0x2f3: {  	s0 =	sadd.s32 @!p0 $0x100000, s0  }
0x2f4: {  	[sflag:s0] =	ssyncadd.tile.s32 @!p0 $0x1;
	_ =	shalt  }
.LBB2_1:
.Ltmp3:
0x2f5: {  	(pc) =	sbr.rel .LBB2_6-.Ltmp3, $3  }
0x2f6: {  	_ =	sdelay $0x1  }
0x2f7: {  	s24 =	simm.s32 $0xA00;
	s29 =	simm.s32 $0xA80  }
0x2f8: {  	s28 =	simm.s32 $0xB00;
	s26 =	simm.s32 $0xB80;
	s25 =	simm.s32 $0xC00  }
.LBB2_3:
.Ltmp4:
0x2f9: {  	(pc) =	sbr.rel .LBB2_6-.Ltmp4, $3  }
0x2fa: {  	_ =	sdelay $0x1  }
0x2fb: {  	s24 =	simm.s32 $0xA00;
	s29 =	simm.s32 $0xA80;
	s28 =	simm.s32 $0xB00  }
0x2fc: {  	s26 =	simm.s32 $0xB80;
	s25 =	simm.s32 $0xC00;
	s23 =	stileid.u32  }
.Lfunc_end2:
_tile_overlayer_lowered:
.L_overlay_start_2:
0x2fd: {  	(tag) =	ssettag $0x2  }
0x2fe: {  	s0 =	rddreg [dreg:$0x0];
	s2 =	stileid.u32  }
0x2ff: {  	s1 =	rddreg [dreg:$0x1];
	p0 =	sne.s32 s2, $0x0  }
0x300: {  	s3 =	rddreg [dreg:$0x2];
	[bflag:$0x3] =	sbarrier.arrive $0xFFFF;
	s2 =	simm.s32 @!p0 $0x1C0D  }
0x301: {  	[timem:s3], [sflag:s2] =	dma.local @!p0 [hbm:s0], s1  }
0x302: {  	s0 =	simm.s32 @!p0 $0xD  }
0x303: {  	_ =	swait.ge @!p0 [sflag:s0], s1  }
0x304: {  	s1 =	ssub.s32 @!p0 $0x0, s1;
	[sflag:s0] =	ssyncset.done @!p0 $0x0  }
0x305: {  	[sflag:s0] =	ssyncadd.s32 @!p0 s1  }
0x306: {  	[bflag:$0x3] =	sbarrier.arrive $0xFFFF  }
0x307: {  	_ =	shalt  }

</sc_bundles>
